<compile_context>
chip_gen: v7x
topology: tpu7x:2x2x1
jax: 0.10.2.dev20260603
libtpu: 0.0.44.dev20260713+nightly
codegen_flags: <defaults>
</compile_context>

<pallas_src>
import functools

import jax
import jax.numpy as jnp
from jax import lax
from jax.experimental import pallas as pl
from jax.experimental.pallas import tpu as pltpu
from jax.experimental.pallas import tpu_sc as plsc

N = 10000
E = 320000
D_IN = 128
D_HID = 64
D_OUT = 32

NC = 2
NS = 16
NW = NC * NS
EPW = E // NW
C = 80
MCH = EPW // C
RPT = 640
NP = RPT * NS
NF = N // 2
NFP = NP // 2

_mesh = plsc.VectorSubcoreMesh(core_axis_name="c", subcore_axis_name="s")


def _deg_body(dst_hbm, out_hbm, didx, ones_v, zrow_v, dbuf, fbuf, acc, dsem):
    c = lax.axis_index("c")
    s = lax.axis_index("s")
    wid = s * NC + c
    pltpu.sync_copy(dst_hbm.at[wid], didx)
    one16 = jnp.full((16,), 1.0, dtype=jnp.float32)
    zero16 = jnp.zeros((16,), dtype=jnp.float32)
    for j in range(C // 16):
        ones_v[pl.ds(j * 16, 16)] = one16

    def _z(i, carry):
        zrow_v[pl.ds(i * 16, 16)] = zero16
        return carry

    lax.fori_loop(0, RPT // 16, _z, 0)
    base = s * RPT
    pltpu.sync_copy(zrow_v, acc.at[pl.ds(base, RPT)])
    plsc.subcore_barrier()

    def _chunk(i, carry):
        pltpu.async_copy(ones_v, acc.at[didx.at[i]], dsem, add=True)
        return carry

    lax.fori_loop(0, MCH, _chunk, 0)

    def _drain(i, carry):
        pltpu.make_async_copy(ones_v, acc.at[didx.at[i]], dsem).wait()
        return carry

    lax.fori_loop(0, MCH, _drain, 0)
    plsc.subcore_barrier()
    pltpu.sync_copy(acc.at[pl.ds(base, RPT)], dbuf)

    def _b(i, carry):
        d16 = dbuf[pl.ds(i * 16, 16)]
        for k in range(16):
            vk = jnp.broadcast_to(d16[k], (16,))
            r = 8 * i + k // 2
            off = (k % 2) * 64
            for j in range(4):
                fbuf[r, pl.ds(off + j * 16, 16)] = vk
        return carry

    lax.fori_loop(0, RPT // 16, _b, 0)
    pltpu.sync_copy(fbuf, out_hbm.at[c, pl.ds(s * (RPT // 2), RPT // 2)])


_deg_call = pl.kernel(
    _deg_body,
    out_type=jax.ShapeDtypeStruct((NC, NFP, 2 * D_HID), jnp.float32),
    mesh=_mesh,
    scratch_types=[
        pltpu.VMEM((MCH, C), jnp.int32),
        pltpu.VMEM((C,), jnp.float32),
        pltpu.VMEM((RPT,), jnp.float32),
        pltpu.VMEM((RPT,), jnp.float32),
        pltpu.VMEM((RPT // 2, 2 * D_HID), jnp.float32),
        pltpu.VMEM_SHARED((NP,), jnp.float32),
        pltpu.SemaphoreType.DMA,
    ],
    compiler_params=pltpu.CompilerParams(use_tc_tiling_on_sc=False),
)


G = 6
NIT = (MCH + 2 * G - 1) // (2 * G)


def _prop_body(src_hbm, dst_hbm, z_hbm, out_hbm, sidx, didx, *rest):
    A = list(rest[:G])
    B = list(rest[G:2 * G])
    tmp, acc, gsa, ssa, gsb, ssb = rest[2 * G:]
    c = lax.axis_index("c")
    s = lax.axis_index("s")
    wid = s * NC + c
    pltpu.sync_copy(src_hbm.at[wid], sidx)
    pltpu.sync_copy(dst_hbm.at[wid], didx)

    def g_start(k, buf, sem):
        pltpu.async_copy(z_hbm.at[sidx.at[k]], buf, sem)

    def g_wait(k, buf, sem):
        pltpu.make_async_copy(z_hbm.at[sidx.at[k]], buf, sem).wait()

    def s_start(k, buf, sem):
        pltpu.async_copy(buf, acc.at[didx.at[k]], sem, add=True)

    def s_wait(k, buf, sem):
        pltpu.make_async_copy(buf, acc.at[didx.at[k]], sem).wait()

    for j in range(G):
        g_start(j, A[j], gsa.at[j])

    zero16 = jnp.zeros((16,), dtype=jnp.float32)

    def _z(i, carry):
        for j in range(D_HID // 16):
            tmp[i, pl.ds(j * 16, 16)] = zero16
        return carry

    lax.fori_loop(0, 128, _z, 0)
    base = s * RPT
    for j in range(RPT // 128):
        pltpu.sync_copy(tmp, acc.at[pl.ds(base + j * 128, 128)])
    plsc.subcore_barrier()

    def _iter(it, carry):
        i = it * 2 * G
        for j in range(G):
            def _a(j=j):
                g_wait(i + j, A[j], gsa.at[j])
                s_start(i + j, A[j], ssa.at[j])
            pl.when(i + j < MCH)(_a)
        for j in range(G):
            def _bd(j=j):
                s_wait(i - G + j, B[j], ssb.at[j])
            pl.when(it > 0)(_bd)
        for j in range(G):
            def _bg(j=j):
                g_start(i + G + j, B[j], gsb.at[j])
            pl.when(i + G + j < MCH)(_bg)
        for j in range(G):
            def _bw(j=j):
                g_wait(i + G + j, B[j], gsb.at[j])
            pl.when(i + G + j < MCH)(_bw)
        for j in range(G):
            def _ad(j=j):
                s_wait(i + j, A[j], ssa.at[j])
            pl.when(i + j < MCH)(_ad)
        for j in range(G):
            def _bs(j=j):
                s_start(i + G + j, B[j], ssb.at[j])
            pl.when(i + G + j < MCH)(_bs)
        for j in range(G):
            def _ag(j=j):
                g_start(i + 2 * G + j, A[j], gsa.at[j])
            pl.when(i + 2 * G + j < MCH)(_ag)
        return carry

    lax.fori_loop(0, NIT, _iter, 0)
    for j in range(G):
        k = (NIT - 1) * 2 * G + G + j
        if k < MCH:
            s_wait(k, B[j], ssb.at[j])
    plsc.subcore_barrier()
    for j in range(RPT // 128):
        sl = pl.ds(base + j * 128, 128)
        pltpu.sync_copy(acc.at[sl], out_hbm.at[c, sl])


_prop_call = pl.kernel(
    _prop_body,
    out_type=jax.ShapeDtypeStruct((NC, NP, D_HID), jnp.float32),
    mesh=_mesh,
    scratch_types=[
        pltpu.VMEM((MCH, C), jnp.int32),
        pltpu.VMEM((MCH, C), jnp.int32),
    ] + [pltpu.VMEM((C, D_HID), jnp.float32)] * (2 * G) + [
        pltpu.VMEM((128, D_HID), jnp.float32),
        pltpu.VMEM_SHARED((NP, D_HID), jnp.float32),
        pltpu.SemaphoreType.DMA((G,)),
        pltpu.SemaphoreType.DMA((G,)),
        pltpu.SemaphoreType.DMA((G,)),
        pltpu.SemaphoreType.DMA((G,)),
    ],
    compiler_params=pltpu.CompilerParams(use_tc_tiling_on_sc=False),
)


def _tcb_body(xf_ref, w2_ref, degf_ref, z1f_ref, dinvf_ref):
    deg = degf_ref[0][:NF] + degf_ref[1][:NF] + 1.0
    dinv = lax.rsqrt(deg)
    y = jnp.dot(xf_ref[...], w2_ref[...], preferred_element_type=jnp.float32)
    z1f_ref[...] = y * dinv
    dinvf_ref[...] = dinv


_tcb_call = pl.pallas_call(
    _tcb_body,
    out_shape=[
        jax.ShapeDtypeStruct((NF, 2 * D_HID), jnp.float32),
        jax.ShapeDtypeStruct((NF, 2 * D_HID), jnp.float32),
    ],
)


def _tcc_body(t1f_ref, z1f_ref, dinvf_ref, b1_ref, wc2_ref, z2f_ref):
    t = t1f_ref[0][:NF] + t1f_ref[1][:NF] + z1f_ref[...]
    dinv = dinvf_ref[...]
    h = jnp.maximum(dinv * t + b1_ref[...], 0.0)
    y2 = jnp.dot(h, wc2_ref[...], preferred_element_type=jnp.float32)
    z2f_ref[...] = y2 * dinv


_tcc_call = pl.pallas_call(
    _tcc_body,
    out_shape=jax.ShapeDtypeStruct((NF, 2 * D_HID), jnp.float32),
)


def _tcd_body(t2f_ref, z2f_ref, dinvf_ref, bc2_ref, of_ref):
    t = t2f_ref[0][:NF] + t2f_ref[1][:NF] + z2f_ref[...]
    of_ref[...] = dinvf_ref[...] * t + bc2_ref[...]


_tcd_call = pl.pallas_call(
    _tcd_body,
    out_shape=jax.ShapeDtypeStruct((NF, 2 * D_HID), jnp.float32),
)


def kernel(x, edge_index, W1, b1, Wmu, bmu, Wsig, bsig):
    f32 = jnp.float32
    src = edge_index[0].astype(jnp.int32).reshape(NW, MCH, C)
    dst = edge_index[1].astype(jnp.int32).reshape(NW, MCH, C)
    degf = _deg_call(dst)
    W2 = jnp.zeros((2 * D_IN, 2 * D_HID), f32)
    W2 = W2.at[:D_IN, :D_HID].set(W1).at[D_IN:, D_HID:].set(W1)
    wcat = jnp.concatenate([Wmu, Wsig], axis=1)
    wc2 = jnp.zeros((2 * D_HID, 2 * D_HID), f32)
    wc2 = wc2.at[:D_HID, :D_HID].set(wcat).at[D_HID:, D_HID:].set(wcat)
    b1_2 = jnp.concatenate([b1, b1])[None, :]
    bc2 = jnp.concatenate([bmu, bsig, bmu, bsig])[None, :]
    xf = x.reshape(NF, 2 * D_IN)
    z1f, dinvf = _tcb_call(xf, W2, degf)
    t1 = _prop_call(src, dst, z1f.reshape(N, D_HID))
    z2f = _tcc_call(t1.reshape(NC, NFP, 2 * D_HID), z1f, dinvf, b1_2, wc2)
    t2 = _prop_call(src, dst, z2f.reshape(N, D_HID))
    of = _tcd_call(t2.reshape(NC, NFP, 2 * D_HID), z2f, dinvf, bc2)
    o = of.reshape(N, D_HID)
    return o[:, :D_OUT], o[:, D_OUT:]

# --- scband reference (transcript-rebuilt; emitter-appended) ---
"""Pipeline reference for scband-vgae-encoder-24335284699606 (READ-ONLY COPY).

The authoritative reference and input builder live on the scoring server;
editing this copy changes nothing except your own understanding.
"""

import jax, jax.numpy as jnp
import numpy as np

N = 10000
E = 320000
D_IN = 128
D_HID = 64  # 2 * out_channels
D_OUT = 32


def gcn_conv(x, src, dst, W, b):
    n = x.shape[0]
    loop = jnp.arange(n, dtype=src.dtype)
    s = jnp.concatenate([src, loop])
    d = jnp.concatenate([dst, loop])
    deg = jax.ops.segment_sum(jnp.ones(s.shape[0], dtype=x.dtype), d, num_segments=n)
    dinv = jnp.where(deg > 0, deg ** -0.5, 0.0)
    h = x @ W
    norm = dinv[s] * dinv[d]
    msg = h[s] * norm[:, None]
    out = jax.ops.segment_sum(msg, d, num_segments=n)
    return out + b


def setup_inputs(seed: int = 0) -> dict:
    key = jax.random.key(seed)
    ks = jax.random.split(key, 8)
    x = jax.random.normal(ks[0], (N, D_IN), dtype=jnp.float32)
    edge_index = jax.random.randint(ks[1], (2, E), 0, N)
    W1 = jax.random.normal(ks[2], (D_IN, D_HID), dtype=jnp.float32) * (1.0 / np.sqrt(D_IN))
    b1 = jnp.zeros((D_HID,), dtype=jnp.float32)
    Wmu = jax.random.normal(ks[3], (D_HID, D_OUT), dtype=jnp.float32) * (1.0 / np.sqrt(D_HID))
    bmu = jnp.zeros((D_OUT,), dtype=jnp.float32)
    Wsig = jax.random.normal(ks[4], (D_HID, D_OUT), dtype=jnp.float32) * (1.0 / np.sqrt(D_HID))
    bsig = jnp.zeros((D_OUT,), dtype=jnp.float32)
    return {"x": x, "edge_index": edge_index, "W1": W1, "b1": b1, "Wmu": Wmu, "bmu": bmu, "Wsig": Wsig, "bsig": bsig}


def reference(x, edge_index, W1, b1, Wmu, bmu, Wsig, bsig):
    src = edge_index[0]
    dst = edge_index[1]
    h = gcn_conv(x, src, dst, W1, b1)
    h = jax.nn.relu(h)
    x_mu = gcn_conv(h, src, dst, Wmu, bmu)
    x_sig = gcn_conv(h, src, dst, Wsig, bsig)
    return (x_mu, x_sig)

if __name__ == "__main__":
    import jax
    _d = setup_inputs()
    print(jax.jit(kernel)(*tuple(_d.values())))

</pallas_src>

<mosaic_0001>
#map = affine_map<(d0, d1) -> (0, 0, 0)>
#map1 = affine_map<(d0, d1) -> (0, 0)>
module attributes {stable_mosaic.version = 14 : i64} {
  func.func @_prop_body(%arg0: i32, %arg1: i32, %arg2: memref<32x125x80xi32, #tpu.memory_space<hbm>>, %arg3: memref<32x125x80xi32, #tpu.memory_space<hbm>>, %arg4: memref<10000x64xf32, #tpu.memory_space<hbm>>, %arg5: memref<2x10240x64xf32, #tpu.memory_space<hbm>>, %arg6: memref<125x80xi32, #tpu.memory_space<vmem>>, %arg7: memref<125x80xi32, #tpu.memory_space<vmem>>, %arg8: memref<80x64xf32, #tpu.memory_space<vmem>>, %arg9: memref<80x64xf32, #tpu.memory_space<vmem>>, %arg10: memref<80x64xf32, #tpu.memory_space<vmem>>, %arg11: memref<80x64xf32, #tpu.memory_space<vmem>>, %arg12: memref<80x64xf32, #tpu.memory_space<vmem>>, %arg13: memref<80x64xf32, #tpu.memory_space<vmem>>, %arg14: memref<80x64xf32, #tpu.memory_space<vmem>>, %arg15: memref<80x64xf32, #tpu.memory_space<vmem>>, %arg16: memref<80x64xf32, #tpu.memory_space<vmem>>, %arg17: memref<80x64xf32, #tpu.memory_space<vmem>>, %arg18: memref<80x64xf32, #tpu.memory_space<vmem>>, %arg19: memref<80x64xf32, #tpu.memory_space<vmem>>, %arg20: memref<128x64xf32, #tpu.memory_space<vmem>>, %arg21: memref<10240x64xf32, #tpu.memory_space<vmem_shared>>, %arg22: memref<6x!tpu.dma_semaphore, #tpu.memory_space<semaphore_mem>>, %arg23: memref<6x!tpu.dma_semaphore, #tpu.memory_space<semaphore_mem>>, %arg24: memref<6x!tpu.dma_semaphore, #tpu.memory_space<semaphore_mem>>, %arg25: memref<6x!tpu.dma_semaphore, #tpu.memory_space<semaphore_mem>>) attributes {dimension_semantics = [#tpu.dimension_semantics<core_parallel>, #tpu.dimension_semantics<subcore_parallel>], iteration_bounds = array<i64: 2, 16>, scalar_prefetch = 0 : i64, scratch_operands = 20 : i64, tpu.core_type = #tpu.core_type<sc_vector_subcore>, window_params = [{transform_indices = #map}, {transform_indices = #map}, {transform_indices = #map1}, {transform_indices = #map}]} {
    %mul3A = arith.constant 2 : i32
    %mul3A_0 = arith.muli %arg1, %mul3A : i32
    %add3A = arith.addi %mul3A_0, %arg0 : i32
    "tpu.region"() ({
      %run_scoped3A = tpu.sem_alloc : memref<!tpu.dma_semaphore, #tpu.memory_space<semaphore_mem>>
      %dma_start3A_95 = arith.constant 0 : i32
      %dma_start3A_96 = arith.constant 0 : i32
      %dma_start3A_97 = tpu.memref_slice %arg2[%add3A, %dma_start3A_95, %dma_start3A_96] : memref<32x125x80xi32, #tpu.memory_space<hbm>> -> memref<1x125x80xi32, #tpu.memory_space<hbm>>
      %dma_start3A_98 = tpu.memref_squeeze %dma_start3A_97 : memref<1x125x80xi32, #tpu.memory_space<hbm>> -> memref<125x80xi32, #tpu.memory_space<hbm>>
      %dma_start3A_99 = arith.constant 0 : i32
      %dma_start3A_100 = arith.constant 0 : i32
      %dma_start3A_101 = tpu.memref_slice %arg2[%add3A, %dma_start3A_99, %dma_start3A_100] : memref<32x125x80xi32, #tpu.memory_space<hbm>> -> memref<1x125x80xi32, #tpu.memory_space<hbm>>
      %dma_start3A_102 = tpu.memref_squeeze %dma_start3A_101 : memref<1x125x80xi32, #tpu.memory_space<hbm>> -> memref<125x80xi32, #tpu.memory_space<hbm>>
      tpu.enqueue_dma source(%dma_start3A_102 : memref<125x80xi32, #tpu.memory_space<hbm>>) target(%arg6 : memref<125x80xi32, #tpu.memory_space<vmem>>) target_semaphore(%run_scoped3A : memref<!tpu.dma_semaphore, #tpu.memory_space<semaphore_mem>>)
      %dma_wait3A = arith.constant 0 : i32
      %dma_wait3A_103 = arith.constant 0 : i32
      %dma_wait3A_104 = tpu.memref_slice %arg2[%add3A, %dma_wait3A, %dma_wait3A_103] : memref<32x125x80xi32, #tpu.memory_space<hbm>> -> memref<1x125x80xi32, #tpu.memory_space<hbm>>
      %dma_wait3A_105 = tpu.memref_squeeze %dma_wait3A_104 : memref<1x125x80xi32, #tpu.memory_space<hbm>> -> memref<125x80xi32, #tpu.memory_space<hbm>>
      %dma_wait3A_106 = arith.constant 0 : i32
      %dma_wait3A_107 = arith.constant 0 : i32
      %dma_wait3A_108 = tpu.memref_slice %arg2[%add3A, %dma_wait3A_106, %dma_wait3A_107] : memref<32x125x80xi32, #tpu.memory_space<hbm>> -> memref<1x125x80xi32, #tpu.memory_space<hbm>>
      %dma_wait3A_109 = tpu.memref_squeeze %dma_wait3A_108 : memref<1x125x80xi32, #tpu.memory_space<hbm>> -> memref<125x80xi32, #tpu.memory_space<hbm>>
      tpu.wait_dma2 semaphore(%run_scoped3A : memref<!tpu.dma_semaphore, #tpu.memory_space<semaphore_mem>>) src(%dma_wait3A_109 : memref<125x80xi32, #tpu.memory_space<hbm>>) dst(%arg6 : memref<125x80xi32, #tpu.memory_space<vmem>>)
      tpu.yield
    }) : () -> ()
    "tpu.region"() ({
      %run_scoped3A = tpu.sem_alloc : memref<!tpu.dma_semaphore, #tpu.memory_space<semaphore_mem>>
      %dma_start3A_95 = arith.constant 0 : i32
      %dma_start3A_96 = arith.constant 0 : i32
      %dma_start3A_97 = tpu.memref_slice %arg3[%add3A, %dma_start3A_95, %dma_start3A_96] : memref<32x125x80xi32, #tpu.memory_space<hbm>> -> memref<1x125x80xi32, #tpu.memory_space<hbm>>
      %dma_start3A_98 = tpu.memref_squeeze %dma_start3A_97 : memref<1x125x80xi32, #tpu.memory_space<hbm>> -> memref<125x80xi32, #tpu.memory_space<hbm>>
      %dma_start3A_99 = arith.constant 0 : i32
      %dma_start3A_100 = arith.constant 0 : i32
      %dma_start3A_101 = tpu.memref_slice %arg3[%add3A, %dma_start3A_99, %dma_start3A_100] : memref<32x125x80xi32, #tpu.memory_space<hbm>> -> memref<1x125x80xi32, #tpu.memory_space<hbm>>
      %dma_start3A_102 = tpu.memref_squeeze %dma_start3A_101 : memref<1x125x80xi32, #tpu.memory_space<hbm>> -> memref<125x80xi32, #tpu.memory_space<hbm>>
      tpu.enqueue_dma source(%dma_start3A_102 : memref<125x80xi32, #tpu.memory_space<hbm>>) target(%arg7 : memref<125x80xi32, #tpu.memory_space<vmem>>) target_semaphore(%run_scoped3A : memref<!tpu.dma_semaphore, #tpu.memory_space<semaphore_mem>>)
      %dma_wait3A = arith.constant 0 : i32
      %dma_wait3A_103 = arith.constant 0 : i32
      %dma_wait3A_104 = tpu.memref_slice %arg3[%add3A, %dma_wait3A, %dma_wait3A_103] : memref<32x125x80xi32, #tpu.memory_space<hbm>> -> memref<1x125x80xi32, #tpu.memory_space<hbm>>
      %dma_wait3A_105 = tpu.memref_squeeze %dma_wait3A_104 : memref<1x125x80xi32, #tpu.memory_space<hbm>> -> memref<125x80xi32, #tpu.memory_space<hbm>>
      %dma_wait3A_106 = arith.constant 0 : i32
      %dma_wait3A_107 = arith.constant 0 : i32
      %dma_wait3A_108 = tpu.memref_slice %arg3[%add3A, %dma_wait3A_106, %dma_wait3A_107] : memref<32x125x80xi32, #tpu.memory_space<hbm>> -> memref<1x125x80xi32, #tpu.memory_space<hbm>>
      %dma_wait3A_109 = tpu.memref_squeeze %dma_wait3A_108 : memref<1x125x80xi32, #tpu.memory_space<hbm>> -> memref<125x80xi32, #tpu.memory_space<hbm>>
      tpu.wait_dma2 semaphore(%run_scoped3A : memref<!tpu.dma_semaphore, #tpu.memory_space<semaphore_mem>>) src(%dma_wait3A_109 : memref<125x80xi32, #tpu.memory_space<hbm>>) dst(%arg7 : memref<125x80xi32, #tpu.memory_space<vmem>>)
      tpu.yield
    }) : () -> ()
    %dma_start3A = arith.constant 0 : i32
    %dma_start3A_1 = arith.constant 0 : i32
    %dma_start3A_2 = arith.constant 0 : i32
    %dma_start3A_3 = tpu.memref_slice %arg6[%dma_start3A, %dma_start3A_2] : memref<125x80xi32, #tpu.memory_space<vmem>> -> memref<1x80xi32, #tpu.memory_space<vmem>>
    %dma_start3A_4 = tpu.memref_squeeze %dma_start3A_3 : memref<1x80xi32, #tpu.memory_space<vmem>> -> memref<80xi32, #tpu.memory_space<vmem>>
    %dma_start3A_5 = arith.constant 0 : i32
    %dma_start3A_6 = arith.constant 0 : i32
    %dma_start3A_7 = tpu.memref_slice %arg4[%dma_start3A_5, %dma_start3A_6] : memref<10000x64xf32, #tpu.memory_space<hbm>> -> memref<10000x64xf32, #tpu.memory_space<hbm>>
    %dma_start3A_8 = tpu.memref_slice %arg22[%dma_start3A_1] : memref<6x!tpu.dma_semaphore, #tpu.memory_space<semaphore_mem>> -> memref<1x!tpu.dma_semaphore, #tpu.memory_space<semaphore_mem>>
    %dma_start3A_9 = tpu.memref_squeeze %dma_start3A_8 : memref<1x!tpu.dma_semaphore, #tpu.memory_space<semaphore_mem>> -> memref<!tpu.dma_semaphore, #tpu.memory_space<semaphore_mem>>
    tpu.enqueue_indirect_dma source(%dma_start3A_7 : memref<10000x64xf32, #tpu.memory_space<hbm>>) target(%arg8 : memref<80x64xf32, #tpu.memory_space<vmem>>) offsets(%dma_start3A_4 : memref<80xi32, #tpu.memory_space<vmem>>) semaphore(%dma_start3A_9 : memref<!tpu.dma_semaphore, #tpu.memory_space<semaphore_mem>>)
    %dma_start3A_10 = arith.constant 1 : i32
    %dma_start3A_11 = arith.constant 1 : i32
    %dma_start3A_12 = arith.constant 0 : i32
    %dma_start3A_13 = tpu.memref_slice %arg6[%dma_start3A_10, %dma_start3A_12] : memref<125x80xi32, #tpu.memory_space<vmem>> -> memref<1x80xi32, #tpu.memory_space<vmem>>
    %dma_start3A_14 = tpu.memref_squeeze %dma_start3A_13 : memref<1x80xi32, #tpu.memory_space<vmem>> -> memref<80xi32, #tpu.memory_space<vmem>>
    %dma_start3A_15 = arith.constant 0 : i32
    %dma_start3A_16 = arith.constant 0 : i32
    %dma_start3A_17 = tpu.memref_slice %arg4[%dma_start3A_15, %dma_start3A_16] : memref<10000x64xf32, #tpu.memory_space<hbm>> -> memref<10000x64xf32, #tpu.memory_space<hbm>>
    %dma_start3A_18 = tpu.memref_slice %arg22[%dma_start3A_11] : memref<6x!tpu.dma_semaphore, #tpu.memory_space<semaphore_mem>> -> memref<1x!tpu.dma_semaphore, #tpu.memory_space<semaphore_mem>>
    %dma_start3A_19 = tpu.memref_squeeze %dma_start3A_18 : memref<1x!tpu.dma_semaphore, #tpu.memory_space<semaphore_mem>> -> memref<!tpu.dma_semaphore, #tpu.memory_space<semaphore_mem>>
    tpu.enqueue_indirect_dma source(%dma_start3A_17 : memref<10000x64xf32, #tpu.memory_space<hbm>>) target(%arg9 : memref<80x64xf32, #tpu.memory_space<vmem>>) offsets(%dma_start3A_14 : memref<80xi32, #tpu.memory_space<vmem>>) semaphore(%dma_start3A_19 : memref<!tpu.dma_semaphore, #tpu.memory_space<semaphore_mem>>)
    %dma_start3A_20 = arith.constant 2 : i32
    %dma_start3A_21 = arith.constant 2 : i32
    %dma_start3A_22 = arith.constant 0 : i32
    %dma_start3A_23 = tpu.memref_slice %arg6[%dma_start3A_20, %dma_start3A_22] : memref<125x80xi32, #tpu.memory_space<vmem>> -> memref<1x80xi32, #tpu.memory_space<vmem>>
    %dma_start3A_24 = tpu.memref_squeeze %dma_start3A_23 : memref<1x80xi32, #tpu.memory_space<vmem>> -> memref<80xi32, #tpu.memory_space<vmem>>
    %dma_start3A_25 = arith.constant 0 : i32
    %dma_start3A_26 = arith.constant 0 : i32
    %dma_start3A_27 = tpu.memref_slice %arg4[%dma_start3A_25, %dma_start3A_26] : memref<10000x64xf32, #tpu.memory_space<hbm>> -> memref<10000x64xf32, #tpu.memory_space<hbm>>
    %dma_start3A_28 = tpu.memref_slice %arg22[%dma_start3A_21] : memref<6x!tpu.dma_semaphore, #tpu.memory_space<semaphore_mem>> -> memref<1x!tpu.dma_semaphore, #tpu.memory_space<semaphore_mem>>
    %dma_start3A_29 = tpu.memref_squeeze %dma_start3A_28 : memref<1x!tpu.dma_semaphore, #tpu.memory_space<semaphore_mem>> -> memref<!tpu.dma_semaphore, #tpu.memory_space<semaphore_mem>>
    tpu.enqueue_indirect_dma source(%dma_start3A_27 : memref<10000x64xf32, #tpu.memory_space<hbm>>) target(%arg10 : memref<80x64xf32, #tpu.memory_space<vmem>>) offsets(%dma_start3A_24 : memref<80xi32, #tpu.memory_space<vmem>>) semaphore(%dma_start3A_29 : memref<!tpu.dma_semaphore, #tpu.memory_space<semaphore_mem>>)
    %dma_start3A_30 = arith.constant 3 : i32
    %dma_start3A_31 = arith.constant 3 : i32
    %dma_start3A_32 = arith.constant 0 : i32
    %dma_start3A_33 = tpu.memref_slice %arg6[%dma_start3A_30, %dma_start3A_32] : memref<125x80xi32, #tpu.memory_space<vmem>> -> memref<1x80xi32, #tpu.memory_space<vmem>>
    %dma_start3A_34 = tpu.memref_squeeze %dma_start3A_33 : memref<1x80xi32, #tpu.memory_space<vmem>> -> memref<80xi32, #tpu.memory_space<vmem>>
    %dma_start3A_35 = arith.constant 0 : i32
    %dma_start3A_36 = arith.constant 0 : i32
    %dma_start3A_37 = tpu.memref_slice %arg4[%dma_start3A_35, %dma_start3A_36] : memref<10000x64xf32, #tpu.memory_space<hbm>> -> memref<10000x64xf32, #tpu.memory_space<hbm>>
    %dma_start3A_38 = tpu.memref_slice %arg22[%dma_start3A_31] : memref<6x!tpu.dma_semaphore, #tpu.memory_space<semaphore_mem>> -> memref<1x!tpu.dma_semaphore, #tpu.memory_space<semaphore_mem>>
    %dma_start3A_39 = tpu.memref_squeeze %dma_start3A_38 : memref<1x!tpu.dma_semaphore, #tpu.memory_space<semaphore_mem>> -> memref<!tpu.dma_semaphore, #tpu.memory_space<semaphore_mem>>
    tpu.enqueue_indirect_dma source(%dma_start3A_37 : memref<10000x64xf32, #tpu.memory_space<hbm>>) target(%arg11 : memref<80x64xf32, #tpu.memory_space<vmem>>) offsets(%dma_start3A_34 : memref<80xi32, #tpu.memory_space<vmem>>) semaphore(%dma_start3A_39 : memref<!tpu.dma_semaphore, #tpu.memory_space<semaphore_mem>>)
    %dma_start3A_40 = arith.constant 4 : i32
    %dma_start3A_41 = arith.constant 4 : i32
    %dma_start3A_42 = arith.constant 0 : i32
    %dma_start3A_43 = tpu.memref_slice %arg6[%dma_start3A_40, %dma_start3A_42] : memref<125x80xi32, #tpu.memory_space<vmem>> -> memref<1x80xi32, #tpu.memory_space<vmem>>
    %dma_start3A_44 = tpu.memref_squeeze %dma_start3A_43 : memref<1x80xi32, #tpu.memory_space<vmem>> -> memref<80xi32, #tpu.memory_space<vmem>>
    %dma_start3A_45 = arith.constant 0 : i32
    %dma_start3A_46 = arith.constant 0 : i32
    %dma_start3A_47 = tpu.memref_slice %arg4[%dma_start3A_45, %dma_start3A_46] : memref<10000x64xf32, #tpu.memory_space<hbm>> -> memref<10000x64xf32, #tpu.memory_space<hbm>>
    %dma_start3A_48 = tpu.memref_slice %arg22[%dma_start3A_41] : memref<6x!tpu.dma_semaphore, #tpu.memory_space<semaphore_mem>> -> memref<1x!tpu.dma_semaphore, #tpu.memory_space<semaphore_mem>>
    %dma_start3A_49 = tpu.memref_squeeze %dma_start3A_48 : memref<1x!tpu.dma_semaphore, #tpu.memory_space<semaphore_mem>> -> memref<!tpu.dma_semaphore, #tpu.memory_space<semaphore_mem>>
    tpu.enqueue_indirect_dma source(%dma_start3A_47 : memref<10000x64xf32, #tpu.memory_space<hbm>>) target(%arg12 : memref<80x64xf32, #tpu.memory_space<vmem>>) offsets(%dma_start3A_44 : memref<80xi32, #tpu.memory_space<vmem>>) semaphore(%dma_start3A_49 : memref<!tpu.dma_semaphore, #tpu.memory_space<semaphore_mem>>)
    %dma_start3A_50 = arith.constant 5 : i32
    %dma_start3A_51 = arith.constant 5 : i32
    %dma_start3A_52 = arith.constant 0 : i32
    %dma_start3A_53 = tpu.memref_slice %arg6[%dma_start3A_50, %dma_start3A_52] : memref<125x80xi32, #tpu.memory_space<vmem>> -> memref<1x80xi32, #tpu.memory_space<vmem>>
    %dma_start3A_54 = tpu.memref_squeeze %dma_start3A_53 : memref<1x80xi32, #tpu.memory_space<vmem>> -> memref<80xi32, #tpu.memory_space<vmem>>
    %dma_start3A_55 = arith.constant 0 : i32
    %dma_start3A_56 = arith.constant 0 : i32
    %dma_start3A_57 = tpu.memref_slice %arg4[%dma_start3A_55, %dma_start3A_56] : memref<10000x64xf32, #tpu.memory_space<hbm>> -> memref<10000x64xf32, #tpu.memory_space<hbm>>
    %dma_start3A_58 = tpu.memref_slice %arg22[%dma_start3A_51] : memref<6x!tpu.dma_semaphore, #tpu.memory_space<semaphore_mem>> -> memref<1x!tpu.dma_semaphore, #tpu.memory_space<semaphore_mem>>
    %dma_start3A_59 = tpu.memref_squeeze %dma_start3A_58 : memref<1x!tpu.dma_semaphore, #tpu.memory_space<semaphore_mem>> -> memref<!tpu.dma_semaphore, #tpu.memory_space<semaphore_mem>>
    tpu.enqueue_indirect_dma source(%dma_start3A_57 : memref<10000x64xf32, #tpu.memory_space<hbm>>) target(%arg13 : memref<80x64xf32, #tpu.memory_space<vmem>>) offsets(%dma_start3A_54 : memref<80xi32, #tpu.memory_space<vmem>>) semaphore(%dma_start3A_59 : memref<!tpu.dma_semaphore, #tpu.memory_space<semaphore_mem>>)
    %broadcast_in_dim3A = arith.constant 0.000000e+00 : f32
    %broadcast_in_dim3A_60 = vector.broadcast %broadcast_in_dim3A : f32 to vector<16xf32>
    %scan3A = arith.constant 0 : i32
    %scan3A_61 = arith.constant 0 : i32
    %scan3A_62 = arith.constant 128 : i32
    %scan3A_63 = arith.addi %scan3A_61, %scan3A_62 : i32
    %scan3A_64 = arith.constant 1 : i32
    scf.for %scan3A_95 = %scan3A_61 to %scan3A_63 step %scan3A_64  : i32 {
      %swap3A = arith.index_cast %scan3A_95 : i32 to index
      %swap3A_96 = arith.constant 0 : index
      %swap3A_97 = tpu.vector_load %arg20[%swap3A, %swap3A_96] {strides = array<i32>} : memref<128x64xf32, #tpu.memory_space<vmem>>, vector<1x16xf32>,
      %swap3A_98 = vector.shape_cast %swap3A_97 : vector<1x16xf32> to vector<16xf32>
      %swap3A_99 = vector.shape_cast %broadcast_in_dim3A_60 : vector<16xf32> to vector<1x16xf32>
      tpu.vector_store %arg20[%swap3A, %swap3A_96], %swap3A_99 {strides = array<i32>} : memref<128x64xf32, #tpu.memory_space<vmem>>, vector<1x16xf32>,
      %swap3A_100 = arith.index_cast %scan3A_95 : i32 to index
      %swap3A_101 = arith.constant 16 : index
      %swap3A_102 = tpu.vector_load %arg20[%swap3A_100, %swap3A_101] {strides = array<i32>} : memref<128x64xf32, #tpu.memory_space<vmem>>, vector<1x16xf32>,
      %swap3A_103 = vector.shape_cast %swap3A_102 : vector<1x16xf32> to vector<16xf32>
      %swap3A_104 = vector.shape_cast %broadcast_in_dim3A_60 : vector<16xf32> to vector<1x16xf32>
      tpu.vector_store %arg20[%swap3A_100, %swap3A_101], %swap3A_104 {strides = array<i32>} : memref<128x64xf32, #tpu.memory_space<vmem>>, vector<1x16xf32>,
      %swap3A_105 = arith.index_cast %scan3A_95 : i32 to index
      %swap3A_106 = arith.constant 32 : index
      %swap3A_107 = tpu.vector_load %arg20[%swap3A_105, %swap3A_106] {strides = array<i32>} : memref<128x64xf32, #tpu.memory_space<vmem>>, vector<1x16xf32>,
      %swap3A_108 = vector.shape_cast %swap3A_107 : vector<1x16xf32> to vector<16xf32>
      %swap3A_109 = vector.shape_cast %broadcast_in_dim3A_60 : vector<16xf32> to vector<1x16xf32>
      tpu.vector_store %arg20[%swap3A_105, %swap3A_106], %swap3A_109 {strides = array<i32>} : memref<128x64xf32, #tpu.memory_space<vmem>>, vector<1x16xf32>,
      %swap3A_110 = arith.index_cast %scan3A_95 : i32 to index
      %swap3A_111 = arith.constant 48 : index
      %swap3A_112 = tpu.vector_load %arg20[%swap3A_110, %swap3A_111] {strides = array<i32>} : memref<128x64xf32, #tpu.memory_space<vmem>>, vector<1x16xf32>,
      %swap3A_113 = vector.shape_cast %swap3A_112 : vector<1x16xf32> to vector<16xf32>
      %swap3A_114 = vector.shape_cast %broadcast_in_dim3A_60 : vector<16xf32> to vector<1x16xf32>
      tpu.vector_store %arg20[%swap3A_110, %swap3A_111], %swap3A_114 {strides = array<i32>} : memref<128x64xf32, #tpu.memory_space<vmem>>, vector<1x16xf32>,
    }
    %scan3A_65 = arith.constant 128 : i32
    %mul3A_66 = arith.constant 640 : i32
    %mul3A_67 = arith.muli %arg1, %mul3A_66 : i32
    %add3A_68 = arith.constant 0 : i32
    %add3A_69 = arith.addi %mul3A_67, %add3A_68 : i32
    "tpu.region"() ({
      %run_scoped3A = tpu.sem_alloc : memref<!tpu.dma_semaphore, #tpu.memory_space<semaphore_mem>>
      %dma_start3A_95 = arith.constant 0 : i32
      %dma_start3A_96 = tpu.memref_slice %arg21[%add3A_69, %dma_start3A_95] : memref<10240x64xf32, #tpu.memory_space<vmem_shared>> -> memref<128x64xf32, #tpu.memory_space<vmem_shared>>
      %dma_start3A_97 = arith.constant 0 : i32
      %dma_start3A_98 = tpu.memref_slice %arg21[%add3A_69, %dma_start3A_97] : memref<10240x64xf32, #tpu.memory_space<vmem_shared>> -> memref<128x64xf32, #tpu.memory_space<vmem_shared>>
      tpu.enqueue_dma source(%arg20 : memref<128x64xf32, #tpu.memory_space<vmem>>) target(%dma_start3A_98 : memref<128x64xf32, #tpu.memory_space<vmem_shared>>) target_semaphore(%run_scoped3A : memref<!tpu.dma_semaphore, #tpu.memory_space<semaphore_mem>>)
      %dma_wait3A = arith.constant 0 : i32
      %dma_wait3A_99 = tpu.memref_slice %arg21[%add3A_69, %dma_wait3A] : memref<10240x64xf32, #tpu.memory_space<vmem_shared>> -> memref<128x64xf32, #tpu.memory_space<vmem_shared>>
      %dma_wait3A_100 = arith.constant 0 : i32
      %dma_wait3A_101 = tpu.memref_slice %arg21[%add3A_69, %dma_wait3A_100] : memref<10240x64xf32, #tpu.memory_space<vmem_shared>> -> memref<128x64xf32, #tpu.memory_space<vmem_shared>>
      tpu.wait_dma2 semaphore(%run_scoped3A : memref<!tpu.dma_semaphore, #tpu.memory_space<semaphore_mem>>) src(%arg20 : memref<128x64xf32, #tpu.memory_space<vmem>>) dst(%dma_wait3A_101 : memref<128x64xf32, #tpu.memory_space<vmem_shared>>)
      tpu.yield
    }) : () -> ()
    %add3A_70 = arith.constant 128 : i32
    %add3A_71 = arith.addi %mul3A_67, %add3A_70 : i32
    "tpu.region"() ({
      %run_scoped3A = tpu.sem_alloc : memref<!tpu.dma_semaphore, #tpu.memory_space<semaphore_mem>>
      %dma_start3A_95 = arith.constant 0 : i32
      %dma_start3A_96 = tpu.memref_slice %arg21[%add3A_71, %dma_start3A_95] : memref<10240x64xf32, #tpu.memory_space<vmem_shared>> -> memref<128x64xf32, #tpu.memory_space<vmem_shared>>
      %dma_start3A_97 = arith.constant 0 : i32
      %dma_start3A_98 = tpu.memref_slice %arg21[%add3A_71, %dma_start3A_97] : memref<10240x64xf32, #tpu.memory_space<vmem_shared>> -> memref<128x64xf32, #tpu.memory_space<vmem_shared>>
      tpu.enqueue_dma source(%arg20 : memref<128x64xf32, #tpu.memory_space<vmem>>) target(%dma_start3A_98 : memref<128x64xf32, #tpu.memory_space<vmem_shared>>) target_semaphore(%run_scoped3A : memref<!tpu.dma_semaphore, #tpu.memory_space<semaphore_mem>>)
      %dma_wait3A = arith.constant 0 : i32
      %dma_wait3A_99 = tpu.memref_slice %arg21[%add3A_71, %dma_wait3A] : memref<10240x64xf32, #tpu.memory_space<vmem_shared>> -> memref<128x64xf32, #tpu.memory_space<vmem_shared>>
      %dma_wait3A_100 = arith.constant 0 : i32
      %dma_wait3A_101 = tpu.memref_slice %arg21[%add3A_71, %dma_wait3A_100] : memref<10240x64xf32, #tpu.memory_space<vmem_shared>> -> memref<128x64xf32, #tpu.memory_space<vmem_shared>>
      tpu.wait_dma2 semaphore(%run_scoped3A : memref<!tpu.dma_semaphore, #tpu.memory_space<semaphore_mem>>) src(%arg20 : memref<128x64xf32, #tpu.memory_space<vmem>>) dst(%dma_wait3A_101 : memref<128x64xf32, #tpu.memory_space<vmem_shared>>)
      tpu.yield
    }) : () -> ()
    %add3A_72 = arith.constant 256 : i32
    %add3A_73 = arith.addi %mul3A_67, %add3A_72 : i32
    "tpu.region"() ({
      %run_scoped3A = tpu.sem_alloc : memref<!tpu.dma_semaphore, #tpu.memory_space<semaphore_mem>>
      %dma_start3A_95 = arith.constant 0 : i32
      %dma_start3A_96 = tpu.memref_slice %arg21[%add3A_73, %dma_start3A_95] : memref<10240x64xf32, #tpu.memory_space<vmem_shared>> -> memref<128x64xf32, #tpu.memory_space<vmem_shared>>
      %dma_start3A_97 = arith.constant 0 : i32
      %dma_start3A_98 = tpu.memref_slice %arg21[%add3A_73, %dma_start3A_97] : memref<10240x64xf32, #tpu.memory_space<vmem_shared>> -> memref<128x64xf32, #tpu.memory_space<vmem_shared>>
      tpu.enqueue_dma source(%arg20 : memref<128x64xf32, #tpu.memory_space<vmem>>) target(%dma_start3A_98 : memref<128x64xf32, #tpu.memory_space<vmem_shared>>) target_semaphore(%run_scoped3A : memref<!tpu.dma_semaphore, #tpu.memory_space<semaphore_mem>>)
      %dma_wait3A = arith.constant 0 : i32
      %dma_wait3A_99 = tpu.memref_slice %arg21[%add3A_73, %dma_wait3A] : memref<10240x64xf32, #tpu.memory_space<vmem_shared>> -> memref<128x64xf32, #tpu.memory_space<vmem_shared>>
      %dma_wait3A_100 = arith.constant 0 : i32
      %dma_wait3A_101 = tpu.memref_slice %arg21[%add3A_73, %dma_wait3A_100] : memref<10240x64xf32, #tpu.memory_space<vmem_shared>> -> memref<128x64xf32, #tpu.memory_space<vmem_shared>>
      tpu.wait_dma2 semaphore(%run_scoped3A : memref<!tpu.dma_semaphore, #tpu.memory_space<semaphore_mem>>) src(%arg20 : memref<128x64xf32, #tpu.memory_space<vmem>>) dst(%dma_wait3A_101 : memref<128x64xf32, #tpu.memory_space<vmem_shared>>)
      tpu.yield
    }) : () -> ()
    %add3A_74 = arith.constant 384 : i32
    %add3A_75 = arith.addi %mul3A_67, %add3A_74 : i32
    "tpu.region"() ({
      %run_scoped3A = tpu.sem_alloc : memref<!tpu.dma_semaphore, #tpu.memory_space<semaphore_mem>>
      %dma_start3A_95 = arith.constant 0 : i32
      %dma_start3A_96 = tpu.memref_slice %arg21[%add3A_75, %dma_start3A_95] : memref<10240x64xf32, #tpu.memory_space<vmem_shared>> -> memref<128x64xf32, #tpu.memory_space<vmem_shared>>
      %dma_start3A_97 = arith.constant 0 : i32
      %dma_start3A_98 = tpu.memref_slice %arg21[%add3A_75, %dma_start3A_97] : memref<10240x64xf32, #tpu.memory_space<vmem_shared>> -> memref<128x64xf32, #tpu.memory_space<vmem_shared>>
      tpu.enqueue_dma source(%arg20 : memref<128x64xf32, #tpu.memory_space<vmem>>) target(%dma_start3A_98 : memref<128x64xf32, #tpu.memory_space<vmem_shared>>) target_semaphore(%run_scoped3A : memref<!tpu.dma_semaphore, #tpu.memory_space<semaphore_mem>>)
      %dma_wait3A = arith.constant 0 : i32
      %dma_wait3A_99 = tpu.memref_slice %arg21[%add3A_75, %dma_wait3A] : memref<10240x64xf32, #tpu.memory_space<vmem_shared>> -> memref<128x64xf32, #tpu.memory_space<vmem_shared>>
      %dma_wait3A_100 = arith.constant 0 : i32
      %dma_wait3A_101 = tpu.memref_slice %arg21[%add3A_75, %dma_wait3A_100] : memref<10240x64xf32, #tpu.memory_space<vmem_shared>> -> memref<128x64xf32, #tpu.memory_space<vmem_shared>>
      tpu.wait_dma2 semaphore(%run_scoped3A : memref<!tpu.dma_semaphore, #tpu.memory_space<semaphore_mem>>) src(%arg20 : memref<128x64xf32, #tpu.memory_space<vmem>>) dst(%dma_wait3A_101 : memref<128x64xf32, #tpu.memory_space<vmem_shared>>)
      tpu.yield
    }) : () -> ()
    %add3A_76 = arith.constant 512 : i32
    %add3A_77 = arith.addi %mul3A_67, %add3A_76 : i32
    "tpu.region"() ({
      %run_scoped3A = tpu.sem_alloc : memref<!tpu.dma_semaphore, #tpu.memory_space<semaphore_mem>>
      %dma_start3A_95 = arith.constant 0 : i32
      %dma_start3A_96 = tpu.memref_slice %arg21[%add3A_77, %dma_start3A_95] : memref<10240x64xf32, #tpu.memory_space<vmem_shared>> -> memref<128x64xf32, #tpu.memory_space<vmem_shared>>
      %dma_start3A_97 = arith.constant 0 : i32
      %dma_start3A_98 = tpu.memref_slice %arg21[%add3A_77, %dma_start3A_97] : memref<10240x64xf32, #tpu.memory_space<vmem_shared>> -> memref<128x64xf32, #tpu.memory_space<vmem_shared>>
      tpu.enqueue_dma source(%arg20 : memref<128x64xf32, #tpu.memory_space<vmem>>) target(%dma_start3A_98 : memref<128x64xf32, #tpu.memory_space<vmem_shared>>) target_semaphore(%run_scoped3A : memref<!tpu.dma_semaphore, #tpu.memory_space<semaphore_mem>>)
      %dma_wait3A = arith.constant 0 : i32
      %dma_wait3A_99 = tpu.memref_slice %arg21[%add3A_77, %dma_wait3A] : memref<10240x64xf32, #tpu.memory_space<vmem_shared>> -> memref<128x64xf32, #tpu.memory_space<vmem_shared>>
      %dma_wait3A_100 = arith.constant 0 : i32
      %dma_wait3A_101 = tpu.memref_slice %arg21[%add3A_77, %dma_wait3A_100] : memref<10240x64xf32, #tpu.memory_space<vmem_shared>> -> memref<128x64xf32, #tpu.memory_space<vmem_shared>>
      tpu.wait_dma2 semaphore(%run_scoped3A : memref<!tpu.dma_semaphore, #tpu.memory_space<semaphore_mem>>) src(%arg20 : memref<128x64xf32, #tpu.memory_space<vmem>>) dst(%dma_wait3A_101 : memref<128x64xf32, #tpu.memory_space<vmem_shared>>)
      tpu.yield
    }) : () -> ()
    %barrier3A = arith.constant 0 : index
    tpu.barrier barrier_id(%barrier3A)
    %scan3A_78 = arith.constant 0 : i32
    %scan3A_79 = arith.constant 0 : i32
    %scan3A_80 = arith.constant 11 : i32
    %scan3A_81 = arith.addi %scan3A_79, %scan3A_80 : i32
    %scan3A_82 = arith.constant 1 : i32
    scf.for %scan3A_95 = %scan3A_79 to %scan3A_81 step %scan3A_82  : i32 {
      %mul3A_96 = arith.constant 2 : i32
      %mul3A_97 = arith.muli %scan3A_95, %mul3A_96 : i32
      %mul3A_98 = arith.constant 6 : i32
      %mul3A_99 = arith.muli %mul3A_97, %mul3A_98 : i32
      %add3A_100 = arith.constant 0 : i32
      %add3A_101 = arith.addi %mul3A_99, %add3A_100 : i32
      %lt3A = arith.constant 125 : i32
      %lt3A_102 = arith.cmpi slt, %add3A_101, %lt3A : i32
      %convert_element_type3A = arith.extui %lt3A_102 : i1 to i32
      %cond3A = arith.constant 0 : i32
      %cond3A_103 = arith.cmpi ne, %convert_element_type3A, %cond3A : i32
      scf.if %cond3A_103 {
        %add3A_426 = arith.constant 0 : i32
        %add3A_427 = arith.addi %mul3A_99, %add3A_426 : i32
        %dma_wait3A = arith.constant 0 : i32
        %dma_wait3A_428 = arith.constant 0 : i32
        %dma_wait3A_429 = tpu.memref_slice %arg6[%add3A_427, %dma_wait3A_428] : memref<125x80xi32, #tpu.memory_space<vmem>> -> memref<1x80xi32, #tpu.memory_space<vmem>>
        %dma_wait3A_430 = tpu.memref_squeeze %dma_wait3A_429 : memref<1x80xi32, #tpu.memory_space<vmem>> -> memref<80xi32, #tpu.memory_space<vmem>>
        %dma_wait3A_431 = arith.constant 0 : i32
        %dma_wait3A_432 = arith.constant 0 : i32
        %dma_wait3A_433 = tpu.memref_slice %arg4[%dma_wait3A_431, %dma_wait3A_432] : memref<10000x64xf32, #tpu.memory_space<hbm>> -> memref<10000x64xf32, #tpu.memory_space<hbm>>
        %dma_wait3A_434 = tpu.memref_slice %arg22[%dma_wait3A] : memref<6x!tpu.dma_semaphore, #tpu.memory_space<semaphore_mem>> -> memref<1x!tpu.dma_semaphore, #tpu.memory_space<semaphore_mem>>
        %dma_wait3A_435 = tpu.memref_squeeze %dma_wait3A_434 : memref<1x!tpu.dma_semaphore, #tpu.memory_space<semaphore_mem>> -> memref<!tpu.dma_semaphore, #tpu.memory_space<semaphore_mem>>
        tpu.wait_indirect_dma semaphore(%dma_wait3A_435 : memref<!tpu.dma_semaphore, #tpu.memory_space<semaphore_mem>>) src(%dma_wait3A_433 : memref<10000x64xf32, #tpu.memory_space<hbm>>) dst(%arg8 : memref<80x64xf32, #tpu.memory_space<vmem>>)
        %add3A_436 = arith.constant 0 : i32
        %add3A_437 = arith.addi %mul3A_99, %add3A_436 : i32
        %dma_start3A_438 = arith.constant 0 : i32
        %dma_start3A_439 = arith.constant 0 : i32
        %dma_start3A_440 = tpu.memref_slice %arg7[%add3A_437, %dma_start3A_439] : memref<125x80xi32, #tpu.memory_space<vmem>> -> memref<1x80xi32, #tpu.memory_space<vmem>>
        %dma_start3A_441 = tpu.memref_squeeze %dma_start3A_440 : memref<1x80xi32, #tpu.memory_space<vmem>> -> memref<80xi32, #tpu.memory_space<vmem>>
        %dma_start3A_442 = arith.constant 0 : i32
        %dma_start3A_443 = arith.constant 0 : i32
        %dma_start3A_444 = tpu.memref_slice %arg21[%dma_start3A_442, %dma_start3A_443] : memref<10240x64xf32, #tpu.memory_space<vmem_shared>> -> memref<10240x64xf32, #tpu.memory_space<vmem_shared>>
        %dma_start3A_445 = tpu.memref_slice %arg23[%dma_start3A_438] : memref<6x!tpu.dma_semaphore, #tpu.memory_space<semaphore_mem>> -> memref<1x!tpu.dma_semaphore, #tpu.memory_space<semaphore_mem>>
        %dma_start3A_446 = tpu.memref_squeeze %dma_start3A_445 : memref<1x!tpu.dma_semaphore, #tpu.memory_space<semaphore_mem>> -> memref<!tpu.dma_semaphore, #tpu.memory_space<semaphore_mem>>
        tpu.enqueue_indirect_dma source(%arg8 : memref<80x64xf32, #tpu.memory_space<vmem>>) target(%dma_start3A_444 : memref<10240x64xf32, #tpu.memory_space<vmem_shared>>) offsets(%dma_start3A_441 : memref<80xi32, #tpu.memory_space<vmem>>) semaphore(%dma_start3A_446 : memref<!tpu.dma_semaphore, #tpu.memory_space<semaphore_mem>>) {add = true}
      } else {
      }
      %add3A_104 = arith.constant 1 : i32
      %add3A_105 = arith.addi %mul3A_99, %add3A_104 : i32
      %lt3A_106 = arith.constant 125 : i32
      %lt3A_107 = arith.cmpi slt, %add3A_105, %lt3A_106 : i32
      %convert_element_type3A_108 = arith.extui %lt3A_107 : i1 to i32
      %cond3A_109 = arith.constant 0 : i32
      %cond3A_110 = arith.cmpi ne, %convert_element_type3A_108, %cond3A_109 : i32
      scf.if %cond3A_110 {
        %add3A_426 = arith.constant 1 : i32
        %add3A_427 = arith.addi %mul3A_99, %add3A_426 : i32
        %dma_wait3A = arith.constant 1 : i32
        %dma_wait3A_428 = arith.constant 0 : i32
        %dma_wait3A_429 = tpu.memref_slice %arg6[%add3A_427, %dma_wait3A_428] : memref<125x80xi32, #tpu.memory_space<vmem>> -> memref<1x80xi32, #tpu.memory_space<vmem>>
        %dma_wait3A_430 = tpu.memref_squeeze %dma_wait3A_429 : memref<1x80xi32, #tpu.memory_space<vmem>> -> memref<80xi32, #tpu.memory_space<vmem>>
        %dma_wait3A_431 = arith.constant 0 : i32
        %dma_wait3A_432 = arith.constant 0 : i32
        %dma_wait3A_433 = tpu.memref_slice %arg4[%dma_wait3A_431, %dma_wait3A_432] : memref<10000x64xf32, #tpu.memory_space<hbm>> -> memref<10000x64xf32, #tpu.memory_space<hbm>>
        %dma_wait3A_434 = tpu.memref_slice %arg22[%dma_wait3A] : memref<6x!tpu.dma_semaphore, #tpu.memory_space<semaphore_mem>> -> memref<1x!tpu.dma_semaphore, #tpu.memory_space<semaphore_mem>>
        %dma_wait3A_435 = tpu.memref_squeeze %dma_wait3A_434 : memref<1x!tpu.dma_semaphore, #tpu.memory_space<semaphore_mem>> -> memref<!tpu.dma_semaphore, #tpu.memory_space<semaphore_mem>>
        tpu.wait_indirect_dma semaphore(%dma_wait3A_435 : memref<!tpu.dma_semaphore, #tpu.memory_space<semaphore_mem>>) src(%dma_wait3A_433 : memref<10000x64xf32, #tpu.memory_space<hbm>>) dst(%arg9 : memref<80x64xf32, #tpu.memory_space<vmem>>)
        %add3A_436 = arith.constant 1 : i32
        %add3A_437 = arith.addi %mul3A_99, %add3A_436 : i32
        %dma_start3A_438 = arith.constant 1 : i32
        %dma_start3A_439 = arith.constant 0 : i32
        %dma_start3A_440 = tpu.memref_slice %arg7[%add3A_437, %dma_start3A_439] : memref<125x80xi32, #tpu.memory_space<vmem>> -> memref<1x80xi32, #tpu.memory_space<vmem>>
        %dma_start3A_441 = tpu.memref_squeeze %dma_start3A_440 : memref<1x80xi32, #tpu.memory_space<vmem>> -> memref<80xi32, #tpu.memory_space<vmem>>
        %dma_start3A_442 = arith.constant 0 : i32
        %dma_start3A_443 = arith.constant 0 : i32
        %dma_start3A_444 = tpu.memref_slice %arg21[%dma_start3A_442, %dma_start3A_443] : memref<10240x64xf32, #tpu.memory_space<vmem_shared>> -> memref<10240x64xf32, #tpu.memory_space<vmem_shared>>
        %dma_start3A_445 = tpu.memref_slice %arg23[%dma_start3A_438] : memref<6x!tpu.dma_semaphore, #tpu.memory_space<semaphore_mem>> -> memref<1x!tpu.dma_semaphore, #tpu.memory_space<semaphore_mem>>
        %dma_start3A_446 = tpu.memref_squeeze %dma_start3A_445 : memref<1x!tpu.dma_semaphore, #tpu.memory_space<semaphore_mem>> -> memref<!tpu.dma_semaphore, #tpu.memory_space<semaphore_mem>>
        tpu.enqueue_indirect_dma source(%arg9 : memref<80x64xf32, #tpu.memory_space<vmem>>) target(%dma_start3A_444 : memref<10240x64xf32, #tpu.memory_space<vmem_shared>>) offsets(%dma_start3A_441 : memref<80xi32, #tpu.memory_space<vmem>>) semaphore(%dma_start3A_446 : memref<!tpu.dma_semaphore, #tpu.memory_space<semaphore_mem>>) {add = true}
      } else {
      }
      %add3A_111 = arith.constant 2 : i32
      %add3A_112 = arith.addi %mul3A_99, %add3A_111 : i32
      %lt3A_113 = arith.constant 125 : i32
      %lt3A_114 = arith.cmpi slt, %add3A_112, %lt3A_113 : i32
      %convert_element_type3A_115 = arith.extui %lt3A_114 : i1 to i32
      %cond3A_116 = arith.constant 0 : i32
      %cond3A_117 = arith.cmpi ne, %convert_element_type3A_115, %cond3A_116 : i32
      scf.if %cond3A_117 {
        %add3A_426 = arith.constant 2 : i32
        %add3A_427 = arith.addi %mul3A_99, %add3A_426 : i32
        %dma_wait3A = arith.constant 2 : i32
        %dma_wait3A_428 = arith.constant 0 : i32
        %dma_wait3A_429 = tpu.memref_slice %arg6[%add3A_427, %dma_wait3A_428] : memref<125x80xi32, #tpu.memory_space<vmem>> -> memref<1x80xi32, #tpu.memory_space<vmem>>
        %dma_wait3A_430 = tpu.memref_squeeze %dma_wait3A_429 : memref<1x80xi32, #tpu.memory_space<vmem>> -> memref<80xi32, #tpu.memory_space<vmem>>
        %dma_wait3A_431 = arith.constant 0 : i32
        %dma_wait3A_432 = arith.constant 0 : i32
        %dma_wait3A_433 = tpu.memref_slice %arg4[%dma_wait3A_431, %dma_wait3A_432] : memref<10000x64xf32, #tpu.memory_space<hbm>> -> memref<10000x64xf32, #tpu.memory_space<hbm>>
        %dma_wait3A_434 = tpu.memref_slice %arg22[%dma_wait3A] : memref<6x!tpu.dma_semaphore, #tpu.memory_space<semaphore_mem>> -> memref<1x!tpu.dma_semaphore, #tpu.memory_space<semaphore_mem>>
        %dma_wait3A_435 = tpu.memref_squeeze %dma_wait3A_434 : memref<1x!tpu.dma_semaphore, #tpu.memory_space<semaphore_mem>> -> memref<!tpu.dma_semaphore, #tpu.memory_space<semaphore_mem>>
        tpu.wait_indirect_dma semaphore(%dma_wait3A_435 : memref<!tpu.dma_semaphore, #tpu.memory_space<semaphore_mem>>) src(%dma_wait3A_433 : memref<10000x64xf32, #tpu.memory_space<hbm>>) dst(%arg10 : memref<80x64xf32, #tpu.memory_space<vmem>>)
        %add3A_436 = arith.constant 2 : i32
        %add3A_437 = arith.addi %mul3A_99, %add3A_436 : i32
        %dma_start3A_438 = arith.constant 2 : i32
        %dma_start3A_439 = arith.constant 0 : i32
        %dma_start3A_440 = tpu.memref_slice %arg7[%add3A_437, %dma_start3A_439] : memref<125x80xi32, #tpu.memory_space<vmem>> -> memref<1x80xi32, #tpu.memory_space<vmem>>
        %dma_start3A_441 = tpu.memref_squeeze %dma_start3A_440 : memref<1x80xi32, #tpu.memory_space<vmem>> -> memref<80xi32, #tpu.memory_space<vmem>>
        %dma_start3A_442 = arith.constant 0 : i32
        %dma_start3A_443 = arith.constant 0 : i32
        %dma_start3A_444 = tpu.memref_slice %arg21[%dma_start3A_442, %dma_start3A_443] : memref<10240x64xf32, #tpu.memory_space<vmem_shared>> -> memref<10240x64xf32, #tpu.memory_space<vmem_shared>>
        %dma_start3A_445 = tpu.memref_slice %arg23[%dma_start3A_438] : memref<6x!tpu.dma_semaphore, #tpu.memory_space<semaphore_mem>> -> memref<1x!tpu.dma_semaphore, #tpu.memory_space<semaphore_mem>>
        %dma_start3A_446 = tpu.memref_squeeze %dma_start3A_445 : memref<1x!tpu.dma_semaphore, #tpu.memory_space<semaphore_mem>> -> memref<!tpu.dma_semaphore, #tpu.memory_space<semaphore_mem>>
        tpu.enqueue_indirect_dma source(%arg10 : memref<80x64xf32, #tpu.memory_space<vmem>>) target(%dma_start3A_444 : memref<10240x64xf32, #tpu.memory_space<vmem_shared>>) offsets(%dma_start3A_441 : memref<80xi32, #tpu.memory_space<vmem>>) semaphore(%dma_start3A_446 : memref<!tpu.dma_semaphore, #tpu.memory_space<semaphore_mem>>) {add = true}
      } else {
      }
      %add3A_118 = arith.constant 3 : i32
      %add3A_119 = arith.addi %mul3A_99, %add3A_118 : i32
      %lt3A_120 = arith.constant 125 : i32
      %lt3A_121 = arith.cmpi slt, %add3A_119, %lt3A_120 : i32
      %convert_element_type3A_122 = arith.extui %lt3A_121 : i1 to i32
      %cond3A_123 = arith.constant 0 : i32
      %cond3A_124 = arith.cmpi ne, %convert_element_type3A_122, %cond3A_123 : i32
      scf.if %cond3A_124 {
        %add3A_426 = arith.constant 3 : i32
        %add3A_427 = arith.addi %mul3A_99, %add3A_426 : i32
        %dma_wait3A = arith.constant 3 : i32
        %dma_wait3A_428 = arith.constant 0 : i32
        %dma_wait3A_429 = tpu.memref_slice %arg6[%add3A_427, %dma_wait3A_428] : memref<125x80xi32, #tpu.memory_space<vmem>> -> memref<1x80xi32, #tpu.memory_space<vmem>>
        %dma_wait3A_430 = tpu.memref_squeeze %dma_wait3A_429 : memref<1x80xi32, #tpu.memory_space<vmem>> -> memref<80xi32, #tpu.memory_space<vmem>>
        %dma_wait3A_431 = arith.constant 0 : i32
        %dma_wait3A_432 = arith.constant 0 : i32
        %dma_wait3A_433 = tpu.memref_slice %arg4[%dma_wait3A_431, %dma_wait3A_432] : memref<10000x64xf32, #tpu.memory_space<hbm>> -> memref<10000x64xf32, #tpu.memory_space<hbm>>
        %dma_wait3A_434 = tpu.memref_slice %arg22[%dma_wait3A] : memref<6x!tpu.dma_semaphore, #tpu.memory_space<semaphore_mem>> -> memref<1x!tpu.dma_semaphore, #tpu.memory_space<semaphore_mem>>
        %dma_wait3A_435 = tpu.memref_squeeze %dma_wait3A_434 : memref<1x!tpu.dma_semaphore, #tpu.memory_space<semaphore_mem>> -> memref<!tpu.dma_semaphore, #tpu.memory_space<semaphore_mem>>
        tpu.wait_indirect_dma semaphore(%dma_wait3A_435 : memref<!tpu.dma_semaphore, #tpu.memory_space<semaphore_mem>>) src(%dma_wait3A_433 : memref<10000x64xf32, #tpu.memory_space<hbm>>) dst(%arg11 : memref<80x64xf32, #tpu.memory_space<vmem>>)
        %add3A_436 = arith.constant 3 : i32
        %add3A_437 = arith.addi %mul3A_99, %add3A_436 : i32
        %dma_start3A_438 = arith.constant 3 : i32
        %dma_start3A_439 = arith.constant 0 : i32
        %dma_start3A_440 = tpu.memref_slice %arg7[%add3A_437, %dma_start3A_439] : memref<125x80xi32, #tpu.memory_space<vmem>> -> memref<1x80xi32, #tpu.memory_space<vmem>>
        %dma_start3A_441 = tpu.memref_squeeze %dma_start3A_440 : memref<1x80xi32, #tpu.memory_space<vmem>> -> memref<80xi32, #tpu.memory_space<vmem>>
        %dma_start3A_442 = arith.constant 0 : i32
        %dma_start3A_443 = arith.constant 0 : i32
        %dma_start3A_444 = tpu.memref_slice %arg21[%dma_start3A_442, %dma_start3A_443] : memref<10240x64xf32, #tpu.memory_space<vmem_shared>> -> memref<10240x64xf32, #tpu.memory_space<vmem_shared>>
        %dma_start3A_445 = tpu.memref_slice %arg23[%dma_start3A_438] : memref<6x!tpu.dma_semaphore, #tpu.memory_space<semaphore_mem>> -> memref<1x!tpu.dma_semaphore, #tpu.memory_space<semaphore_mem>>
        %dma_start3A_446 = tpu.memref_squeeze %dma_start3A_445 : memref<1x!tpu.dma_semaphore, #tpu.memory_space<semaphore_mem>> -> memref<!tpu.dma_semaphore, #tpu.memory_space<semaphore_mem>>
        tpu.enqueue_indirect_dma source(%arg11 : memref<80x64xf32, #tpu.memory_space<vmem>>) target(%dma_start3A_444 : memref<10240x64xf32, #tpu.memory_space<vmem_shared>>) offsets(%dma_start3A_441 : memref<80xi32, #tpu.memory_space<vmem>>) semaphore(%dma_start3A_446 : memref<!tpu.dma_semaphore, #tpu.memory_space<semaphore_mem>>) {add = true}
      } else {
      }
      %add3A_125 = arith.constant 4 : i32
      %add3A_126 = arith.addi %mul3A_99, %add3A_125 : i32
      %lt3A_127 = arith.constant 125 : i32
      %lt3A_128 = arith.cmpi slt, %add3A_126, %lt3A_127 : i32
      %convert_element_type3A_129 = arith.extui %lt3A_128 : i1 to i32
      %cond3A_130 = arith.constant 0 : i32
      %cond3A_131 = arith.cmpi ne, %convert_element_type3A_129, %cond3A_130 : i32
      scf.if %cond3A_131 {
        %add3A_426 = arith.constant 4 : i32
        %add3A_427 = arith.addi %mul3A_99, %add3A_426 : i32
        %dma_wait3A = arith.constant 4 : i32
        %dma_wait3A_428 = arith.constant 0 : i32
        %dma_wait3A_429 = tpu.memref_slice %arg6[%add3A_427, %dma_wait3A_428] : memref<125x80xi32, #tpu.memory_space<vmem>> -> memref<1x80xi32, #tpu.memory_space<vmem>>
        %dma_wait3A_430 = tpu.memref_squeeze %dma_wait3A_429 : memref<1x80xi32, #tpu.memory_space<vmem>> -> memref<80xi32, #tpu.memory_space<vmem>>
        %dma_wait3A_431 = arith.constant 0 : i32
        %dma_wait3A_432 = arith.constant 0 : i32
        %dma_wait3A_433 = tpu.memref_slice %arg4[%dma_wait3A_431, %dma_wait3A_432] : memref<10000x64xf32, #tpu.memory_space<hbm>> -> memref<10000x64xf32, #tpu.memory_space<hbm>>
        %dma_wait3A_434 = tpu.memref_slice %arg22[%dma_wait3A] : memref<6x!tpu.dma_semaphore, #tpu.memory_space<semaphore_mem>> -> memref<1x!tpu.dma_semaphore, #tpu.memory_space<semaphore_mem>>
        %dma_wait3A_435 = tpu.memref_squeeze %dma_wait3A_434 : memref<1x!tpu.dma_semaphore, #tpu.memory_space<semaphore_mem>> -> memref<!tpu.dma_semaphore, #tpu.memory_space<semaphore_mem>>
        tpu.wait_indirect_dma semaphore(%dma_wait3A_435 : memref<!tpu.dma_semaphore, #tpu.memory_space<semaphore_mem>>) src(%dma_wait3A_433 : memref<10000x64xf32, #tpu.memory_space<hbm>>) dst(%arg12 : memref<80x64xf32, #tpu.memory_space<vmem>>)
        %add3A_436 = arith.constant 4 : i32
        %add3A_437 = arith.addi %mul3A_99, %add3A_436 : i32
        %dma_start3A_438 = arith.constant 4 : i32
        %dma_start3A_439 = arith.constant 0 : i32
        %dma_start3A_440 = tpu.memref_slice %arg7[%add3A_437, %dma_start3A_439] : memref<125x80xi32, #tpu.memory_space<vmem>> -> memref<1x80xi32, #tpu.memory_space<vmem>>
        %dma_start3A_441 = tpu.memref_squeeze %dma_start3A_440 : memref<1x80xi32, #tpu.memory_space<vmem>> -> memref<80xi32, #tpu.memory_space<vmem>>
        %dma_start3A_442 = arith.constant 0 : i32
        %dma_start3A_443 = arith.constant 0 : i32
        %dma_start3A_444 = tpu.memref_slice %arg21[%dma_start3A_442, %dma_start3A_443] : memref<10240x64xf32, #tpu.memory_space<vmem_shared>> -> memref<10240x64xf32, #tpu.memory_space<vmem_shared>>
        %dma_start3A_445 = tpu.memref_slice %arg23[%dma_start3A_438] : memref<6x!tpu.dma_semaphore, #tpu.memory_space<semaphore_mem>> -> memref<1x!tpu.dma_semaphore, #tpu.memory_space<semaphore_mem>>
        %dma_start3A_446 = tpu.memref_squeeze %dma_start3A_445 : memref<1x!tpu.dma_semaphore, #tpu.memory_space<semaphore_mem>> -> memref<!tpu.dma_semaphore, #tpu.memory_space<semaphore_mem>>
        tpu.enqueue_indirect_dma source(%arg12 : memref<80x64xf32, #tpu.memory_space<vmem>>) target(%dma_start3A_444 : memref<10240x64xf32, #tpu.memory_space<vmem_shared>>) offsets(%dma_start3A_441 : memref<80xi32, #tpu.memory_space<vmem>>) semaphore(%dma_start3A_446 : memref<!tpu.dma_semaphore, #tpu.memory_space<semaphore_mem>>) {add = true}
      } else {
      }
      %add3A_132 = arith.constant 5 : i32
      %add3A_133 = arith.addi %mul3A_99, %add3A_132 : i32
      %lt3A_134 = arith.constant 125 : i32
      %lt3A_135 = arith.cmpi slt, %add3A_133, %lt3A_134 : i32
      %convert_element_type3A_136 = arith.extui %lt3A_135 : i1 to i32
      %cond3A_137 = arith.constant 0 : i32
      %cond3A_138 = arith.cmpi ne, %convert_element_type3A_136, %cond3A_137 : i32
      scf.if %cond3A_138 {
        %add3A_426 = arith.constant 5 : i32
        %add3A_427 = arith.addi %mul3A_99, %add3A_426 : i32
        %dma_wait3A = arith.constant 5 : i32
        %dma_wait3A_428 = arith.constant 0 : i32
        %dma_wait3A_429 = tpu.memref_slice %arg6[%add3A_427, %dma_wait3A_428] : memref<125x80xi32, #tpu.memory_space<vmem>> -> memref<1x80xi32, #tpu.memory_space<vmem>>
        %dma_wait3A_430 = tpu.memref_squeeze %dma_wait3A_429 : memref<1x80xi32, #tpu.memory_space<vmem>> -> memref<80xi32, #tpu.memory_space<vmem>>
        %dma_wait3A_431 = arith.constant 0 : i32
        %dma_wait3A_432 = arith.constant 0 : i32
        %dma_wait3A_433 = tpu.memref_slice %arg4[%dma_wait3A_431, %dma_wait3A_432] : memref<10000x64xf32, #tpu.memory_space<hbm>> -> memref<10000x64xf32, #tpu.memory_space<hbm>>
        %dma_wait3A_434 = tpu.memref_slice %arg22[%dma_wait3A] : memref<6x!tpu.dma_semaphore, #tpu.memory_space<semaphore_mem>> -> memref<1x!tpu.dma_semaphore, #tpu.memory_space<semaphore_mem>>
        %dma_wait3A_435 = tpu.memref_squeeze %dma_wait3A_434 : memref<1x!tpu.dma_semaphore, #tpu.memory_space<semaphore_mem>> -> memref<!tpu.dma_semaphore, #tpu.memory_space<semaphore_mem>>
        tpu.wait_indirect_dma semaphore(%dma_wait3A_435 : memref<!tpu.dma_semaphore, #tpu.memory_space<semaphore_mem>>) src(%dma_wait3A_433 : memref<10000x64xf32, #tpu.memory_space<hbm>>) dst(%arg13 : memref<80x64xf32, #tpu.memory_space<vmem>>)
        %add3A_436 = arith.constant 5 : i32
        %add3A_437 = arith.addi %mul3A_99, %add3A_436 : i32
        %dma_start3A_438 = arith.constant 5 : i32
        %dma_start3A_439 = arith.constant 0 : i32
        %dma_start3A_440 = tpu.memref_slice %arg7[%add3A_437, %dma_start3A_439] : memref<125x80xi32, #tpu.memory_space<vmem>> -> memref<1x80xi32, #tpu.memory_space<vmem>>
        %dma_start3A_441 = tpu.memref_squeeze %dma_start3A_440 : memref<1x80xi32, #tpu.memory_space<vmem>> -> memref<80xi32, #tpu.memory_space<vmem>>
        %dma_start3A_442 = arith.constant 0 : i32
        %dma_start3A_443 = arith.constant 0 : i32
        %dma_start3A_444 = tpu.memref_slice %arg21[%dma_start3A_442, %dma_start3A_443] : memref<10240x64xf32, #tpu.memory_space<vmem_shared>> -> memref<10240x64xf32, #tpu.memory_space<vmem_shared>>
        %dma_start3A_445 = tpu.memref_slice %arg23[%dma_start3A_438] : memref<6x!tpu.dma_semaphore, #tpu.memory_space<semaphore_mem>> -> memref<1x!tpu.dma_semaphore, #tpu.memory_space<semaphore_mem>>
        %dma_start3A_446 = tpu.memref_squeeze %dma_start3A_445 : memref<1x!tpu.dma_semaphore, #tpu.memory_space<semaphore_mem>> -> memref<!tpu.dma_semaphore, #tpu.memory_space<semaphore_mem>>
        tpu.enqueue_indirect_dma source(%arg13 : memref<80x64xf32, #tpu.memory_space<vmem>>) target(%dma_start3A_444 : memref<10240x64xf32, #tpu.memory_space<vmem_shared>>) offsets(%dma_start3A_441 : memref<80xi32, #tpu.memory_space<vmem>>) semaphore(%dma_start3A_446 : memref<!tpu.dma_semaphore, #tpu.memory_space<semaphore_mem>>) {add = true}
      } else {
      }
      %gt3A = arith.constant 0 : i32
      %gt3A_139 = arith.cmpi sgt, %scan3A_95, %gt3A : i32
      %convert_element_type3A_140 = arith.extui %gt3A_139 : i1 to i32
      %cond3A_141 = arith.constant 0 : i32
      %cond3A_142 = arith.cmpi ne, %convert_element_type3A_140, %cond3A_141 : i32
      scf.if %cond3A_142 {
        %sub3A = arith.constant 6 : i32
        %sub3A_426 = arith.subi %mul3A_99, %sub3A : i32
        %add3A_427 = arith.constant 0 : i32
        %add3A_428 = arith.addi %sub3A_426, %add3A_427 : i32
        %dma_wait3A = arith.constant 0 : i32
        %dma_wait3A_429 = arith.constant 0 : i32
        %dma_wait3A_430 = tpu.memref_slice %arg7[%add3A_428, %dma_wait3A_429] : memref<125x80xi32, #tpu.memory_space<vmem>> -> memref<1x80xi32, #tpu.memory_space<vmem>>
        %dma_wait3A_431 = tpu.memref_squeeze %dma_wait3A_430 : memref<1x80xi32, #tpu.memory_space<vmem>> -> memref<80xi32, #tpu.memory_space<vmem>>
        %dma_wait3A_432 = arith.constant 0 : i32
        %dma_wait3A_433 = arith.constant 0 : i32
        %dma_wait3A_434 = tpu.memref_slice %arg21[%dma_wait3A_432, %dma_wait3A_433] : memref<10240x64xf32, #tpu.memory_space<vmem_shared>> -> memref<10240x64xf32, #tpu.memory_space<vmem_shared>>
        %dma_wait3A_435 = tpu.memref_slice %arg25[%dma_wait3A] : memref<6x!tpu.dma_semaphore, #tpu.memory_space<semaphore_mem>> -> memref<1x!tpu.dma_semaphore, #tpu.memory_space<semaphore_mem>>
        %dma_wait3A_436 = tpu.memref_squeeze %dma_wait3A_435 : memref<1x!tpu.dma_semaphore, #tpu.memory_space<semaphore_mem>> -> memref<!tpu.dma_semaphore, #tpu.memory_space<semaphore_mem>>
        tpu.wait_indirect_dma semaphore(%dma_wait3A_436 : memref<!tpu.dma_semaphore, #tpu.memory_space<semaphore_mem>>) src(%arg14 : memref<80x64xf32, #tpu.memory_space<vmem>>) dst(%dma_wait3A_434 : memref<10240x64xf32, #tpu.memory_space<vmem_shared>>)
      } else {
      }
      %gt3A_143 = arith.constant 0 : i32
      %gt3A_144 = arith.cmpi sgt, %scan3A_95, %gt3A_143 : i32
      %convert_element_type3A_145 = arith.extui %gt3A_144 : i1 to i32
      %cond3A_146 = arith.constant 0 : i32
      %cond3A_147 = arith.cmpi ne, %convert_element_type3A_145, %cond3A_146 : i32
      scf.if %cond3A_147 {
        %sub3A = arith.constant 6 : i32
        %sub3A_426 = arith.subi %mul3A_99, %sub3A : i32
        %add3A_427 = arith.constant 1 : i32
        %add3A_428 = arith.addi %sub3A_426, %add3A_427 : i32
        %dma_wait3A = arith.constant 1 : i32
        %dma_wait3A_429 = arith.constant 0 : i32
        %dma_wait3A_430 = tpu.memref_slice %arg7[%add3A_428, %dma_wait3A_429] : memref<125x80xi32, #tpu.memory_space<vmem>> -> memref<1x80xi32, #tpu.memory_space<vmem>>
        %dma_wait3A_431 = tpu.memref_squeeze %dma_wait3A_430 : memref<1x80xi32, #tpu.memory_space<vmem>> -> memref<80xi32, #tpu.memory_space<vmem>>
        %dma_wait3A_432 = arith.constant 0 : i32
        %dma_wait3A_433 = arith.constant 0 : i32
        %dma_wait3A_434 = tpu.memref_slice %arg21[%dma_wait3A_432, %dma_wait3A_433] : memref<10240x64xf32, #tpu.memory_space<vmem_shared>> -> memref<10240x64xf32, #tpu.memory_space<vmem_shared>>
        %dma_wait3A_435 = tpu.memref_slice %arg25[%dma_wait3A] : memref<6x!tpu.dma_semaphore, #tpu.memory_space<semaphore_mem>> -> memref<1x!tpu.dma_semaphore, #tpu.memory_space<semaphore_mem>>
        %dma_wait3A_436 = tpu.memref_squeeze %dma_wait3A_435 : memref<1x!tpu.dma_semaphore, #tpu.memory_space<semaphore_mem>> -> memref<!tpu.dma_semaphore, #tpu.memory_space<semaphore_mem>>
        tpu.wait_indirect_dma semaphore(%dma_wait3A_436 : memref<!tpu.dma_semaphore, #tpu.memory_space<semaphore_mem>>) src(%arg15 : memref<80x64xf32, #tpu.memory_space<vmem>>) dst(%dma_wait3A_434 : memref<10240x64xf32, #tpu.memory_space<vmem_shared>>)
      } else {
      }
      %gt3A_148 = arith.constant 0 : i32
      %gt3A_149 = arith.cmpi sgt, %scan3A_95, %gt3A_148 : i32
      %convert_element_type3A_150 = arith.extui %gt3A_149 : i1 to i32
      %cond3A_151 = arith.constant 0 : i32
      %cond3A_152 = arith.cmpi ne, %convert_element_type3A_150, %cond3A_151 : i32
      scf.if %cond3A_152 {
        %sub3A = arith.constant 6 : i32
        %sub3A_426 = arith.subi %mul3A_99, %sub3A : i32
        %add3A_427 = arith.constant 2 : i32
        %add3A_428 = arith.addi %sub3A_426, %add3A_427 : i32
        %dma_wait3A = arith.constant 2 : i32
        %dma_wait3A_429 = arith.constant 0 : i32
        %dma_wait3A_430 = tpu.memref_slice %arg7[%add3A_428, %dma_wait3A_429] : memref<125x80xi32, #tpu.memory_space<vmem>> -> memref<1x80xi32, #tpu.memory_space<vmem>>
        %dma_wait3A_431 = tpu.memref_squeeze %dma_wait3A_430 : memref<1x80xi32, #tpu.memory_space<vmem>> -> memref<80xi32, #tpu.memory_space<vmem>>
        %dma_wait3A_432 = arith.constant 0 : i32
        %dma_wait3A_433 = arith.constant 0 : i32
        %dma_wait3A_434 = tpu.memref_slice %arg21[%dma_wait3A_432, %dma_wait3A_433] : memref<10240x64xf32, #tpu.memory_space<vmem_shared>> -> memref<10240x64xf32, #tpu.memory_space<vmem_shared>>
        %dma_wait3A_435 = tpu.memref_slice %arg25[%dma_wait3A] : memref<6x!tpu.dma_semaphore, #tpu.memory_space<semaphore_mem>> -> memref<1x!tpu.dma_semaphore, #tpu.memory_space<semaphore_mem>>
        %dma_wait3A_436 = tpu.memref_squeeze %dma_wait3A_435 : memref<1x!tpu.dma_semaphore, #tpu.memory_space<semaphore_mem>> -> memref<!tpu.dma_semaphore, #tpu.memory_space<semaphore_mem>>
        tpu.wait_indirect_dma semaphore(%dma_wait3A_436 : memref<!tpu.dma_semaphore, #tpu.memory_space<semaphore_mem>>) src(%arg16 : memref<80x64xf32, #tpu.memory_space<vmem>>) dst(%dma_wait3A_434 : memref<10240x64xf32, #tpu.memory_space<vmem_shared>>)
      } else {
      }
      %gt3A_153 = arith.constant 0 : i32
      %gt3A_154 = arith.cmpi sgt, %scan3A_95, %gt3A_153 : i32
      %convert_element_type3A_155 = arith.extui %gt3A_154 : i1 to i32
      %cond3A_156 = arith.constant 0 : i32
      %cond3A_157 = arith.cmpi ne, %convert_element_type3A_155, %cond3A_156 : i32
      scf.if %cond3A_157 {
        %sub3A = arith.constant 6 : i32
        %sub3A_426 = arith.subi %mul3A_99, %sub3A : i32
        %add3A_427 = arith.constant 3 : i32
        %add3A_428 = arith.addi %sub3A_426, %add3A_427 : i32
        %dma_wait3A = arith.constant 3 : i32
        %dma_wait3A_429 = arith.constant 0 : i32
        %dma_wait3A_430 = tpu.memref_slice %arg7[%add3A_428, %dma_wait3A_429] : memref<125x80xi32, #tpu.memory_space<vmem>> -> memref<1x80xi32, #tpu.memory_space<vmem>>
        %dma_wait3A_431 = tpu.memref_squeeze %dma_wait3A_430 : memref<1x80xi32, #tpu.memory_space<vmem>> -> memref<80xi32, #tpu.memory_space<vmem>>
        %dma_wait3A_432 = arith.constant 0 : i32
        %dma_wait3A_433 = arith.constant 0 : i32
        %dma_wait3A_434 = tpu.memref_slice %arg21[%dma_wait3A_432, %dma_wait3A_433] : memref<10240x64xf32, #tpu.memory_space<vmem_shared>> -> memref<10240x64xf32, #tpu.memory_space<vmem_shared>>
        %dma_wait3A_435 = tpu.memref_slice %arg25[%dma_wait3A] : memref<6x!tpu.dma_semaphore, #tpu.memory_space<semaphore_mem>> -> memref<1x!tpu.dma_semaphore, #tpu.memory_space<semaphore_mem>>
        %dma_wait3A_436 = tpu.memref_squeeze %dma_wait3A_435 : memref<1x!tpu.dma_semaphore, #tpu.memory_space<semaphore_mem>> -> memref<!tpu.dma_semaphore, #tpu.memory_space<semaphore_mem>>
        tpu.wait_indirect_dma semaphore(%dma_wait3A_436 : memref<!tpu.dma_semaphore, #tpu.memory_space<semaphore_mem>>) src(%arg17 : memref<80x64xf32, #tpu.memory_space<vmem>>) dst(%dma_wait3A_434 : memref<10240x64xf32, #tpu.memory_space<vmem_shared>>)
      } else {
      }
      %gt3A_158 = arith.constant 0 : i32
      %gt3A_159 = arith.cmpi sgt, %scan3A_95, %gt3A_158 : i32
      %convert_element_type3A_160 = arith.extui %gt3A_159 : i1 to i32
      %cond3A_161 = arith.constant 0 : i32
      %cond3A_162 = arith.cmpi ne, %convert_element_type3A_160, %cond3A_161 : i32
      scf.if %cond3A_162 {
        %sub3A = arith.constant 6 : i32
        %sub3A_426 = arith.subi %mul3A_99, %sub3A : i32
        %add3A_427 = arith.constant 4 : i32
        %add3A_428 = arith.addi %sub3A_426, %add3A_427 : i32
        %dma_wait3A = arith.constant 4 : i32
        %dma_wait3A_429 = arith.constant 0 : i32
        %dma_wait3A_430 = tpu.memref_slice %arg7[%add3A_428, %dma_wait3A_429] : memref<125x80xi32, #tpu.memory_space<vmem>> -> memref<1x80xi32, #tpu.memory_space<vmem>>
        %dma_wait3A_431 = tpu.memref_squeeze %dma_wait3A_430 : memref<1x80xi32, #tpu.memory_space<vmem>> -> memref<80xi32, #tpu.memory_space<vmem>>
        %dma_wait3A_432 = arith.constant 0 : i32
        %dma_wait3A_433 = arith.constant 0 : i32
        %dma_wait3A_434 = tpu.memref_slice %arg21[%dma_wait3A_432, %dma_wait3A_433] : memref<10240x64xf32, #tpu.memory_space<vmem_shared>> -> memref<10240x64xf32, #tpu.memory_space<vmem_shared>>
        %dma_wait3A_435 = tpu.memref_slice %arg25[%dma_wait3A] : memref<6x!tpu.dma_semaphore, #tpu.memory_space<semaphore_mem>> -> memref<1x!tpu.dma_semaphore, #tpu.memory_space<semaphore_mem>>
        %dma_wait3A_436 = tpu.memref_squeeze %dma_wait3A_435 : memref<1x!tpu.dma_semaphore, #tpu.memory_space<semaphore_mem>> -> memref<!tpu.dma_semaphore, #tpu.memory_space<semaphore_mem>>
        tpu.wait_indirect_dma semaphore(%dma_wait3A_436 : memref<!tpu.dma_semaphore, #tpu.memory_space<semaphore_mem>>) src(%arg18 : memref<80x64xf32, #tpu.memory_space<vmem>>) dst(%dma_wait3A_434 : memref<10240x64xf32, #tpu.memory_space<vmem_shared>>)
      } else {
      }
      %gt3A_163 = arith.constant 0 : i32
      %gt3A_164 = arith.cmpi sgt, %scan3A_95, %gt3A_163 : i32
      %convert_element_type3A_165 = arith.extui %gt3A_164 : i1 to i32
      %cond3A_166 = arith.constant 0 : i32
      %cond3A_167 = arith.cmpi ne, %convert_element_type3A_165, %cond3A_166 : i32
      scf.if %cond3A_167 {
        %sub3A = arith.constant 6 : i32
        %sub3A_426 = arith.subi %mul3A_99, %sub3A : i32
        %add3A_427 = arith.constant 5 : i32
        %add3A_428 = arith.addi %sub3A_426, %add3A_427 : i32
        %dma_wait3A = arith.constant 5 : i32
        %dma_wait3A_429 = arith.constant 0 : i32
        %dma_wait3A_430 = tpu.memref_slice %arg7[%add3A_428, %dma_wait3A_429] : memref<125x80xi32, #tpu.memory_space<vmem>> -> memref<1x80xi32, #tpu.memory_space<vmem>>
        %dma_wait3A_431 = tpu.memref_squeeze %dma_wait3A_430 : memref<1x80xi32, #tpu.memory_space<vmem>> -> memref<80xi32, #tpu.memory_space<vmem>>
        %dma_wait3A_432 = arith.constant 0 : i32
        %dma_wait3A_433 = arith.constant 0 : i32
        %dma_wait3A_434 = tpu.memref_slice %arg21[%dma_wait3A_432, %dma_wait3A_433] : memref<10240x64xf32, #tpu.memory_space<vmem_shared>> -> memref<10240x64xf32, #tpu.memory_space<vmem_shared>>
        %dma_wait3A_435 = tpu.memref_slice %arg25[%dma_wait3A] : memref<6x!tpu.dma_semaphore, #tpu.memory_space<semaphore_mem>> -> memref<1x!tpu.dma_semaphore, #tpu.memory_space<semaphore_mem>>
        %dma_wait3A_436 = tpu.memref_squeeze %dma_wait3A_435 : memref<1x!tpu.dma_semaphore, #tpu.memory_space<semaphore_mem>> -> memref<!tpu.dma_semaphore, #tpu.memory_space<semaphore_mem>>
        tpu.wait_indirect_dma semaphore(%dma_wait3A_436 : memref<!tpu.dma_semaphore, #tpu.memory_space<semaphore_mem>>) src(%arg19 : memref<80x64xf32, #tpu.memory_space<vmem>>) dst(%dma_wait3A_434 : memref<10240x64xf32, #tpu.memory_space<vmem_shared>>)
      } else {
      }
      %add3A_168 = arith.constant 6 : i32
      %add3A_169 = arith.addi %mul3A_99, %add3A_168 : i32
      %add3A_170 = arith.constant 0 : i32
      %add3A_171 = arith.addi %add3A_169, %add3A_170 : i32
      %lt3A_172 = arith.constant 125 : i32
      %lt3A_173 = arith.cmpi slt, %add3A_171, %lt3A_172 : i32
      %convert_element_type3A_174 = arith.extui %lt3A_173 : i1 to i32
      %cond3A_175 = arith.constant 0 : i32
      %cond3A_176 = arith.cmpi ne, %convert_element_type3A_174, %cond3A_175 : i32
      scf.if %cond3A_176 {
        %add3A_426 = arith.constant 6 : i32
        %add3A_427 = arith.addi %mul3A_99, %add3A_426 : i32
        %add3A_428 = arith.constant 0 : i32
        %add3A_429 = arith.addi %add3A_427, %add3A_428 : i32
        %dma_start3A_430 = arith.constant 0 : i32
        %dma_start3A_431 = arith.constant 0 : i32
        %dma_start3A_432 = tpu.memref_slice %arg6[%add3A_429, %dma_start3A_431] : memref<125x80xi32, #tpu.memory_space<vmem>> -> memref<1x80xi32, #tpu.memory_space<vmem>>
        %dma_start3A_433 = tpu.memref_squeeze %dma_start3A_432 : memref<1x80xi32, #tpu.memory_space<vmem>> -> memref<80xi32, #tpu.memory_space<vmem>>
        %dma_start3A_434 = arith.constant 0 : i32
        %dma_start3A_435 = arith.constant 0 : i32
        %dma_start3A_436 = tpu.memref_slice %arg4[%dma_start3A_434, %dma_start3A_435] : memref<10000x64xf32, #tpu.memory_space<hbm>> -> memref<10000x64xf32, #tpu.memory_space<hbm>>
        %dma_start3A_437 = tpu.memref_slice %arg24[%dma_start3A_430] : memref<6x!tpu.dma_semaphore, #tpu.memory_space<semaphore_mem>> -> memref<1x!tpu.dma_semaphore, #tpu.memory_space<semaphore_mem>>
        %dma_start3A_438 = tpu.memref_squeeze %dma_start3A_437 : memref<1x!tpu.dma_semaphore, #tpu.memory_space<semaphore_mem>> -> memref<!tpu.dma_semaphore, #tpu.memory_space<semaphore_mem>>
        tpu.enqueue_indirect_dma source(%dma_start3A_436 : memref<10000x64xf32, #tpu.memory_space<hbm>>) target(%arg14 : memref<80x64xf32, #tpu.memory_space<vmem>>) offsets(%dma_start3A_433 : memref<80xi32, #tpu.memory_space<vmem>>) semaphore(%dma_start3A_438 : memref<!tpu.dma_semaphore, #tpu.memory_space<semaphore_mem>>)
      } else {
      }
      %add3A_177 = arith.constant 6 : i32
      %add3A_178 = arith.addi %mul3A_99, %add3A_177 : i32
      %add3A_179 = arith.constant 1 : i32
      %add3A_180 = arith.addi %add3A_178, %add3A_179 : i32
      %lt3A_181 = arith.constant 125 : i32
      %lt3A_182 = arith.cmpi slt, %add3A_180, %lt3A_181 : i32
      %convert_element_type3A_183 = arith.extui %lt3A_182 : i1 to i32
      %cond3A_184 = arith.constant 0 : i32
      %cond3A_185 = arith.cmpi ne, %convert_element_type3A_183, %cond3A_184 : i32
      scf.if %cond3A_185 {
        %add3A_426 = arith.constant 6 : i32
        %add3A_427 = arith.addi %mul3A_99, %add3A_426 : i32
        %add3A_428 = arith.constant 1 : i32
        %add3A_429 = arith.addi %add3A_427, %add3A_428 : i32
        %dma_start3A_430 = arith.constant 1 : i32
        %dma_start3A_431 = arith.constant 0 : i32
        %dma_start3A_432 = tpu.memref_slice %arg6[%add3A_429, %dma_start3A_431] : memref<125x80xi32, #tpu.memory_space<vmem>> -> memref<1x80xi32, #tpu.memory_space<vmem>>
        %dma_start3A_433 = tpu.memref_squeeze %dma_start3A_432 : memref<1x80xi32, #tpu.memory_space<vmem>> -> memref<80xi32, #tpu.memory_space<vmem>>
        %dma_start3A_434 = arith.constant 0 : i32
        %dma_start3A_435 = arith.constant 0 : i32
        %dma_start3A_436 = tpu.memref_slice %arg4[%dma_start3A_434, %dma_start3A_435] : memref<10000x64xf32, #tpu.memory_space<hbm>> -> memref<10000x64xf32, #tpu.memory_space<hbm>>
        %dma_start3A_437 = tpu.memref_slice %arg24[%dma_start3A_430] : memref<6x!tpu.dma_semaphore, #tpu.memory_space<semaphore_mem>> -> memref<1x!tpu.dma_semaphore, #tpu.memory_space<semaphore_mem>>
        %dma_start3A_438 = tpu.memref_squeeze %dma_start3A_437 : memref<1x!tpu.dma_semaphore, #tpu.memory_space<semaphore_mem>> -> memref<!tpu.dma_semaphore, #tpu.memory_space<semaphore_mem>>
        tpu.enqueue_indirect_dma source(%dma_start3A_436 : memref<10000x64xf32, #tpu.memory_space<hbm>>) target(%arg15 : memref<80x64xf32, #tpu.memory_space<vmem>>) offsets(%dma_start3A_433 : memref<80xi32, #tpu.memory_space<vmem>>) semaphore(%dma_start3A_438 : memref<!tpu.dma_semaphore, #tpu.memory_space<semaphore_mem>>)
      } else {
      }
      %add3A_186 = arith.constant 6 : i32
      %add3A_187 = arith.addi %mul3A_99, %add3A_186 : i32
      %add3A_188 = arith.constant 2 : i32
      %add3A_189 = arith.addi %add3A_187, %add3A_188 : i32
      %lt3A_190 = arith.constant 125 : i32
      %lt3A_191 = arith.cmpi slt, %add3A_189, %lt3A_190 : i32
      %convert_element_type3A_192 = arith.extui %lt3A_191 : i1 to i32
      %cond3A_193 = arith.constant 0 : i32
      %cond3A_194 = arith.cmpi ne, %convert_element_type3A_192, %cond3A_193 : i32
      scf.if %cond3A_194 {
        %add3A_426 = arith.constant 6 : i32
        %add3A_427 = arith.addi %mul3A_99, %add3A_426 : i32
        %add3A_428 = arith.constant 2 : i32
        %add3A_429 = arith.addi %add3A_427, %add3A_428 : i32
        %dma_start3A_430 = arith.constant 2 : i32
        %dma_start3A_431 = arith.constant 0 : i32
        %dma_start3A_432 = tpu.memref_slice %arg6[%add3A_429, %dma_start3A_431] : memref<125x80xi32, #tpu.memory_space<vmem>> -> memref<1x80xi32, #tpu.memory_space<vmem>>
        %dma_start3A_433 = tpu.memref_squeeze %dma_start3A_432 : memref<1x80xi32, #tpu.memory_space<vmem>> -> memref<80xi32, #tpu.memory_space<vmem>>
        %dma_start3A_434 = arith.constant 0 : i32
        %dma_start3A_435 = arith.constant 0 : i32
        %dma_start3A_436 = tpu.memref_slice %arg4[%dma_start3A_434, %dma_start3A_435] : memref<10000x64xf32, #tpu.memory_space<hbm>> -> memref<10000x64xf32, #tpu.memory_space<hbm>>
        %dma_start3A_437 = tpu.memref_slice %arg24[%dma_start3A_430] : memref<6x!tpu.dma_semaphore, #tpu.memory_space<semaphore_mem>> -> memref<1x!tpu.dma_semaphore, #tpu.memory_space<semaphore_mem>>
        %dma_start3A_438 = tpu.memref_squeeze %dma_start3A_437 : memref<1x!tpu.dma_semaphore, #tpu.memory_space<semaphore_mem>> -> memref<!tpu.dma_semaphore, #tpu.memory_space<semaphore_mem>>
        tpu.enqueue_indirect_dma source(%dma_start3A_436 : memref<10000x64xf32, #tpu.memory_space<hbm>>) target(%arg16 : memref<80x64xf32, #tpu.memory_space<vmem>>) offsets(%dma_start3A_433 : memref<80xi32, #tpu.memory_space<vmem>>) semaphore(%dma_start3A_438 : memref<!tpu.dma_semaphore, #tpu.memory_space<semaphore_mem>>)
      } else {
      }
      %add3A_195 = arith.constant 6 : i32
      %add3A_196 = arith.addi %mul3A_99, %add3A_195 : i32
      %add3A_197 = arith.constant 3 : i32
      %add3A_198 = arith.addi %add3A_196, %add3A_197 : i32
      %lt3A_199 = arith.constant 125 : i32
      %lt3A_200 = arith.cmpi slt, %add3A_198, %lt3A_199 : i32
      %convert_element_type3A_201 = arith.extui %lt3A_200 : i1 to i32
      %cond3A_202 = arith.constant 0 : i32
      %cond3A_203 = arith.cmpi ne, %convert_element_type3A_201, %cond3A_202 : i32
      scf.if %cond3A_203 {
        %add3A_426 = arith.constant 6 : i32
        %add3A_427 = arith.addi %mul3A_99, %add3A_426 : i32
        %add3A_428 = arith.constant 3 : i32
        %add3A_429 = arith.addi %add3A_427, %add3A_428 : i32
        %dma_start3A_430 = arith.constant 3 : i32
        %dma_start3A_431 = arith.constant 0 : i32
        %dma_start3A_432 = tpu.memref_slice %arg6[%add3A_429, %dma_start3A_431] : memref<125x80xi32, #tpu.memory_space<vmem>> -> memref<1x80xi32, #tpu.memory_space<vmem>>
        %dma_start3A_433 = tpu.memref_squeeze %dma_start3A_432 : memref<1x80xi32, #tpu.memory_space<vmem>> -> memref<80xi32, #tpu.memory_space<vmem>>
        %dma_start3A_434 = arith.constant 0 : i32
        %dma_start3A_435 = arith.constant 0 : i32
        %dma_start3A_436 = tpu.memref_slice %arg4[%dma_start3A_434, %dma_start3A_435] : memref<10000x64xf32, #tpu.memory_space<hbm>> -> memref<10000x64xf32, #tpu.memory_space<hbm>>
        %dma_start3A_437 = tpu.memref_slice %arg24[%dma_start3A_430] : memref<6x!tpu.dma_semaphore, #tpu.memory_space<semaphore_mem>> -> memref<1x!tpu.dma_semaphore, #tpu.memory_space<semaphore_mem>>
        %dma_start3A_438 = tpu.memref_squeeze %dma_start3A_437 : memref<1x!tpu.dma_semaphore, #tpu.memory_space<semaphore_mem>> -> memref<!tpu.dma_semaphore, #tpu.memory_space<semaphore_mem>>
        tpu.enqueue_indirect_dma source(%dma_start3A_436 : memref<10000x64xf32, #tpu.memory_space<hbm>>) target(%arg17 : memref<80x64xf32, #tpu.memory_space<vmem>>) offsets(%dma_start3A_433 : memref<80xi32, #tpu.memory_space<vmem>>) semaphore(%dma_start3A_438 : memref<!tpu.dma_semaphore, #tpu.memory_space<semaphore_mem>>)
      } else {
      }
      %add3A_204 = arith.constant 6 : i32
      %add3A_205 = arith.addi %mul3A_99, %add3A_204 : i32
      %add3A_206 = arith.constant 4 : i32
      %add3A_207 = arith.addi %add3A_205, %add3A_206 : i32
      %lt3A_208 = arith.constant 125 : i32
      %lt3A_209 = arith.cmpi slt, %add3A_207, %lt3A_208 : i32
      %convert_element_type3A_210 = arith.extui %lt3A_209 : i1 to i32
      %cond3A_211 = arith.constant 0 : i32
      %cond3A_212 = arith.cmpi ne, %convert_element_type3A_210, %cond3A_211 : i32
      scf.if %cond3A_212 {
        %add3A_426 = arith.constant 6 : i32
        %add3A_427 = arith.addi %mul3A_99, %add3A_426 : i32
        %add3A_428 = arith.constant 4 : i32
        %add3A_429 = arith.addi %add3A_427, %add3A_428 : i32
        %dma_start3A_430 = arith.constant 4 : i32
        %dma_start3A_431 = arith.constant 0 : i32
        %dma_start3A_432 = tpu.memref_slice %arg6[%add3A_429, %dma_start3A_431] : memref<125x80xi32, #tpu.memory_space<vmem>> -> memref<1x80xi32, #tpu.memory_space<vmem>>
        %dma_start3A_433 = tpu.memref_squeeze %dma_start3A_432 : memref<1x80xi32, #tpu.memory_space<vmem>> -> memref<80xi32, #tpu.memory_space<vmem>>
        %dma_start3A_434 = arith.constant 0 : i32
        %dma_start3A_435 = arith.constant 0 : i32
        %dma_start3A_436 = tpu.memref_slice %arg4[%dma_start3A_434, %dma_start3A_435] : memref<10000x64xf32, #tpu.memory_space<hbm>> -> memref<10000x64xf32, #tpu.memory_space<hbm>>
        %dma_start3A_437 = tpu.memref_slice %arg24[%dma_start3A_430] : memref<6x!tpu.dma_semaphore, #tpu.memory_space<semaphore_mem>> -> memref<1x!tpu.dma_semaphore, #tpu.memory_space<semaphore_mem>>
        %dma_start3A_438 = tpu.memref_squeeze %dma_start3A_437 : memref<1x!tpu.dma_semaphore, #tpu.memory_space<semaphore_mem>> -> memref<!tpu.dma_semaphore, #tpu.memory_space<semaphore_mem>>
        tpu.enqueue_indirect_dma source(%dma_start3A_436 : memref<10000x64xf32, #tpu.memory_space<hbm>>) target(%arg18 : memref<80x64xf32, #tpu.memory_space<vmem>>) offsets(%dma_start3A_433 : memref<80xi32, #tpu.memory_space<vmem>>) semaphore(%dma_start3A_438 : memref<!tpu.dma_semaphore, #tpu.memory_space<semaphore_mem>>)
      } else {
      }
      %add3A_213 = arith.constant 6 : i32
      %add3A_214 = arith.addi %mul3A_99, %add3A_213 : i32
      %add3A_215 = arith.constant 5 : i32
      %add3A_216 = arith.addi %add3A_214, %add3A_215 : i32
      %lt3A_217 = arith.constant 125 : i32
      %lt3A_218 = arith.cmpi slt, %add3A_216, %lt3A_217 : i32
      %convert_element_type3A_219 = arith.extui %lt3A_218 : i1 to i32
      %cond3A_220 = arith.constant 0 : i32
      %cond3A_221 = arith.cmpi ne, %convert_element_type3A_219, %cond3A_220 : i32
      scf.if %cond3A_221 {
        %add3A_426 = arith.constant 6 : i32
        %add3A_427 = arith.addi %mul3A_99, %add3A_426 : i32
        %add3A_428 = arith.constant 5 : i32
        %add3A_429 = arith.addi %add3A_427, %add3A_428 : i32
        %dma_start3A_430 = arith.constant 5 : i32
        %dma_start3A_431 = arith.constant 0 : i32
        %dma_start3A_432 = tpu.memref_slice %arg6[%add3A_429, %dma_start3A_431] : memref<125x80xi32, #tpu.memory_space<vmem>> -> memref<1x80xi32, #tpu.memory_space<vmem>>
        %dma_start3A_433 = tpu.memref_squeeze %dma_start3A_432 : memref<1x80xi32, #tpu.memory_space<vmem>> -> memref<80xi32, #tpu.memory_space<vmem>>
        %dma_start3A_434 = arith.constant 0 : i32
        %dma_start3A_435 = arith.constant 0 : i32
        %dma_start3A_436 = tpu.memref_slice %arg4[%dma_start3A_434, %dma_start3A_435] : memref<10000x64xf32, #tpu.memory_space<hbm>> -> memref<10000x64xf32, #tpu.memory_space<hbm>>
        %dma_start3A_437 = tpu.memref_slice %arg24[%dma_start3A_430] : memref<6x!tpu.dma_semaphore, #tpu.memory_space<semaphore_mem>> -> memref<1x!tpu.dma_semaphore, #tpu.memory_space<semaphore_mem>>
        %dma_start3A_438 = tpu.memref_squeeze %dma_start3A_437 : memref<1x!tpu.dma_semaphore, #tpu.memory_space<semaphore_mem>> -> memref<!tpu.dma_semaphore, #tpu.memory_space<semaphore_mem>>
        tpu.enqueue_indirect_dma source(%dma_start3A_436 : memref<10000x64xf32, #tpu.memory_space<hbm>>) target(%arg19 : memref<80x64xf32, #tpu.memory_space<vmem>>) offsets(%dma_start3A_433 : memref<80xi32, #tpu.memory_space<vmem>>) semaphore(%dma_start3A_438 : memref<!tpu.dma_semaphore, #tpu.memory_space<semaphore_mem>>)
      } else {
      }
      %add3A_222 = arith.constant 6 : i32
      %add3A_223 = arith.addi %mul3A_99, %add3A_222 : i32
      %add3A_224 = arith.constant 0 : i32
      %add3A_225 = arith.addi %add3A_223, %add3A_224 : i32
      %lt3A_226 = arith.constant 125 : i32
      %lt3A_227 = arith.cmpi slt, %add3A_225, %lt3A_226 : i32
      %convert_element_type3A_228 = arith.extui %lt3A_227 : i1 to i32
      %cond3A_229 = arith.constant 0 : i32
      %cond3A_230 = arith.cmpi ne, %convert_element_type3A_228, %cond3A_229 : i32
      scf.if %cond3A_230 {
        %add3A_426 = arith.constant 6 : i32
        %add3A_427 = arith.addi %mul3A_99, %add3A_426 : i32
        %add3A_428 = arith.constant 0 : i32
        %add3A_429 = arith.addi %add3A_427, %add3A_428 : i32
        %dma_wait3A = arith.constant 0 : i32
        %dma_wait3A_430 = arith.constant 0 : i32
        %dma_wait3A_431 = tpu.memref_slice %arg6[%add3A_429, %dma_wait3A_430] : memref<125x80xi32, #tpu.memory_space<vmem>> -> memref<1x80xi32, #tpu.memory_space<vmem>>
        %dma_wait3A_432 = tpu.memref_squeeze %dma_wait3A_431 : memref<1x80xi32, #tpu.memory_space<vmem>> -> memref<80xi32, #tpu.memory_space<vmem>>
        %dma_wait3A_433 = arith.constant 0 : i32
        %dma_wait3A_434 = arith.constant 0 : i32
        %dma_wait3A_435 = tpu.memref_slice %arg4[%dma_wait3A_433, %dma_wait3A_434] : memref<10000x64xf32, #tpu.memory_space<hbm>> -> memref<10000x64xf32, #tpu.memory_space<hbm>>
        %dma_wait3A_436 = tpu.memref_slice %arg24[%dma_wait3A] : memref<6x!tpu.dma_semaphore, #tpu.memory_space<semaphore_mem>> -> memref<1x!tpu.dma_semaphore, #tpu.memory_space<semaphore_mem>>
        %dma_wait3A_437 = tpu.memref_squeeze %dma_wait3A_436 : memref<1x!tpu.dma_semaphore, #tpu.memory_space<semaphore_mem>> -> memref<!tpu.dma_semaphore, #tpu.memory_space<semaphore_mem>>
        tpu.wait_indirect_dma semaphore(%dma_wait3A_437 : memref<!tpu.dma_semaphore, #tpu.memory_space<semaphore_mem>>) src(%dma_wait3A_435 : memref<10000x64xf32, #tpu.memory_space<hbm>>) dst(%arg14 : memref<80x64xf32, #tpu.memory_space<vmem>>)
      } else {
      }
      %add3A_231 = arith.constant 6 : i32
      %add3A_232 = arith.addi %mul3A_99, %add3A_231 : i32
      %add3A_233 = arith.constant 1 : i32
      %add3A_234 = arith.addi %add3A_232, %add3A_233 : i32
      %lt3A_235 = arith.constant 125 : i32
      %lt3A_236 = arith.cmpi slt, %add3A_234, %lt3A_235 : i32
      %convert_element_type3A_237 = arith.extui %lt3A_236 : i1 to i32
      %cond3A_238 = arith.constant 0 : i32
      %cond3A_239 = arith.cmpi ne, %convert_element_type3A_237, %cond3A_238 : i32
      scf.if %cond3A_239 {
        %add3A_426 = arith.constant 6 : i32
        %add3A_427 = arith.addi %mul3A_99, %add3A_426 : i32
        %add3A_428 = arith.constant 1 : i32
        %add3A_429 = arith.addi %add3A_427, %add3A_428 : i32
        %dma_wait3A = arith.constant 1 : i32
        %dma_wait3A_430 = arith.constant 0 : i32
        %dma_wait3A_431 = tpu.memref_slice %arg6[%add3A_429, %dma_wait3A_430] : memref<125x80xi32, #tpu.memory_space<vmem>> -> memref<1x80xi32, #tpu.memory_space<vmem>>
        %dma_wait3A_432 = tpu.memref_squeeze %dma_wait3A_431 : memref<1x80xi32, #tpu.memory_space<vmem>> -> memref<80xi32, #tpu.memory_space<vmem>>
        %dma_wait3A_433 = arith.constant 0 : i32
        %dma_wait3A_434 = arith.constant 0 : i32
        %dma_wait3A_435 = tpu.memref_slice %arg4[%dma_wait3A_433, %dma_wait3A_434] : memref<10000x64xf32, #tpu.memory_space<hbm>> -> memref<10000x64xf32, #tpu.memory_space<hbm>>
        %dma_wait3A_436 = tpu.memref_slice %arg24[%dma_wait3A] : memref<6x!tpu.dma_semaphore, #tpu.memory_space<semaphore_mem>> -> memref<1x!tpu.dma_semaphore, #tpu.memory_space<semaphore_mem>>
        %dma_wait3A_437 = tpu.memref_squeeze %dma_wait3A_436 : memref<1x!tpu.dma_semaphore, #tpu.memory_space<semaphore_mem>> -> memref<!tpu.dma_semaphore, #tpu.memory_space<semaphore_mem>>
        tpu.wait_indirect_dma semaphore(%dma_wait3A_437 : memref<!tpu.dma_semaphore, #tpu.memory_space<semaphore_mem>>) src(%dma_wait3A_435 : memref<10000x64xf32, #tpu.memory_space<hbm>>) dst(%arg15 : memref<80x64xf32, #tpu.memory_space<vmem>>)
      } else {
      }
      %add3A_240 = arith.constant 6 : i32
      %add3A_241 = arith.addi %mul3A_99, %add3A_240 : i32
      %add3A_242 = arith.constant 2 : i32
      %add3A_243 = arith.addi %add3A_241, %add3A_242 : i32
      %lt3A_244 = arith.constant 125 : i32
      %lt3A_245 = arith.cmpi slt, %add3A_243, %lt3A_244 : i32
      %convert_element_type3A_246 = arith.extui %lt3A_245 : i1 to i32
      %cond3A_247 = arith.constant 0 : i32
      %cond3A_248 = arith.cmpi ne, %convert_element_type3A_246, %cond3A_247 : i32
      scf.if %cond3A_248 {
        %add3A_426 = arith.constant 6 : i32
        %add3A_427 = arith.addi %mul3A_99, %add3A_426 : i32
        %add3A_428 = arith.constant 2 : i32
        %add3A_429 = arith.addi %add3A_427, %add3A_428 : i32
        %dma_wait3A = arith.constant 2 : i32
        %dma_wait3A_430 = arith.constant 0 : i32
        %dma_wait3A_431 = tpu.memref_slice %arg6[%add3A_429, %dma_wait3A_430] : memref<125x80xi32, #tpu.memory_space<vmem>> -> memref<1x80xi32, #tpu.memory_space<vmem>>
        %dma_wait3A_432 = tpu.memref_squeeze %dma_wait3A_431 : memref<1x80xi32, #tpu.memory_space<vmem>> -> memref<80xi32, #tpu.memory_space<vmem>>
        %dma_wait3A_433 = arith.constant 0 : i32
        %dma_wait3A_434 = arith.constant 0 : i32
        %dma_wait3A_435 = tpu.memref_slice %arg4[%dma_wait3A_433, %dma_wait3A_434] : memref<10000x64xf32, #tpu.memory_space<hbm>> -> memref<10000x64xf32, #tpu.memory_space<hbm>>
        %dma_wait3A_436 = tpu.memref_slice %arg24[%dma_wait3A] : memref<6x!tpu.dma_semaphore, #tpu.memory_space<semaphore_mem>> -> memref<1x!tpu.dma_semaphore, #tpu.memory_space<semaphore_mem>>
        %dma_wait3A_437 = tpu.memref_squeeze %dma_wait3A_436 : memref<1x!tpu.dma_semaphore, #tpu.memory_space<semaphore_mem>> -> memref<!tpu.dma_semaphore, #tpu.memory_space<semaphore_mem>>
        tpu.wait_indirect_dma semaphore(%dma_wait3A_437 : memref<!tpu.dma_semaphore, #tpu.memory_space<semaphore_mem>>) src(%dma_wait3A_435 : memref<10000x64xf32, #tpu.memory_space<hbm>>) dst(%arg16 : memref<80x64xf32, #tpu.memory_space<vmem>>)
      } else {
      }
      %add3A_249 = arith.constant 6 : i32
      %add3A_250 = arith.addi %mul3A_99, %add3A_249 : i32
      %add3A_251 = arith.constant 3 : i32
      %add3A_252 = arith.addi %add3A_250, %add3A_251 : i32
      %lt3A_253 = arith.constant 125 : i32
      %lt3A_254 = arith.cmpi slt, %add3A_252, %lt3A_253 : i32
      %convert_element_type3A_255 = arith.extui %lt3A_254 : i1 to i32
      %cond3A_256 = arith.constant 0 : i32
      %cond3A_257 = arith.cmpi ne, %convert_element_type3A_255, %cond3A_256 : i32
      scf.if %cond3A_257 {
        %add3A_426 = arith.constant 6 : i32
        %add3A_427 = arith.addi %mul3A_99, %add3A_426 : i32
        %add3A_428 = arith.constant 3 : i32
        %add3A_429 = arith.addi %add3A_427, %add3A_428 : i32
        %dma_wait3A = arith.constant 3 : i32
        %dma_wait3A_430 = arith.constant 0 : i32
        %dma_wait3A_431 = tpu.memref_slice %arg6[%add3A_429, %dma_wait3A_430] : memref<125x80xi32, #tpu.memory_space<vmem>> -> memref<1x80xi32, #tpu.memory_space<vmem>>
        %dma_wait3A_432 = tpu.memref_squeeze %dma_wait3A_431 : memref<1x80xi32, #tpu.memory_space<vmem>> -> memref<80xi32, #tpu.memory_space<vmem>>
        %dma_wait3A_433 = arith.constant 0 : i32
        %dma_wait3A_434 = arith.constant 0 : i32
        %dma_wait3A_435 = tpu.memref_slice %arg4[%dma_wait3A_433, %dma_wait3A_434] : memref<10000x64xf32, #tpu.memory_space<hbm>> -> memref<10000x64xf32, #tpu.memory_space<hbm>>
        %dma_wait3A_436 = tpu.memref_slice %arg24[%dma_wait3A] : memref<6x!tpu.dma_semaphore, #tpu.memory_space<semaphore_mem>> -> memref<1x!tpu.dma_semaphore, #tpu.memory_space<semaphore_mem>>
        %dma_wait3A_437 = tpu.memref_squeeze %dma_wait3A_436 : memref<1x!tpu.dma_semaphore, #tpu.memory_space<semaphore_mem>> -> memref<!tpu.dma_semaphore, #tpu.memory_space<semaphore_mem>>
        tpu.wait_indirect_dma semaphore(%dma_wait3A_437 : memref<!tpu.dma_semaphore, #tpu.memory_space<semaphore_mem>>) src(%dma_wait3A_435 : memref<10000x64xf32, #tpu.memory_space<hbm>>) dst(%arg17 : memref<80x64xf32, #tpu.memory_space<vmem>>)
      } else {
      }
      %add3A_258 = arith.constant 6 : i32
      %add3A_259 = arith.addi %mul3A_99, %add3A_258 : i32
      %add3A_260 = arith.constant 4 : i32
      %add3A_261 = arith.addi %add3A_259, %add3A_260 : i32
      %lt3A_262 = arith.constant 125 : i32
      %lt3A_263 = arith.cmpi slt, %add3A_261, %lt3A_262 : i32
      %convert_element_type3A_264 = arith.extui %lt3A_263 : i1 to i32
      %cond3A_265 = arith.constant 0 : i32
      %cond3A_266 = arith.cmpi ne, %convert_element_type3A_264, %cond3A_265 : i32
      scf.if %cond3A_266 {
        %add3A_426 = arith.constant 6 : i32
        %add3A_427 = arith.addi %mul3A_99, %add3A_426 : i32
        %add3A_428 = arith.constant 4 : i32
        %add3A_429 = arith.addi %add3A_427, %add3A_428 : i32
        %dma_wait3A = arith.constant 4 : i32
        %dma_wait3A_430 = arith.constant 0 : i32
        %dma_wait3A_431 = tpu.memref_slice %arg6[%add3A_429, %dma_wait3A_430] : memref<125x80xi32, #tpu.memory_space<vmem>> -> memref<1x80xi32, #tpu.memory_space<vmem>>
        %dma_wait3A_432 = tpu.memref_squeeze %dma_wait3A_431 : memref<1x80xi32, #tpu.memory_space<vmem>> -> memref<80xi32, #tpu.memory_space<vmem>>
        %dma_wait3A_433 = arith.constant 0 : i32
        %dma_wait3A_434 = arith.constant 0 : i32
        %dma_wait3A_435 = tpu.memref_slice %arg4[%dma_wait3A_433, %dma_wait3A_434] : memref<10000x64xf32, #tpu.memory_space<hbm>> -> memref<10000x64xf32, #tpu.memory_space<hbm>>
        %dma_wait3A_436 = tpu.memref_slice %arg24[%dma_wait3A] : memref<6x!tpu.dma_semaphore, #tpu.memory_space<semaphore_mem>> -> memref<1x!tpu.dma_semaphore, #tpu.memory_space<semaphore_mem>>
        %dma_wait3A_437 = tpu.memref_squeeze %dma_wait3A_436 : memref<1x!tpu.dma_semaphore, #tpu.memory_space<semaphore_mem>> -> memref<!tpu.dma_semaphore, #tpu.memory_space<semaphore_mem>>
        tpu.wait_indirect_dma semaphore(%dma_wait3A_437 : memref<!tpu.dma_semaphore, #tpu.memory_space<semaphore_mem>>) src(%dma_wait3A_435 : memref<10000x64xf32, #tpu.memory_space<hbm>>) dst(%arg18 : memref<80x64xf32, #tpu.memory_space<vmem>>)
      } else {
      }
      %add3A_267 = arith.constant 6 : i32
      %add3A_268 = arith.addi %mul3A_99, %add3A_267 : i32
      %add3A_269 = arith.constant 5 : i32
      %add3A_270 = arith.addi %add3A_268, %add3A_269 : i32
      %lt3A_271 = arith.constant 125 : i32
      %lt3A_272 = arith.cmpi slt, %add3A_270, %lt3A_271 : i32
      %convert_element_type3A_273 = arith.extui %lt3A_272 : i1 to i32
      %cond3A_274 = arith.constant 0 : i32
      %cond3A_275 = arith.cmpi ne, %convert_element_type3A_273, %cond3A_274 : i32
      scf.if %cond3A_275 {
        %add3A_426 = arith.constant 6 : i32
        %add3A_427 = arith.addi %mul3A_99, %add3A_426 : i32
        %add3A_428 = arith.constant 5 : i32
        %add3A_429 = arith.addi %add3A_427, %add3A_428 : i32
        %dma_wait3A = arith.constant 5 : i32
        %dma_wait3A_430 = arith.constant 0 : i32
        %dma_wait3A_431 = tpu.memref_slice %arg6[%add3A_429, %dma_wait3A_430] : memref<125x80xi32, #tpu.memory_space<vmem>> -> memref<1x80xi32, #tpu.memory_space<vmem>>
        %dma_wait3A_432 = tpu.memref_squeeze %dma_wait3A_431 : memref<1x80xi32, #tpu.memory_space<vmem>> -> memref<80xi32, #tpu.memory_space<vmem>>
        %dma_wait3A_433 = arith.constant 0 : i32
        %dma_wait3A_434 = arith.constant 0 : i32
        %dma_wait3A_435 = tpu.memref_slice %arg4[%dma_wait3A_433, %dma_wait3A_434] : memref<10000x64xf32, #tpu.memory_space<hbm>> -> memref<10000x64xf32, #tpu.memory_space<hbm>>
        %dma_wait3A_436 = tpu.memref_slice %arg24[%dma_wait3A] : memref<6x!tpu.dma_semaphore, #tpu.memory_space<semaphore_mem>> -> memref<1x!tpu.dma_semaphore, #tpu.memory_space<semaphore_mem>>
        %dma_wait3A_437 = tpu.memref_squeeze %dma_wait3A_436 : memref<1x!tpu.dma_semaphore, #tpu.memory_space<semaphore_mem>> -> memref<!tpu.dma_semaphore, #tpu.memory_space<semaphore_mem>>
        tpu.wait_indirect_dma semaphore(%dma_wait3A_437 : memref<!tpu.dma_semaphore, #tpu.memory_space<semaphore_mem>>) src(%dma_wait3A_435 : memref<10000x64xf32, #tpu.memory_space<hbm>>) dst(%arg19 : memref<80x64xf32, #tpu.memory_space<vmem>>)
      } else {
      }
      %add3A_276 = arith.constant 0 : i32
      %add3A_277 = arith.addi %mul3A_99, %add3A_276 : i32
      %lt3A_278 = arith.constant 125 : i32
      %lt3A_279 = arith.cmpi slt, %add3A_277, %lt3A_278 : i32
      %convert_element_type3A_280 = arith.extui %lt3A_279 : i1 to i32
      %cond3A_281 = arith.constant 0 : i32
      %cond3A_282 = arith.cmpi ne, %convert_element_type3A_280, %cond3A_281 : i32
      scf.if %cond3A_282 {
        %add3A_426 = arith.constant 0 : i32
        %add3A_427 = arith.addi %mul3A_99, %add3A_426 : i32
        %dma_wait3A = arith.constant 0 : i32
        %dma_wait3A_428 = arith.constant 0 : i32
        %dma_wait3A_429 = tpu.memref_slice %arg7[%add3A_427, %dma_wait3A_428] : memref<125x80xi32, #tpu.memory_space<vmem>> -> memref<1x80xi32, #tpu.memory_space<vmem>>
        %dma_wait3A_430 = tpu.memref_squeeze %dma_wait3A_429 : memref<1x80xi32, #tpu.memory_space<vmem>> -> memref<80xi32, #tpu.memory_space<vmem>>
        %dma_wait3A_431 = arith.constant 0 : i32
        %dma_wait3A_432 = arith.constant 0 : i32
        %dma_wait3A_433 = tpu.memref_slice %arg21[%dma_wait3A_431, %dma_wait3A_432] : memref<10240x64xf32, #tpu.memory_space<vmem_shared>> -> memref<10240x64xf32, #tpu.memory_space<vmem_shared>>
        %dma_wait3A_434 = tpu.memref_slice %arg23[%dma_wait3A] : memref<6x!tpu.dma_semaphore, #tpu.memory_space<semaphore_mem>> -> memref<1x!tpu.dma_semaphore, #tpu.memory_space<semaphore_mem>>
        %dma_wait3A_435 = tpu.memref_squeeze %dma_wait3A_434 : memref<1x!tpu.dma_semaphore, #tpu.memory_space<semaphore_mem>> -> memref<!tpu.dma_semaphore, #tpu.memory_space<semaphore_mem>>
        tpu.wait_indirect_dma semaphore(%dma_wait3A_435 : memref<!tpu.dma_semaphore, #tpu.memory_space<semaphore_mem>>) src(%arg8 : memref<80x64xf32, #tpu.memory_space<vmem>>) dst(%dma_wait3A_433 : memref<10240x64xf32, #tpu.memory_space<vmem_shared>>)
      } else {
      }
      %add3A_283 = arith.constant 1 : i32
      %add3A_284 = arith.addi %mul3A_99, %add3A_283 : i32
      %lt3A_285 = arith.constant 125 : i32
      %lt3A_286 = arith.cmpi slt, %add3A_284, %lt3A_285 : i32
      %convert_element_type3A_287 = arith.extui %lt3A_286 : i1 to i32
      %cond3A_288 = arith.constant 0 : i32
      %cond3A_289 = arith.cmpi ne, %convert_element_type3A_287, %cond3A_288 : i32
      scf.if %cond3A_289 {
        %add3A_426 = arith.constant 1 : i32
        %add3A_427 = arith.addi %mul3A_99, %add3A_426 : i32
        %dma_wait3A = arith.constant 1 : i32
        %dma_wait3A_428 = arith.constant 0 : i32
        %dma_wait3A_429 = tpu.memref_slice %arg7[%add3A_427, %dma_wait3A_428] : memref<125x80xi32, #tpu.memory_space<vmem>> -> memref<1x80xi32, #tpu.memory_space<vmem>>
        %dma_wait3A_430 = tpu.memref_squeeze %dma_wait3A_429 : memref<1x80xi32, #tpu.memory_space<vmem>> -> memref<80xi32, #tpu.memory_space<vmem>>
        %dma_wait3A_431 = arith.constant 0 : i32
        %dma_wait3A_432 = arith.constant 0 : i32
        %dma_wait3A_433 = tpu.memref_slice %arg21[%dma_wait3A_431, %dma_wait3A_432] : memref<10240x64xf32, #tpu.memory_space<vmem_shared>> -> memref<10240x64xf32, #tpu.memory_space<vmem_shared>>
        %dma_wait3A_434 = tpu.memref_slice %arg23[%dma_wait3A] : memref<6x!tpu.dma_semaphore, #tpu.memory_space<semaphore_mem>> -> memref<1x!tpu.dma_semaphore, #tpu.memory_space<semaphore_mem>>
        %dma_wait3A_435 = tpu.memref_squeeze %dma_wait3A_434 : memref<1x!tpu.dma_semaphore, #tpu.memory_space<semaphore_mem>> -> memref<!tpu.dma_semaphore, #tpu.memory_space<semaphore_mem>>
        tpu.wait_indirect_dma semaphore(%dma_wait3A_435 : memref<!tpu.dma_semaphore, #tpu.memory_space<semaphore_mem>>) src(%arg9 : memref<80x64xf32, #tpu.memory_space<vmem>>) dst(%dma_wait3A_433 : memref<10240x64xf32, #tpu.memory_space<vmem_shared>>)
      } else {
      }
      %add3A_290 = arith.constant 2 : i32
      %add3A_291 = arith.addi %mul3A_99, %add3A_290 : i32
      %lt3A_292 = arith.constant 125 : i32
      %lt3A_293 = arith.cmpi slt, %add3A_291, %lt3A_292 : i32
      %convert_element_type3A_294 = arith.extui %lt3A_293 : i1 to i32
      %cond3A_295 = arith.constant 0 : i32
      %cond3A_296 = arith.cmpi ne, %convert_element_type3A_294, %cond3A_295 : i32
      scf.if %cond3A_296 {
        %add3A_426 = arith.constant 2 : i32
        %add3A_427 = arith.addi %mul3A_99, %add3A_426 : i32
        %dma_wait3A = arith.constant 2 : i32
        %dma_wait3A_428 = arith.constant 0 : i32
        %dma_wait3A_429 = tpu.memref_slice %arg7[%add3A_427, %dma_wait3A_428] : memref<125x80xi32, #tpu.memory_space<vmem>> -> memref<1x80xi32, #tpu.memory_space<vmem>>
        %dma_wait3A_430 = tpu.memref_squeeze %dma_wait3A_429 : memref<1x80xi32, #tpu.memory_space<vmem>> -> memref<80xi32, #tpu.memory_space<vmem>>
        %dma_wait3A_431 = arith.constant 0 : i32
        %dma_wait3A_432 = arith.constant 0 : i32
        %dma_wait3A_433 = tpu.memref_slice %arg21[%dma_wait3A_431, %dma_wait3A_432] : memref<10240x64xf32, #tpu.memory_space<vmem_shared>> -> memref<10240x64xf32, #tpu.memory_space<vmem_shared>>
        %dma_wait3A_434 = tpu.memref_slice %arg23[%dma_wait3A] : memref<6x!tpu.dma_semaphore, #tpu.memory_space<semaphore_mem>> -> memref<1x!tpu.dma_semaphore, #tpu.memory_space<semaphore_mem>>
        %dma_wait3A_435 = tpu.memref_squeeze %dma_wait3A_434 : memref<1x!tpu.dma_semaphore, #tpu.memory_space<semaphore_mem>> -> memref<!tpu.dma_semaphore, #tpu.memory_space<semaphore_mem>>
        tpu.wait_indirect_dma semaphore(%dma_wait3A_435 : memref<!tpu.dma_semaphore, #tpu.memory_space<semaphore_mem>>) src(%arg10 : memref<80x64xf32, #tpu.memory_space<vmem>>) dst(%dma_wait3A_433 : memref<10240x64xf32, #tpu.memory_space<vmem_shared>>)
      } else {
      }
      %add3A_297 = arith.constant 3 : i32
      %add3A_298 = arith.addi %mul3A_99, %add3A_297 : i32
      %lt3A_299 = arith.constant 125 : i32
      %lt3A_300 = arith.cmpi slt, %add3A_298, %lt3A_299 : i32
      %convert_element_type3A_301 = arith.extui %lt3A_300 : i1 to i32
      %cond3A_302 = arith.constant 0 : i32
      %cond3A_303 = arith.cmpi ne, %convert_element_type3A_301, %cond3A_302 : i32
      scf.if %cond3A_303 {
        %add3A_426 = arith.constant 3 : i32
        %add3A_427 = arith.addi %mul3A_99, %add3A_426 : i32
        %dma_wait3A = arith.constant 3 : i32
        %dma_wait3A_428 = arith.constant 0 : i32
        %dma_wait3A_429 = tpu.memref_slice %arg7[%add3A_427, %dma_wait3A_428] : memref<125x80xi32, #tpu.memory_space<vmem>> -> memref<1x80xi32, #tpu.memory_space<vmem>>
        %dma_wait3A_430 = tpu.memref_squeeze %dma_wait3A_429 : memref<1x80xi32, #tpu.memory_space<vmem>> -> memref<80xi32, #tpu.memory_space<vmem>>
        %dma_wait3A_431 = arith.constant 0 : i32
        %dma_wait3A_432 = arith.constant 0 : i32
        %dma_wait3A_433 = tpu.memref_slice %arg21[%dma_wait3A_431, %dma_wait3A_432] : memref<10240x64xf32, #tpu.memory_space<vmem_shared>> -> memref<10240x64xf32, #tpu.memory_space<vmem_shared>>
        %dma_wait3A_434 = tpu.memref_slice %arg23[%dma_wait3A] : memref<6x!tpu.dma_semaphore, #tpu.memory_space<semaphore_mem>> -> memref<1x!tpu.dma_semaphore, #tpu.memory_space<semaphore_mem>>
        %dma_wait3A_435 = tpu.memref_squeeze %dma_wait3A_434 : memref<1x!tpu.dma_semaphore, #tpu.memory_space<semaphore_mem>> -> memref<!tpu.dma_semaphore, #tpu.memory_space<semaphore_mem>>
        tpu.wait_indirect_dma semaphore(%dma_wait3A_435 : memref<!tpu.dma_semaphore, #tpu.memory_space<semaphore_mem>>) src(%arg11 : memref<80x64xf32, #tpu.memory_space<vmem>>) dst(%dma_wait3A_433 : memref<10240x64xf32, #tpu.memory_space<vmem_shared>>)
      } else {
      }
      %add3A_304 = arith.constant 4 : i32
      %add3A_305 = arith.addi %mul3A_99, %add3A_304 : i32
      %lt3A_306 = arith.constant 125 : i32
      %lt3A_307 = arith.cmpi slt, %add3A_305, %lt3A_306 : i32
      %convert_element_type3A_308 = arith.extui %lt3A_307 : i1 to i32
      %cond3A_309 = arith.constant 0 : i32
      %cond3A_310 = arith.cmpi ne, %convert_element_type3A_308, %cond3A_309 : i32
      scf.if %cond3A_310 {
        %add3A_426 = arith.constant 4 : i32
        %add3A_427 = arith.addi %mul3A_99, %add3A_426 : i32
        %dma_wait3A = arith.constant 4 : i32
        %dma_wait3A_428 = arith.constant 0 : i32
        %dma_wait3A_429 = tpu.memref_slice %arg7[%add3A_427, %dma_wait3A_428] : memref<125x80xi32, #tpu.memory_space<vmem>> -> memref<1x80xi32, #tpu.memory_space<vmem>>
        %dma_wait3A_430 = tpu.memref_squeeze %dma_wait3A_429 : memref<1x80xi32, #tpu.memory_space<vmem>> -> memref<80xi32, #tpu.memory_space<vmem>>
        %dma_wait3A_431 = arith.constant 0 : i32
        %dma_wait3A_432 = arith.constant 0 : i32
        %dma_wait3A_433 = tpu.memref_slice %arg21[%dma_wait3A_431, %dma_wait3A_432] : memref<10240x64xf32, #tpu.memory_space<vmem_shared>> -> memref<10240x64xf32, #tpu.memory_space<vmem_shared>>
        %dma_wait3A_434 = tpu.memref_slice %arg23[%dma_wait3A] : memref<6x!tpu.dma_semaphore, #tpu.memory_space<semaphore_mem>> -> memref<1x!tpu.dma_semaphore, #tpu.memory_space<semaphore_mem>>
        %dma_wait3A_435 = tpu.memref_squeeze %dma_wait3A_434 : memref<1x!tpu.dma_semaphore, #tpu.memory_space<semaphore_mem>> -> memref<!tpu.dma_semaphore, #tpu.memory_space<semaphore_mem>>
        tpu.wait_indirect_dma semaphore(%dma_wait3A_435 : memref<!tpu.dma_semaphore, #tpu.memory_space<semaphore_mem>>) src(%arg12 : memref<80x64xf32, #tpu.memory_space<vmem>>) dst(%dma_wait3A_433 : memref<10240x64xf32, #tpu.memory_space<vmem_shared>>)
      } else {
      }
      %add3A_311 = arith.constant 5 : i32
      %add3A_312 = arith.addi %mul3A_99, %add3A_311 : i32
      %lt3A_313 = arith.constant 125 : i32
      %lt3A_314 = arith.cmpi slt, %add3A_312, %lt3A_313 : i32
      %convert_element_type3A_315 = arith.extui %lt3A_314 : i1 to i32
      %cond3A_316 = arith.constant 0 : i32
      %cond3A_317 = arith.cmpi ne, %convert_element_type3A_315, %cond3A_316 : i32
      scf.if %cond3A_317 {
        %add3A_426 = arith.constant 5 : i32
        %add3A_427 = arith.addi %mul3A_99, %add3A_426 : i32
        %dma_wait3A = arith.constant 5 : i32
        %dma_wait3A_428 = arith.constant 0 : i32
        %dma_wait3A_429 = tpu.memref_slice %arg7[%add3A_427, %dma_wait3A_428] : memref<125x80xi32, #tpu.memory_space<vmem>> -> memref<1x80xi32, #tpu.memory_space<vmem>>
        %dma_wait3A_430 = tpu.memref_squeeze %dma_wait3A_429 : memref<1x80xi32, #tpu.memory_space<vmem>> -> memref<80xi32, #tpu.memory_space<vmem>>
        %dma_wait3A_431 = arith.constant 0 : i32
        %dma_wait3A_432 = arith.constant 0 : i32
        %dma_wait3A_433 = tpu.memref_slice %arg21[%dma_wait3A_431, %dma_wait3A_432] : memref<10240x64xf32, #tpu.memory_space<vmem_shared>> -> memref<10240x64xf32, #tpu.memory_space<vmem_shared>>
        %dma_wait3A_434 = tpu.memref_slice %arg23[%dma_wait3A] : memref<6x!tpu.dma_semaphore, #tpu.memory_space<semaphore_mem>> -> memref<1x!tpu.dma_semaphore, #tpu.memory_space<semaphore_mem>>
        %dma_wait3A_435 = tpu.memref_squeeze %dma_wait3A_434 : memref<1x!tpu.dma_semaphore, #tpu.memory_space<semaphore_mem>> -> memref<!tpu.dma_semaphore, #tpu.memory_space<semaphore_mem>>
        tpu.wait_indirect_dma semaphore(%dma_wait3A_435 : memref<!tpu.dma_semaphore, #tpu.memory_space<semaphore_mem>>) src(%arg13 : memref<80x64xf32, #tpu.memory_space<vmem>>) dst(%dma_wait3A_433 : memref<10240x64xf32, #tpu.memory_space<vmem_shared>>)
      } else {
      }
      %add3A_318 = arith.constant 6 : i32
      %add3A_319 = arith.addi %mul3A_99, %add3A_318 : i32
      %add3A_320 = arith.constant 0 : i32
      %add3A_321 = arith.addi %add3A_319, %add3A_320 : i32
      %lt3A_322 = arith.constant 125 : i32
      %lt3A_323 = arith.cmpi slt, %add3A_321, %lt3A_322 : i32
      %convert_element_type3A_324 = arith.extui %lt3A_323 : i1 to i32
      %cond3A_325 = arith.constant 0 : i32
      %cond3A_326 = arith.cmpi ne, %convert_element_type3A_324, %cond3A_325 : i32
      scf.if %cond3A_326 {
        %add3A_426 = arith.constant 6 : i32
        %add3A_427 = arith.addi %mul3A_99, %add3A_426 : i32
        %add3A_428 = arith.constant 0 : i32
        %add3A_429 = arith.addi %add3A_427, %add3A_428 : i32
        %dma_start3A_430 = arith.constant 0 : i32
        %dma_start3A_431 = arith.constant 0 : i32
        %dma_start3A_432 = tpu.memref_slice %arg7[%add3A_429, %dma_start3A_431] : memref<125x80xi32, #tpu.memory_space<vmem>> -> memref<1x80xi32, #tpu.memory_space<vmem>>
        %dma_start3A_433 = tpu.memref_squeeze %dma_start3A_432 : memref<1x80xi32, #tpu.memory_space<vmem>> -> memref<80xi32, #tpu.memory_space<vmem>>
        %dma_start3A_434 = arith.constant 0 : i32
        %dma_start3A_435 = arith.constant 0 : i32
        %dma_start3A_436 = tpu.memref_slice %arg21[%dma_start3A_434, %dma_start3A_435] : memref<10240x64xf32, #tpu.memory_space<vmem_shared>> -> memref<10240x64xf32, #tpu.memory_space<vmem_shared>>
        %dma_start3A_437 = tpu.memref_slice %arg25[%dma_start3A_430] : memref<6x!tpu.dma_semaphore, #tpu.memory_space<semaphore_mem>> -> memref<1x!tpu.dma_semaphore, #tpu.memory_space<semaphore_mem>>
        %dma_start3A_438 = tpu.memref_squeeze %dma_start3A_437 : memref<1x!tpu.dma_semaphore, #tpu.memory_space<semaphore_mem>> -> memref<!tpu.dma_semaphore, #tpu.memory_space<semaphore_mem>>
        tpu.enqueue_indirect_dma source(%arg14 : memref<80x64xf32, #tpu.memory_space<vmem>>) target(%dma_start3A_436 : memref<10240x64xf32, #tpu.memory_space<vmem_shared>>) offsets(%dma_start3A_433 : memref<80xi32, #tpu.memory_space<vmem>>) semaphore(%dma_start3A_438 : memref<!tpu.dma_semaphore, #tpu.memory_space<semaphore_mem>>) {add = true}
      } else {
      }
      %add3A_327 = arith.constant 6 : i32
      %add3A_328 = arith.addi %mul3A_99, %add3A_327 : i32
      %add3A_329 = arith.constant 1 : i32
      %add3A_330 = arith.addi %add3A_328, %add3A_329 : i32
      %lt3A_331 = arith.constant 125 : i32
      %lt3A_332 = arith.cmpi slt, %add3A_330, %lt3A_331 : i32
      %convert_element_type3A_333 = arith.extui %lt3A_332 : i1 to i32
      %cond3A_334 = arith.constant 0 : i32
      %cond3A_335 = arith.cmpi ne, %convert_element_type3A_333, %cond3A_334 : i32
      scf.if %cond3A_335 {
        %add3A_426 = arith.constant 6 : i32
        %add3A_427 = arith.addi %mul3A_99, %add3A_426 : i32
        %add3A_428 = arith.constant 1 : i32
        %add3A_429 = arith.addi %add3A_427, %add3A_428 : i32
        %dma_start3A_430 = arith.constant 1 : i32
        %dma_start3A_431 = arith.constant 0 : i32
        %dma_start3A_432 = tpu.memref_slice %arg7[%add3A_429, %dma_start3A_431] : memref<125x80xi32, #tpu.memory_space<vmem>> -> memref<1x80xi32, #tpu.memory_space<vmem>>
        %dma_start3A_433 = tpu.memref_squeeze %dma_start3A_432 : memref<1x80xi32, #tpu.memory_space<vmem>> -> memref<80xi32, #tpu.memory_space<vmem>>
        %dma_start3A_434 = arith.constant 0 : i32
        %dma_start3A_435 = arith.constant 0 : i32
        %dma_start3A_436 = tpu.memref_slice %arg21[%dma_start3A_434, %dma_start3A_435] : memref<10240x64xf32, #tpu.memory_space<vmem_shared>> -> memref<10240x64xf32, #tpu.memory_space<vmem_shared>>
        %dma_start3A_437 = tpu.memref_slice %arg25[%dma_start3A_430] : memref<6x!tpu.dma_semaphore, #tpu.memory_space<semaphore_mem>> -> memref<1x!tpu.dma_semaphore, #tpu.memory_space<semaphore_mem>>
        %dma_start3A_438 = tpu.memref_squeeze %dma_start3A_437 : memref<1x!tpu.dma_semaphore, #tpu.memory_space<semaphore_mem>> -> memref<!tpu.dma_semaphore, #tpu.memory_space<semaphore_mem>>
        tpu.enqueue_indirect_dma source(%arg15 : memref<80x64xf32, #tpu.memory_space<vmem>>) target(%dma_start3A_436 : memref<10240x64xf32, #tpu.memory_space<vmem_shared>>) offsets(%dma_start3A_433 : memref<80xi32, #tpu.memory_space<vmem>>) semaphore(%dma_start3A_438 : memref<!tpu.dma_semaphore, #tpu.memory_space<semaphore_mem>>) {add = true}
      } else {
      }
      %add3A_336 = arith.constant 6 : i32
      %add3A_337 = arith.addi %mul3A_99, %add3A_336 : i32
      %add3A_338 = arith.constant 2 : i32
      %add3A_339 = arith.addi %add3A_337, %add3A_338 : i32
      %lt3A_340 = arith.constant 125 : i32
      %lt3A_341 = arith.cmpi slt, %add3A_339, %lt3A_340 : i32
      %convert_element_type3A_342 = arith.extui %lt3A_341 : i1 to i32
      %cond3A_343 = arith.constant 0 : i32
      %cond3A_344 = arith.cmpi ne, %convert_element_type3A_342, %cond3A_343 : i32
      scf.if %cond3A_344 {
        %add3A_426 = arith.constant 6 : i32
        %add3A_427 = arith.addi %mul3A_99, %add3A_426 : i32
        %add3A_428 = arith.constant 2 : i32
        %add3A_429 = arith.addi %add3A_427, %add3A_428 : i32
        %dma_start3A_430 = arith.constant 2 : i32
        %dma_start3A_431 = arith.constant 0 : i32
        %dma_start3A_432 = tpu.memref_slice %arg7[%add3A_429, %dma_start3A_431] : memref<125x80xi32, #tpu.memory_space<vmem>> -> memref<1x80xi32, #tpu.memory_space<vmem>>
        %dma_start3A_433 = tpu.memref_squeeze %dma_start3A_432 : memref<1x80xi32, #tpu.memory_space<vmem>> -> memref<80xi32, #tpu.memory_space<vmem>>
        %dma_start3A_434 = arith.constant 0 : i32
        %dma_start3A_435 = arith.constant 0 : i32
        %dma_start3A_436 = tpu.memref_slice %arg21[%dma_start3A_434, %dma_start3A_435] : memref<10240x64xf32, #tpu.memory_space<vmem_shared>> -> memref<10240x64xf32, #tpu.memory_space<vmem_shared>>
        %dma_start3A_437 = tpu.memref_slice %arg25[%dma_start3A_430] : memref<6x!tpu.dma_semaphore, #tpu.memory_space<semaphore_mem>> -> memref<1x!tpu.dma_semaphore, #tpu.memory_space<semaphore_mem>>
        %dma_start3A_438 = tpu.memref_squeeze %dma_start3A_437 : memref<1x!tpu.dma_semaphore, #tpu.memory_space<semaphore_mem>> -> memref<!tpu.dma_semaphore, #tpu.memory_space<semaphore_mem>>
        tpu.enqueue_indirect_dma source(%arg16 : memref<80x64xf32, #tpu.memory_space<vmem>>) target(%dma_start3A_436 : memref<10240x64xf32, #tpu.memory_space<vmem_shared>>) offsets(%dma_start3A_433 : memref<80xi32, #tpu.memory_space<vmem>>) semaphore(%dma_start3A_438 : memref<!tpu.dma_semaphore, #tpu.memory_space<semaphore_mem>>) {add = true}
      } else {
      }
      %add3A_345 = arith.constant 6 : i32
      %add3A_346 = arith.addi %mul3A_99, %add3A_345 : i32
      %add3A_347 = arith.constant 3 : i32
      %add3A_348 = arith.addi %add3A_346, %add3A_347 : i32
      %lt3A_349 = arith.constant 125 : i32
      %lt3A_350 = arith.cmpi slt, %add3A_348, %lt3A_349 : i32
      %convert_element_type3A_351 = arith.extui %lt3A_350 : i1 to i32
      %cond3A_352 = arith.constant 0 : i32
      %cond3A_353 = arith.cmpi ne, %convert_element_type3A_351, %cond3A_352 : i32
      scf.if %cond3A_353 {
        %add3A_426 = arith.constant 6 : i32
        %add3A_427 = arith.addi %mul3A_99, %add3A_426 : i32
        %add3A_428 = arith.constant 3 : i32
        %add3A_429 = arith.addi %add3A_427, %add3A_428 : i32
        %dma_start3A_430 = arith.constant 3 : i32
        %dma_start3A_431 = arith.constant 0 : i32
        %dma_start3A_432 = tpu.memref_slice %arg7[%add3A_429, %dma_start3A_431] : memref<125x80xi32, #tpu.memory_space<vmem>> -> memref<1x80xi32, #tpu.memory_space<vmem>>
        %dma_start3A_433 = tpu.memref_squeeze %dma_start3A_432 : memref<1x80xi32, #tpu.memory_space<vmem>> -> memref<80xi32, #tpu.memory_space<vmem>>
        %dma_start3A_434 = arith.constant 0 : i32
        %dma_start3A_435 = arith.constant 0 : i32
        %dma_start3A_436 = tpu.memref_slice %arg21[%dma_start3A_434, %dma_start3A_435] : memref<10240x64xf32, #tpu.memory_space<vmem_shared>> -> memref<10240x64xf32, #tpu.memory_space<vmem_shared>>
        %dma_start3A_437 = tpu.memref_slice %arg25[%dma_start3A_430] : memref<6x!tpu.dma_semaphore, #tpu.memory_space<semaphore_mem>> -> memref<1x!tpu.dma_semaphore, #tpu.memory_space<semaphore_mem>>
        %dma_start3A_438 = tpu.memref_squeeze %dma_start3A_437 : memref<1x!tpu.dma_semaphore, #tpu.memory_space<semaphore_mem>> -> memref<!tpu.dma_semaphore, #tpu.memory_space<semaphore_mem>>
        tpu.enqueue_indirect_dma source(%arg17 : memref<80x64xf32, #tpu.memory_space<vmem>>) target(%dma_start3A_436 : memref<10240x64xf32, #tpu.memory_space<vmem_shared>>) offsets(%dma_start3A_433 : memref<80xi32, #tpu.memory_space<vmem>>) semaphore(%dma_start3A_438 : memref<!tpu.dma_semaphore, #tpu.memory_space<semaphore_mem>>) {add = true}
      } else {
      }
      %add3A_354 = arith.constant 6 : i32
      %add3A_355 = arith.addi %mul3A_99, %add3A_354 : i32
      %add3A_356 = arith.constant 4 : i32
      %add3A_357 = arith.addi %add3A_355, %add3A_356 : i32
      %lt3A_358 = arith.constant 125 : i32
      %lt3A_359 = arith.cmpi slt, %add3A_357, %lt3A_358 : i32
      %convert_element_type3A_360 = arith.extui %lt3A_359 : i1 to i32
      %cond3A_361 = arith.constant 0 : i32
      %cond3A_362 = arith.cmpi ne, %convert_element_type3A_360, %cond3A_361 : i32
      scf.if %cond3A_362 {
        %add3A_426 = arith.constant 6 : i32
        %add3A_427 = arith.addi %mul3A_99, %add3A_426 : i32
        %add3A_428 = arith.constant 4 : i32
        %add3A_429 = arith.addi %add3A_427, %add3A_428 : i32
        %dma_start3A_430 = arith.constant 4 : i32
        %dma_start3A_431 = arith.constant 0 : i32
        %dma_start3A_432 = tpu.memref_slice %arg7[%add3A_429, %dma_start3A_431] : memref<125x80xi32, #tpu.memory_space<vmem>> -> memref<1x80xi32, #tpu.memory_space<vmem>>
        %dma_start3A_433 = tpu.memref_squeeze %dma_start3A_432 : memref<1x80xi32, #tpu.memory_space<vmem>> -> memref<80xi32, #tpu.memory_space<vmem>>
        %dma_start3A_434 = arith.constant 0 : i32
        %dma_start3A_435 = arith.constant 0 : i32
        %dma_start3A_436 = tpu.memref_slice %arg21[%dma_start3A_434, %dma_start3A_435] : memref<10240x64xf32, #tpu.memory_space<vmem_shared>> -> memref<10240x64xf32, #tpu.memory_space<vmem_shared>>
        %dma_start3A_437 = tpu.memref_slice %arg25[%dma_start3A_430] : memref<6x!tpu.dma_semaphore, #tpu.memory_space<semaphore_mem>> -> memref<1x!tpu.dma_semaphore, #tpu.memory_space<semaphore_mem>>
        %dma_start3A_438 = tpu.memref_squeeze %dma_start3A_437 : memref<1x!tpu.dma_semaphore, #tpu.memory_space<semaphore_mem>> -> memref<!tpu.dma_semaphore, #tpu.memory_space<semaphore_mem>>
        tpu.enqueue_indirect_dma source(%arg18 : memref<80x64xf32, #tpu.memory_space<vmem>>) target(%dma_start3A_436 : memref<10240x64xf32, #tpu.memory_space<vmem_shared>>) offsets(%dma_start3A_433 : memref<80xi32, #tpu.memory_space<vmem>>) semaphore(%dma_start3A_438 : memref<!tpu.dma_semaphore, #tpu.memory_space<semaphore_mem>>) {add = true}
      } else {
      }
      %add3A_363 = arith.constant 6 : i32
      %add3A_364 = arith.addi %mul3A_99, %add3A_363 : i32
      %add3A_365 = arith.constant 5 : i32
      %add3A_366 = arith.addi %add3A_364, %add3A_365 : i32
      %lt3A_367 = arith.constant 125 : i32
      %lt3A_368 = arith.cmpi slt, %add3A_366, %lt3A_367 : i32
      %convert_element_type3A_369 = arith.extui %lt3A_368 : i1 to i32
      %cond3A_370 = arith.constant 0 : i32
      %cond3A_371 = arith.cmpi ne, %convert_element_type3A_369, %cond3A_370 : i32
      scf.if %cond3A_371 {
        %add3A_426 = arith.constant 6 : i32
        %add3A_427 = arith.addi %mul3A_99, %add3A_426 : i32
        %add3A_428 = arith.constant 5 : i32
        %add3A_429 = arith.addi %add3A_427, %add3A_428 : i32
        %dma_start3A_430 = arith.constant 5 : i32
        %dma_start3A_431 = arith.constant 0 : i32
        %dma_start3A_432 = tpu.memref_slice %arg7[%add3A_429, %dma_start3A_431] : memref<125x80xi32, #tpu.memory_space<vmem>> -> memref<1x80xi32, #tpu.memory_space<vmem>>
        %dma_start3A_433 = tpu.memref_squeeze %dma_start3A_432 : memref<1x80xi32, #tpu.memory_space<vmem>> -> memref<80xi32, #tpu.memory_space<vmem>>
        %dma_start3A_434 = arith.constant 0 : i32
        %dma_start3A_435 = arith.constant 0 : i32
        %dma_start3A_436 = tpu.memref_slice %arg21[%dma_start3A_434, %dma_start3A_435] : memref<10240x64xf32, #tpu.memory_space<vmem_shared>> -> memref<10240x64xf32, #tpu.memory_space<vmem_shared>>
        %dma_start3A_437 = tpu.memref_slice %arg25[%dma_start3A_430] : memref<6x!tpu.dma_semaphore, #tpu.memory_space<semaphore_mem>> -> memref<1x!tpu.dma_semaphore, #tpu.memory_space<semaphore_mem>>
        %dma_start3A_438 = tpu.memref_squeeze %dma_start3A_437 : memref<1x!tpu.dma_semaphore, #tpu.memory_space<semaphore_mem>> -> memref<!tpu.dma_semaphore, #tpu.memory_space<semaphore_mem>>
        tpu.enqueue_indirect_dma source(%arg19 : memref<80x64xf32, #tpu.memory_space<vmem>>) target(%dma_start3A_436 : memref<10240x64xf32, #tpu.memory_space<vmem_shared>>) offsets(%dma_start3A_433 : memref<80xi32, #tpu.memory_space<vmem>>) semaphore(%dma_start3A_438 : memref<!tpu.dma_semaphore, #tpu.memory_space<semaphore_mem>>) {add = true}
      } else {
      }
      %add3A_372 = arith.constant 12 : i32
      %add3A_373 = arith.addi %mul3A_99, %add3A_372 : i32
      %add3A_374 = arith.constant 0 : i32
      %add3A_375 = arith.addi %add3A_373, %add3A_374 : i32
      %lt3A_376 = arith.constant 125 : i32
      %lt3A_377 = arith.cmpi slt, %add3A_375, %lt3A_376 : i32
      %convert_element_type3A_378 = arith.extui %lt3A_377 : i1 to i32
      %cond3A_379 = arith.constant 0 : i32
      %cond3A_380 = arith.cmpi ne, %convert_element_type3A_378, %cond3A_379 : i32
      scf.if %cond3A_380 {
        %add3A_426 = arith.constant 12 : i32
        %add3A_427 = arith.addi %mul3A_99, %add3A_426 : i32
        %add3A_428 = arith.constant 0 : i32
        %add3A_429 = arith.addi %add3A_427, %add3A_428 : i32
        %dma_start3A_430 = arith.constant 0 : i32
        %dma_start3A_431 = arith.constant 0 : i32
        %dma_start3A_432 = tpu.memref_slice %arg6[%add3A_429, %dma_start3A_431] : memref<125x80xi32, #tpu.memory_space<vmem>> -> memref<1x80xi32, #tpu.memory_space<vmem>>
        %dma_start3A_433 = tpu.memref_squeeze %dma_start3A_432 : memref<1x80xi32, #tpu.memory_space<vmem>> -> memref<80xi32, #tpu.memory_space<vmem>>
        %dma_start3A_434 = arith.constant 0 : i32
        %dma_start3A_435 = arith.constant 0 : i32
        %dma_start3A_436 = tpu.memref_slice %arg4[%dma_start3A_434, %dma_start3A_435] : memref<10000x64xf32, #tpu.memory_space<hbm>> -> memref<10000x64xf32, #tpu.memory_space<hbm>>
        %dma_start3A_437 = tpu.memref_slice %arg22[%dma_start3A_430] : memref<6x!tpu.dma_semaphore, #tpu.memory_space<semaphore_mem>> -> memref<1x!tpu.dma_semaphore, #tpu.memory_space<semaphore_mem>>
        %dma_start3A_438 = tpu.memref_squeeze %dma_start3A_437 : memref<1x!tpu.dma_semaphore, #tpu.memory_space<semaphore_mem>> -> memref<!tpu.dma_semaphore, #tpu.memory_space<semaphore_mem>>
        tpu.enqueue_indirect_dma source(%dma_start3A_436 : memref<10000x64xf32, #tpu.memory_space<hbm>>) target(%arg8 : memref<80x64xf32, #tpu.memory_space<vmem>>) offsets(%dma_start3A_433 : memref<80xi32, #tpu.memory_space<vmem>>) semaphore(%dma_start3A_438 : memref<!tpu.dma_semaphore, #tpu.memory_space<semaphore_mem>>)
      } else {
      }
      %add3A_381 = arith.constant 12 : i32
      %add3A_382 = arith.addi %mul3A_99, %add3A_381 : i32
      %add3A_383 = arith.constant 1 : i32
      %add3A_384 = arith.addi %add3A_382, %add3A_383 : i32
      %lt3A_385 = arith.constant 125 : i32
      %lt3A_386 = arith.cmpi slt, %add3A_384, %lt3A_385 : i32
      %convert_element_type3A_387 = arith.extui %lt3A_386 : i1 to i32
      %cond3A_388 = arith.constant 0 : i32
      %cond3A_389 = arith.cmpi ne, %convert_element_type3A_387, %cond3A_388 : i32
      scf.if %cond3A_389 {
        %add3A_426 = arith.constant 12 : i32
        %add3A_427 = arith.addi %mul3A_99, %add3A_426 : i32
        %add3A_428 = arith.constant 1 : i32
        %add3A_429 = arith.addi %add3A_427, %add3A_428 : i32
        %dma_start3A_430 = arith.constant 1 : i32
        %dma_start3A_431 = arith.constant 0 : i32
        %dma_start3A_432 = tpu.memref_slice %arg6[%add3A_429, %dma_start3A_431] : memref<125x80xi32, #tpu.memory_space<vmem>> -> memref<1x80xi32, #tpu.memory_space<vmem>>
        %dma_start3A_433 = tpu.memref_squeeze %dma_start3A_432 : memref<1x80xi32, #tpu.memory_space<vmem>> -> memref<80xi32, #tpu.memory_space<vmem>>
        %dma_start3A_434 = arith.constant 0 : i32
        %dma_start3A_435 = arith.constant 0 : i32
        %dma_start3A_436 = tpu.memref_slice %arg4[%dma_start3A_434, %dma_start3A_435] : memref<10000x64xf32, #tpu.memory_space<hbm>> -> memref<10000x64xf32, #tpu.memory_space<hbm>>
        %dma_start3A_437 = tpu.memref_slice %arg22[%dma_start3A_430] : memref<6x!tpu.dma_semaphore, #tpu.memory_space<semaphore_mem>> -> memref<1x!tpu.dma_semaphore, #tpu.memory_space<semaphore_mem>>
        %dma_start3A_438 = tpu.memref_squeeze %dma_start3A_437 : memref<1x!tpu.dma_semaphore, #tpu.memory_space<semaphore_mem>> -> memref<!tpu.dma_semaphore, #tpu.memory_space<semaphore_mem>>
        tpu.enqueue_indirect_dma source(%dma_start3A_436 : memref<10000x64xf32, #tpu.memory_space<hbm>>) target(%arg9 : memref<80x64xf32, #tpu.memory_space<vmem>>) offsets(%dma_start3A_433 : memref<80xi32, #tpu.memory_space<vmem>>) semaphore(%dma_start3A_438 : memref<!tpu.dma_semaphore, #tpu.memory_space<semaphore_mem>>)
      } else {
      }
      %add3A_390 = arith.constant 12 : i32
      %add3A_391 = arith.addi %mul3A_99, %add3A_390 : i32
      %add3A_392 = arith.constant 2 : i32
      %add3A_393 = arith.addi %add3A_391, %add3A_392 : i32
      %lt3A_394 = arith.constant 125 : i32
      %lt3A_395 = arith.cmpi slt, %add3A_393, %lt3A_394 : i32
      %convert_element_type3A_396 = arith.extui %lt3A_395 : i1 to i32
      %cond3A_397 = arith.constant 0 : i32
      %cond3A_398 = arith.cmpi ne, %convert_element_type3A_396, %cond3A_397 : i32
      scf.if %cond3A_398 {
        %add3A_426 = arith.constant 12 : i32
        %add3A_427 = arith.addi %mul3A_99, %add3A_426 : i32
        %add3A_428 = arith.constant 2 : i32
        %add3A_429 = arith.addi %add3A_427, %add3A_428 : i32
        %dma_start3A_430 = arith.constant 2 : i32
        %dma_start3A_431 = arith.constant 0 : i32
        %dma_start3A_432 = tpu.memref_slice %arg6[%add3A_429, %dma_start3A_431] : memref<125x80xi32, #tpu.memory_space<vmem>> -> memref<1x80xi32, #tpu.memory_space<vmem>>
        %dma_start3A_433 = tpu.memref_squeeze %dma_start3A_432 : memref<1x80xi32, #tpu.memory_space<vmem>> -> memref<80xi32, #tpu.memory_space<vmem>>
        %dma_start3A_434 = arith.constant 0 : i32
        %dma_start3A_435 = arith.constant 0 : i32
        %dma_start3A_436 = tpu.memref_slice %arg4[%dma_start3A_434, %dma_start3A_435] : memref<10000x64xf32, #tpu.memory_space<hbm>> -> memref<10000x64xf32, #tpu.memory_space<hbm>>
        %dma_start3A_437 = tpu.memref_slice %arg22[%dma_start3A_430] : memref<6x!tpu.dma_semaphore, #tpu.memory_space<semaphore_mem>> -> memref<1x!tpu.dma_semaphore, #tpu.memory_space<semaphore_mem>>
        %dma_start3A_438 = tpu.memref_squeeze %dma_start3A_437 : memref<1x!tpu.dma_semaphore, #tpu.memory_space<semaphore_mem>> -> memref<!tpu.dma_semaphore, #tpu.memory_space<semaphore_mem>>
        tpu.enqueue_indirect_dma source(%dma_start3A_436 : memref<10000x64xf32, #tpu.memory_space<hbm>>) target(%arg10 : memref<80x64xf32, #tpu.memory_space<vmem>>) offsets(%dma_start3A_433 : memref<80xi32, #tpu.memory_space<vmem>>) semaphore(%dma_start3A_438 : memref<!tpu.dma_semaphore, #tpu.memory_space<semaphore_mem>>)
      } else {
      }
      %add3A_399 = arith.constant 12 : i32
      %add3A_400 = arith.addi %mul3A_99, %add3A_399 : i32
      %add3A_401 = arith.constant 3 : i32
      %add3A_402 = arith.addi %add3A_400, %add3A_401 : i32
      %lt3A_403 = arith.constant 125 : i32
      %lt3A_404 = arith.cmpi slt, %add3A_402, %lt3A_403 : i32
      %convert_element_type3A_405 = arith.extui %lt3A_404 : i1 to i32
      %cond3A_406 = arith.constant 0 : i32
      %cond3A_407 = arith.cmpi ne, %convert_element_type3A_405, %cond3A_406 : i32
      scf.if %cond3A_407 {
        %add3A_426 = arith.constant 12 : i32
        %add3A_427 = arith.addi %mul3A_99, %add3A_426 : i32
        %add3A_428 = arith.constant 3 : i32
        %add3A_429 = arith.addi %add3A_427, %add3A_428 : i32
        %dma_start3A_430 = arith.constant 3 : i32
        %dma_start3A_431 = arith.constant 0 : i32
        %dma_start3A_432 = tpu.memref_slice %arg6[%add3A_429, %dma_start3A_431] : memref<125x80xi32, #tpu.memory_space<vmem>> -> memref<1x80xi32, #tpu.memory_space<vmem>>
        %dma_start3A_433 = tpu.memref_squeeze %dma_start3A_432 : memref<1x80xi32, #tpu.memory_space<vmem>> -> memref<80xi32, #tpu.memory_space<vmem>>
        %dma_start3A_434 = arith.constant 0 : i32
        %dma_start3A_435 = arith.constant 0 : i32
        %dma_start3A_436 = tpu.memref_slice %arg4[%dma_start3A_434, %dma_start3A_435] : memref<10000x64xf32, #tpu.memory_space<hbm>> -> memref<10000x64xf32, #tpu.memory_space<hbm>>
        %dma_start3A_437 = tpu.memref_slice %arg22[%dma_start3A_430] : memref<6x!tpu.dma_semaphore, #tpu.memory_space<semaphore_mem>> -> memref<1x!tpu.dma_semaphore, #tpu.memory_space<semaphore_mem>>
        %dma_start3A_438 = tpu.memref_squeeze %dma_start3A_437 : memref<1x!tpu.dma_semaphore, #tpu.memory_space<semaphore_mem>> -> memref<!tpu.dma_semaphore, #tpu.memory_space<semaphore_mem>>
        tpu.enqueue_indirect_dma source(%dma_start3A_436 : memref<10000x64xf32, #tpu.memory_space<hbm>>) target(%arg11 : memref<80x64xf32, #tpu.memory_space<vmem>>) offsets(%dma_start3A_433 : memref<80xi32, #tpu.memory_space<vmem>>) semaphore(%dma_start3A_438 : memref<!tpu.dma_semaphore, #tpu.memory_space<semaphore_mem>>)
      } else {
      }
      %add3A_408 = arith.constant 12 : i32
      %add3A_409 = arith.addi %mul3A_99, %add3A_408 : i32
      %add3A_410 = arith.constant 4 : i32
      %add3A_411 = arith.addi %add3A_409, %add3A_410 : i32
      %lt3A_412 = arith.constant 125 : i32
      %lt3A_413 = arith.cmpi slt, %add3A_411, %lt3A_412 : i32
      %convert_element_type3A_414 = arith.extui %lt3A_413 : i1 to i32
      %cond3A_415 = arith.constant 0 : i32
      %cond3A_416 = arith.cmpi ne, %convert_element_type3A_414, %cond3A_415 : i32
      scf.if %cond3A_416 {
        %add3A_426 = arith.constant 12 : i32
        %add3A_427 = arith.addi %mul3A_99, %add3A_426 : i32
        %add3A_428 = arith.constant 4 : i32
        %add3A_429 = arith.addi %add3A_427, %add3A_428 : i32
        %dma_start3A_430 = arith.constant 4 : i32
        %dma_start3A_431 = arith.constant 0 : i32
        %dma_start3A_432 = tpu.memref_slice %arg6[%add3A_429, %dma_start3A_431] : memref<125x80xi32, #tpu.memory_space<vmem>> -> memref<1x80xi32, #tpu.memory_space<vmem>>
        %dma_start3A_433 = tpu.memref_squeeze %dma_start3A_432 : memref<1x80xi32, #tpu.memory_space<vmem>> -> memref<80xi32, #tpu.memory_space<vmem>>
        %dma_start3A_434 = arith.constant 0 : i32
        %dma_start3A_435 = arith.constant 0 : i32
        %dma_start3A_436 = tpu.memref_slice %arg4[%dma_start3A_434, %dma_start3A_435] : memref<10000x64xf32, #tpu.memory_space<hbm>> -> memref<10000x64xf32, #tpu.memory_space<hbm>>
        %dma_start3A_437 = tpu.memref_slice %arg22[%dma_start3A_430] : memref<6x!tpu.dma_semaphore, #tpu.memory_space<semaphore_mem>> -> memref<1x!tpu.dma_semaphore, #tpu.memory_space<semaphore_mem>>
        %dma_start3A_438 = tpu.memref_squeeze %dma_start3A_437 : memref<1x!tpu.dma_semaphore, #tpu.memory_space<semaphore_mem>> -> memref<!tpu.dma_semaphore, #tpu.memory_space<semaphore_mem>>
        tpu.enqueue_indirect_dma source(%dma_start3A_436 : memref<10000x64xf32, #tpu.memory_space<hbm>>) target(%arg12 : memref<80x64xf32, #tpu.memory_space<vmem>>) offsets(%dma_start3A_433 : memref<80xi32, #tpu.memory_space<vmem>>) semaphore(%dma_start3A_438 : memref<!tpu.dma_semaphore, #tpu.memory_space<semaphore_mem>>)
      } else {
      }
      %add3A_417 = arith.constant 12 : i32
      %add3A_418 = arith.addi %mul3A_99, %add3A_417 : i32
      %add3A_419 = arith.constant 5 : i32
      %add3A_420 = arith.addi %add3A_418, %add3A_419 : i32
      %lt3A_421 = arith.constant 125 : i32
      %lt3A_422 = arith.cmpi slt, %add3A_420, %lt3A_421 : i32
      %convert_element_type3A_423 = arith.extui %lt3A_422 : i1 to i32
      %cond3A_424 = arith.constant 0 : i32
      %cond3A_425 = arith.cmpi ne, %convert_element_type3A_423, %cond3A_424 : i32
      scf.if %cond3A_425 {
        %add3A_426 = arith.constant 12 : i32
        %add3A_427 = arith.addi %mul3A_99, %add3A_426 : i32
        %add3A_428 = arith.constant 5 : i32
        %add3A_429 = arith.addi %add3A_427, %add3A_428 : i32
        %dma_start3A_430 = arith.constant 5 : i32
        %dma_start3A_431 = arith.constant 0 : i32
        %dma_start3A_432 = tpu.memref_slice %arg6[%add3A_429, %dma_start3A_431] : memref<125x80xi32, #tpu.memory_space<vmem>> -> memref<1x80xi32, #tpu.memory_space<vmem>>
        %dma_start3A_433 = tpu.memref_squeeze %dma_start3A_432 : memref<1x80xi32, #tpu.memory_space<vmem>> -> memref<80xi32, #tpu.memory_space<vmem>>
        %dma_start3A_434 = arith.constant 0 : i32
        %dma_start3A_435 = arith.constant 0 : i32
        %dma_start3A_436 = tpu.memref_slice %arg4[%dma_start3A_434, %dma_start3A_435] : memref<10000x64xf32, #tpu.memory_space<hbm>> -> memref<10000x64xf32, #tpu.memory_space<hbm>>
        %dma_start3A_437 = tpu.memref_slice %arg22[%dma_start3A_430] : memref<6x!tpu.dma_semaphore, #tpu.memory_space<semaphore_mem>> -> memref<1x!tpu.dma_semaphore, #tpu.memory_space<semaphore_mem>>
        %dma_start3A_438 = tpu.memref_squeeze %dma_start3A_437 : memref<1x!tpu.dma_semaphore, #tpu.memory_space<semaphore_mem>> -> memref<!tpu.dma_semaphore, #tpu.memory_space<semaphore_mem>>
        tpu.enqueue_indirect_dma source(%dma_start3A_436 : memref<10000x64xf32, #tpu.memory_space<hbm>>) target(%arg13 : memref<80x64xf32, #tpu.memory_space<vmem>>) offsets(%dma_start3A_433 : memref<80xi32, #tpu.memory_space<vmem>>) semaphore(%dma_start3A_438 : memref<!tpu.dma_semaphore, #tpu.memory_space<semaphore_mem>>)
      } else {
      }
    }
    %scan3A_83 = arith.constant 11 : i32
    %barrier3A_84 = arith.constant 0 : index
    tpu.barrier barrier_id(%barrier3A_84)
    %add3A_85 = arith.constant 0 : i32
    %add3A_86 = arith.addi %mul3A_67, %add3A_85 : i32
    "tpu.region"() ({
      %run_scoped3A = tpu.sem_alloc : memref<!tpu.dma_semaphore, #tpu.memory_space<semaphore_mem>>
      %dma_start3A_95 = arith.constant 0 : i32
      %dma_start3A_96 = tpu.memref_slice %arg5[%arg0, %add3A_86, %dma_start3A_95] : memref<2x10240x64xf32, #tpu.memory_space<hbm>> -> memref<1x128x64xf32, #tpu.memory_space<hbm>>
      %dma_start3A_97 = tpu.memref_squeeze %dma_start3A_96 : memref<1x128x64xf32, #tpu.memory_space<hbm>> -> memref<128x64xf32, #tpu.memory_space<hbm>>
      %dma_start3A_98 = arith.constant 0 : i32
      %dma_start3A_99 = tpu.memref_slice %arg21[%add3A_86, %dma_start3A_98] : memref<10240x64xf32, #tpu.memory_space<vmem_shared>> -> memref<128x64xf32, #tpu.memory_space<vmem_shared>>
      tpu.enqueue_dma source(%dma_start3A_99 : memref<128x64xf32, #tpu.memory_space<vmem_shared>>) target(%dma_start3A_97 : memref<128x64xf32, #tpu.memory_space<hbm>>) target_semaphore(%run_scoped3A : memref<!tpu.dma_semaphore, #tpu.memory_space<semaphore_mem>>)
      %dma_wait3A = arith.constant 0 : i32
      %dma_wait3A_100 = tpu.memref_slice %arg5[%arg0, %add3A_86, %dma_wait3A] : memref<2x10240x64xf32, #tpu.memory_space<hbm>> -> memref<1x128x64xf32, #tpu.memory_space<hbm>>
      %dma_wait3A_101 = tpu.memref_squeeze %dma_wait3A_100 : memref<1x128x64xf32, #tpu.memory_space<hbm>> -> memref<128x64xf32, #tpu.memory_space<hbm>>
      %dma_wait3A_102 = arith.constant 0 : i32
      %dma_wait3A_103 = tpu.memref_slice %arg21[%add3A_86, %dma_wait3A_102] : memref<10240x64xf32, #tpu.memory_space<vmem_shared>> -> memref<128x64xf32, #tpu.memory_space<vmem_shared>>
      tpu.wait_dma2 semaphore(%run_scoped3A : memref<!tpu.dma_semaphore, #tpu.memory_space<semaphore_mem>>) src(%dma_wait3A_103 : memref<128x64xf32, #tpu.memory_space<vmem_shared>>) dst(%dma_wait3A_101 : memref<128x64xf32, #tpu.memory_space<hbm>>)
      tpu.yield
    }) : () -> ()
    %add3A_87 = arith.constant 128 : i32
    %add3A_88 = arith.addi %mul3A_67, %add3A_87 : i32
    "tpu.region"() ({
      %run_scoped3A = tpu.sem_alloc : memref<!tpu.dma_semaphore, #tpu.memory_space<semaphore_mem>>
      %dma_start3A_95 = arith.constant 0 : i32
      %dma_start3A_96 = tpu.memref_slice %arg5[%arg0, %add3A_88, %dma_start3A_95] : memref<2x10240x64xf32, #tpu.memory_space<hbm>> -> memref<1x128x64xf32, #tpu.memory_space<hbm>>
      %dma_start3A_97 = tpu.memref_squeeze %dma_start3A_96 : memref<1x128x64xf32, #tpu.memory_space<hbm>> -> memref<128x64xf32, #tpu.memory_space<hbm>>
      %dma_start3A_98 = arith.constant 0 : i32
      %dma_start3A_99 = tpu.memref_slice %arg21[%add3A_88, %dma_start3A_98] : memref<10240x64xf32, #tpu.memory_space<vmem_shared>> -> memref<128x64xf32, #tpu.memory_space<vmem_shared>>
      tpu.enqueue_dma source(%dma_start3A_99 : memref<128x64xf32, #tpu.memory_space<vmem_shared>>) target(%dma_start3A_97 : memref<128x64xf32, #tpu.memory_space<hbm>>) target_semaphore(%run_scoped3A : memref<!tpu.dma_semaphore, #tpu.memory_space<semaphore_mem>>)
      %dma_wait3A = arith.constant 0 : i32
      %dma_wait3A_100 = tpu.memref_slice %arg5[%arg0, %add3A_88, %dma_wait3A] : memref<2x10240x64xf32, #tpu.memory_space<hbm>> -> memref<1x128x64xf32, #tpu.memory_space<hbm>>
      %dma_wait3A_101 = tpu.memref_squeeze %dma_wait3A_100 : memref<1x128x64xf32, #tpu.memory_space<hbm>> -> memref<128x64xf32, #tpu.memory_space<hbm>>
      %dma_wait3A_102 = arith.constant 0 : i32
      %dma_wait3A_103 = tpu.memref_slice %arg21[%add3A_88, %dma_wait3A_102] : memref<10240x64xf32, #tpu.memory_space<vmem_shared>> -> memref<128x64xf32, #tpu.memory_space<vmem_shared>>
      tpu.wait_dma2 semaphore(%run_scoped3A : memref<!tpu.dma_semaphore, #tpu.memory_space<semaphore_mem>>) src(%dma_wait3A_103 : memref<128x64xf32, #tpu.memory_space<vmem_shared>>) dst(%dma_wait3A_101 : memref<128x64xf32, #tpu.memory_space<hbm>>)
      tpu.yield
    }) : () -> ()
    %add3A_89 = arith.constant 256 : i32
    %add3A_90 = arith.addi %mul3A_67, %add3A_89 : i32
    "tpu.region"() ({
      %run_scoped3A = tpu.sem_alloc : memref<!tpu.dma_semaphore, #tpu.memory_space<semaphore_mem>>
      %dma_start3A_95 = arith.constant 0 : i32
      %dma_start3A_96 = tpu.memref_slice %arg5[%arg0, %add3A_90, %dma_start3A_95] : memref<2x10240x64xf32, #tpu.memory_space<hbm>> -> memref<1x128x64xf32, #tpu.memory_space<hbm>>
      %dma_start3A_97 = tpu.memref_squeeze %dma_start3A_96 : memref<1x128x64xf32, #tpu.memory_space<hbm>> -> memref<128x64xf32, #tpu.memory_space<hbm>>
      %dma_start3A_98 = arith.constant 0 : i32
      %dma_start3A_99 = tpu.memref_slice %arg21[%add3A_90, %dma_start3A_98] : memref<10240x64xf32, #tpu.memory_space<vmem_shared>> -> memref<128x64xf32, #tpu.memory_space<vmem_shared>>
      tpu.enqueue_dma source(%dma_start3A_99 : memref<128x64xf32, #tpu.memory_space<vmem_shared>>) target(%dma_start3A_97 : memref<128x64xf32, #tpu.memory_space<hbm>>) target_semaphore(%run_scoped3A : memref<!tpu.dma_semaphore, #tpu.memory_space<semaphore_mem>>)
      %dma_wait3A = arith.constant 0 : i32
      %dma_wait3A_100 = tpu.memref_slice %arg5[%arg0, %add3A_90, %dma_wait3A] : memref<2x10240x64xf32, #tpu.memory_space<hbm>> -> memref<1x128x64xf32, #tpu.memory_space<hbm>>
      %dma_wait3A_101 = tpu.memref_squeeze %dma_wait3A_100 : memref<1x128x64xf32, #tpu.memory_space<hbm>> -> memref<128x64xf32, #tpu.memory_space<hbm>>
      %dma_wait3A_102 = arith.constant 0 : i32
      %dma_wait3A_103 = tpu.memref_slice %arg21[%add3A_90, %dma_wait3A_102] : memref<10240x64xf32, #tpu.memory_space<vmem_shared>> -> memref<128x64xf32, #tpu.memory_space<vmem_shared>>
      tpu.wait_dma2 semaphore(%run_scoped3A : memref<!tpu.dma_semaphore, #tpu.memory_space<semaphore_mem>>) src(%dma_wait3A_103 : memref<128x64xf32, #tpu.memory_space<vmem_shared>>) dst(%dma_wait3A_101 : memref<128x64xf32, #tpu.memory_space<hbm>>)
      tpu.yield
    }) : () -> ()
    %add3A_91 = arith.constant 384 : i32
    %add3A_92 = arith.addi %mul3A_67, %add3A_91 : i32
    "tpu.region"() ({
      %run_scoped3A = tpu.sem_alloc : memref<!tpu.dma_semaphore, #tpu.memory_space<semaphore_mem>>
      %dma_start3A_95 = arith.constant 0 : i32
      %dma_start3A_96 = tpu.memref_slice %arg5[%arg0, %add3A_92, %dma_start3A_95] : memref<2x10240x64xf32, #tpu.memory_space<hbm>> -> memref<1x128x64xf32, #tpu.memory_space<hbm>>
      %dma_start3A_97 = tpu.memref_squeeze %dma_start3A_96 : memref<1x128x64xf32, #tpu.memory_space<hbm>> -> memref<128x64xf32, #tpu.memory_space<hbm>>
      %dma_start3A_98 = arith.constant 0 : i32
      %dma_start3A_99 = tpu.memref_slice %arg21[%add3A_92, %dma_start3A_98] : memref<10240x64xf32, #tpu.memory_space<vmem_shared>> -> memref<128x64xf32, #tpu.memory_space<vmem_shared>>
      tpu.enqueue_dma source(%dma_start3A_99 : memref<128x64xf32, #tpu.memory_space<vmem_shared>>) target(%dma_start3A_97 : memref<128x64xf32, #tpu.memory_space<hbm>>) target_semaphore(%run_scoped3A : memref<!tpu.dma_semaphore, #tpu.memory_space<semaphore_mem>>)
      %dma_wait3A = arith.constant 0 : i32
      %dma_wait3A_100 = tpu.memref_slice %arg5[%arg0, %add3A_92, %dma_wait3A] : memref<2x10240x64xf32, #tpu.memory_space<hbm>> -> memref<1x128x64xf32, #tpu.memory_space<hbm>>
      %dma_wait3A_101 = tpu.memref_squeeze %dma_wait3A_100 : memref<1x128x64xf32, #tpu.memory_space<hbm>> -> memref<128x64xf32, #tpu.memory_space<hbm>>
      %dma_wait3A_102 = arith.constant 0 : i32
      %dma_wait3A_103 = tpu.memref_slice %arg21[%add3A_92, %dma_wait3A_102] : memref<10240x64xf32, #tpu.memory_space<vmem_shared>> -> memref<128x64xf32, #tpu.memory_space<vmem_shared>>
      tpu.wait_dma2 semaphore(%run_scoped3A : memref<!tpu.dma_semaphore, #tpu.memory_space<semaphore_mem>>) src(%dma_wait3A_103 : memref<128x64xf32, #tpu.memory_space<vmem_shared>>) dst(%dma_wait3A_101 : memref<128x64xf32, #tpu.memory_space<hbm>>)
      tpu.yield
    }) : () -> ()
    %add3A_93 = arith.constant 512 : i32
    %add3A_94 = arith.addi %mul3A_67, %add3A_93 : i32
    "tpu.region"() ({
      %run_scoped3A = tpu.sem_alloc : memref<!tpu.dma_semaphore, #tpu.memory_space<semaphore_mem>>
      %dma_start3A_95 = arith.constant 0 : i32
      %dma_start3A_96 = tpu.memref_slice %arg5[%arg0, %add3A_94, %dma_start3A_95] : memref<2x10240x64xf32, #tpu.memory_space<hbm>> -> memref<1x128x64xf32, #tpu.memory_space<hbm>>
      %dma_start3A_97 = tpu.memref_squeeze %dma_start3A_96 : memref<1x128x64xf32, #tpu.memory_space<hbm>> -> memref<128x64xf32, #tpu.memory_space<hbm>>
      %dma_start3A_98 = arith.constant 0 : i32
      %dma_start3A_99 = tpu.memref_slice %arg21[%add3A_94, %dma_start3A_98] : memref<10240x64xf32, #tpu.memory_space<vmem_shared>> -> memref<128x64xf32, #tpu.memory_space<vmem_shared>>
      tpu.enqueue_dma source(%dma_start3A_99 : memref<128x64xf32, #tpu.memory_space<vmem_shared>>) target(%dma_start3A_97 : memref<128x64xf32, #tpu.memory_space<hbm>>) target_semaphore(%run_scoped3A : memref<!tpu.dma_semaphore, #tpu.memory_space<semaphore_mem>>)
      %dma_wait3A = arith.constant 0 : i32
      %dma_wait3A_100 = tpu.memref_slice %arg5[%arg0, %add3A_94, %dma_wait3A] : memref<2x10240x64xf32, #tpu.memory_space<hbm>> -> memref<1x128x64xf32, #tpu.memory_space<hbm>>
      %dma_wait3A_101 = tpu.memref_squeeze %dma_wait3A_100 : memref<1x128x64xf32, #tpu.memory_space<hbm>> -> memref<128x64xf32, #tpu.memory_space<hbm>>
      %dma_wait3A_102 = arith.constant 0 : i32
      %dma_wait3A_103 = tpu.memref_slice %arg21[%add3A_94, %dma_wait3A_102] : memref<10240x64xf32, #tpu.memory_space<vmem_shared>> -> memref<128x64xf32, #tpu.memory_space<vmem_shared>>
      tpu.wait_dma2 semaphore(%run_scoped3A : memref<!tpu.dma_semaphore, #tpu.memory_space<semaphore_mem>>) src(%dma_wait3A_103 : memref<128x64xf32, #tpu.memory_space<vmem_shared>>) dst(%dma_wait3A_101 : memref<128x64xf32, #tpu.memory_space<hbm>>)
      tpu.yield
    }) : () -> ()
    return
  }
}

#map = affine_map<(d0, d1) -> (0, 0, 0)>
module attributes {stable_mosaic.version = 14 : i64} {
  func.func @_deg_body(%arg0: i32, %arg1: i32, %arg2: memref<32x125x80xi32, #tpu.memory_space<hbm>>, %arg3: memref<2x5120x128xf32, #tpu.memory_space<hbm>>, %arg4: memref<125x80xi32, #tpu.memory_space<vmem>>, %arg5: memref<80xf32, #tpu.memory_space<vmem>>, %arg6: memref<640xf32, #tpu.memory_space<vmem>>, %arg7: memref<640xf32, #tpu.memory_space<vmem>>, %arg8: memref<320x128xf32, #tpu.memory_space<vmem>>, %arg9: memref<10240xf32, #tpu.memory_space<vmem_shared>>, %arg10: memref<!tpu.dma_semaphore, #tpu.memory_space<semaphore_mem>>) attributes {dimension_semantics = [#tpu.dimension_semantics<core_parallel>, #tpu.dimension_semantics<subcore_parallel>], iteration_bounds = array<i64: 2, 16>, scalar_prefetch = 0 : i64, scratch_operands = 7 : i64, tpu.core_type = #tpu.core_type<sc_vector_subcore>, window_params = [{transform_indices = #map}, {transform_indices = #map}]} {
    %mul3A = arith.constant 2 : i32
    %mul3A_0 = arith.muli %arg1, %mul3A : i32
    %add3A = arith.addi %mul3A_0, %arg0 : i32
    "tpu.region"() ({
      %run_scoped3A = tpu.sem_alloc : memref<!tpu.dma_semaphore, #tpu.memory_space<semaphore_mem>>
      %dma_start3A = arith.constant 0 : i32
      %dma_start3A_51 = arith.constant 0 : i32
      %dma_start3A_52 = tpu.memref_slice %arg2[%add3A, %dma_start3A, %dma_start3A_51] : memref<32x125x80xi32, #tpu.memory_space<hbm>> -> memref<1x125x80xi32, #tpu.memory_space<hbm>>
      %dma_start3A_53 = tpu.memref_squeeze %dma_start3A_52 : memref<1x125x80xi32, #tpu.memory_space<hbm>> -> memref<125x80xi32, #tpu.memory_space<hbm>>
      %dma_start3A_54 = arith.constant 0 : i32
      %dma_start3A_55 = arith.constant 0 : i32
      %dma_start3A_56 = tpu.memref_slice %arg2[%add3A, %dma_start3A_54, %dma_start3A_55] : memref<32x125x80xi32, #tpu.memory_space<hbm>> -> memref<1x125x80xi32, #tpu.memory_space<hbm>>
      %dma_start3A_57 = tpu.memref_squeeze %dma_start3A_56 : memref<1x125x80xi32, #tpu.memory_space<hbm>> -> memref<125x80xi32, #tpu.memory_space<hbm>>
      tpu.enqueue_dma source(%dma_start3A_57 : memref<125x80xi32, #tpu.memory_space<hbm>>) target(%arg4 : memref<125x80xi32, #tpu.memory_space<vmem>>) target_semaphore(%run_scoped3A : memref<!tpu.dma_semaphore, #tpu.memory_space<semaphore_mem>>)
      %dma_wait3A = arith.constant 0 : i32
      %dma_wait3A_58 = arith.constant 0 : i32
      %dma_wait3A_59 = tpu.memref_slice %arg2[%add3A, %dma_wait3A, %dma_wait3A_58] : memref<32x125x80xi32, #tpu.memory_space<hbm>> -> memref<1x125x80xi32, #tpu.memory_space<hbm>>
      %dma_wait3A_60 = tpu.memref_squeeze %dma_wait3A_59 : memref<1x125x80xi32, #tpu.memory_space<hbm>> -> memref<125x80xi32, #tpu.memory_space<hbm>>
      %dma_wait3A_61 = arith.constant 0 : i32
      %dma_wait3A_62 = arith.constant 0 : i32
      %dma_wait3A_63 = tpu.memref_slice %arg2[%add3A, %dma_wait3A_61, %dma_wait3A_62] : memref<32x125x80xi32, #tpu.memory_space<hbm>> -> memref<1x125x80xi32, #tpu.memory_space<hbm>>
      %dma_wait3A_64 = tpu.memref_squeeze %dma_wait3A_63 : memref<1x125x80xi32, #tpu.memory_space<hbm>> -> memref<125x80xi32, #tpu.memory_space<hbm>>
      tpu.wait_dma2 semaphore(%run_scoped3A : memref<!tpu.dma_semaphore, #tpu.memory_space<semaphore_mem>>) src(%dma_wait3A_64 : memref<125x80xi32, #tpu.memory_space<hbm>>) dst(%arg4 : memref<125x80xi32, #tpu.memory_space<vmem>>)
      tpu.yield
    }) : () -> ()
    %broadcast_in_dim3A = arith.constant 1.000000e+00 : f32
    %broadcast_in_dim3A_1 = vector.broadcast %broadcast_in_dim3A : f32 to vector<16xf32>
    %broadcast_in_dim3A_2 = arith.constant 0.000000e+00 : f32
    %broadcast_in_dim3A_3 = vector.broadcast %broadcast_in_dim3A_2 : f32 to vector<16xf32>
    %swap3A = arith.constant 0 : index
    %swap3A_4 = tpu.vector_load %arg5[%swap3A] {strides = array<i32>} : memref<80xf32, #tpu.memory_space<vmem>>, vector<16xf32>,
    %swap3A_5 = vector.shape_cast %swap3A_4 : vector<16xf32> to vector<16xf32>
    %swap3A_6 = vector.shape_cast %broadcast_in_dim3A_1 : vector<16xf32> to vector<16xf32>
    tpu.vector_store %arg5[%swap3A], %swap3A_6 {strides = array<i32>} : memref<80xf32, #tpu.memory_space<vmem>>, vector<16xf32>,
    %swap3A_7 = arith.constant 16 : index
    %swap3A_8 = tpu.vector_load %arg5[%swap3A_7] {strides = array<i32>} : memref<80xf32, #tpu.memory_space<vmem>>, vector<16xf32>,
    %swap3A_9 = vector.shape_cast %swap3A_8 : vector<16xf32> to vector<16xf32>
    %swap3A_10 = vector.shape_cast %broadcast_in_dim3A_1 : vector<16xf32> to vector<16xf32>
    tpu.vector_store %arg5[%swap3A_7], %swap3A_10 {strides = array<i32>} : memref<80xf32, #tpu.memory_space<vmem>>, vector<16xf32>,
    %swap3A_11 = arith.constant 32 : index
    %swap3A_12 = tpu.vector_load %arg5[%swap3A_11] {strides = array<i32>} : memref<80xf32, #tpu.memory_space<vmem>>, vector<16xf32>,
    %swap3A_13 = vector.shape_cast %swap3A_12 : vector<16xf32> to vector<16xf32>
    %swap3A_14 = vector.shape_cast %broadcast_in_dim3A_1 : vector<16xf32> to vector<16xf32>
    tpu.vector_store %arg5[%swap3A_11], %swap3A_14 {strides = array<i32>} : memref<80xf32, #tpu.memory_space<vmem>>, vector<16xf32>,
    %swap3A_15 = arith.constant 48 : index
    %swap3A_16 = tpu.vector_load %arg5[%swap3A_15] {strides = array<i32>} : memref<80xf32, #tpu.memory_space<vmem>>, vector<16xf32>,
    %swap3A_17 = vector.shape_cast %swap3A_16 : vector<16xf32> to vector<16xf32>
    %swap3A_18 = vector.shape_cast %broadcast_in_dim3A_1 : vector<16xf32> to vector<16xf32>
    tpu.vector_store %arg5[%swap3A_15], %swap3A_18 {strides = array<i32>} : memref<80xf32, #tpu.memory_space<vmem>>, vector<16xf32>,
    %swap3A_19 = arith.constant 64 : index
    %swap3A_20 = tpu.vector_load %arg5[%swap3A_19] {strides = array<i32>} : memref<80xf32, #tpu.memory_space<vmem>>, vector<16xf32>,
    %swap3A_21 = vector.shape_cast %swap3A_20 : vector<16xf32> to vector<16xf32>
    %swap3A_22 = vector.shape_cast %broadcast_in_dim3A_1 : vector<16xf32> to vector<16xf32>
    tpu.vector_store %arg5[%swap3A_19], %swap3A_22 {strides = array<i32>} : memref<80xf32, #tpu.memory_space<vmem>>, vector<16xf32>,
    %scan3A = arith.constant 0 : i32
    %scan3A_23 = arith.constant 0 : i32
    %scan3A_24 = arith.constant 40 : i32
    %scan3A_25 = arith.addi %scan3A_23, %scan3A_24 : i32
    %scan3A_26 = arith.constant 1 : i32
    scf.for %scan3A_51 = %scan3A_23 to %scan3A_25 step %scan3A_26  : i32 {
      %mul3A_52 = arith.constant 16 : i32
      %mul3A_53 = arith.muli %scan3A_51, %mul3A_52 : i32
      %swap3A_54 = arith.index_cast %mul3A_53 : i32 to index
      %swap3A_55 = tpu.vector_load %arg6[%swap3A_54] {strides = array<i32>} : memref<640xf32, #tpu.memory_space<vmem>>, vector<16xf32>,
      %swap3A_56 = vector.shape_cast %swap3A_55 : vector<16xf32> to vector<16xf32>
      %swap3A_57 = vector.shape_cast %broadcast_in_dim3A_3 : vector<16xf32> to vector<16xf32>
      tpu.vector_store %arg6[%swap3A_54], %swap3A_57 {strides = array<i32>} : memref<640xf32, #tpu.memory_space<vmem>>, vector<16xf32>,
    }
    %scan3A_27 = arith.constant 40 : i32
    %mul3A_28 = arith.constant 640 : i32
    %mul3A_29 = arith.muli %arg1, %mul3A_28 : i32
    "tpu.region"() ({
      %run_scoped3A = tpu.sem_alloc : memref<!tpu.dma_semaphore, #tpu.memory_space<semaphore_mem>>
      %dma_start3A = tpu.memref_slice %arg9[%mul3A_29] : memref<10240xf32, #tpu.memory_space<vmem_shared>> -> memref<640xf32, #tpu.memory_space<vmem_shared>>
      %dma_start3A_51 = tpu.memref_slice %arg9[%mul3A_29] : memref<10240xf32, #tpu.memory_space<vmem_shared>> -> memref<640xf32, #tpu.memory_space<vmem_shared>>
      tpu.enqueue_dma source(%arg6 : memref<640xf32, #tpu.memory_space<vmem>>) target(%dma_start3A_51 : memref<640xf32, #tpu.memory_space<vmem_shared>>) target_semaphore(%run_scoped3A : memref<!tpu.dma_semaphore, #tpu.memory_space<semaphore_mem>>)
      %dma_wait3A = tpu.memref_slice %arg9[%mul3A_29] : memref<10240xf32, #tpu.memory_space<vmem_shared>> -> memref<640xf32, #tpu.memory_space<vmem_shared>>
      %dma_wait3A_52 = tpu.memref_slice %arg9[%mul3A_29] : memref<10240xf32, #tpu.memory_space<vmem_shared>> -> memref<640xf32, #tpu.memory_space<vmem_shared>>
      tpu.wait_dma2 semaphore(%run_scoped3A : memref<!tpu.dma_semaphore, #tpu.memory_space<semaphore_mem>>) src(%arg6 : memref<640xf32, #tpu.memory_space<vmem>>) dst(%dma_wait3A_52 : memref<640xf32, #tpu.memory_space<vmem_shared>>)
      tpu.yield
    }) : () -> ()
    %barrier3A = arith.constant 0 : index
    tpu.barrier barrier_id(%barrier3A)
    %scan3A_30 = arith.constant 0 : i32
    %scan3A_31 = arith.constant 0 : i32
    %scan3A_32 = arith.constant 125 : i32
    %scan3A_33 = arith.addi %scan3A_31, %scan3A_32 : i32
    %scan3A_34 = arith.constant 1 : i32
    scf.for %scan3A_51 = %scan3A_31 to %scan3A_33 step %scan3A_34  : i32 {
      %dma_start3A = arith.constant 0 : i32
      %dma_start3A_52 = tpu.memref_slice %arg4[%scan3A_51, %dma_start3A] : memref<125x80xi32, #tpu.memory_space<vmem>> -> memref<1x80xi32, #tpu.memory_space<vmem>>
      %dma_start3A_53 = tpu.memref_squeeze %dma_start3A_52 : memref<1x80xi32, #tpu.memory_space<vmem>> -> memref<80xi32, #tpu.memory_space<vmem>>
      %dma_start3A_54 = arith.constant 0 : i32
      %dma_start3A_55 = tpu.memref_slice %arg9[%dma_start3A_54] : memref<10240xf32, #tpu.memory_space<vmem_shared>> -> memref<10240xf32, #tpu.memory_space<vmem_shared>>
      tpu.enqueue_indirect_dma source(%arg5 : memref<80xf32, #tpu.memory_space<vmem>>) target(%dma_start3A_55 : memref<10240xf32, #tpu.memory_space<vmem_shared>>) offsets(%dma_start3A_53 : memref<80xi32, #tpu.memory_space<vmem>>) semaphore(%arg10 : memref<!tpu.dma_semaphore, #tpu.memory_space<semaphore_mem>>) {add = true}
    }
    %scan3A_35 = arith.constant 125 : i32
    %scan3A_36 = arith.constant 0 : i32
    %scan3A_37 = arith.constant 0 : i32
    %scan3A_38 = arith.constant 125 : i32
    %scan3A_39 = arith.addi %scan3A_37, %scan3A_38 : i32
    %scan3A_40 = arith.constant 1 : i32
    scf.for %scan3A_51 = %scan3A_37 to %scan3A_39 step %scan3A_40  : i32 {
      %dma_wait3A = arith.constant 0 : i32
      %dma_wait3A_52 = tpu.memref_slice %arg4[%scan3A_51, %dma_wait3A] : memref<125x80xi32, #tpu.memory_space<vmem>> -> memref<1x80xi32, #tpu.memory_space<vmem>>
      %dma_wait3A_53 = tpu.memref_squeeze %dma_wait3A_52 : memref<1x80xi32, #tpu.memory_space<vmem>> -> memref<80xi32, #tpu.memory_space<vmem>>
      %dma_wait3A_54 = arith.constant 0 : i32
      %dma_wait3A_55 = tpu.memref_slice %arg9[%dma_wait3A_54] : memref<10240xf32, #tpu.memory_space<vmem_shared>> -> memref<10240xf32, #tpu.memory_space<vmem_shared>>
      tpu.wait_indirect_dma semaphore(%arg10 : memref<!tpu.dma_semaphore, #tpu.memory_space<semaphore_mem>>) src(%arg5 : memref<80xf32, #tpu.memory_space<vmem>>) dst(%dma_wait3A_55 : memref<10240xf32, #tpu.memory_space<vmem_shared>>)
    }
    %scan3A_41 = arith.constant 125 : i32
    %barrier3A_42 = arith.constant 0 : index
    tpu.barrier barrier_id(%barrier3A_42)
    "tpu.region"() ({
      %run_scoped3A = tpu.sem_alloc : memref<!tpu.dma_semaphore, #tpu.memory_space<semaphore_mem>>
      %dma_start3A = tpu.memref_slice %arg9[%mul3A_29] : memref<10240xf32, #tpu.memory_space<vmem_shared>> -> memref<640xf32, #tpu.memory_space<vmem_shared>>
      %dma_start3A_51 = tpu.memref_slice %arg9[%mul3A_29] : memref<10240xf32, #tpu.memory_space<vmem_shared>> -> memref<640xf32, #tpu.memory_space<vmem_shared>>
      tpu.enqueue_dma source(%dma_start3A_51 : memref<640xf32, #tpu.memory_space<vmem_shared>>) target(%arg7 : memref<640xf32, #tpu.memory_space<vmem>>) target_semaphore(%run_scoped3A : memref<!tpu.dma_semaphore, #tpu.memory_space<semaphore_mem>>)
      %dma_wait3A = tpu.memref_slice %arg9[%mul3A_29] : memref<10240xf32, #tpu.memory_space<vmem_shared>> -> memref<640xf32, #tpu.memory_space<vmem_shared>>
      %dma_wait3A_52 = tpu.memref_slice %arg9[%mul3A_29] : memref<10240xf32, #tpu.memory_space<vmem_shared>> -> memref<640xf32, #tpu.memory_space<vmem_shared>>
      tpu.wait_dma2 semaphore(%run_scoped3A : memref<!tpu.dma_semaphore, #tpu.memory_space<semaphore_mem>>) src(%dma_wait3A_52 : memref<640xf32, #tpu.memory_space<vmem_shared>>) dst(%arg7 : memref<640xf32, #tpu.memory_space<vmem>>)
      tpu.yield
    }) : () -> ()
    %scan3A_43 = arith.constant 0 : i32
    %scan3A_44 = arith.constant 0 : i32
    %scan3A_45 = arith.constant 40 : i32
    %scan3A_46 = arith.addi %scan3A_44, %scan3A_45 : i32
    %scan3A_47 = arith.constant 1 : i32
    scf.for %scan3A_51 = %scan3A_44 to %scan3A_46 step %scan3A_47  : i32 {
      %mul3A_52 = arith.constant 16 : i32
      %mul3A_53 = arith.muli %scan3A_51, %mul3A_52 : i32
      %get3A = arith.index_cast %mul3A_53 : i32 to index
      %get3A_54 = tpu.vector_load %arg7[%get3A] {strides = array<i32>} : memref<640xf32, #tpu.memory_space<vmem>>, vector<16xf32>,
      %get3A_55 = vector.shape_cast %get3A_54 : vector<16xf32> to vector<16xf32>
      %slice3A = vector.extract_strided_slice %get3A_55 {offsets = [0], sizes = [1], strides = [1]} : vector<16xf32> to vector<1xf32>
      %squeeze3A = vector.extract %slice3A[0] : f32 from vector<1xf32>
      %broadcast_in_dim3A_56 = vector.broadcast %squeeze3A : f32 to vector<16xf32>
      %mul3A_57 = arith.constant 8 : i32
      %mul3A_58 = arith.muli %mul3A_57, %scan3A_51 : i32
      %add3A_59 = arith.constant 0 : i32
      %add3A_60 = arith.addi %mul3A_58, %add3A_59 : i32
      %swap3A_61 = arith.index_cast %add3A_60 : i32 to index
      %swap3A_62 = arith.constant 0 : index
      %swap3A_63 = tpu.vector_load %arg8[%swap3A_61, %swap3A_62] {strides = array<i32>} : memref<320x128xf32, #tpu.memory_space<vmem>>, vector<1x16xf32>,
      %swap3A_64 = vector.shape_cast %swap3A_63 : vector<1x16xf32> to vector<16xf32>
      %swap3A_65 = vector.shape_cast %broadcast_in_dim3A_56 : vector<16xf32> to vector<1x16xf32>
      tpu.vector_store %arg8[%swap3A_61, %swap3A_62], %swap3A_65 {strides = array<i32>} : memref<320x128xf32, #tpu.memory_space<vmem>>, vector<1x16xf32>,
      %swap3A_66 = arith.index_cast %add3A_60 : i32 to index
      %swap3A_67 = arith.constant 16 : index
      %swap3A_68 = tpu.vector_load %arg8[%swap3A_66, %swap3A_67] {strides = array<i32>} : memref<320x128xf32, #tpu.memory_space<vmem>>, vector<1x16xf32>,
      %swap3A_69 = vector.shape_cast %swap3A_68 : vector<1x16xf32> to vector<16xf32>
      %swap3A_70 = vector.shape_cast %broadcast_in_dim3A_56 : vector<16xf32> to vector<1x16xf32>
      tpu.vector_store %arg8[%swap3A_66, %swap3A_67], %swap3A_70 {strides = array<i32>} : memref<320x128xf32, #tpu.memory_space<vmem>>, vector<1x16xf32>,
      %swap3A_71 = arith.index_cast %add3A_60 : i32 to index
      %swap3A_72 = arith.constant 32 : index
      %swap3A_73 = tpu.vector_load %arg8[%swap3A_71, %swap3A_72] {strides = array<i32>} : memref<320x128xf32, #tpu.memory_space<vmem>>, vector<1x16xf32>,
      %swap3A_74 = vector.shape_cast %swap3A_73 : vector<1x16xf32> to vector<16xf32>
      %swap3A_75 = vector.shape_cast %broadcast_in_dim3A_56 : vector<16xf32> to vector<1x16xf32>
      tpu.vector_store %arg8[%swap3A_71, %swap3A_72], %swap3A_75 {strides = array<i32>} : memref<320x128xf32, #tpu.memory_space<vmem>>, vector<1x16xf32>,
      %swap3A_76 = arith.index_cast %add3A_60 : i32 to index
      %swap3A_77 = arith.constant 48 : index
      %swap3A_78 = tpu.vector_load %arg8[%swap3A_76, %swap3A_77] {strides = array<i32>} : memref<320x128xf32, #tpu.memory_space<vmem>>, vector<1x16xf32>,
      %swap3A_79 = vector.shape_cast %swap3A_78 : vector<1x16xf32> to vector<16xf32>
      %swap3A_80 = vector.shape_cast %broadcast_in_dim3A_56 : vector<16xf32> to vector<1x16xf32>
      tpu.vector_store %arg8[%swap3A_76, %swap3A_77], %swap3A_80 {strides = array<i32>} : memref<320x128xf32, #tpu.memory_space<vmem>>, vector<1x16xf32>,
      %slice3A_81 = vector.extract_strided_slice %get3A_55 {offsets = [1], sizes = [1], strides = [1]} : vector<16xf32> to vector<1xf32>
      %squeeze3A_82 = vector.extract %slice3A_81[0] : f32 from vector<1xf32>
      %broadcast_in_dim3A_83 = vector.broadcast %squeeze3A_82 : f32 to vector<16xf32>
      %mul3A_84 = arith.constant 8 : i32
      %mul3A_85 = arith.muli %mul3A_84, %scan3A_51 : i32
      %add3A_86 = arith.constant 0 : i32
      %add3A_87 = arith.addi %mul3A_85, %add3A_86 : i32
      %swap3A_88 = arith.index_cast %add3A_87 : i32 to index
      %swap3A_89 = arith.constant 64 : index
      %swap3A_90 = tpu.vector_load %arg8[%swap3A_88, %swap3A_89] {strides = array<i32>} : memref<320x128xf32, #tpu.memory_space<vmem>>, vector<1x16xf32>,
      %swap3A_91 = vector.shape_cast %swap3A_90 : vector<1x16xf32> to vector<16xf32>
      %swap3A_92 = vector.shape_cast %broadcast_in_dim3A_83 : vector<16xf32> to vector<1x16xf32>
      tpu.vector_store %arg8[%swap3A_88, %swap3A_89], %swap3A_92 {strides = array<i32>} : memref<320x128xf32, #tpu.memory_space<vmem>>, vector<1x16xf32>,
      %swap3A_93 = arith.index_cast %add3A_87 : i32 to index
      %swap3A_94 = arith.constant 80 : index
      %swap3A_95 = tpu.vector_load %arg8[%swap3A_93, %swap3A_94] {strides = array<i32>} : memref<320x128xf32, #tpu.memory_space<vmem>>, vector<1x16xf32>,
      %swap3A_96 = vector.shape_cast %swap3A_95 : vector<1x16xf32> to vector<16xf32>
      %swap3A_97 = vector.shape_cast %broadcast_in_dim3A_83 : vector<16xf32> to vector<1x16xf32>
      tpu.vector_store %arg8[%swap3A_93, %swap3A_94], %swap3A_97 {strides = array<i32>} : memref<320x128xf32, #tpu.memory_space<vmem>>, vector<1x16xf32>,
      %swap3A_98 = arith.index_cast %add3A_87 : i32 to index
      %swap3A_99 = arith.constant 96 : index
      %swap3A_100 = tpu.vector_load %arg8[%swap3A_98, %swap3A_99] {strides = array<i32>} : memref<320x128xf32, #tpu.memory_space<vmem>>, vector<1x16xf32>,
      %swap3A_101 = vector.shape_cast %swap3A_100 : vector<1x16xf32> to vector<16xf32>
      %swap3A_102 = vector.shape_cast %broadcast_in_dim3A_83 : vector<16xf32> to vector<1x16xf32>
      tpu.vector_store %arg8[%swap3A_98, %swap3A_99], %swap3A_102 {strides = array<i32>} : memref<320x128xf32, #tpu.memory_space<vmem>>, vector<1x16xf32>,
      %swap3A_103 = arith.index_cast %add3A_87 : i32 to index
      %swap3A_104 = arith.constant 112 : index
      %swap3A_105 = tpu.vector_load %arg8[%swap3A_103, %swap3A_104] {strides = array<i32>} : memref<320x128xf32, #tpu.memory_space<vmem>>, vector<1x16xf32>,
      %swap3A_106 = vector.shape_cast %swap3A_105 : vector<1x16xf32> to vector<16xf32>
      %swap3A_107 = vector.shape_cast %broadcast_in_dim3A_83 : vector<16xf32> to vector<1x16xf32>
      tpu.vector_store %arg8[%swap3A_103, %swap3A_104], %swap3A_107 {strides = array<i32>} : memref<320x128xf32, #tpu.memory_space<vmem>>, vector<1x16xf32>,
      %slice3A_108 = vector.extract_strided_slice %get3A_55 {offsets = [2], sizes = [1], strides = [1]} : vector<16xf32> to vector<1xf32>
      %squeeze3A_109 = vector.extract %slice3A_108[0] : f32 from vector<1xf32>
      %broadcast_in_dim3A_110 = vector.broadcast %squeeze3A_109 : f32 to vector<16xf32>
      %mul3A_111 = arith.constant 8 : i32
      %mul3A_112 = arith.muli %mul3A_111, %scan3A_51 : i32
      %add3A_113 = arith.constant 1 : i32
      %add3A_114 = arith.addi %mul3A_112, %add3A_113 : i32
      %swap3A_115 = arith.index_cast %add3A_114 : i32 to index
      %swap3A_116 = arith.constant 0 : index
      %swap3A_117 = tpu.vector_load %arg8[%swap3A_115, %swap3A_116] {strides = array<i32>} : memref<320x128xf32, #tpu.memory_space<vmem>>, vector<1x16xf32>,
      %swap3A_118 = vector.shape_cast %swap3A_117 : vector<1x16xf32> to vector<16xf32>
      %swap3A_119 = vector.shape_cast %broadcast_in_dim3A_110 : vector<16xf32> to vector<1x16xf32>
      tpu.vector_store %arg8[%swap3A_115, %swap3A_116], %swap3A_119 {strides = array<i32>} : memref<320x128xf32, #tpu.memory_space<vmem>>, vector<1x16xf32>,
      %swap3A_120 = arith.index_cast %add3A_114 : i32 to index
      %swap3A_121 = arith.constant 16 : index
      %swap3A_122 = tpu.vector_load %arg8[%swap3A_120, %swap3A_121] {strides = array<i32>} : memref<320x128xf32, #tpu.memory_space<vmem>>, vector<1x16xf32>,
      %swap3A_123 = vector.shape_cast %swap3A_122 : vector<1x16xf32> to vector<16xf32>
      %swap3A_124 = vector.shape_cast %broadcast_in_dim3A_110 : vector<16xf32> to vector<1x16xf32>
      tpu.vector_store %arg8[%swap3A_120, %swap3A_121], %swap3A_124 {strides = array<i32>} : memref<320x128xf32, #tpu.memory_space<vmem>>, vector<1x16xf32>,
      %swap3A_125 = arith.index_cast %add3A_114 : i32 to index
      %swap3A_126 = arith.constant 32 : index
      %swap3A_127 = tpu.vector_load %arg8[%swap3A_125, %swap3A_126] {strides = array<i32>} : memref<320x128xf32, #tpu.memory_space<vmem>>, vector<1x16xf32>,
      %swap3A_128 = vector.shape_cast %swap3A_127 : vector<1x16xf32> to vector<16xf32>
      %swap3A_129 = vector.shape_cast %broadcast_in_dim3A_110 : vector<16xf32> to vector<1x16xf32>
      tpu.vector_store %arg8[%swap3A_125, %swap3A_126], %swap3A_129 {strides = array<i32>} : memref<320x128xf32, #tpu.memory_space<vmem>>, vector<1x16xf32>,
      %swap3A_130 = arith.index_cast %add3A_114 : i32 to index
      %swap3A_131 = arith.constant 48 : index
      %swap3A_132 = tpu.vector_load %arg8[%swap3A_130, %swap3A_131] {strides = array<i32>} : memref<320x128xf32, #tpu.memory_space<vmem>>, vector<1x16xf32>,
      %swap3A_133 = vector.shape_cast %swap3A_132 : vector<1x16xf32> to vector<16xf32>
      %swap3A_134 = vector.shape_cast %broadcast_in_dim3A_110 : vector<16xf32> to vector<1x16xf32>
      tpu.vector_store %arg8[%swap3A_130, %swap3A_131], %swap3A_134 {strides = array<i32>} : memref<320x128xf32, #tpu.memory_space<vmem>>, vector<1x16xf32>,
      %slice3A_135 = vector.extract_strided_slice %get3A_55 {offsets = [3], sizes = [1], strides = [1]} : vector<16xf32> to vector<1xf32>
      %squeeze3A_136 = vector.extract %slice3A_135[0] : f32 from vector<1xf32>
      %broadcast_in_dim3A_137 = vector.broadcast %squeeze3A_136 : f32 to vector<16xf32>
      %mul3A_138 = arith.constant 8 : i32
      %mul3A_139 = arith.muli %mul3A_138, %scan3A_51 : i32
      %add3A_140 = arith.constant 1 : i32
      %add3A_141 = arith.addi %mul3A_139, %add3A_140 : i32
      %swap3A_142 = arith.index_cast %add3A_141 : i32 to index
      %swap3A_143 = arith.constant 64 : index
      %swap3A_144 = tpu.vector_load %arg8[%swap3A_142, %swap3A_143] {strides = array<i32>} : memref<320x128xf32, #tpu.memory_space<vmem>>, vector<1x16xf32>,
      %swap3A_145 = vector.shape_cast %swap3A_144 : vector<1x16xf32> to vector<16xf32>
      %swap3A_146 = vector.shape_cast %broadcast_in_dim3A_137 : vector<16xf32> to vector<1x16xf32>
      tpu.vector_store %arg8[%swap3A_142, %swap3A_143], %swap3A_146 {strides = array<i32>} : memref<320x128xf32, #tpu.memory_space<vmem>>, vector<1x16xf32>,
      %swap3A_147 = arith.index_cast %add3A_141 : i32 to index
      %swap3A_148 = arith.constant 80 : index
      %swap3A_149 = tpu.vector_load %arg8[%swap3A_147, %swap3A_148] {strides = array<i32>} : memref<320x128xf32, #tpu.memory_space<vmem>>, vector<1x16xf32>,
      %swap3A_150 = vector.shape_cast %swap3A_149 : vector<1x16xf32> to vector<16xf32>
      %swap3A_151 = vector.shape_cast %broadcast_in_dim3A_137 : vector<16xf32> to vector<1x16xf32>
      tpu.vector_store %arg8[%swap3A_147, %swap3A_148], %swap3A_151 {strides = array<i32>} : memref<320x128xf32, #tpu.memory_space<vmem>>, vector<1x16xf32>,
      %swap3A_152 = arith.index_cast %add3A_141 : i32 to index
      %swap3A_153 = arith.constant 96 : index
      %swap3A_154 = tpu.vector_load %arg8[%swap3A_152, %swap3A_153] {strides = array<i32>} : memref<320x128xf32, #tpu.memory_space<vmem>>, vector<1x16xf32>,
      %swap3A_155 = vector.shape_cast %swap3A_154 : vector<1x16xf32> to vector<16xf32>
      %swap3A_156 = vector.shape_cast %broadcast_in_dim3A_137 : vector<16xf32> to vector<1x16xf32>
      tpu.vector_store %arg8[%swap3A_152, %swap3A_153], %swap3A_156 {strides = array<i32>} : memref<320x128xf32, #tpu.memory_space<vmem>>, vector<1x16xf32>,
      %swap3A_157 = arith.index_cast %add3A_141 : i32 to index
      %swap3A_158 = arith.constant 112 : index
      %swap3A_159 = tpu.vector_load %arg8[%swap3A_157, %swap3A_158] {strides = array<i32>} : memref<320x128xf32, #tpu.memory_space<vmem>>, vector<1x16xf32>,
      %swap3A_160 = vector.shape_cast %swap3A_159 : vector<1x16xf32> to vector<16xf32>
      %swap3A_161 = vector.shape_cast %broadcast_in_dim3A_137 : vector<16xf32> to vector<1x16xf32>
      tpu.vector_store %arg8[%swap3A_157, %swap3A_158], %swap3A_161 {strides = array<i32>} : memref<320x128xf32, #tpu.memory_space<vmem>>, vector<1x16xf32>,
      %slice3A_162 = vector.extract_strided_slice %get3A_55 {offsets = [4], sizes = [1], strides = [1]} : vector<16xf32> to vector<1xf32>
      %squeeze3A_163 = vector.extract %slice3A_162[0] : f32 from vector<1xf32>
      %broadcast_in_dim3A_164 = vector.broadcast %squeeze3A_163 : f32 to vector<16xf32>
      %mul3A_165 = arith.constant 8 : i32
      %mul3A_166 = arith.muli %mul3A_165, %scan3A_51 : i32
      %add3A_167 = arith.constant 2 : i32
      %add3A_168 = arith.addi %mul3A_166, %add3A_167 : i32
      %swap3A_169 = arith.index_cast %add3A_168 : i32 to index
      %swap3A_170 = arith.constant 0 : index
      %swap3A_171 = tpu.vector_load %arg8[%swap3A_169, %swap3A_170] {strides = array<i32>} : memref<320x128xf32, #tpu.memory_space<vmem>>, vector<1x16xf32>,
      %swap3A_172 = vector.shape_cast %swap3A_171 : vector<1x16xf32> to vector<16xf32>
      %swap3A_173 = vector.shape_cast %broadcast_in_dim3A_164 : vector<16xf32> to vector<1x16xf32>
      tpu.vector_store %arg8[%swap3A_169, %swap3A_170], %swap3A_173 {strides = array<i32>} : memref<320x128xf32, #tpu.memory_space<vmem>>, vector<1x16xf32>,
      %swap3A_174 = arith.index_cast %add3A_168 : i32 to index
      %swap3A_175 = arith.constant 16 : index
      %swap3A_176 = tpu.vector_load %arg8[%swap3A_174, %swap3A_175] {strides = array<i32>} : memref<320x128xf32, #tpu.memory_space<vmem>>, vector<1x16xf32>,
      %swap3A_177 = vector.shape_cast %swap3A_176 : vector<1x16xf32> to vector<16xf32>
      %swap3A_178 = vector.shape_cast %broadcast_in_dim3A_164 : vector<16xf32> to vector<1x16xf32>
      tpu.vector_store %arg8[%swap3A_174, %swap3A_175], %swap3A_178 {strides = array<i32>} : memref<320x128xf32, #tpu.memory_space<vmem>>, vector<1x16xf32>,
      %swap3A_179 = arith.index_cast %add3A_168 : i32 to index
      %swap3A_180 = arith.constant 32 : index
      %swap3A_181 = tpu.vector_load %arg8[%swap3A_179, %swap3A_180] {strides = array<i32>} : memref<320x128xf32, #tpu.memory_space<vmem>>, vector<1x16xf32>,
      %swap3A_182 = vector.shape_cast %swap3A_181 : vector<1x16xf32> to vector<16xf32>
      %swap3A_183 = vector.shape_cast %broadcast_in_dim3A_164 : vector<16xf32> to vector<1x16xf32>
      tpu.vector_store %arg8[%swap3A_179, %swap3A_180], %swap3A_183 {strides = array<i32>} : memref<320x128xf32, #tpu.memory_space<vmem>>, vector<1x16xf32>,
      %swap3A_184 = arith.index_cast %add3A_168 : i32 to index
      %swap3A_185 = arith.constant 48 : index
      %swap3A_186 = tpu.vector_load %arg8[%swap3A_184, %swap3A_185] {strides = array<i32>} : memref<320x128xf32, #tpu.memory_space<vmem>>, vector<1x16xf32>,
      %swap3A_187 = vector.shape_cast %swap3A_186 : vector<1x16xf32> to vector<16xf32>
      %swap3A_188 = vector.shape_cast %broadcast_in_dim3A_164 : vector<16xf32> to vector<1x16xf32>
      tpu.vector_store %arg8[%swap3A_184, %swap3A_185], %swap3A_188 {strides = array<i32>} : memref<320x128xf32, #tpu.memory_space<vmem>>, vector<1x16xf32>,
      %slice3A_189 = vector.extract_strided_slice %get3A_55 {offsets = [5], sizes = [1], strides = [1]} : vector<16xf32> to vector<1xf32>
      %squeeze3A_190 = vector.extract %slice3A_189[0] : f32 from vector<1xf32>
      %broadcast_in_dim3A_191 = vector.broadcast %squeeze3A_190 : f32 to vector<16xf32>
      %mul3A_192 = arith.constant 8 : i32
      %mul3A_193 = arith.muli %mul3A_192, %scan3A_51 : i32
      %add3A_194 = arith.constant 2 : i32
      %add3A_195 = arith.addi %mul3A_193, %add3A_194 : i32
      %swap3A_196 = arith.index_cast %add3A_195 : i32 to index
      %swap3A_197 = arith.constant 64 : index
      %swap3A_198 = tpu.vector_load %arg8[%swap3A_196, %swap3A_197] {strides = array<i32>} : memref<320x128xf32, #tpu.memory_space<vmem>>, vector<1x16xf32>,
      %swap3A_199 = vector.shape_cast %swap3A_198 : vector<1x16xf32> to vector<16xf32>
      %swap3A_200 = vector.shape_cast %broadcast_in_dim3A_191 : vector<16xf32> to vector<1x16xf32>
      tpu.vector_store %arg8[%swap3A_196, %swap3A_197], %swap3A_200 {strides = array<i32>} : memref<320x128xf32, #tpu.memory_space<vmem>>, vector<1x16xf32>,
      %swap3A_201 = arith.index_cast %add3A_195 : i32 to index
      %swap3A_202 = arith.constant 80 : index
      %swap3A_203 = tpu.vector_load %arg8[%swap3A_201, %swap3A_202] {strides = array<i32>} : memref<320x128xf32, #tpu.memory_space<vmem>>, vector<1x16xf32>,
      %swap3A_204 = vector.shape_cast %swap3A_203 : vector<1x16xf32> to vector<16xf32>
      %swap3A_205 = vector.shape_cast %broadcast_in_dim3A_191 : vector<16xf32> to vector<1x16xf32>
      tpu.vector_store %arg8[%swap3A_201, %swap3A_202], %swap3A_205 {strides = array<i32>} : memref<320x128xf32, #tpu.memory_space<vmem>>, vector<1x16xf32>,
      %swap3A_206 = arith.index_cast %add3A_195 : i32 to index
      %swap3A_207 = arith.constant 96 : index
      %swap3A_208 = tpu.vector_load %arg8[%swap3A_206, %swap3A_207] {strides = array<i32>} : memref<320x128xf32, #tpu.memory_space<vmem>>, vector<1x16xf32>,
      %swap3A_209 = vector.shape_cast %swap3A_208 : vector<1x16xf32> to vector<16xf32>
      %swap3A_210 = vector.shape_cast %broadcast_in_dim3A_191 : vector<16xf32> to vector<1x16xf32>
      tpu.vector_store %arg8[%swap3A_206, %swap3A_207], %swap3A_210 {strides = array<i32>} : memref<320x128xf32, #tpu.memory_space<vmem>>, vector<1x16xf32>,
      %swap3A_211 = arith.index_cast %add3A_195 : i32 to index
      %swap3A_212 = arith.constant 112 : index
      %swap3A_213 = tpu.vector_load %arg8[%swap3A_211, %swap3A_212] {strides = array<i32>} : memref<320x128xf32, #tpu.memory_space<vmem>>, vector<1x16xf32>,
      %swap3A_214 = vector.shape_cast %swap3A_213 : vector<1x16xf32> to vector<16xf32>
      %swap3A_215 = vector.shape_cast %broadcast_in_dim3A_191 : vector<16xf32> to vector<1x16xf32>
      tpu.vector_store %arg8[%swap3A_211, %swap3A_212], %swap3A_215 {strides = array<i32>} : memref<320x128xf32, #tpu.memory_space<vmem>>, vector<1x16xf32>,
      %slice3A_216 = vector.extract_strided_slice %get3A_55 {offsets = [6], sizes = [1], strides = [1]} : vector<16xf32> to vector<1xf32>
      %squeeze3A_217 = vector.extract %slice3A_216[0] : f32 from vector<1xf32>
      %broadcast_in_dim3A_218 = vector.broadcast %squeeze3A_217 : f32 to vector<16xf32>
      %mul3A_219 = arith.constant 8 : i32
      %mul3A_220 = arith.muli %mul3A_219, %scan3A_51 : i32
      %add3A_221 = arith.constant 3 : i32
      %add3A_222 = arith.addi %mul3A_220, %add3A_221 : i32
      %swap3A_223 = arith.index_cast %add3A_222 : i32 to index
      %swap3A_224 = arith.constant 0 : index
      %swap3A_225 = tpu.vector_load %arg8[%swap3A_223, %swap3A_224] {strides = array<i32>} : memref<320x128xf32, #tpu.memory_space<vmem>>, vector<1x16xf32>,
      %swap3A_226 = vector.shape_cast %swap3A_225 : vector<1x16xf32> to vector<16xf32>
      %swap3A_227 = vector.shape_cast %broadcast_in_dim3A_218 : vector<16xf32> to vector<1x16xf32>
      tpu.vector_store %arg8[%swap3A_223, %swap3A_224], %swap3A_227 {strides = array<i32>} : memref<320x128xf32, #tpu.memory_space<vmem>>, vector<1x16xf32>,
      %swap3A_228 = arith.index_cast %add3A_222 : i32 to index
      %swap3A_229 = arith.constant 16 : index
      %swap3A_230 = tpu.vector_load %arg8[%swap3A_228, %swap3A_229] {strides = array<i32>} : memref<320x128xf32, #tpu.memory_space<vmem>>, vector<1x16xf32>,
      %swap3A_231 = vector.shape_cast %swap3A_230 : vector<1x16xf32> to vector<16xf32>
      %swap3A_232 = vector.shape_cast %broadcast_in_dim3A_218 : vector<16xf32> to vector<1x16xf32>
      tpu.vector_store %arg8[%swap3A_228, %swap3A_229], %swap3A_232 {strides = array<i32>} : memref<320x128xf32, #tpu.memory_space<vmem>>, vector<1x16xf32>,
      %swap3A_233 = arith.index_cast %add3A_222 : i32 to index
      %swap3A_234 = arith.constant 32 : index
      %swap3A_235 = tpu.vector_load %arg8[%swap3A_233, %swap3A_234] {strides = array<i32>} : memref<320x128xf32, #tpu.memory_space<vmem>>, vector<1x16xf32>,
      %swap3A_236 = vector.shape_cast %swap3A_235 : vector<1x16xf32> to vector<16xf32>
      %swap3A_237 = vector.shape_cast %broadcast_in_dim3A_218 : vector<16xf32> to vector<1x16xf32>
      tpu.vector_store %arg8[%swap3A_233, %swap3A_234], %swap3A_237 {strides = array<i32>} : memref<320x128xf32, #tpu.memory_space<vmem>>, vector<1x16xf32>,
      %swap3A_238 = arith.index_cast %add3A_222 : i32 to index
      %swap3A_239 = arith.constant 48 : index
      %swap3A_240 = tpu.vector_load %arg8[%swap3A_238, %swap3A_239] {strides = array<i32>} : memref<320x128xf32, #tpu.memory_space<vmem>>, vector<1x16xf32>,
      %swap3A_241 = vector.shape_cast %swap3A_240 : vector<1x16xf32> to vector<16xf32>
      %swap3A_242 = vector.shape_cast %broadcast_in_dim3A_218 : vector<16xf32> to vector<1x16xf32>
      tpu.vector_store %arg8[%swap3A_238, %swap3A_239], %swap3A_242 {strides = array<i32>} : memref<320x128xf32, #tpu.memory_space<vmem>>, vector<1x16xf32>,
      %slice3A_243 = vector.extract_strided_slice %get3A_55 {offsets = [7], sizes = [1], strides = [1]} : vector<16xf32> to vector<1xf32>
      %squeeze3A_244 = vector.extract %slice3A_243[0] : f32 from vector<1xf32>
      %broadcast_in_dim3A_245 = vector.broadcast %squeeze3A_244 : f32 to vector<16xf32>
      %mul3A_246 = arith.constant 8 : i32
      %mul3A_247 = arith.muli %mul3A_246, %scan3A_51 : i32
      %add3A_248 = arith.constant 3 : i32
      %add3A_249 = arith.addi %mul3A_247, %add3A_248 : i32
      %swap3A_250 = arith.index_cast %add3A_249 : i32 to index
      %swap3A_251 = arith.constant 64 : index
      %swap3A_252 = tpu.vector_load %arg8[%swap3A_250, %swap3A_251] {strides = array<i32>} : memref<320x128xf32, #tpu.memory_space<vmem>>, vector<1x16xf32>,
      %swap3A_253 = vector.shape_cast %swap3A_252 : vector<1x16xf32> to vector<16xf32>
      %swap3A_254 = vector.shape_cast %broadcast_in_dim3A_245 : vector<16xf32> to vector<1x16xf32>
      tpu.vector_store %arg8[%swap3A_250, %swap3A_251], %swap3A_254 {strides = array<i32>} : memref<320x128xf32, #tpu.memory_space<vmem>>, vector<1x16xf32>,
      %swap3A_255 = arith.index_cast %add3A_249 : i32 to index
      %swap3A_256 = arith.constant 80 : index
      %swap3A_257 = tpu.vector_load %arg8[%swap3A_255, %swap3A_256] {strides = array<i32>} : memref<320x128xf32, #tpu.memory_space<vmem>>, vector<1x16xf32>,
      %swap3A_258 = vector.shape_cast %swap3A_257 : vector<1x16xf32> to vector<16xf32>
      %swap3A_259 = vector.shape_cast %broadcast_in_dim3A_245 : vector<16xf32> to vector<1x16xf32>
      tpu.vector_store %arg8[%swap3A_255, %swap3A_256], %swap3A_259 {strides = array<i32>} : memref<320x128xf32, #tpu.memory_space<vmem>>, vector<1x16xf32>,
      %swap3A_260 = arith.index_cast %add3A_249 : i32 to index
      %swap3A_261 = arith.constant 96 : index
      %swap3A_262 = tpu.vector_load %arg8[%swap3A_260, %swap3A_261] {strides = array<i32>} : memref<320x128xf32, #tpu.memory_space<vmem>>, vector<1x16xf32>,
      %swap3A_263 = vector.shape_cast %swap3A_262 : vector<1x16xf32> to vector<16xf32>
      %swap3A_264 = vector.shape_cast %broadcast_in_dim3A_245 : vector<16xf32> to vector<1x16xf32>
      tpu.vector_store %arg8[%swap3A_260, %swap3A_261], %swap3A_264 {strides = array<i32>} : memref<320x128xf32, #tpu.memory_space<vmem>>, vector<1x16xf32>,
      %swap3A_265 = arith.index_cast %add3A_249 : i32 to index
      %swap3A_266 = arith.constant 112 : index
      %swap3A_267 = tpu.vector_load %arg8[%swap3A_265, %swap3A_266] {strides = array<i32>} : memref<320x128xf32, #tpu.memory_space<vmem>>, vector<1x16xf32>,
      %swap3A_268 = vector.shape_cast %swap3A_267 : vector<1x16xf32> to vector<16xf32>
      %swap3A_269 = vector.shape_cast %broadcast_in_dim3A_245 : vector<16xf32> to vector<1x16xf32>
      tpu.vector_store %arg8[%swap3A_265, %swap3A_266], %swap3A_269 {strides = array<i32>} : memref<320x128xf32, #tpu.memory_space<vmem>>, vector<1x16xf32>,
      %slice3A_270 = vector.extract_strided_slice %get3A_55 {offsets = [8], sizes = [1], strides = [1]} : vector<16xf32> to vector<1xf32>
      %squeeze3A_271 = vector.extract %slice3A_270[0] : f32 from vector<1xf32>
      %broadcast_in_dim3A_272 = vector.broadcast %squeeze3A_271 : f32 to vector<16xf32>
      %mul3A_273 = arith.constant 8 : i32
      %mul3A_274 = arith.muli %mul3A_273, %scan3A_51 : i32
      %add3A_275 = arith.constant 4 : i32
      %add3A_276 = arith.addi %mul3A_274, %add3A_275 : i32
      %swap3A_277 = arith.index_cast %add3A_276 : i32 to index
      %swap3A_278 = arith.constant 0 : index
      %swap3A_279 = tpu.vector_load %arg8[%swap3A_277, %swap3A_278] {strides = array<i32>} : memref<320x128xf32, #tpu.memory_space<vmem>>, vector<1x16xf32>,
      %swap3A_280 = vector.shape_cast %swap3A_279 : vector<1x16xf32> to vector<16xf32>
      %swap3A_281 = vector.shape_cast %broadcast_in_dim3A_272 : vector<16xf32> to vector<1x16xf32>
      tpu.vector_store %arg8[%swap3A_277, %swap3A_278], %swap3A_281 {strides = array<i32>} : memref<320x128xf32, #tpu.memory_space<vmem>>, vector<1x16xf32>,
      %swap3A_282 = arith.index_cast %add3A_276 : i32 to index
      %swap3A_283 = arith.constant 16 : index
      %swap3A_284 = tpu.vector_load %arg8[%swap3A_282, %swap3A_283] {strides = array<i32>} : memref<320x128xf32, #tpu.memory_space<vmem>>, vector<1x16xf32>,
      %swap3A_285 = vector.shape_cast %swap3A_284 : vector<1x16xf32> to vector<16xf32>
      %swap3A_286 = vector.shape_cast %broadcast_in_dim3A_272 : vector<16xf32> to vector<1x16xf32>
      tpu.vector_store %arg8[%swap3A_282, %swap3A_283], %swap3A_286 {strides = array<i32>} : memref<320x128xf32, #tpu.memory_space<vmem>>, vector<1x16xf32>,
      %swap3A_287 = arith.index_cast %add3A_276 : i32 to index
      %swap3A_288 = arith.constant 32 : index
      %swap3A_289 = tpu.vector_load %arg8[%swap3A_287, %swap3A_288] {strides = array<i32>} : memref<320x128xf32, #tpu.memory_space<vmem>>, vector<1x16xf32>,
      %swap3A_290 = vector.shape_cast %swap3A_289 : vector<1x16xf32> to vector<16xf32>
      %swap3A_291 = vector.shape_cast %broadcast_in_dim3A_272 : vector<16xf32> to vector<1x16xf32>
      tpu.vector_store %arg8[%swap3A_287, %swap3A_288], %swap3A_291 {strides = array<i32>} : memref<320x128xf32, #tpu.memory_space<vmem>>, vector<1x16xf32>,
      %swap3A_292 = arith.index_cast %add3A_276 : i32 to index
      %swap3A_293 = arith.constant 48 : index
      %swap3A_294 = tpu.vector_load %arg8[%swap3A_292, %swap3A_293] {strides = array<i32>} : memref<320x128xf32, #tpu.memory_space<vmem>>, vector<1x16xf32>,
      %swap3A_295 = vector.shape_cast %swap3A_294 : vector<1x16xf32> to vector<16xf32>
      %swap3A_296 = vector.shape_cast %broadcast_in_dim3A_272 : vector<16xf32> to vector<1x16xf32>
      tpu.vector_store %arg8[%swap3A_292, %swap3A_293], %swap3A_296 {strides = array<i32>} : memref<320x128xf32, #tpu.memory_space<vmem>>, vector<1x16xf32>,
      %slice3A_297 = vector.extract_strided_slice %get3A_55 {offsets = [9], sizes = [1], strides = [1]} : vector<16xf32> to vector<1xf32>
      %squeeze3A_298 = vector.extract %slice3A_297[0] : f32 from vector<1xf32>
      %broadcast_in_dim3A_299 = vector.broadcast %squeeze3A_298 : f32 to vector<16xf32>
      %mul3A_300 = arith.constant 8 : i32
      %mul3A_301 = arith.muli %mul3A_300, %scan3A_51 : i32
      %add3A_302 = arith.constant 4 : i32
      %add3A_303 = arith.addi %mul3A_301, %add3A_302 : i32
      %swap3A_304 = arith.index_cast %add3A_303 : i32 to index
      %swap3A_305 = arith.constant 64 : index
      %swap3A_306 = tpu.vector_load %arg8[%swap3A_304, %swap3A_305] {strides = array<i32>} : memref<320x128xf32, #tpu.memory_space<vmem>>, vector<1x16xf32>,
      %swap3A_307 = vector.shape_cast %swap3A_306 : vector<1x16xf32> to vector<16xf32>
      %swap3A_308 = vector.shape_cast %broadcast_in_dim3A_299 : vector<16xf32> to vector<1x16xf32>
      tpu.vector_store %arg8[%swap3A_304, %swap3A_305], %swap3A_308 {strides = array<i32>} : memref<320x128xf32, #tpu.memory_space<vmem>>, vector<1x16xf32>,
      %swap3A_309 = arith.index_cast %add3A_303 : i32 to index
      %swap3A_310 = arith.constant 80 : index
      %swap3A_311 = tpu.vector_load %arg8[%swap3A_309, %swap3A_310] {strides = array<i32>} : memref<320x128xf32, #tpu.memory_space<vmem>>, vector<1x16xf32>,
      %swap3A_312 = vector.shape_cast %swap3A_311 : vector<1x16xf32> to vector<16xf32>
      %swap3A_313 = vector.shape_cast %broadcast_in_dim3A_299 : vector<16xf32> to vector<1x16xf32>
      tpu.vector_store %arg8[%swap3A_309, %swap3A_310], %swap3A_313 {strides = array<i32>} : memref<320x128xf32, #tpu.memory_space<vmem>>, vector<1x16xf32>,
      %swap3A_314 = arith.index_cast %add3A_303 : i32 to index
      %swap3A_315 = arith.constant 96 : index
      %swap3A_316 = tpu.vector_load %arg8[%swap3A_314, %swap3A_315] {strides = array<i32>} : memref<320x128xf32, #tpu.memory_space<vmem>>, vector<1x16xf32>,
      %swap3A_317 = vector.shape_cast %swap3A_316 : vector<1x16xf32> to vector<16xf32>
      %swap3A_318 = vector.shape_cast %broadcast_in_dim3A_299 : vector<16xf32> to vector<1x16xf32>
      tpu.vector_store %arg8[%swap3A_314, %swap3A_315], %swap3A_318 {strides = array<i32>} : memref<320x128xf32, #tpu.memory_space<vmem>>, vector<1x16xf32>,
      %swap3A_319 = arith.index_cast %add3A_303 : i32 to index
      %swap3A_320 = arith.constant 112 : index
      %swap3A_321 = tpu.vector_load %arg8[%swap3A_319, %swap3A_320] {strides = array<i32>} : memref<320x128xf32, #tpu.memory_space<vmem>>, vector<1x16xf32>,
      %swap3A_322 = vector.shape_cast %swap3A_321 : vector<1x16xf32> to vector<16xf32>
      %swap3A_323 = vector.shape_cast %broadcast_in_dim3A_299 : vector<16xf32> to vector<1x16xf32>
      tpu.vector_store %arg8[%swap3A_319, %swap3A_320], %swap3A_323 {strides = array<i32>} : memref<320x128xf32, #tpu.memory_space<vmem>>, vector<1x16xf32>,
      %slice3A_324 = vector.extract_strided_slice %get3A_55 {offsets = [10], sizes = [1], strides = [1]} : vector<16xf32> to vector<1xf32>
      %squeeze3A_325 = vector.extract %slice3A_324[0] : f32 from vector<1xf32>
      %broadcast_in_dim3A_326 = vector.broadcast %squeeze3A_325 : f32 to vector<16xf32>
      %mul3A_327 = arith.constant 8 : i32
      %mul3A_328 = arith.muli %mul3A_327, %scan3A_51 : i32
      %add3A_329 = arith.constant 5 : i32
      %add3A_330 = arith.addi %mul3A_328, %add3A_329 : i32
      %swap3A_331 = arith.index_cast %add3A_330 : i32 to index
      %swap3A_332 = arith.constant 0 : index
      %swap3A_333 = tpu.vector_load %arg8[%swap3A_331, %swap3A_332] {strides = array<i32>} : memref<320x128xf32, #tpu.memory_space<vmem>>, vector<1x16xf32>,
      %swap3A_334 = vector.shape_cast %swap3A_333 : vector<1x16xf32> to vector<16xf32>
      %swap3A_335 = vector.shape_cast %broadcast_in_dim3A_326 : vector<16xf32> to vector<1x16xf32>
      tpu.vector_store %arg8[%swap3A_331, %swap3A_332], %swap3A_335 {strides = array<i32>} : memref<320x128xf32, #tpu.memory_space<vmem>>, vector<1x16xf32>,
      %swap3A_336 = arith.index_cast %add3A_330 : i32 to index
      %swap3A_337 = arith.constant 16 : index
      %swap3A_338 = tpu.vector_load %arg8[%swap3A_336, %swap3A_337] {strides = array<i32>} : memref<320x128xf32, #tpu.memory_space<vmem>>, vector<1x16xf32>,
      %swap3A_339 = vector.shape_cast %swap3A_338 : vector<1x16xf32> to vector<16xf32>
      %swap3A_340 = vector.shape_cast %broadcast_in_dim3A_326 : vector<16xf32> to vector<1x16xf32>
      tpu.vector_store %arg8[%swap3A_336, %swap3A_337], %swap3A_340 {strides = array<i32>} : memref<320x128xf32, #tpu.memory_space<vmem>>, vector<1x16xf32>,
      %swap3A_341 = arith.index_cast %add3A_330 : i32 to index
      %swap3A_342 = arith.constant 32 : index
      %swap3A_343 = tpu.vector_load %arg8[%swap3A_341, %swap3A_342] {strides = array<i32>} : memref<320x128xf32, #tpu.memory_space<vmem>>, vector<1x16xf32>,
      %swap3A_344 = vector.shape_cast %swap3A_343 : vector<1x16xf32> to vector<16xf32>
      %swap3A_345 = vector.shape_cast %broadcast_in_dim3A_326 : vector<16xf32> to vector<1x16xf32>
      tpu.vector_store %arg8[%swap3A_341, %swap3A_342], %swap3A_345 {strides = array<i32>} : memref<320x128xf32, #tpu.memory_space<vmem>>, vector<1x16xf32>,
      %swap3A_346 = arith.index_cast %add3A_330 : i32 to index
      %swap3A_347 = arith.constant 48 : index
      %swap3A_348 = tpu.vector_load %arg8[%swap3A_346, %swap3A_347] {strides = array<i32>} : memref<320x128xf32, #tpu.memory_space<vmem>>, vector<1x16xf32>,
      %swap3A_349 = vector.shape_cast %swap3A_348 : vector<1x16xf32> to vector<16xf32>
      %swap3A_350 = vector.shape_cast %broadcast_in_dim3A_326 : vector<16xf32> to vector<1x16xf32>
      tpu.vector_store %arg8[%swap3A_346, %swap3A_347], %swap3A_350 {strides = array<i32>} : memref<320x128xf32, #tpu.memory_space<vmem>>, vector<1x16xf32>,
      %slice3A_351 = vector.extract_strided_slice %get3A_55 {offsets = [11], sizes = [1], strides = [1]} : vector<16xf32> to vector<1xf32>
      %squeeze3A_352 = vector.extract %slice3A_351[0] : f32 from vector<1xf32>
      %broadcast_in_dim3A_353 = vector.broadcast %squeeze3A_352 : f32 to vector<16xf32>
      %mul3A_354 = arith.constant 8 : i32
      %mul3A_355 = arith.muli %mul3A_354, %scan3A_51 : i32
      %add3A_356 = arith.constant 5 : i32
      %add3A_357 = arith.addi %mul3A_355, %add3A_356 : i32
      %swap3A_358 = arith.index_cast %add3A_357 : i32 to index
      %swap3A_359 = arith.constant 64 : index
      %swap3A_360 = tpu.vector_load %arg8[%swap3A_358, %swap3A_359] {strides = array<i32>} : memref<320x128xf32, #tpu.memory_space<vmem>>, vector<1x16xf32>,
      %swap3A_361 = vector.shape_cast %swap3A_360 : vector<1x16xf32> to vector<16xf32>
      %swap3A_362 = vector.shape_cast %broadcast_in_dim3A_353 : vector<16xf32> to vector<1x16xf32>
      tpu.vector_store %arg8[%swap3A_358, %swap3A_359], %swap3A_362 {strides = array<i32>} : memref<320x128xf32, #tpu.memory_space<vmem>>, vector<1x16xf32>,
      %swap3A_363 = arith.index_cast %add3A_357 : i32 to index
      %swap3A_364 = arith.constant 80 : index
      %swap3A_365 = tpu.vector_load %arg8[%swap3A_363, %swap3A_364] {strides = array<i32>} : memref<320x128xf32, #tpu.memory_space<vmem>>, vector<1x16xf32>,
      %swap3A_366 = vector.shape_cast %swap3A_365 : vector<1x16xf32> to vector<16xf32>
      %swap3A_367 = vector.shape_cast %broadcast_in_dim3A_353 : vector<16xf32> to vector<1x16xf32>
      tpu.vector_store %arg8[%swap3A_363, %swap3A_364], %swap3A_367 {strides = array<i32>} : memref<320x128xf32, #tpu.memory_space<vmem>>, vector<1x16xf32>,
      %swap3A_368 = arith.index_cast %add3A_357 : i32 to index
      %swap3A_369 = arith.constant 96 : index
      %swap3A_370 = tpu.vector_load %arg8[%swap3A_368, %swap3A_369] {strides = array<i32>} : memref<320x128xf32, #tpu.memory_space<vmem>>, vector<1x16xf32>,
      %swap3A_371 = vector.shape_cast %swap3A_370 : vector<1x16xf32> to vector<16xf32>
      %swap3A_372 = vector.shape_cast %broadcast_in_dim3A_353 : vector<16xf32> to vector<1x16xf32>
      tpu.vector_store %arg8[%swap3A_368, %swap3A_369], %swap3A_372 {strides = array<i32>} : memref<320x128xf32, #tpu.memory_space<vmem>>, vector<1x16xf32>,
      %swap3A_373 = arith.index_cast %add3A_357 : i32 to index
      %swap3A_374 = arith.constant 112 : index
      %swap3A_375 = tpu.vector_load %arg8[%swap3A_373, %swap3A_374] {strides = array<i32>} : memref<320x128xf32, #tpu.memory_space<vmem>>, vector<1x16xf32>,
      %swap3A_376 = vector.shape_cast %swap3A_375 : vector<1x16xf32> to vector<16xf32>
      %swap3A_377 = vector.shape_cast %broadcast_in_dim3A_353 : vector<16xf32> to vector<1x16xf32>
      tpu.vector_store %arg8[%swap3A_373, %swap3A_374], %swap3A_377 {strides = array<i32>} : memref<320x128xf32, #tpu.memory_space<vmem>>, vector<1x16xf32>,
      %slice3A_378 = vector.extract_strided_slice %get3A_55 {offsets = [12], sizes = [1], strides = [1]} : vector<16xf32> to vector<1xf32>
      %squeeze3A_379 = vector.extract %slice3A_378[0] : f32 from vector<1xf32>
      %broadcast_in_dim3A_380 = vector.broadcast %squeeze3A_379 : f32 to vector<16xf32>
      %mul3A_381 = arith.constant 8 : i32
      %mul3A_382 = arith.muli %mul3A_381, %scan3A_51 : i32
      %add3A_383 = arith.constant 6 : i32
      %add3A_384 = arith.addi %mul3A_382, %add3A_383 : i32
      %swap3A_385 = arith.index_cast %add3A_384 : i32 to index
      %swap3A_386 = arith.constant 0 : index
      %swap3A_387 = tpu.vector_load %arg8[%swap3A_385, %swap3A_386] {strides = array<i32>} : memref<320x128xf32, #tpu.memory_space<vmem>>, vector<1x16xf32>,
      %swap3A_388 = vector.shape_cast %swap3A_387 : vector<1x16xf32> to vector<16xf32>
      %swap3A_389 = vector.shape_cast %broadcast_in_dim3A_380 : vector<16xf32> to vector<1x16xf32>
      tpu.vector_store %arg8[%swap3A_385, %swap3A_386], %swap3A_389 {strides = array<i32>} : memref<320x128xf32, #tpu.memory_space<vmem>>, vector<1x16xf32>,
      %swap3A_390 = arith.index_cast %add3A_384 : i32 to index
      %swap3A_391 = arith.constant 16 : index
      %swap3A_392 = tpu.vector_load %arg8[%swap3A_390, %swap3A_391] {strides = array<i32>} : memref<320x128xf32, #tpu.memory_space<vmem>>, vector<1x16xf32>,
      %swap3A_393 = vector.shape_cast %swap3A_392 : vector<1x16xf32> to vector<16xf32>
      %swap3A_394 = vector.shape_cast %broadcast_in_dim3A_380 : vector<16xf32> to vector<1x16xf32>
      tpu.vector_store %arg8[%swap3A_390, %swap3A_391], %swap3A_394 {strides = array<i32>} : memref<320x128xf32, #tpu.memory_space<vmem>>, vector<1x16xf32>,
      %swap3A_395 = arith.index_cast %add3A_384 : i32 to index
      %swap3A_396 = arith.constant 32 : index
      %swap3A_397 = tpu.vector_load %arg8[%swap3A_395, %swap3A_396] {strides = array<i32>} : memref<320x128xf32, #tpu.memory_space<vmem>>, vector<1x16xf32>,
      %swap3A_398 = vector.shape_cast %swap3A_397 : vector<1x16xf32> to vector<16xf32>
      %swap3A_399 = vector.shape_cast %broadcast_in_dim3A_380 : vector<16xf32> to vector<1x16xf32>
      tpu.vector_store %arg8[%swap3A_395, %swap3A_396], %swap3A_399 {strides = array<i32>} : memref<320x128xf32, #tpu.memory_space<vmem>>, vector<1x16xf32>,
      %swap3A_400 = arith.index_cast %add3A_384 : i32 to index
      %swap3A_401 = arith.constant 48 : index
      %swap3A_402 = tpu.vector_load %arg8[%swap3A_400, %swap3A_401] {strides = array<i32>} : memref<320x128xf32, #tpu.memory_space<vmem>>, vector<1x16xf32>,
      %swap3A_403 = vector.shape_cast %swap3A_402 : vector<1x16xf32> to vector<16xf32>
      %swap3A_404 = vector.shape_cast %broadcast_in_dim3A_380 : vector<16xf32> to vector<1x16xf32>
      tpu.vector_store %arg8[%swap3A_400, %swap3A_401], %swap3A_404 {strides = array<i32>} : memref<320x128xf32, #tpu.memory_space<vmem>>, vector<1x16xf32>,
      %slice3A_405 = vector.extract_strided_slice %get3A_55 {offsets = [13], sizes = [1], strides = [1]} : vector<16xf32> to vector<1xf32>
      %squeeze3A_406 = vector.extract %slice3A_405[0] : f32 from vector<1xf32>
      %broadcast_in_dim3A_407 = vector.broadcast %squeeze3A_406 : f32 to vector<16xf32>
      %mul3A_408 = arith.constant 8 : i32
      %mul3A_409 = arith.muli %mul3A_408, %scan3A_51 : i32
      %add3A_410 = arith.constant 6 : i32
      %add3A_411 = arith.addi %mul3A_409, %add3A_410 : i32
      %swap3A_412 = arith.index_cast %add3A_411 : i32 to index
      %swap3A_413 = arith.constant 64 : index
      %swap3A_414 = tpu.vector_load %arg8[%swap3A_412, %swap3A_413] {strides = array<i32>} : memref<320x128xf32, #tpu.memory_space<vmem>>, vector<1x16xf32>,
      %swap3A_415 = vector.shape_cast %swap3A_414 : vector<1x16xf32> to vector<16xf32>
      %swap3A_416 = vector.shape_cast %broadcast_in_dim3A_407 : vector<16xf32> to vector<1x16xf32>
      tpu.vector_store %arg8[%swap3A_412, %swap3A_413], %swap3A_416 {strides = array<i32>} : memref<320x128xf32, #tpu.memory_space<vmem>>, vector<1x16xf32>,
      %swap3A_417 = arith.index_cast %add3A_411 : i32 to index
      %swap3A_418 = arith.constant 80 : index
      %swap3A_419 = tpu.vector_load %arg8[%swap3A_417, %swap3A_418] {strides = array<i32>} : memref<320x128xf32, #tpu.memory_space<vmem>>, vector<1x16xf32>,
      %swap3A_420 = vector.shape_cast %swap3A_419 : vector<1x16xf32> to vector<16xf32>
      %swap3A_421 = vector.shape_cast %broadcast_in_dim3A_407 : vector<16xf32> to vector<1x16xf32>
      tpu.vector_store %arg8[%swap3A_417, %swap3A_418], %swap3A_421 {strides = array<i32>} : memref<320x128xf32, #tpu.memory_space<vmem>>, vector<1x16xf32>,
      %swap3A_422 = arith.index_cast %add3A_411 : i32 to index
      %swap3A_423 = arith.constant 96 : index
      %swap3A_424 = tpu.vector_load %arg8[%swap3A_422, %swap3A_423] {strides = array<i32>} : memref<320x128xf32, #tpu.memory_space<vmem>>, vector<1x16xf32>,
      %swap3A_425 = vector.shape_cast %swap3A_424 : vector<1x16xf32> to vector<16xf32>
      %swap3A_426 = vector.shape_cast %broadcast_in_dim3A_407 : vector<16xf32> to vector<1x16xf32>
      tpu.vector_store %arg8[%swap3A_422, %swap3A_423], %swap3A_426 {strides = array<i32>} : memref<320x128xf32, #tpu.memory_space<vmem>>, vector<1x16xf32>,
      %swap3A_427 = arith.index_cast %add3A_411 : i32 to index
      %swap3A_428 = arith.constant 112 : index
      %swap3A_429 = tpu.vector_load %arg8[%swap3A_427, %swap3A_428] {strides = array<i32>} : memref<320x128xf32, #tpu.memory_space<vmem>>, vector<1x16xf32>,
      %swap3A_430 = vector.shape_cast %swap3A_429 : vector<1x16xf32> to vector<16xf32>
      %swap3A_431 = vector.shape_cast %broadcast_in_dim3A_407 : vector<16xf32> to vector<1x16xf32>
      tpu.vector_store %arg8[%swap3A_427, %swap3A_428], %swap3A_431 {strides = array<i32>} : memref<320x128xf32, #tpu.memory_space<vmem>>, vector<1x16xf32>,
      %slice3A_432 = vector.extract_strided_slice %get3A_55 {offsets = [14], sizes = [1], strides = [1]} : vector<16xf32> to vector<1xf32>
      %squeeze3A_433 = vector.extract %slice3A_432[0] : f32 from vector<1xf32>
      %broadcast_in_dim3A_434 = vector.broadcast %squeeze3A_433 : f32 to vector<16xf32>
      %mul3A_435 = arith.constant 8 : i32
      %mul3A_436 = arith.muli %mul3A_435, %scan3A_51 : i32
      %add3A_437 = arith.constant 7 : i32
      %add3A_438 = arith.addi %mul3A_436, %add3A_437 : i32
      %swap3A_439 = arith.index_cast %add3A_438 : i32 to index
      %swap3A_440 = arith.constant 0 : index
      %swap3A_441 = tpu.vector_load %arg8[%swap3A_439, %swap3A_440] {strides = array<i32>} : memref<320x128xf32, #tpu.memory_space<vmem>>, vector<1x16xf32>,
      %swap3A_442 = vector.shape_cast %swap3A_441 : vector<1x16xf32> to vector<16xf32>
      %swap3A_443 = vector.shape_cast %broadcast_in_dim3A_434 : vector<16xf32> to vector<1x16xf32>
      tpu.vector_store %arg8[%swap3A_439, %swap3A_440], %swap3A_443 {strides = array<i32>} : memref<320x128xf32, #tpu.memory_space<vmem>>, vector<1x16xf32>,
      %swap3A_444 = arith.index_cast %add3A_438 : i32 to index
      %swap3A_445 = arith.constant 16 : index
      %swap3A_446 = tpu.vector_load %arg8[%swap3A_444, %swap3A_445] {strides = array<i32>} : memref<320x128xf32, #tpu.memory_space<vmem>>, vector<1x16xf32>,
      %swap3A_447 = vector.shape_cast %swap3A_446 : vector<1x16xf32> to vector<16xf32>
      %swap3A_448 = vector.shape_cast %broadcast_in_dim3A_434 : vector<16xf32> to vector<1x16xf32>
      tpu.vector_store %arg8[%swap3A_444, %swap3A_445], %swap3A_448 {strides = array<i32>} : memref<320x128xf32, #tpu.memory_space<vmem>>, vector<1x16xf32>,
      %swap3A_449 = arith.index_cast %add3A_438 : i32 to index
      %swap3A_450 = arith.constant 32 : index
      %swap3A_451 = tpu.vector_load %arg8[%swap3A_449, %swap3A_450] {strides = array<i32>} : memref<320x128xf32, #tpu.memory_space<vmem>>, vector<1x16xf32>,
      %swap3A_452 = vector.shape_cast %swap3A_451 : vector<1x16xf32> to vector<16xf32>
      %swap3A_453 = vector.shape_cast %broadcast_in_dim3A_434 : vector<16xf32> to vector<1x16xf32>
      tpu.vector_store %arg8[%swap3A_449, %swap3A_450], %swap3A_453 {strides = array<i32>} : memref<320x128xf32, #tpu.memory_space<vmem>>, vector<1x16xf32>,
      %swap3A_454 = arith.index_cast %add3A_438 : i32 to index
      %swap3A_455 = arith.constant 48 : index
      %swap3A_456 = tpu.vector_load %arg8[%swap3A_454, %swap3A_455] {strides = array<i32>} : memref<320x128xf32, #tpu.memory_space<vmem>>, vector<1x16xf32>,
      %swap3A_457 = vector.shape_cast %swap3A_456 : vector<1x16xf32> to vector<16xf32>
      %swap3A_458 = vector.shape_cast %broadcast_in_dim3A_434 : vector<16xf32> to vector<1x16xf32>
      tpu.vector_store %arg8[%swap3A_454, %swap3A_455], %swap3A_458 {strides = array<i32>} : memref<320x128xf32, #tpu.memory_space<vmem>>, vector<1x16xf32>,
      %slice3A_459 = vector.extract_strided_slice %get3A_55 {offsets = [15], sizes = [1], strides = [1]} : vector<16xf32> to vector<1xf32>
      %squeeze3A_460 = vector.extract %slice3A_459[0] : f32 from vector<1xf32>
      %broadcast_in_dim3A_461 = vector.broadcast %squeeze3A_460 : f32 to vector<16xf32>
      %mul3A_462 = arith.constant 8 : i32
      %mul3A_463 = arith.muli %mul3A_462, %scan3A_51 : i32
      %add3A_464 = arith.constant 7 : i32
      %add3A_465 = arith.addi %mul3A_463, %add3A_464 : i32
      %swap3A_466 = arith.index_cast %add3A_465 : i32 to index
      %swap3A_467 = arith.constant 64 : index
      %swap3A_468 = tpu.vector_load %arg8[%swap3A_466, %swap3A_467] {strides = array<i32>} : memref<320x128xf32, #tpu.memory_space<vmem>>, vector<1x16xf32>,
      %swap3A_469 = vector.shape_cast %swap3A_468 : vector<1x16xf32> to vector<16xf32>
      %swap3A_470 = vector.shape_cast %broadcast_in_dim3A_461 : vector<16xf32> to vector<1x16xf32>
      tpu.vector_store %arg8[%swap3A_466, %swap3A_467], %swap3A_470 {strides = array<i32>} : memref<320x128xf32, #tpu.memory_space<vmem>>, vector<1x16xf32>,
      %swap3A_471 = arith.index_cast %add3A_465 : i32 to index
      %swap3A_472 = arith.constant 80 : index
      %swap3A_473 = tpu.vector_load %arg8[%swap3A_471, %swap3A_472] {strides = array<i32>} : memref<320x128xf32, #tpu.memory_space<vmem>>, vector<1x16xf32>,
      %swap3A_474 = vector.shape_cast %swap3A_473 : vector<1x16xf32> to vector<16xf32>
      %swap3A_475 = vector.shape_cast %broadcast_in_dim3A_461 : vector<16xf32> to vector<1x16xf32>
      tpu.vector_store %arg8[%swap3A_471, %swap3A_472], %swap3A_475 {strides = array<i32>} : memref<320x128xf32, #tpu.memory_space<vmem>>, vector<1x16xf32>,
      %swap3A_476 = arith.index_cast %add3A_465 : i32 to index
      %swap3A_477 = arith.constant 96 : index
      %swap3A_478 = tpu.vector_load %arg8[%swap3A_476, %swap3A_477] {strides = array<i32>} : memref<320x128xf32, #tpu.memory_space<vmem>>, vector<1x16xf32>,
      %swap3A_479 = vector.shape_cast %swap3A_478 : vector<1x16xf32> to vector<16xf32>
      %swap3A_480 = vector.shape_cast %broadcast_in_dim3A_461 : vector<16xf32> to vector<1x16xf32>
      tpu.vector_store %arg8[%swap3A_476, %swap3A_477], %swap3A_480 {strides = array<i32>} : memref<320x128xf32, #tpu.memory_space<vmem>>, vector<1x16xf32>,
      %swap3A_481 = arith.index_cast %add3A_465 : i32 to index
      %swap3A_482 = arith.constant 112 : index
      %swap3A_483 = tpu.vector_load %arg8[%swap3A_481, %swap3A_482] {strides = array<i32>} : memref<320x128xf32, #tpu.memory_space<vmem>>, vector<1x16xf32>,
      %swap3A_484 = vector.shape_cast %swap3A_483 : vector<1x16xf32> to vector<16xf32>
      %swap3A_485 = vector.shape_cast %broadcast_in_dim3A_461 : vector<16xf32> to vector<1x16xf32>
      tpu.vector_store %arg8[%swap3A_481, %swap3A_482], %swap3A_485 {strides = array<i32>} : memref<320x128xf32, #tpu.memory_space<vmem>>, vector<1x16xf32>,
    }
    %scan3A_48 = arith.constant 40 : i32
    %mul3A_49 = arith.constant 320 : i32
    %mul3A_50 = arith.muli %arg1, %mul3A_49 : i32
    "tpu.region"() ({
      %run_scoped3A = tpu.sem_alloc : memref<!tpu.dma_semaphore, #tpu.memory_space<semaphore_mem>>
      %dma_start3A = arith.constant 0 : i32
      %dma_start3A_51 = tpu.memref_slice %arg3[%arg0, %mul3A_50, %dma_start3A] : memref<2x5120x128xf32, #tpu.memory_space<hbm>> -> memref<1x320x128xf32, #tpu.memory_space<hbm>>
      %dma_start3A_52 = tpu.memref_squeeze %dma_start3A_51 : memref<1x320x128xf32, #tpu.memory_space<hbm>> -> memref<320x128xf32, #tpu.memory_space<hbm>>
      %dma_start3A_53 = arith.constant 0 : i32
      %dma_start3A_54 = tpu.memref_slice %arg3[%arg0, %mul3A_50, %dma_start3A_53] : memref<2x5120x128xf32, #tpu.memory_space<hbm>> -> memref<1x320x128xf32, #tpu.memory_space<hbm>>
      %dma_start3A_55 = tpu.memref_squeeze %dma_start3A_54 : memref<1x320x128xf32, #tpu.memory_space<hbm>> -> memref<320x128xf32, #tpu.memory_space<hbm>>
      tpu.enqueue_dma source(%arg8 : memref<320x128xf32, #tpu.memory_space<vmem>>) target(%dma_start3A_55 : memref<320x128xf32, #tpu.memory_space<hbm>>) target_semaphore(%run_scoped3A : memref<!tpu.dma_semaphore, #tpu.memory_space<semaphore_mem>>)
      %dma_wait3A = arith.constant 0 : i32
      %dma_wait3A_56 = tpu.memref_slice %arg3[%arg0, %mul3A_50, %dma_wait3A] : memref<2x5120x128xf32, #tpu.memory_space<hbm>> -> memref<1x320x128xf32, #tpu.memory_space<hbm>>
      %dma_wait3A_57 = tpu.memref_squeeze %dma_wait3A_56 : memref<1x320x128xf32, #tpu.memory_space<hbm>> -> memref<320x128xf32, #tpu.memory_space<hbm>>
      %dma_wait3A_58 = arith.constant 0 : i32
      %dma_wait3A_59 = tpu.memref_slice %arg3[%arg0, %mul3A_50, %dma_wait3A_58] : memref<2x5120x128xf32, #tpu.memory_space<hbm>> -> memref<1x320x128xf32, #tpu.memory_space<hbm>>
      %dma_wait3A_60 = tpu.memref_squeeze %dma_wait3A_59 : memref<1x320x128xf32, #tpu.memory_space<hbm>> -> memref<320x128xf32, #tpu.memory_space<hbm>>
      tpu.wait_dma2 semaphore(%run_scoped3A : memref<!tpu.dma_semaphore, #tpu.memory_space<semaphore_mem>>) src(%arg8 : memref<320x128xf32, #tpu.memory_space<vmem>>) dst(%dma_wait3A_60 : memref<320x128xf32, #tpu.memory_space<hbm>>)
      tpu.yield
    }) : () -> ()
    return
  }
}

#map = affine_map<(d0, d1) -> (0, 0, 0)>
#map1 = affine_map<(d0, d1) -> (0, 0)>
module attributes {stable_mosaic.version = 14 : i64} {
  func.func @_prop_body(%arg0: i32, %arg1: i32, %arg2: memref<32x125x80xi32, #tpu.memory_space<hbm>>, %arg3: memref<32x125x80xi32, #tpu.memory_space<hbm>>, %arg4: memref<10000x64xf32, #tpu.memory_space<hbm>>, %arg5: memref<2x10240x64xf32, #tpu.memory_space<hbm>>, %arg6: memref<125x80xi32, #tpu.memory_space<vmem>>, %arg7: memref<125x80xi32, #tpu.memory_space<vmem>>, %arg8: memref<80x64xf32, #tpu.memory_space<vmem>>, %arg9: memref<80x64xf32, #tpu.memory_space<vmem>>, %arg10: memref<80x64xf32, #tpu.memory_space<vmem>>, %arg11: memref<80x64xf32, #tpu.memory_space<vmem>>, %arg12: memref<80x64xf32, #tpu.memory_space<vmem>>, %arg13: memref<80x64xf32, #tpu.memory_space<vmem>>, %arg14: memref<80x64xf32, #tpu.memory_space<vmem>>, %arg15: memref<80x64xf32, #tpu.memory_space<vmem>>, %arg16: memref<80x64xf32, #tpu.memory_space<vmem>>, %arg17: memref<80x64xf32, #tpu.memory_space<vmem>>, %arg18: memref<80x64xf32, #tpu.memory_space<vmem>>, %arg19: memref<80x64xf32, #tpu.memory_space<vmem>>, %arg20: memref<128x64xf32, #tpu.memory_space<vmem>>, %arg21: memref<10240x64xf32, #tpu.memory_space<vmem_shared>>, %arg22: memref<6x!tpu.dma_semaphore, #tpu.memory_space<semaphore_mem>>, %arg23: memref<6x!tpu.dma_semaphore, #tpu.memory_space<semaphore_mem>>, %arg24: memref<6x!tpu.dma_semaphore, #tpu.memory_space<semaphore_mem>>, %arg25: memref<6x!tpu.dma_semaphore, #tpu.memory_space<semaphore_mem>>) attributes {dimension_semantics = [#tpu.dimension_semantics<core_parallel>, #tpu.dimension_semantics<subcore_parallel>], iteration_bounds = array<i64: 2, 16>, scalar_prefetch = 0 : i64, scratch_operands = 20 : i64, tpu.core_type = #tpu.core_type<sc_vector_subcore>, window_params = [{transform_indices = #map}, {transform_indices = #map}, {transform_indices = #map1}, {transform_indices = #map}]} {
    %mul3A = arith.constant 2 : i32
    %mul3A_0 = arith.muli %arg1, %mul3A : i32
    %add3A = arith.addi %mul3A_0, %arg0 : i32
    "tpu.region"() ({
      %run_scoped3A = tpu.sem_alloc : memref<!tpu.dma_semaphore, #tpu.memory_space<semaphore_mem>>
      %dma_start3A_95 = arith.constant 0 : i32
      %dma_start3A_96 = arith.constant 0 : i32
      %dma_start3A_97 = tpu.memref_slice %arg2[%add3A, %dma_start3A_95, %dma_start3A_96] : memref<32x125x80xi32, #tpu.memory_space<hbm>> -> memref<1x125x80xi32, #tpu.memory_space<hbm>>
      %dma_start3A_98 = tpu.memref_squeeze %dma_start3A_97 : memref<1x125x80xi32, #tpu.memory_space<hbm>> -> memref<125x80xi32, #tpu.memory_space<hbm>>
      %dma_start3A_99 = arith.constant 0 : i32
      %dma_start3A_100 = arith.constant 0 : i32
      %dma_start3A_101 = tpu.memref_slice %arg2[%add3A, %dma_start3A_99, %dma_start3A_100] : memref<32x125x80xi32, #tpu.memory_space<hbm>> -> memref<1x125x80xi32, #tpu.memory_space<hbm>>
      %dma_start3A_102 = tpu.memref_squeeze %dma_start3A_101 : memref<1x125x80xi32, #tpu.memory_space<hbm>> -> memref<125x80xi32, #tpu.memory_space<hbm>>
      tpu.enqueue_dma source(%dma_start3A_102 : memref<125x80xi32, #tpu.memory_space<hbm>>) target(%arg6 : memref<125x80xi32, #tpu.memory_space<vmem>>) target_semaphore(%run_scoped3A : memref<!tpu.dma_semaphore, #tpu.memory_space<semaphore_mem>>)
      %dma_wait3A = arith.constant 0 : i32
      %dma_wait3A_103 = arith.constant 0 : i32
      %dma_wait3A_104 = tpu.memref_slice %arg2[%add3A, %dma_wait3A, %dma_wait3A_103] : memref<32x125x80xi32, #tpu.memory_space<hbm>> -> memref<1x125x80xi32, #tpu.memory_space<hbm>>
      %dma_wait3A_105 = tpu.memref_squeeze %dma_wait3A_104 : memref<1x125x80xi32, #tpu.memory_space<hbm>> -> memref<125x80xi32, #tpu.memory_space<hbm>>
      %dma_wait3A_106 = arith.constant 0 : i32
      %dma_wait3A_107 = arith.constant 0 : i32
      %dma_wait3A_108 = tpu.memref_slice %arg2[%add3A, %dma_wait3A_106, %dma_wait3A_107] : memref<32x125x80xi32, #tpu.memory_space<hbm>> -> memref<1x125x80xi32, #tpu.memory_space<hbm>>
      %dma_wait3A_109 = tpu.memref_squeeze %dma_wait3A_108 : memref<1x125x80xi32, #tpu.memory_space<hbm>> -> memref<125x80xi32, #tpu.memory_space<hbm>>
      tpu.wait_dma2 semaphore(%run_scoped3A : memref<!tpu.dma_semaphore, #tpu.memory_space<semaphore_mem>>) src(%dma_wait3A_109 : memref<125x80xi32, #tpu.memory_space<hbm>>) dst(%arg6 : memref<125x80xi32, #tpu.memory_space<vmem>>)
      tpu.yield
    }) : () -> ()
    "tpu.region"() ({
      %run_scoped3A = tpu.sem_alloc : memref<!tpu.dma_semaphore, #tpu.memory_space<semaphore_mem>>
      %dma_start3A_95 = arith.constant 0 : i32
      %dma_start3A_96 = arith.constant 0 : i32
      %dma_start3A_97 = tpu.memref_slice %arg3[%add3A, %dma_start3A_95, %dma_start3A_96] : memref<32x125x80xi32, #tpu.memory_space<hbm>> -> memref<1x125x80xi32, #tpu.memory_space<hbm>>
      %dma_start3A_98 = tpu.memref_squeeze %dma_start3A_97 : memref<1x125x80xi32, #tpu.memory_space<hbm>> -> memref<125x80xi32, #tpu.memory_space<hbm>>
      %dma_start3A_99 = arith.constant 0 : i32
      %dma_start3A_100 = arith.constant 0 : i32
      %dma_start3A_101 = tpu.memref_slice %arg3[%add3A, %dma_start3A_99, %dma_start3A_100] : memref<32x125x80xi32, #tpu.memory_space<hbm>> -> memref<1x125x80xi32, #tpu.memory_space<hbm>>
      %dma_start3A_102 = tpu.memref_squeeze %dma_start3A_101 : memref<1x125x80xi32, #tpu.memory_space<hbm>> -> memref<125x80xi32, #tpu.memory_space<hbm>>
      tpu.enqueue_dma source(%dma_start3A_102 : memref<125x80xi32, #tpu.memory_space<hbm>>) target(%arg7 : memref<125x80xi32, #tpu.memory_space<vmem>>) target_semaphore(%run_scoped3A : memref<!tpu.dma_semaphore, #tpu.memory_space<semaphore_mem>>)
      %dma_wait3A = arith.constant 0 : i32
      %dma_wait3A_103 = arith.constant 0 : i32
      %dma_wait3A_104 = tpu.memref_slice %arg3[%add3A, %dma_wait3A, %dma_wait3A_103] : memref<32x125x80xi32, #tpu.memory_space<hbm>> -> memref<1x125x80xi32, #tpu.memory_space<hbm>>
      %dma_wait3A_105 = tpu.memref_squeeze %dma_wait3A_104 : memref<1x125x80xi32, #tpu.memory_space<hbm>> -> memref<125x80xi32, #tpu.memory_space<hbm>>
      %dma_wait3A_106 = arith.constant 0 : i32
      %dma_wait3A_107 = arith.constant 0 : i32
      %dma_wait3A_108 = tpu.memref_slice %arg3[%add3A, %dma_wait3A_106, %dma_wait3A_107] : memref<32x125x80xi32, #tpu.memory_space<hbm>> -> memref<1x125x80xi32, #tpu.memory_space<hbm>>
      %dma_wait3A_109 = tpu.memref_squeeze %dma_wait3A_108 : memref<1x125x80xi32, #tpu.memory_space<hbm>> -> memref<125x80xi32, #tpu.memory_space<hbm>>
      tpu.wait_dma2 semaphore(%run_scoped3A : memref<!tpu.dma_semaphore, #tpu.memory_space<semaphore_mem>>) src(%dma_wait3A_109 : memref<125x80xi32, #tpu.memory_space<hbm>>) dst(%arg7 : memref<125x80xi32, #tpu.memory_space<vmem>>)
      tpu.yield
    }) : () -> ()
    %dma_start3A = arith.constant 0 : i32
    %dma_start3A_1 = arith.constant 0 : i32
    %dma_start3A_2 = arith.constant 0 : i32
    %dma_start3A_3 = tpu.memref_slice %arg6[%dma_start3A, %dma_start3A_2] : memref<125x80xi32, #tpu.memory_space<vmem>> -> memref<1x80xi32, #tpu.memory_space<vmem>>
    %dma_start3A_4 = tpu.memref_squeeze %dma_start3A_3 : memref<1x80xi32, #tpu.memory_space<vmem>> -> memref<80xi32, #tpu.memory_space<vmem>>
    %dma_start3A_5 = arith.constant 0 : i32
    %dma_start3A_6 = arith.constant 0 : i32
    %dma_start3A_7 = tpu.memref_slice %arg4[%dma_start3A_5, %dma_start3A_6] : memref<10000x64xf32, #tpu.memory_space<hbm>> -> memref<10000x64xf32, #tpu.memory_space<hbm>>
    %dma_start3A_8 = tpu.memref_slice %arg22[%dma_start3A_1] : memref<6x!tpu.dma_semaphore, #tpu.memory_space<semaphore_mem>> -> memref<1x!tpu.dma_semaphore, #tpu.memory_space<semaphore_mem>>
    %dma_start3A_9 = tpu.memref_squeeze %dma_start3A_8 : memref<1x!tpu.dma_semaphore, #tpu.memory_space<semaphore_mem>> -> memref<!tpu.dma_semaphore, #tpu.memory_space<semaphore_mem>>
    tpu.enqueue_indirect_dma source(%dma_start3A_7 : memref<10000x64xf32, #tpu.memory_space<hbm>>) target(%arg8 : memref<80x64xf32, #tpu.memory_space<vmem>>) offsets(%dma_start3A_4 : memref<80xi32, #tpu.memory_space<vmem>>) semaphore(%dma_start3A_9 : memref<!tpu.dma_semaphore, #tpu.memory_space<semaphore_mem>>)
    %dma_start3A_10 = arith.constant 1 : i32
    %dma_start3A_11 = arith.constant 1 : i32
    %dma_start3A_12 = arith.constant 0 : i32
    %dma_start3A_13 = tpu.memref_slice %arg6[%dma_start3A_10, %dma_start3A_12] : memref<125x80xi32, #tpu.memory_space<vmem>> -> memref<1x80xi32, #tpu.memory_space<vmem>>
    %dma_start3A_14 = tpu.memref_squeeze %dma_start3A_13 : memref<1x80xi32, #tpu.memory_space<vmem>> -> memref<80xi32, #tpu.memory_space<vmem>>
    %dma_start3A_15 = arith.constant 0 : i32
    %dma_start3A_16 = arith.constant 0 : i32
    %dma_start3A_17 = tpu.memref_slice %arg4[%dma_start3A_15, %dma_start3A_16] : memref<10000x64xf32, #tpu.memory_space<hbm>> -> memref<10000x64xf32, #tpu.memory_space<hbm>>
    %dma_start3A_18 = tpu.memref_slice %arg22[%dma_start3A_11] : memref<6x!tpu.dma_semaphore, #tpu.memory_space<semaphore_mem>> -> memref<1x!tpu.dma_semaphore, #tpu.memory_space<semaphore_mem>>
    %dma_start3A_19 = tpu.memref_squeeze %dma_start3A_18 : memref<1x!tpu.dma_semaphore, #tpu.memory_space<semaphore_mem>> -> memref<!tpu.dma_semaphore, #tpu.memory_space<semaphore_mem>>
    tpu.enqueue_indirect_dma source(%dma_start3A_17 : memref<10000x64xf32, #tpu.memory_space<hbm>>) target(%arg9 : memref<80x64xf32, #tpu.memory_space<vmem>>) offsets(%dma_start3A_14 : memref<80xi32, #tpu.memory_space<vmem>>) semaphore(%dma_start3A_19 : memref<!tpu.dma_semaphore, #tpu.memory_space<semaphore_mem>>)
    %dma_start3A_20 = arith.constant 2 : i32
    %dma_start3A_21 = arith.constant 2 : i32
    %dma_start3A_22 = arith.constant 0 : i32
    %dma_start3A_23 = tpu.memref_slice %arg6[%dma_start3A_20, %dma_start3A_22] : memref<125x80xi32, #tpu.memory_space<vmem>> -> memref<1x80xi32, #tpu.memory_space<vmem>>
    %dma_start3A_24 = tpu.memref_squeeze %dma_start3A_23 : memref<1x80xi32, #tpu.memory_space<vmem>> -> memref<80xi32, #tpu.memory_space<vmem>>
    %dma_start3A_25 = arith.constant 0 : i32
    %dma_start3A_26 = arith.constant 0 : i32
    %dma_start3A_27 = tpu.memref_slice %arg4[%dma_start3A_25, %dma_start3A_26] : memref<10000x64xf32, #tpu.memory_space<hbm>> -> memref<10000x64xf32, #tpu.memory_space<hbm>>
    %dma_start3A_28 = tpu.memref_slice %arg22[%dma_start3A_21] : memref<6x!tpu.dma_semaphore, #tpu.memory_space<semaphore_mem>> -> memref<1x!tpu.dma_semaphore, #tpu.memory_space<semaphore_mem>>
    %dma_start3A_29 = tpu.memref_squeeze %dma_start3A_28 : memref<1x!tpu.dma_semaphore, #tpu.memory_space<semaphore_mem>> -> memref<!tpu.dma_semaphore, #tpu.memory_space<semaphore_mem>>
    tpu.enqueue_indirect_dma source(%dma_start3A_27 : memref<10000x64xf32, #tpu.memory_space<hbm>>) target(%arg10 : memref<80x64xf32, #tpu.memory_space<vmem>>) offsets(%dma_start3A_24 : memref<80xi32, #tpu.memory_space<vmem>>) semaphore(%dma_start3A_29 : memref<!tpu.dma_semaphore, #tpu.memory_space<semaphore_mem>>)
    %dma_start3A_30 = arith.constant 3 : i32
    %dma_start3A_31 = arith.constant 3 : i32
    %dma_start3A_32 = arith.constant 0 : i32
    %dma_start3A_33 = tpu.memref_slice %arg6[%dma_start3A_30, %dma_start3A_32] : memref<125x80xi32, #tpu.memory_space<vmem>> -> memref<1x80xi32, #tpu.memory_space<vmem>>
    %dma_start3A_34 = tpu.memref_squeeze %dma_start3A_33 : memref<1x80xi32, #tpu.memory_space<vmem>> -> memref<80xi32, #tpu.memory_space<vmem>>
    %dma_start3A_35 = arith.constant 0 : i32
    %dma_start3A_36 = arith.constant 0 : i32
    %dma_start3A_37 = tpu.memref_slice %arg4[%dma_start3A_35, %dma_start3A_36] : memref<10000x64xf32, #tpu.memory_space<hbm>> -> memref<10000x64xf32, #tpu.memory_space<hbm>>
    %dma_start3A_38 = tpu.memref_slice %arg22[%dma_start3A_31] : memref<6x!tpu.dma_semaphore, #tpu.memory_space<semaphore_mem>> -> memref<1x!tpu.dma_semaphore, #tpu.memory_space<semaphore_mem>>
    %dma_start3A_39 = tpu.memref_squeeze %dma_start3A_38 : memref<1x!tpu.dma_semaphore, #tpu.memory_space<semaphore_mem>> -> memref<!tpu.dma_semaphore, #tpu.memory_space<semaphore_mem>>
    tpu.enqueue_indirect_dma source(%dma_start3A_37 : memref<10000x64xf32, #tpu.memory_space<hbm>>) target(%arg11 : memref<80x64xf32, #tpu.memory_space<vmem>>) offsets(%dma_start3A_34 : memref<80xi32, #tpu.memory_space<vmem>>) semaphore(%dma_start3A_39 : memref<!tpu.dma_semaphore, #tpu.memory_space<semaphore_mem>>)
    %dma_start3A_40 = arith.constant 4 : i32
    %dma_start3A_41 = arith.constant 4 : i32
    %dma_start3A_42 = arith.constant 0 : i32
    %dma_start3A_43 = tpu.memref_slice %arg6[%dma_start3A_40, %dma_start3A_42] : memref<125x80xi32, #tpu.memory_space<vmem>> -> memref<1x80xi32, #tpu.memory_space<vmem>>
    %dma_start3A_44 = tpu.memref_squeeze %dma_start3A_43 : memref<1x80xi32, #tpu.memory_space<vmem>> -> memref<80xi32, #tpu.memory_space<vmem>>
    %dma_start3A_45 = arith.constant 0 : i32
    %dma_start3A_46 = arith.constant 0 : i32
    %dma_start3A_47 = tpu.memref_slice %arg4[%dma_start3A_45, %dma_start3A_46] : memref<10000x64xf32, #tpu.memory_space<hbm>> -> memref<10000x64xf32, #tpu.memory_space<hbm>>
    %dma_start3A_48 = tpu.memref_slice %arg22[%dma_start3A_41] : memref<6x!tpu.dma_semaphore, #tpu.memory_space<semaphore_mem>> -> memref<1x!tpu.dma_semaphore, #tpu.memory_space<semaphore_mem>>
    %dma_start3A_49 = tpu.memref_squeeze %dma_start3A_48 : memref<1x!tpu.dma_semaphore, #tpu.memory_space<semaphore_mem>> -> memref<!tpu.dma_semaphore, #tpu.memory_space<semaphore_mem>>
    tpu.enqueue_indirect_dma source(%dma_start3A_47 : memref<10000x64xf32, #tpu.memory_space<hbm>>) target(%arg12 : memref<80x64xf32, #tpu.memory_space<vmem>>) offsets(%dma_start3A_44 : memref<80xi32, #tpu.memory_space<vmem>>) semaphore(%dma_start3A_49 : memref<!tpu.dma_semaphore, #tpu.memory_space<semaphore_mem>>)
    %dma_start3A_50 = arith.constant 5 : i32
    %dma_start3A_51 = arith.constant 5 : i32
    %dma_start3A_52 = arith.constant 0 : i32
    %dma_start3A_53 = tpu.memref_slice %arg6[%dma_start3A_50, %dma_start3A_52] : memref<125x80xi32, #tpu.memory_space<vmem>> -> memref<1x80xi32, #tpu.memory_space<vmem>>
    %dma_start3A_54 = tpu.memref_squeeze %dma_start3A_53 : memref<1x80xi32, #tpu.memory_space<vmem>> -> memref<80xi32, #tpu.memory_space<vmem>>
    %dma_start3A_55 = arith.constant 0 : i32
    %dma_start3A_56 = arith.constant 0 : i32
    %dma_start3A_57 = tpu.memref_slice %arg4[%dma_start3A_55, %dma_start3A_56] : memref<10000x64xf32, #tpu.memory_space<hbm>> -> memref<10000x64xf32, #tpu.memory_space<hbm>>
    %dma_start3A_58 = tpu.memref_slice %arg22[%dma_start3A_51] : memref<6x!tpu.dma_semaphore, #tpu.memory_space<semaphore_mem>> -> memref<1x!tpu.dma_semaphore, #tpu.memory_space<semaphore_mem>>
    %dma_start3A_59 = tpu.memref_squeeze %dma_start3A_58 : memref<1x!tpu.dma_semaphore, #tpu.memory_space<semaphore_mem>> -> memref<!tpu.dma_semaphore, #tpu.memory_space<semaphore_mem>>
    tpu.enqueue_indirect_dma source(%dma_start3A_57 : memref<10000x64xf32, #tpu.memory_space<hbm>>) target(%arg13 : memref<80x64xf32, #tpu.memory_space<vmem>>) offsets(%dma_start3A_54 : memref<80xi32, #tpu.memory_space<vmem>>) semaphore(%dma_start3A_59 : memref<!tpu.dma_semaphore, #tpu.memory_space<semaphore_mem>>)
    %broadcast_in_dim3A = arith.constant 0.000000e+00 : f32
    %broadcast_in_dim3A_60 = vector.broadcast %broadcast_in_dim3A : f32 to vector<16xf32>
    %scan3A = arith.constant 0 : i32
    %scan3A_61 = arith.constant 0 : i32
    %scan3A_62 = arith.constant 128 : i32
    %scan3A_63 = arith.addi %scan3A_61, %scan3A_62 : i32
    %scan3A_64 = arith.constant 1 : i32
    scf.for %scan3A_95 = %scan3A_61 to %scan3A_63 step %scan3A_64  : i32 {
      %swap3A = arith.index_cast %scan3A_95 : i32 to index
      %swap3A_96 = arith.constant 0 : index
      %swap3A_97 = tpu.vector_load %arg20[%swap3A, %swap3A_96] {strides = array<i32>} : memref<128x64xf32, #tpu.memory_space<vmem>>, vector<1x16xf32>,
      %swap3A_98 = vector.shape_cast %swap3A_97 : vector<1x16xf32> to vector<16xf32>
      %swap3A_99 = vector.shape_cast %broadcast_in_dim3A_60 : vector<16xf32> to vector<1x16xf32>
      tpu.vector_store %arg20[%swap3A, %swap3A_96], %swap3A_99 {strides = array<i32>} : memref<128x64xf32, #tpu.memory_space<vmem>>, vector<1x16xf32>,
      %swap3A_100 = arith.index_cast %scan3A_95 : i32 to index
      %swap3A_101 = arith.constant 16 : index
      %swap3A_102 = tpu.vector_load %arg20[%swap3A_100, %swap3A_101] {strides = array<i32>} : memref<128x64xf32, #tpu.memory_space<vmem>>, vector<1x16xf32>,
      %swap3A_103 = vector.shape_cast %swap3A_102 : vector<1x16xf32> to vector<16xf32>
      %swap3A_104 = vector.shape_cast %broadcast_in_dim3A_60 : vector<16xf32> to vector<1x16xf32>
      tpu.vector_store %arg20[%swap3A_100, %swap3A_101], %swap3A_104 {strides = array<i32>} : memref<128x64xf32, #tpu.memory_space<vmem>>, vector<1x16xf32>,
      %swap3A_105 = arith.index_cast %scan3A_95 : i32 to index
      %swap3A_106 = arith.constant 32 : index
      %swap3A_107 = tpu.vector_load %arg20[%swap3A_105, %swap3A_106] {strides = array<i32>} : memref<128x64xf32, #tpu.memory_space<vmem>>, vector<1x16xf32>,
      %swap3A_108 = vector.shape_cast %swap3A_107 : vector<1x16xf32> to vector<16xf32>
      %swap3A_109 = vector.shape_cast %broadcast_in_dim3A_60 : vector<16xf32> to vector<1x16xf32>
      tpu.vector_store %arg20[%swap3A_105, %swap3A_106], %swap3A_109 {strides = array<i32>} : memref<128x64xf32, #tpu.memory_space<vmem>>, vector<1x16xf32>,
      %swap3A_110 = arith.index_cast %scan3A_95 : i32 to index
      %swap3A_111 = arith.constant 48 : index
      %swap3A_112 = tpu.vector_load %arg20[%swap3A_110, %swap3A_111] {strides = array<i32>} : memref<128x64xf32, #tpu.memory_space<vmem>>, vector<1x16xf32>,
      %swap3A_113 = vector.shape_cast %swap3A_112 : vector<1x16xf32> to vector<16xf32>
      %swap3A_114 = vector.shape_cast %broadcast_in_dim3A_60 : vector<16xf32> to vector<1x16xf32>
      tpu.vector_store %arg20[%swap3A_110, %swap3A_111], %swap3A_114 {strides = array<i32>} : memref<128x64xf32, #tpu.memory_space<vmem>>, vector<1x16xf32>,
    }
    %scan3A_65 = arith.constant 128 : i32
    %mul3A_66 = arith.constant 640 : i32
    %mul3A_67 = arith.muli %arg1, %mul3A_66 : i32
    %add3A_68 = arith.constant 0 : i32
    %add3A_69 = arith.addi %mul3A_67, %add3A_68 : i32
    "tpu.region"() ({
      %run_scoped3A = tpu.sem_alloc : memref<!tpu.dma_semaphore, #tpu.memory_space<semaphore_mem>>
      %dma_start3A_95 = arith.constant 0 : i32
      %dma_start3A_96 = tpu.memref_slice %arg21[%add3A_69, %dma_start3A_95] : memref<10240x64xf32, #tpu.memory_space<vmem_shared>> -> memref<128x64xf32, #tpu.memory_space<vmem_shared>>
      %dma_start3A_97 = arith.constant 0 : i32
      %dma_start3A_98 = tpu.memref_slice %arg21[%add3A_69, %dma_start3A_97] : memref<10240x64xf32, #tpu.memory_space<vmem_shared>> -> memref<128x64xf32, #tpu.memory_space<vmem_shared>>
      tpu.enqueue_dma source(%arg20 : memref<128x64xf32, #tpu.memory_space<vmem>>) target(%dma_start3A_98 : memref<128x64xf32, #tpu.memory_space<vmem_shared>>) target_semaphore(%run_scoped3A : memref<!tpu.dma_semaphore, #tpu.memory_space<semaphore_mem>>)
      %dma_wait3A = arith.constant 0 : i32
      %dma_wait3A_99 = tpu.memref_slice %arg21[%add3A_69, %dma_wait3A] : memref<10240x64xf32, #tpu.memory_space<vmem_shared>> -> memref<128x64xf32, #tpu.memory_space<vmem_shared>>
      %dma_wait3A_100 = arith.constant 0 : i32
      %dma_wait3A_101 = tpu.memref_slice %arg21[%add3A_69, %dma_wait3A_100] : memref<10240x64xf32, #tpu.memory_space<vmem_shared>> -> memref<128x64xf32, #tpu.memory_space<vmem_shared>>
      tpu.wait_dma2 semaphore(%run_scoped3A : memref<!tpu.dma_semaphore, #tpu.memory_space<semaphore_mem>>) src(%arg20 : memref<128x64xf32, #tpu.memory_space<vmem>>) dst(%dma_wait3A_101 : memref<128x64xf32, #tpu.memory_space<vmem_shared>>)
      tpu.yield
    }) : () -> ()
    %add3A_70 = arith.constant 128 : i32
    %add3A_71 = arith.addi %mul3A_67, %add3A_70 : i32
    "tpu.region"() ({
      %run_scoped3A = tpu.sem_alloc : memref<!tpu.dma_semaphore, #tpu.memory_space<semaphore_mem>>
      %dma_start3A_95 = arith.constant 0 : i32
      %dma_start3A_96 = tpu.memref_slice %arg21[%add3A_71, %dma_start3A_95] : memref<10240x64xf32, #tpu.memory_space<vmem_shared>> -> memref<128x64xf32, #tpu.memory_space<vmem_shared>>
      %dma_start3A_97 = arith.constant 0 : i32
      %dma_start3A_98 = tpu.memref_slice %arg21[%add3A_71, %dma_start3A_97] : memref<10240x64xf32, #tpu.memory_space<vmem_shared>> -> memref<128x64xf32, #tpu.memory_space<vmem_shared>>
      tpu.enqueue_dma source(%arg20 : memref<128x64xf32, #tpu.memory_space<vmem>>) target(%dma_start3A_98 : memref<128x64xf32, #tpu.memory_space<vmem_shared>>) target_semaphore(%run_scoped3A : memref<!tpu.dma_semaphore, #tpu.memory_space<semaphore_mem>>)
      %dma_wait3A = arith.constant 0 : i32
      %dma_wait3A_99 = tpu.memref_slice %arg21[%add3A_71, %dma_wait3A] : memref<10240x64xf32, #tpu.memory_space<vmem_shared>> -> memref<128x64xf32, #tpu.memory_space<vmem_shared>>
      %dma_wait3A_100 = arith.constant 0 : i32
      %dma_wait3A_101 = tpu.memref_slice %arg21[%add3A_71, %dma_wait3A_100] : memref<10240x64xf32, #tpu.memory_space<vmem_shared>> -> memref<128x64xf32, #tpu.memory_space<vmem_shared>>
      tpu.wait_dma2 semaphore(%run_scoped3A : memref<!tpu.dma_semaphore, #tpu.memory_space<semaphore_mem>>) src(%arg20 : memref<128x64xf32, #tpu.memory_space<vmem>>) dst(%dma_wait3A_101 : memref<128x64xf32, #tpu.memory_space<vmem_shared>>)
      tpu.yield
    }) : () -> ()
    %add3A_72 = arith.constant 256 : i32
    %add3A_73 = arith.addi %mul3A_67, %add3A_72 : i32
    "tpu.region"() ({
      %run_scoped3A = tpu.sem_alloc : memref<!tpu.dma_semaphore, #tpu.memory_space<semaphore_mem>>
      %dma_start3A_95 = arith.constant 0 : i32
      %dma_start3A_96 = tpu.memref_slice %arg21[%add3A_73, %dma_start3A_95] : memref<10240x64xf32, #tpu.memory_space<vmem_shared>> -> memref<128x64xf32, #tpu.memory_space<vmem_shared>>
      %dma_start3A_97 = arith.constant 0 : i32
      %dma_start3A_98 = tpu.memref_slice %arg21[%add3A_73, %dma_start3A_97] : memref<10240x64xf32, #tpu.memory_space<vmem_shared>> -> memref<128x64xf32, #tpu.memory_space<vmem_shared>>
      tpu.enqueue_dma source(%arg20 : memref<128x64xf32, #tpu.memory_space<vmem>>) target(%dma_start3A_98 : memref<128x64xf32, #tpu.memory_space<vmem_shared>>) target_semaphore(%run_scoped3A : memref<!tpu.dma_semaphore, #tpu.memory_space<semaphore_mem>>)
      %dma_wait3A = arith.constant 0 : i32
      %dma_wait3A_99 = tpu.memref_slice %arg21[%add3A_73, %dma_wait3A] : memref<10240x64xf32, #tpu.memory_space<vmem_shared>> -> memref<128x64xf32, #tpu.memory_space<vmem_shared>>
      %dma_wait3A_100 = arith.constant 0 : i32
      %dma_wait3A_101 = tpu.memref_slice %arg21[%add3A_73, %dma_wait3A_100] : memref<10240x64xf32, #tpu.memory_space<vmem_shared>> -> memref<128x64xf32, #tpu.memory_space<vmem_shared>>
      tpu.wait_dma2 semaphore(%run_scoped3A : memref<!tpu.dma_semaphore, #tpu.memory_space<semaphore_mem>>) src(%arg20 : memref<128x64xf32, #tpu.memory_space<vmem>>) dst(%dma_wait3A_101 : memref<128x64xf32, #tpu.memory_space<vmem_shared>>)
      tpu.yield
    }) : () -> ()
    %add3A_74 = arith.constant 384 : i32
    %add3A_75 = arith.addi %mul3A_67, %add3A_74 : i32
    "tpu.region"() ({
      %run_scoped3A = tpu.sem_alloc : memref<!tpu.dma_semaphore, #tpu.memory_space<semaphore_mem>>
      %dma_start3A_95 = arith.constant 0 : i32
      %dma_start3A_96 = tpu.memref_slice %arg21[%add3A_75, %dma_start3A_95] : memref<10240x64xf32, #tpu.memory_space<vmem_shared>> -> memref<128x64xf32, #tpu.memory_space<vmem_shared>>
      %dma_start3A_97 = arith.constant 0 : i32
      %dma_start3A_98 = tpu.memref_slice %arg21[%add3A_75, %dma_start3A_97] : memref<10240x64xf32, #tpu.memory_space<vmem_shared>> -> memref<128x64xf32, #tpu.memory_space<vmem_shared>>
      tpu.enqueue_dma source(%arg20 : memref<128x64xf32, #tpu.memory_space<vmem>>) target(%dma_start3A_98 : memref<128x64xf32, #tpu.memory_space<vmem_shared>>) target_semaphore(%run_scoped3A : memref<!tpu.dma_semaphore, #tpu.memory_space<semaphore_mem>>)
      %dma_wait3A = arith.constant 0 : i32
      %dma_wait3A_99 = tpu.memref_slice %arg21[%add3A_75, %dma_wait3A] : memref<10240x64xf32, #tpu.memory_space<vmem_shared>> -> memref<128x64xf32, #tpu.memory_space<vmem_shared>>
      %dma_wait3A_100 = arith.constant 0 : i32
      %dma_wait3A_101 = tpu.memref_slice %arg21[%add3A_75, %dma_wait3A_100] : memref<10240x64xf32, #tpu.memory_space<vmem_shared>> -> memref<128x64xf32, #tpu.memory_space<vmem_shared>>
      tpu.wait_dma2 semaphore(%run_scoped3A : memref<!tpu.dma_semaphore, #tpu.memory_space<semaphore_mem>>) src(%arg20 : memref<128x64xf32, #tpu.memory_space<vmem>>) dst(%dma_wait3A_101 : memref<128x64xf32, #tpu.memory_space<vmem_shared>>)
      tpu.yield
    }) : () -> ()
    %add3A_76 = arith.constant 512 : i32
    %add3A_77 = arith.addi %mul3A_67, %add3A_76 : i32
    "tpu.region"() ({
      %run_scoped3A = tpu.sem_alloc : memref<!tpu.dma_semaphore, #tpu.memory_space<semaphore_mem>>
      %dma_start3A_95 = arith.constant 0 : i32
      %dma_start3A_96 = tpu.memref_slice %arg21[%add3A_77, %dma_start3A_95] : memref<10240x64xf32, #tpu.memory_space<vmem_shared>> -> memref<128x64xf32, #tpu.memory_space<vmem_shared>>
      %dma_start3A_97 = arith.constant 0 : i32
      %dma_start3A_98 = tpu.memref_slice %arg21[%add3A_77, %dma_start3A_97] : memref<10240x64xf32, #tpu.memory_space<vmem_shared>> -> memref<128x64xf32, #tpu.memory_space<vmem_shared>>
      tpu.enqueue_dma source(%arg20 : memref<128x64xf32, #tpu.memory_space<vmem>>) target(%dma_start3A_98 : memref<128x64xf32, #tpu.memory_space<vmem_shared>>) target_semaphore(%run_scoped3A : memref<!tpu.dma_semaphore, #tpu.memory_space<semaphore_mem>>)
      %dma_wait3A = arith.constant 0 : i32
      %dma_wait3A_99 = tpu.memref_slice %arg21[%add3A_77, %dma_wait3A] : memref<10240x64xf32, #tpu.memory_space<vmem_shared>> -> memref<128x64xf32, #tpu.memory_space<vmem_shared>>
      %dma_wait3A_100 = arith.constant 0 : i32
      %dma_wait3A_101 = tpu.memref_slice %arg21[%add3A_77, %dma_wait3A_100] : memref<10240x64xf32, #tpu.memory_space<vmem_shared>> -> memref<128x64xf32, #tpu.memory_space<vmem_shared>>
      tpu.wait_dma2 semaphore(%run_scoped3A : memref<!tpu.dma_semaphore, #tpu.memory_space<semaphore_mem>>) src(%arg20 : memref<128x64xf32, #tpu.memory_space<vmem>>) dst(%dma_wait3A_101 : memref<128x64xf32, #tpu.memory_space<vmem_shared>>)
      tpu.yield
    }) : () -> ()
    %barrier3A = arith.constant 0 : index
    tpu.barrier barrier_id(%barrier3A)
    %scan3A_78 = arith.constant 0 : i32
    %scan3A_79 = arith.constant 0 : i32
    %scan3A_80 = arith.constant 11 : i32
    %scan3A_81 = arith.addi %scan3A_79, %scan3A_80 : i32
    %scan3A_82 = arith.constant 1 : i32
    scf.for %scan3A_95 = %scan3A_79 to %scan3A_81 step %scan3A_82  : i32 {
      %mul3A_96 = arith.constant 2 : i32
      %mul3A_97 = arith.muli %scan3A_95, %mul3A_96 : i32
      %mul3A_98 = arith.constant 6 : i32
      %mul3A_99 = arith.muli %mul3A_97, %mul3A_98 : i32
      %add3A_100 = arith.constant 0 : i32
      %add3A_101 = arith.addi %mul3A_99, %add3A_100 : i32
      %lt3A = arith.constant 125 : i32
      %lt3A_102 = arith.cmpi slt, %add3A_101, %lt3A : i32
      %convert_element_type3A = arith.extui %lt3A_102 : i1 to i32
      %cond3A = arith.constant 0 : i32
      %cond3A_103 = arith.cmpi ne, %convert_element_type3A, %cond3A : i32
      scf.if %cond3A_103 {
        %add3A_426 = arith.constant 0 : i32
        %add3A_427 = arith.addi %mul3A_99, %add3A_426 : i32
        %dma_wait3A = arith.constant 0 : i32
        %dma_wait3A_428 = arith.constant 0 : i32
        %dma_wait3A_429 = tpu.memref_slice %arg6[%add3A_427, %dma_wait3A_428] : memref<125x80xi32, #tpu.memory_space<vmem>> -> memref<1x80xi32, #tpu.memory_space<vmem>>
        %dma_wait3A_430 = tpu.memref_squeeze %dma_wait3A_429 : memref<1x80xi32, #tpu.memory_space<vmem>> -> memref<80xi32, #tpu.memory_space<vmem>>
        %dma_wait3A_431 = arith.constant 0 : i32
        %dma_wait3A_432 = arith.constant 0 : i32
        %dma_wait3A_433 = tpu.memref_slice %arg4[%dma_wait3A_431, %dma_wait3A_432] : memref<10000x64xf32, #tpu.memory_space<hbm>> -> memref<10000x64xf32, #tpu.memory_space<hbm>>
        %dma_wait3A_434 = tpu.memref_slice %arg22[%dma_wait3A] : memref<6x!tpu.dma_semaphore, #tpu.memory_space<semaphore_mem>> -> memref<1x!tpu.dma_semaphore, #tpu.memory_space<semaphore_mem>>
        %dma_wait3A_435 = tpu.memref_squeeze %dma_wait3A_434 : memref<1x!tpu.dma_semaphore, #tpu.memory_space<semaphore_mem>> -> memref<!tpu.dma_semaphore, #tpu.memory_space<semaphore_mem>>
        tpu.wait_indirect_dma semaphore(%dma_wait3A_435 : memref<!tpu.dma_semaphore, #tpu.memory_space<semaphore_mem>>) src(%dma_wait3A_433 : memref<10000x64xf32, #tpu.memory_space<hbm>>) dst(%arg8 : memref<80x64xf32, #tpu.memory_space<vmem>>)
        %add3A_436 = arith.constant 0 : i32
        %add3A_437 = arith.addi %mul3A_99, %add3A_436 : i32
        %dma_start3A_438 = arith.constant 0 : i32
        %dma_start3A_439 = arith.constant 0 : i32
        %dma_start3A_440 = tpu.memref_slice %arg7[%add3A_437, %dma_start3A_439] : memref<125x80xi32, #tpu.memory_space<vmem>> -> memref<1x80xi32, #tpu.memory_space<vmem>>
        %dma_start3A_441 = tpu.memref_squeeze %dma_start3A_440 : memref<1x80xi32, #tpu.memory_space<vmem>> -> memref<80xi32, #tpu.memory_space<vmem>>
        %dma_start3A_442 = arith.constant 0 : i32
        %dma_start3A_443 = arith.constant 0 : i32
        %dma_start3A_444 = tpu.memref_slice %arg21[%dma_start3A_442, %dma_start3A_443] : memref<10240x64xf32, #tpu.memory_space<vmem_shared>> -> memref<10240x64xf32, #tpu.memory_space<vmem_shared>>
        %dma_start3A_445 = tpu.memref_slice %arg23[%dma_start3A_438] : memref<6x!tpu.dma_semaphore, #tpu.memory_space<semaphore_mem>> -> memref<1x!tpu.dma_semaphore, #tpu.memory_space<semaphore_mem>>
        %dma_start3A_446 = tpu.memref_squeeze %dma_start3A_445 : memref<1x!tpu.dma_semaphore, #tpu.memory_space<semaphore_mem>> -> memref<!tpu.dma_semaphore, #tpu.memory_space<semaphore_mem>>
        tpu.enqueue_indirect_dma source(%arg8 : memref<80x64xf32, #tpu.memory_space<vmem>>) target(%dma_start3A_444 : memref<10240x64xf32, #tpu.memory_space<vmem_shared>>) offsets(%dma_start3A_441 : memref<80xi32, #tpu.memory_space<vmem>>) semaphore(%dma_start3A_446 : memref<!tpu.dma_semaphore, #tpu.memory_space<semaphore_mem>>) {add = true}
      } else {
      }
      %add3A_104 = arith.constant 1 : i32
      %add3A_105 = arith.addi %mul3A_99, %add3A_104 : i32
      %lt3A_106 = arith.constant 125 : i32
      %lt3A_107 = arith.cmpi slt, %add3A_105, %lt3A_106 : i32
      %convert_element_type3A_108 = arith.extui %lt3A_107 : i1 to i32
      %cond3A_109 = arith.constant 0 : i32
      %cond3A_110 = arith.cmpi ne, %convert_element_type3A_108, %cond3A_109 : i32
      scf.if %cond3A_110 {
        %add3A_426 = arith.constant 1 : i32
        %add3A_427 = arith.addi %mul3A_99, %add3A_426 : i32
        %dma_wait3A = arith.constant 1 : i32
        %dma_wait3A_428 = arith.constant 0 : i32
        %dma_wait3A_429 = tpu.memref_slice %arg6[%add3A_427, %dma_wait3A_428] : memref<125x80xi32, #tpu.memory_space<vmem>> -> memref<1x80xi32, #tpu.memory_space<vmem>>
        %dma_wait3A_430 = tpu.memref_squeeze %dma_wait3A_429 : memref<1x80xi32, #tpu.memory_space<vmem>> -> memref<80xi32, #tpu.memory_space<vmem>>
        %dma_wait3A_431 = arith.constant 0 : i32
        %dma_wait3A_432 = arith.constant 0 : i32
        %dma_wait3A_433 = tpu.memref_slice %arg4[%dma_wait3A_431, %dma_wait3A_432] : memref<10000x64xf32, #tpu.memory_space<hbm>> -> memref<10000x64xf32, #tpu.memory_space<hbm>>
        %dma_wait3A_434 = tpu.memref_slice %arg22[%dma_wait3A] : memref<6x!tpu.dma_semaphore, #tpu.memory_space<semaphore_mem>> -> memref<1x!tpu.dma_semaphore, #tpu.memory_space<semaphore_mem>>
        %dma_wait3A_435 = tpu.memref_squeeze %dma_wait3A_434 : memref<1x!tpu.dma_semaphore, #tpu.memory_space<semaphore_mem>> -> memref<!tpu.dma_semaphore, #tpu.memory_space<semaphore_mem>>
        tpu.wait_indirect_dma semaphore(%dma_wait3A_435 : memref<!tpu.dma_semaphore, #tpu.memory_space<semaphore_mem>>) src(%dma_wait3A_433 : memref<10000x64xf32, #tpu.memory_space<hbm>>) dst(%arg9 : memref<80x64xf32, #tpu.memory_space<vmem>>)
        %add3A_436 = arith.constant 1 : i32
        %add3A_437 = arith.addi %mul3A_99, %add3A_436 : i32
        %dma_start3A_438 = arith.constant 1 : i32
        %dma_start3A_439 = arith.constant 0 : i32
        %dma_start3A_440 = tpu.memref_slice %arg7[%add3A_437, %dma_start3A_439] : memref<125x80xi32, #tpu.memory_space<vmem>> -> memref<1x80xi32, #tpu.memory_space<vmem>>
        %dma_start3A_441 = tpu.memref_squeeze %dma_start3A_440 : memref<1x80xi32, #tpu.memory_space<vmem>> -> memref<80xi32, #tpu.memory_space<vmem>>
        %dma_start3A_442 = arith.constant 0 : i32
        %dma_start3A_443 = arith.constant 0 : i32
        %dma_start3A_444 = tpu.memref_slice %arg21[%dma_start3A_442, %dma_start3A_443] : memref<10240x64xf32, #tpu.memory_space<vmem_shared>> -> memref<10240x64xf32, #tpu.memory_space<vmem_shared>>
        %dma_start3A_445 = tpu.memref_slice %arg23[%dma_start3A_438] : memref<6x!tpu.dma_semaphore, #tpu.memory_space<semaphore_mem>> -> memref<1x!tpu.dma_semaphore, #tpu.memory_space<semaphore_mem>>
        %dma_start3A_446 = tpu.memref_squeeze %dma_start3A_445 : memref<1x!tpu.dma_semaphore, #tpu.memory_space<semaphore_mem>> -> memref<!tpu.dma_semaphore, #tpu.memory_space<semaphore_mem>>
        tpu.enqueue_indirect_dma source(%arg9 : memref<80x64xf32, #tpu.memory_space<vmem>>) target(%dma_start3A_444 : memref<10240x64xf32, #tpu.memory_space<vmem_shared>>) offsets(%dma_start3A_441 : memref<80xi32, #tpu.memory_space<vmem>>) semaphore(%dma_start3A_446 : memref<!tpu.dma_semaphore, #tpu.memory_space<semaphore_mem>>) {add = true}
      } else {
      }
      %add3A_111 = arith.constant 2 : i32
      %add3A_112 = arith.addi %mul3A_99, %add3A_111 : i32
      %lt3A_113 = arith.constant 125 : i32
      %lt3A_114 = arith.cmpi slt, %add3A_112, %lt3A_113 : i32
      %convert_element_type3A_115 = arith.extui %lt3A_114 : i1 to i32
      %cond3A_116 = arith.constant 0 : i32
      %cond3A_117 = arith.cmpi ne, %convert_element_type3A_115, %cond3A_116 : i32
      scf.if %cond3A_117 {
        %add3A_426 = arith.constant 2 : i32
        %add3A_427 = arith.addi %mul3A_99, %add3A_426 : i32
        %dma_wait3A = arith.constant 2 : i32
        %dma_wait3A_428 = arith.constant 0 : i32
        %dma_wait3A_429 = tpu.memref_slice %arg6[%add3A_427, %dma_wait3A_428] : memref<125x80xi32, #tpu.memory_space<vmem>> -> memref<1x80xi32, #tpu.memory_space<vmem>>
        %dma_wait3A_430 = tpu.memref_squeeze %dma_wait3A_429 : memref<1x80xi32, #tpu.memory_space<vmem>> -> memref<80xi32, #tpu.memory_space<vmem>>
        %dma_wait3A_431 = arith.constant 0 : i32
        %dma_wait3A_432 = arith.constant 0 : i32
        %dma_wait3A_433 = tpu.memref_slice %arg4[%dma_wait3A_431, %dma_wait3A_432] : memref<10000x64xf32, #tpu.memory_space<hbm>> -> memref<10000x64xf32, #tpu.memory_space<hbm>>
        %dma_wait3A_434 = tpu.memref_slice %arg22[%dma_wait3A] : memref<6x!tpu.dma_semaphore, #tpu.memory_space<semaphore_mem>> -> memref<1x!tpu.dma_semaphore, #tpu.memory_space<semaphore_mem>>
        %dma_wait3A_435 = tpu.memref_squeeze %dma_wait3A_434 : memref<1x!tpu.dma_semaphore, #tpu.memory_space<semaphore_mem>> -> memref<!tpu.dma_semaphore, #tpu.memory_space<semaphore_mem>>
        tpu.wait_indirect_dma semaphore(%dma_wait3A_435 : memref<!tpu.dma_semaphore, #tpu.memory_space<semaphore_mem>>) src(%dma_wait3A_433 : memref<10000x64xf32, #tpu.memory_space<hbm>>) dst(%arg10 : memref<80x64xf32, #tpu.memory_space<vmem>>)
        %add3A_436 = arith.constant 2 : i32
        %add3A_437 = arith.addi %mul3A_99, %add3A_436 : i32
        %dma_start3A_438 = arith.constant 2 : i32
        %dma_start3A_439 = arith.constant 0 : i32
        %dma_start3A_440 = tpu.memref_slice %arg7[%add3A_437, %dma_start3A_439] : memref<125x80xi32, #tpu.memory_space<vmem>> -> memref<1x80xi32, #tpu.memory_space<vmem>>
        %dma_start3A_441 = tpu.memref_squeeze %dma_start3A_440 : memref<1x80xi32, #tpu.memory_space<vmem>> -> memref<80xi32, #tpu.memory_space<vmem>>
        %dma_start3A_442 = arith.constant 0 : i32
        %dma_start3A_443 = arith.constant 0 : i32
        %dma_start3A_444 = tpu.memref_slice %arg21[%dma_start3A_442, %dma_start3A_443] : memref<10240x64xf32, #tpu.memory_space<vmem_shared>> -> memref<10240x64xf32, #tpu.memory_space<vmem_shared>>
        %dma_start3A_445 = tpu.memref_slice %arg23[%dma_start3A_438] : memref<6x!tpu.dma_semaphore, #tpu.memory_space<semaphore_mem>> -> memref<1x!tpu.dma_semaphore, #tpu.memory_space<semaphore_mem>>
        %dma_start3A_446 = tpu.memref_squeeze %dma_start3A_445 : memref<1x!tpu.dma_semaphore, #tpu.memory_space<semaphore_mem>> -> memref<!tpu.dma_semaphore, #tpu.memory_space<semaphore_mem>>
        tpu.enqueue_indirect_dma source(%arg10 : memref<80x64xf32, #tpu.memory_space<vmem>>) target(%dma_start3A_444 : memref<10240x64xf32, #tpu.memory_space<vmem_shared>>) offsets(%dma_start3A_441 : memref<80xi32, #tpu.memory_space<vmem>>) semaphore(%dma_start3A_446 : memref<!tpu.dma_semaphore, #tpu.memory_space<semaphore_mem>>) {add = true}
      } else {
      }
      %add3A_118 = arith.constant 3 : i32
      %add3A_119 = arith.addi %mul3A_99, %add3A_118 : i32
      %lt3A_120 = arith.constant 125 : i32
      %lt3A_121 = arith.cmpi slt, %add3A_119, %lt3A_120 : i32
      %convert_element_type3A_122 = arith.extui %lt3A_121 : i1 to i32
      %cond3A_123 = arith.constant 0 : i32
      %cond3A_124 = arith.cmpi ne, %convert_element_type3A_122, %cond3A_123 : i32
      scf.if %cond3A_124 {
        %add3A_426 = arith.constant 3 : i32
        %add3A_427 = arith.addi %mul3A_99, %add3A_426 : i32
        %dma_wait3A = arith.constant 3 : i32
        %dma_wait3A_428 = arith.constant 0 : i32
        %dma_wait3A_429 = tpu.memref_slice %arg6[%add3A_427, %dma_wait3A_428] : memref<125x80xi32, #tpu.memory_space<vmem>> -> memref<1x80xi32, #tpu.memory_space<vmem>>
        %dma_wait3A_430 = tpu.memref_squeeze %dma_wait3A_429 : memref<1x80xi32, #tpu.memory_space<vmem>> -> memref<80xi32, #tpu.memory_space<vmem>>
        %dma_wait3A_431 = arith.constant 0 : i32
        %dma_wait3A_432 = arith.constant 0 : i32
        %dma_wait3A_433 = tpu.memref_slice %arg4[%dma_wait3A_431, %dma_wait3A_432] : memref<10000x64xf32, #tpu.memory_space<hbm>> -> memref<10000x64xf32, #tpu.memory_space<hbm>>
        %dma_wait3A_434 = tpu.memref_slice %arg22[%dma_wait3A] : memref<6x!tpu.dma_semaphore, #tpu.memory_space<semaphore_mem>> -> memref<1x!tpu.dma_semaphore, #tpu.memory_space<semaphore_mem>>
        %dma_wait3A_435 = tpu.memref_squeeze %dma_wait3A_434 : memref<1x!tpu.dma_semaphore, #tpu.memory_space<semaphore_mem>> -> memref<!tpu.dma_semaphore, #tpu.memory_space<semaphore_mem>>
        tpu.wait_indirect_dma semaphore(%dma_wait3A_435 : memref<!tpu.dma_semaphore, #tpu.memory_space<semaphore_mem>>) src(%dma_wait3A_433 : memref<10000x64xf32, #tpu.memory_space<hbm>>) dst(%arg11 : memref<80x64xf32, #tpu.memory_space<vmem>>)
        %add3A_436 = arith.constant 3 : i32
        %add3A_437 = arith.addi %mul3A_99, %add3A_436 : i32
        %dma_start3A_438 = arith.constant 3 : i32
        %dma_start3A_439 = arith.constant 0 : i32
        %dma_start3A_440 = tpu.memref_slice %arg7[%add3A_437, %dma_start3A_439] : memref<125x80xi32, #tpu.memory_space<vmem>> -> memref<1x80xi32, #tpu.memory_space<vmem>>
        %dma_start3A_441 = tpu.memref_squeeze %dma_start3A_440 : memref<1x80xi32, #tpu.memory_space<vmem>> -> memref<80xi32, #tpu.memory_space<vmem>>
        %dma_start3A_442 = arith.constant 0 : i32
        %dma_start3A_443 = arith.constant 0 : i32
        %dma_start3A_444 = tpu.memref_slice %arg21[%dma_start3A_442, %dma_start3A_443] : memref<10240x64xf32, #tpu.memory_space<vmem_shared>> -> memref<10240x64xf32, #tpu.memory_space<vmem_shared>>
        %dma_start3A_445 = tpu.memref_slice %arg23[%dma_start3A_438] : memref<6x!tpu.dma_semaphore, #tpu.memory_space<semaphore_mem>> -> memref<1x!tpu.dma_semaphore, #tpu.memory_space<semaphore_mem>>
        %dma_start3A_446 = tpu.memref_squeeze %dma_start3A_445 : memref<1x!tpu.dma_semaphore, #tpu.memory_space<semaphore_mem>> -> memref<!tpu.dma_semaphore, #tpu.memory_space<semaphore_mem>>
        tpu.enqueue_indirect_dma source(%arg11 : memref<80x64xf32, #tpu.memory_space<vmem>>) target(%dma_start3A_444 : memref<10240x64xf32, #tpu.memory_space<vmem_shared>>) offsets(%dma_start3A_441 : memref<80xi32, #tpu.memory_space<vmem>>) semaphore(%dma_start3A_446 : memref<!tpu.dma_semaphore, #tpu.memory_space<semaphore_mem>>) {add = true}
      } else {
      }
      %add3A_125 = arith.constant 4 : i32
      %add3A_126 = arith.addi %mul3A_99, %add3A_125 : i32
      %lt3A_127 = arith.constant 125 : i32
      %lt3A_128 = arith.cmpi slt, %add3A_126, %lt3A_127 : i32
      %convert_element_type3A_129 = arith.extui %lt3A_128 : i1 to i32
      %cond3A_130 = arith.constant 0 : i32
      %cond3A_131 = arith.cmpi ne, %convert_element_type3A_129, %cond3A_130 : i32
      scf.if %cond3A_131 {
        %add3A_426 = arith.constant 4 : i32
        %add3A_427 = arith.addi %mul3A_99, %add3A_426 : i32
        %dma_wait3A = arith.constant 4 : i32
        %dma_wait3A_428 = arith.constant 0 : i32
        %dma_wait3A_429 = tpu.memref_slice %arg6[%add3A_427, %dma_wait3A_428] : memref<125x80xi32, #tpu.memory_space<vmem>> -> memref<1x80xi32, #tpu.memory_space<vmem>>
        %dma_wait3A_430 = tpu.memref_squeeze %dma_wait3A_429 : memref<1x80xi32, #tpu.memory_space<vmem>> -> memref<80xi32, #tpu.memory_space<vmem>>
        %dma_wait3A_431 = arith.constant 0 : i32
        %dma_wait3A_432 = arith.constant 0 : i32
        %dma_wait3A_433 = tpu.memref_slice %arg4[%dma_wait3A_431, %dma_wait3A_432] : memref<10000x64xf32, #tpu.memory_space<hbm>> -> memref<10000x64xf32, #tpu.memory_space<hbm>>
        %dma_wait3A_434 = tpu.memref_slice %arg22[%dma_wait3A] : memref<6x!tpu.dma_semaphore, #tpu.memory_space<semaphore_mem>> -> memref<1x!tpu.dma_semaphore, #tpu.memory_space<semaphore_mem>>
        %dma_wait3A_435 = tpu.memref_squeeze %dma_wait3A_434 : memref<1x!tpu.dma_semaphore, #tpu.memory_space<semaphore_mem>> -> memref<!tpu.dma_semaphore, #tpu.memory_space<semaphore_mem>>
        tpu.wait_indirect_dma semaphore(%dma_wait3A_435 : memref<!tpu.dma_semaphore, #tpu.memory_space<semaphore_mem>>) src(%dma_wait3A_433 : memref<10000x64xf32, #tpu.memory_space<hbm>>) dst(%arg12 : memref<80x64xf32, #tpu.memory_space<vmem>>)
        %add3A_436 = arith.constant 4 : i32
        %add3A_437 = arith.addi %mul3A_99, %add3A_436 : i32
        %dma_start3A_438 = arith.constant 4 : i32
        %dma_start3A_439 = arith.constant 0 : i32
        %dma_start3A_440 = tpu.memref_slice %arg7[%add3A_437, %dma_start3A_439] : memref<125x80xi32, #tpu.memory_space<vmem>> -> memref<1x80xi32, #tpu.memory_space<vmem>>
        %dma_start3A_441 = tpu.memref_squeeze %dma_start3A_440 : memref<1x80xi32, #tpu.memory_space<vmem>> -> memref<80xi32, #tpu.memory_space<vmem>>
        %dma_start3A_442 = arith.constant 0 : i32
        %dma_start3A_443 = arith.constant 0 : i32
        %dma_start3A_444 = tpu.memref_slice %arg21[%dma_start3A_442, %dma_start3A_443] : memref<10240x64xf32, #tpu.memory_space<vmem_shared>> -> memref<10240x64xf32, #tpu.memory_space<vmem_shared>>
        %dma_start3A_445 = tpu.memref_slice %arg23[%dma_start3A_438] : memref<6x!tpu.dma_semaphore, #tpu.memory_space<semaphore_mem>> -> memref<1x!tpu.dma_semaphore, #tpu.memory_space<semaphore_mem>>
        %dma_start3A_446 = tpu.memref_squeeze %dma_start3A_445 : memref<1x!tpu.dma_semaphore, #tpu.memory_space<semaphore_mem>> -> memref<!tpu.dma_semaphore, #tpu.memory_space<semaphore_mem>>
        tpu.enqueue_indirect_dma source(%arg12 : memref<80x64xf32, #tpu.memory_space<vmem>>) target(%dma_start3A_444 : memref<10240x64xf32, #tpu.memory_space<vmem_shared>>) offsets(%dma_start3A_441 : memref<80xi32, #tpu.memory_space<vmem>>) semaphore(%dma_start3A_446 : memref<!tpu.dma_semaphore, #tpu.memory_space<semaphore_mem>>) {add = true}
      } else {
      }
      %add3A_132 = arith.constant 5 : i32
      %add3A_133 = arith.addi %mul3A_99, %add3A_132 : i32
      %lt3A_134 = arith.constant 125 : i32
      %lt3A_135 = arith.cmpi slt, %add3A_133, %lt3A_134 : i32
      %convert_element_type3A_136 = arith.extui %lt3A_135 : i1 to i32
      %cond3A_137 = arith.constant 0 : i32
      %cond3A_138 = arith.cmpi ne, %convert_element_type3A_136, %cond3A_137 : i32
      scf.if %cond3A_138 {
        %add3A_426 = arith.constant 5 : i32
        %add3A_427 = arith.addi %mul3A_99, %add3A_426 : i32
        %dma_wait3A = arith.constant 5 : i32
        %dma_wait3A_428 = arith.constant 0 : i32
        %dma_wait3A_429 = tpu.memref_slice %arg6[%add3A_427, %dma_wait3A_428] : memref<125x80xi32, #tpu.memory_space<vmem>> -> memref<1x80xi32, #tpu.memory_space<vmem>>
        %dma_wait3A_430 = tpu.memref_squeeze %dma_wait3A_429 : memref<1x80xi32, #tpu.memory_space<vmem>> -> memref<80xi32, #tpu.memory_space<vmem>>
        %dma_wait3A_431 = arith.constant 0 : i32
        %dma_wait3A_432 = arith.constant 0 : i32
        %dma_wait3A_433 = tpu.memref_slice %arg4[%dma_wait3A_431, %dma_wait3A_432] : memref<10000x64xf32, #tpu.memory_space<hbm>> -> memref<10000x64xf32, #tpu.memory_space<hbm>>
        %dma_wait3A_434 = tpu.memref_slice %arg22[%dma_wait3A] : memref<6x!tpu.dma_semaphore, #tpu.memory_space<semaphore_mem>> -> memref<1x!tpu.dma_semaphore, #tpu.memory_space<semaphore_mem>>
        %dma_wait3A_435 = tpu.memref_squeeze %dma_wait3A_434 : memref<1x!tpu.dma_semaphore, #tpu.memory_space<semaphore_mem>> -> memref<!tpu.dma_semaphore, #tpu.memory_space<semaphore_mem>>
        tpu.wait_indirect_dma semaphore(%dma_wait3A_435 : memref<!tpu.dma_semaphore, #tpu.memory_space<semaphore_mem>>) src(%dma_wait3A_433 : memref<10000x64xf32, #tpu.memory_space<hbm>>) dst(%arg13 : memref<80x64xf32, #tpu.memory_space<vmem>>)
        %add3A_436 = arith.constant 5 : i32
        %add3A_437 = arith.addi %mul3A_99, %add3A_436 : i32
        %dma_start3A_438 = arith.constant 5 : i32
        %dma_start3A_439 = arith.constant 0 : i32
        %dma_start3A_440 = tpu.memref_slice %arg7[%add3A_437, %dma_start3A_439] : memref<125x80xi32, #tpu.memory_space<vmem>> -> memref<1x80xi32, #tpu.memory_space<vmem>>
        %dma_start3A_441 = tpu.memref_squeeze %dma_start3A_440 : memref<1x80xi32, #tpu.memory_space<vmem>> -> memref<80xi32, #tpu.memory_space<vmem>>
        %dma_start3A_442 = arith.constant 0 : i32
        %dma_start3A_443 = arith.constant 0 : i32
        %dma_start3A_444 = tpu.memref_slice %arg21[%dma_start3A_442, %dma_start3A_443] : memref<10240x64xf32, #tpu.memory_space<vmem_shared>> -> memref<10240x64xf32, #tpu.memory_space<vmem_shared>>
        %dma_start3A_445 = tpu.memref_slice %arg23[%dma_start3A_438] : memref<6x!tpu.dma_semaphore, #tpu.memory_space<semaphore_mem>> -> memref<1x!tpu.dma_semaphore, #tpu.memory_space<semaphore_mem>>
        %dma_start3A_446 = tpu.memref_squeeze %dma_start3A_445 : memref<1x!tpu.dma_semaphore, #tpu.memory_space<semaphore_mem>> -> memref<!tpu.dma_semaphore, #tpu.memory_space<semaphore_mem>>
        tpu.enqueue_indirect_dma source(%arg13 : memref<80x64xf32, #tpu.memory_space<vmem>>) target(%dma_start3A_444 : memref<10240x64xf32, #tpu.memory_space<vmem_shared>>) offsets(%dma_start3A_441 : memref<80xi32, #tpu.memory_space<vmem>>) semaphore(%dma_start3A_446 : memref<!tpu.dma_semaphore, #tpu.memory_space<semaphore_mem>>) {add = true}
      } else {
      }
      %gt3A = arith.constant 0 : i32
      %gt3A_139 = arith.cmpi sgt, %scan3A_95, %gt3A : i32
      %convert_element_type3A_140 = arith.extui %gt3A_139 : i1 to i32
      %cond3A_141 = arith.constant 0 : i32
      %cond3A_142 = arith.cmpi ne, %convert_element_type3A_140, %cond3A_141 : i32
      scf.if %cond3A_142 {
        %sub3A = arith.constant 6 : i32
        %sub3A_426 = arith.subi %mul3A_99, %sub3A : i32
        %add3A_427 = arith.constant 0 : i32
        %add3A_428 = arith.addi %sub3A_426, %add3A_427 : i32
        %dma_wait3A = arith.constant 0 : i32
        %dma_wait3A_429 = arith.constant 0 : i32
        %dma_wait3A_430 = tpu.memref_slice %arg7[%add3A_428, %dma_wait3A_429] : memref<125x80xi32, #tpu.memory_space<vmem>> -> memref<1x80xi32, #tpu.memory_space<vmem>>
        %dma_wait3A_431 = tpu.memref_squeeze %dma_wait3A_430 : memref<1x80xi32, #tpu.memory_space<vmem>> -> memref<80xi32, #tpu.memory_space<vmem>>
        %dma_wait3A_432 = arith.constant 0 : i32
        %dma_wait3A_433 = arith.constant 0 : i32
        %dma_wait3A_434 = tpu.memref_slice %arg21[%dma_wait3A_432, %dma_wait3A_433] : memref<10240x64xf32, #tpu.memory_space<vmem_shared>> -> memref<10240x64xf32, #tpu.memory_space<vmem_shared>>
        %dma_wait3A_435 = tpu.memref_slice %arg25[%dma_wait3A] : memref<6x!tpu.dma_semaphore, #tpu.memory_space<semaphore_mem>> -> memref<1x!tpu.dma_semaphore, #tpu.memory_space<semaphore_mem>>
        %dma_wait3A_436 = tpu.memref_squeeze %dma_wait3A_435 : memref<1x!tpu.dma_semaphore, #tpu.memory_space<semaphore_mem>> -> memref<!tpu.dma_semaphore, #tpu.memory_space<semaphore_mem>>
        tpu.wait_indirect_dma semaphore(%dma_wait3A_436 : memref<!tpu.dma_semaphore, #tpu.memory_space<semaphore_mem>>) src(%arg14 : memref<80x64xf32, #tpu.memory_space<vmem>>) dst(%dma_wait3A_434 : memref<10240x64xf32, #tpu.memory_space<vmem_shared>>)
      } else {
      }
      %gt3A_143 = arith.constant 0 : i32
      %gt3A_144 = arith.cmpi sgt, %scan3A_95, %gt3A_143 : i32
      %convert_element_type3A_145 = arith.extui %gt3A_144 : i1 to i32
      %cond3A_146 = arith.constant 0 : i32
      %cond3A_147 = arith.cmpi ne, %convert_element_type3A_145, %cond3A_146 : i32
      scf.if %cond3A_147 {
        %sub3A = arith.constant 6 : i32
        %sub3A_426 = arith.subi %mul3A_99, %sub3A : i32
        %add3A_427 = arith.constant 1 : i32
        %add3A_428 = arith.addi %sub3A_426, %add3A_427 : i32
        %dma_wait3A = arith.constant 1 : i32
        %dma_wait3A_429 = arith.constant 0 : i32
        %dma_wait3A_430 = tpu.memref_slice %arg7[%add3A_428, %dma_wait3A_429] : memref<125x80xi32, #tpu.memory_space<vmem>> -> memref<1x80xi32, #tpu.memory_space<vmem>>
        %dma_wait3A_431 = tpu.memref_squeeze %dma_wait3A_430 : memref<1x80xi32, #tpu.memory_space<vmem>> -> memref<80xi32, #tpu.memory_space<vmem>>
        %dma_wait3A_432 = arith.constant 0 : i32
        %dma_wait3A_433 = arith.constant 0 : i32
        %dma_wait3A_434 = tpu.memref_slice %arg21[%dma_wait3A_432, %dma_wait3A_433] : memref<10240x64xf32, #tpu.memory_space<vmem_shared>> -> memref<10240x64xf32, #tpu.memory_space<vmem_shared>>
        %dma_wait3A_435 = tpu.memref_slice %arg25[%dma_wait3A] : memref<6x!tpu.dma_semaphore, #tpu.memory_space<semaphore_mem>> -> memref<1x!tpu.dma_semaphore, #tpu.memory_space<semaphore_mem>>
        %dma_wait3A_436 = tpu.memref_squeeze %dma_wait3A_435 : memref<1x!tpu.dma_semaphore, #tpu.memory_space<semaphore_mem>> -> memref<!tpu.dma_semaphore, #tpu.memory_space<semaphore_mem>>
        tpu.wait_indirect_dma semaphore(%dma_wait3A_436 : memref<!tpu.dma_semaphore, #tpu.memory_space<semaphore_mem>>) src(%arg15 : memref<80x64xf32, #tpu.memory_space<vmem>>) dst(%dma_wait3A_434 : memref<10240x64xf32, #tpu.memory_space<vmem_shared>>)
      } else {
      }
      %gt3A_148 = arith.constant 0 : i32
      %gt3A_149 = arith.cmpi sgt, %scan3A_95, %gt3A_148 : i32
      %convert_element_type3A_150 = arith.extui %gt3A_149 : i1 to i32
      %cond3A_151 = arith.constant 0 : i32
      %cond3A_152 = arith.cmpi ne, %convert_element_type3A_150, %cond3A_151 : i32
      scf.if %cond3A_152 {
        %sub3A = arith.constant 6 : i32
        %sub3A_426 = arith.subi %mul3A_99, %sub3A : i32
        %add3A_427 = arith.constant 2 : i32
        %add3A_428 = arith.addi %sub3A_426, %add3A_427 : i32
        %dma_wait3A = arith.constant 2 : i32
        %dma_wait3A_429 = arith.constant 0 : i32
        %dma_wait3A_430 = tpu.memref_slice %arg7[%add3A_428, %dma_wait3A_429] : memref<125x80xi32, #tpu.memory_space<vmem>> -> memref<1x80xi32, #tpu.memory_space<vmem>>
        %dma_wait3A_431 = tpu.memref_squeeze %dma_wait3A_430 : memref<1x80xi32, #tpu.memory_space<vmem>> -> memref<80xi32, #tpu.memory_space<vmem>>
        %dma_wait3A_432 = arith.constant 0 : i32
        %dma_wait3A_433 = arith.constant 0 : i32
        %dma_wait3A_434 = tpu.memref_slice %arg21[%dma_wait3A_432, %dma_wait3A_433] : memref<10240x64xf32, #tpu.memory_space<vmem_shared>> -> memref<10240x64xf32, #tpu.memory_space<vmem_shared>>
        %dma_wait3A_435 = tpu.memref_slice %arg25[%dma_wait3A] : memref<6x!tpu.dma_semaphore, #tpu.memory_space<semaphore_mem>> -> memref<1x!tpu.dma_semaphore, #tpu.memory_space<semaphore_mem>>
        %dma_wait3A_436 = tpu.memref_squeeze %dma_wait3A_435 : memref<1x!tpu.dma_semaphore, #tpu.memory_space<semaphore_mem>> -> memref<!tpu.dma_semaphore, #tpu.memory_space<semaphore_mem>>
        tpu.wait_indirect_dma semaphore(%dma_wait3A_436 : memref<!tpu.dma_semaphore, #tpu.memory_space<semaphore_mem>>) src(%arg16 : memref<80x64xf32, #tpu.memory_space<vmem>>) dst(%dma_wait3A_434 : memref<10240x64xf32, #tpu.memory_space<vmem_shared>>)
      } else {
      }
      %gt3A_153 = arith.constant 0 : i32
      %gt3A_154 = arith.cmpi sgt, %scan3A_95, %gt3A_153 : i32
      %convert_element_type3A_155 = arith.extui %gt3A_154 : i1 to i32
      %cond3A_156 = arith.constant 0 : i32
      %cond3A_157 = arith.cmpi ne, %convert_element_type3A_155, %cond3A_156 : i32
      scf.if %cond3A_157 {
        %sub3A = arith.constant 6 : i32
        %sub3A_426 = arith.subi %mul3A_99, %sub3A : i32
        %add3A_427 = arith.constant 3 : i32
        %add3A_428 = arith.addi %sub3A_426, %add3A_427 : i32
        %dma_wait3A = arith.constant 3 : i32
        %dma_wait3A_429 = arith.constant 0 : i32
        %dma_wait3A_430 = tpu.memref_slice %arg7[%add3A_428, %dma_wait3A_429] : memref<125x80xi32, #tpu.memory_space<vmem>> -> memref<1x80xi32, #tpu.memory_space<vmem>>
        %dma_wait3A_431 = tpu.memref_squeeze %dma_wait3A_430 : memref<1x80xi32, #tpu.memory_space<vmem>> -> memref<80xi32, #tpu.memory_space<vmem>>
        %dma_wait3A_432 = arith.constant 0 : i32
        %dma_wait3A_433 = arith.constant 0 : i32
        %dma_wait3A_434 = tpu.memref_slice %arg21[%dma_wait3A_432, %dma_wait3A_433] : memref<10240x64xf32, #tpu.memory_space<vmem_shared>> -> memref<10240x64xf32, #tpu.memory_space<vmem_shared>>
        %dma_wait3A_435 = tpu.memref_slice %arg25[%dma_wait3A] : memref<6x!tpu.dma_semaphore, #tpu.memory_space<semaphore_mem>> -> memref<1x!tpu.dma_semaphore, #tpu.memory_space<semaphore_mem>>
        %dma_wait3A_436 = tpu.memref_squeeze %dma_wait3A_435 : memref<1x!tpu.dma_semaphore, #tpu.memory_space<semaphore_mem>> -> memref<!tpu.dma_semaphore, #tpu.memory_space<semaphore_mem>>
        tpu.wait_indirect_dma semaphore(%dma_wait3A_436 : memref<!tpu.dma_semaphore, #tpu.memory_space<semaphore_mem>>) src(%arg17 : memref<80x64xf32, #tpu.memory_space<vmem>>) dst(%dma_wait3A_434 : memref<10240x64xf32, #tpu.memory_space<vmem_shared>>)
      } else {
      }
      %gt3A_158 = arith.constant 0 : i32
      %gt3A_159 = arith.cmpi sgt, %scan3A_95, %gt3A_158 : i32
      %convert_element_type3A_160 = arith.extui %gt3A_159 : i1 to i32
      %cond3A_161 = arith.constant 0 : i32
      %cond3A_162 = arith.cmpi ne, %convert_element_type3A_160, %cond3A_161 : i32
      scf.if %cond3A_162 {
        %sub3A = arith.constant 6 : i32
        %sub3A_426 = arith.subi %mul3A_99, %sub3A : i32
        %add3A_427 = arith.constant 4 : i32
        %add3A_428 = arith.addi %sub3A_426, %add3A_427 : i32
        %dma_wait3A = arith.constant 4 : i32
        %dma_wait3A_429 = arith.constant 0 : i32
        %dma_wait3A_430 = tpu.memref_slice %arg7[%add3A_428, %dma_wait3A_429] : memref<125x80xi32, #tpu.memory_space<vmem>> -> memref<1x80xi32, #tpu.memory_space<vmem>>
        %dma_wait3A_431 = tpu.memref_squeeze %dma_wait3A_430 : memref<1x80xi32, #tpu.memory_space<vmem>> -> memref<80xi32, #tpu.memory_space<vmem>>
        %dma_wait3A_432 = arith.constant 0 : i32
        %dma_wait3A_433 = arith.constant 0 : i32
        %dma_wait3A_434 = tpu.memref_slice %arg21[%dma_wait3A_432, %dma_wait3A_433] : memref<10240x64xf32, #tpu.memory_space<vmem_shared>> -> memref<10240x64xf32, #tpu.memory_space<vmem_shared>>
        %dma_wait3A_435 = tpu.memref_slice %arg25[%dma_wait3A] : memref<6x!tpu.dma_semaphore, #tpu.memory_space<semaphore_mem>> -> memref<1x!tpu.dma_semaphore, #tpu.memory_space<semaphore_mem>>
        %dma_wait3A_436 = tpu.memref_squeeze %dma_wait3A_435 : memref<1x!tpu.dma_semaphore, #tpu.memory_space<semaphore_mem>> -> memref<!tpu.dma_semaphore, #tpu.memory_space<semaphore_mem>>
        tpu.wait_indirect_dma semaphore(%dma_wait3A_436 : memref<!tpu.dma_semaphore, #tpu.memory_space<semaphore_mem>>) src(%arg18 : memref<80x64xf32, #tpu.memory_space<vmem>>) dst(%dma_wait3A_434 : memref<10240x64xf32, #tpu.memory_space<vmem_shared>>)
      } else {
      }
      %gt3A_163 = arith.constant 0 : i32
      %gt3A_164 = arith.cmpi sgt, %scan3A_95, %gt3A_163 : i32
      %convert_element_type3A_165 = arith.extui %gt3A_164 : i1 to i32
      %cond3A_166 = arith.constant 0 : i32
      %cond3A_167 = arith.cmpi ne, %convert_element_type3A_165, %cond3A_166 : i32
      scf.if %cond3A_167 {
        %sub3A = arith.constant 6 : i32
        %sub3A_426 = arith.subi %mul3A_99, %sub3A : i32
        %add3A_427 = arith.constant 5 : i32
        %add3A_428 = arith.addi %sub3A_426, %add3A_427 : i32
        %dma_wait3A = arith.constant 5 : i32
        %dma_wait3A_429 = arith.constant 0 : i32
        %dma_wait3A_430 = tpu.memref_slice %arg7[%add3A_428, %dma_wait3A_429] : memref<125x80xi32, #tpu.memory_space<vmem>> -> memref<1x80xi32, #tpu.memory_space<vmem>>
        %dma_wait3A_431 = tpu.memref_squeeze %dma_wait3A_430 : memref<1x80xi32, #tpu.memory_space<vmem>> -> memref<80xi32, #tpu.memory_space<vmem>>
        %dma_wait3A_432 = arith.constant 0 : i32
        %dma_wait3A_433 = arith.constant 0 : i32
        %dma_wait3A_434 = tpu.memref_slice %arg21[%dma_wait3A_432, %dma_wait3A_433] : memref<10240x64xf32, #tpu.memory_space<vmem_shared>> -> memref<10240x64xf32, #tpu.memory_space<vmem_shared>>
        %dma_wait3A_435 = tpu.memref_slice %arg25[%dma_wait3A] : memref<6x!tpu.dma_semaphore, #tpu.memory_space<semaphore_mem>> -> memref<1x!tpu.dma_semaphore, #tpu.memory_space<semaphore_mem>>
        %dma_wait3A_436 = tpu.memref_squeeze %dma_wait3A_435 : memref<1x!tpu.dma_semaphore, #tpu.memory_space<semaphore_mem>> -> memref<!tpu.dma_semaphore, #tpu.memory_space<semaphore_mem>>
        tpu.wait_indirect_dma semaphore(%dma_wait3A_436 : memref<!tpu.dma_semaphore, #tpu.memory_space<semaphore_mem>>) src(%arg19 : memref<80x64xf32, #tpu.memory_space<vmem>>) dst(%dma_wait3A_434 : memref<10240x64xf32, #tpu.memory_space<vmem_shared>>)
      } else {
      }
      %add3A_168 = arith.constant 6 : i32
      %add3A_169 = arith.addi %mul3A_99, %add3A_168 : i32
      %add3A_170 = arith.constant 0 : i32
      %add3A_171 = arith.addi %add3A_169, %add3A_170 : i32
      %lt3A_172 = arith.constant 125 : i32
      %lt3A_173 = arith.cmpi slt, %add3A_171, %lt3A_172 : i32
      %convert_element_type3A_174 = arith.extui %lt3A_173 : i1 to i32
      %cond3A_175 = arith.constant 0 : i32
      %cond3A_176 = arith.cmpi ne, %convert_element_type3A_174, %cond3A_175 : i32
      scf.if %cond3A_176 {
        %add3A_426 = arith.constant 6 : i32
        %add3A_427 = arith.addi %mul3A_99, %add3A_426 : i32
        %add3A_428 = arith.constant 0 : i32
        %add3A_429 = arith.addi %add3A_427, %add3A_428 : i32
        %dma_start3A_430 = arith.constant 0 : i32
        %dma_start3A_431 = arith.constant 0 : i32
        %dma_start3A_432 = tpu.memref_slice %arg6[%add3A_429, %dma_start3A_431] : memref<125x80xi32, #tpu.memory_space<vmem>> -> memref<1x80xi32, #tpu.memory_space<vmem>>
        %dma_start3A_433 = tpu.memref_squeeze %dma_start3A_432 : memref<1x80xi32, #tpu.memory_space<vmem>> -> memref<80xi32, #tpu.memory_space<vmem>>
        %dma_start3A_434 = arith.constant 0 : i32
        %dma_start3A_435 = arith.constant 0 : i32
        %dma_start3A_436 = tpu.memref_slice %arg4[%dma_start3A_434, %dma_start3A_435] : memref<10000x64xf32, #tpu.memory_space<hbm>> -> memref<10000x64xf32, #tpu.memory_space<hbm>>
        %dma_start3A_437 = tpu.memref_slice %arg24[%dma_start3A_430] : memref<6x!tpu.dma_semaphore, #tpu.memory_space<semaphore_mem>> -> memref<1x!tpu.dma_semaphore, #tpu.memory_space<semaphore_mem>>
        %dma_start3A_438 = tpu.memref_squeeze %dma_start3A_437 : memref<1x!tpu.dma_semaphore, #tpu.memory_space<semaphore_mem>> -> memref<!tpu.dma_semaphore, #tpu.memory_space<semaphore_mem>>
        tpu.enqueue_indirect_dma source(%dma_start3A_436 : memref<10000x64xf32, #tpu.memory_space<hbm>>) target(%arg14 : memref<80x64xf32, #tpu.memory_space<vmem>>) offsets(%dma_start3A_433 : memref<80xi32, #tpu.memory_space<vmem>>) semaphore(%dma_start3A_438 : memref<!tpu.dma_semaphore, #tpu.memory_space<semaphore_mem>>)
      } else {
      }
      %add3A_177 = arith.constant 6 : i32
      %add3A_178 = arith.addi %mul3A_99, %add3A_177 : i32
      %add3A_179 = arith.constant 1 : i32
      %add3A_180 = arith.addi %add3A_178, %add3A_179 : i32
      %lt3A_181 = arith.constant 125 : i32
      %lt3A_182 = arith.cmpi slt, %add3A_180, %lt3A_181 : i32
      %convert_element_type3A_183 = arith.extui %lt3A_182 : i1 to i32
      %cond3A_184 = arith.constant 0 : i32
      %cond3A_185 = arith.cmpi ne, %convert_element_type3A_183, %cond3A_184 : i32
      scf.if %cond3A_185 {
        %add3A_426 = arith.constant 6 : i32
        %add3A_427 = arith.addi %mul3A_99, %add3A_426 : i32
        %add3A_428 = arith.constant 1 : i32
        %add3A_429 = arith.addi %add3A_427, %add3A_428 : i32
        %dma_start3A_430 = arith.constant 1 : i32
        %dma_start3A_431 = arith.constant 0 : i32
        %dma_start3A_432 = tpu.memref_slice %arg6[%add3A_429, %dma_start3A_431] : memref<125x80xi32, #tpu.memory_space<vmem>> -> memref<1x80xi32, #tpu.memory_space<vmem>>
        %dma_start3A_433 = tpu.memref_squeeze %dma_start3A_432 : memref<1x80xi32, #tpu.memory_space<vmem>> -> memref<80xi32, #tpu.memory_space<vmem>>
        %dma_start3A_434 = arith.constant 0 : i32
        %dma_start3A_435 = arith.constant 0 : i32
        %dma_start3A_436 = tpu.memref_slice %arg4[%dma_start3A_434, %dma_start3A_435] : memref<10000x64xf32, #tpu.memory_space<hbm>> -> memref<10000x64xf32, #tpu.memory_space<hbm>>
        %dma_start3A_437 = tpu.memref_slice %arg24[%dma_start3A_430] : memref<6x!tpu.dma_semaphore, #tpu.memory_space<semaphore_mem>> -> memref<1x!tpu.dma_semaphore, #tpu.memory_space<semaphore_mem>>
        %dma_start3A_438 = tpu.memref_squeeze %dma_start3A_437 : memref<1x!tpu.dma_semaphore, #tpu.memory_space<semaphore_mem>> -> memref<!tpu.dma_semaphore, #tpu.memory_space<semaphore_mem>>
        tpu.enqueue_indirect_dma source(%dma_start3A_436 : memref<10000x64xf32, #tpu.memory_space<hbm>>) target(%arg15 : memref<80x64xf32, #tpu.memory_space<vmem>>) offsets(%dma_start3A_433 : memref<80xi32, #tpu.memory_space<vmem>>) semaphore(%dma_start3A_438 : memref<!tpu.dma_semaphore, #tpu.memory_space<semaphore_mem>>)
      } else {
      }
      %add3A_186 = arith.constant 6 : i32
      %add3A_187 = arith.addi %mul3A_99, %add3A_186 : i32
      %add3A_188 = arith.constant 2 : i32
      %add3A_189 = arith.addi %add3A_187, %add3A_188 : i32
      %lt3A_190 = arith.constant 125 : i32
      %lt3A_191 = arith.cmpi slt, %add3A_189, %lt3A_190 : i32
      %convert_element_type3A_192 = arith.extui %lt3A_191 : i1 to i32
      %cond3A_193 = arith.constant 0 : i32
      %cond3A_194 = arith.cmpi ne, %convert_element_type3A_192, %cond3A_193 : i32
      scf.if %cond3A_194 {
        %add3A_426 = arith.constant 6 : i32
        %add3A_427 = arith.addi %mul3A_99, %add3A_426 : i32
        %add3A_428 = arith.constant 2 : i32
        %add3A_429 = arith.addi %add3A_427, %add3A_428 : i32
        %dma_start3A_430 = arith.constant 2 : i32
        %dma_start3A_431 = arith.constant 0 : i32
        %dma_start3A_432 = tpu.memref_slice %arg6[%add3A_429, %dma_start3A_431] : memref<125x80xi32, #tpu.memory_space<vmem>> -> memref<1x80xi32, #tpu.memory_space<vmem>>
        %dma_start3A_433 = tpu.memref_squeeze %dma_start3A_432 : memref<1x80xi32, #tpu.memory_space<vmem>> -> memref<80xi32, #tpu.memory_space<vmem>>
        %dma_start3A_434 = arith.constant 0 : i32
        %dma_start3A_435 = arith.constant 0 : i32
        %dma_start3A_436 = tpu.memref_slice %arg4[%dma_start3A_434, %dma_start3A_435] : memref<10000x64xf32, #tpu.memory_space<hbm>> -> memref<10000x64xf32, #tpu.memory_space<hbm>>
        %dma_start3A_437 = tpu.memref_slice %arg24[%dma_start3A_430] : memref<6x!tpu.dma_semaphore, #tpu.memory_space<semaphore_mem>> -> memref<1x!tpu.dma_semaphore, #tpu.memory_space<semaphore_mem>>
        %dma_start3A_438 = tpu.memref_squeeze %dma_start3A_437 : memref<1x!tpu.dma_semaphore, #tpu.memory_space<semaphore_mem>> -> memref<!tpu.dma_semaphore, #tpu.memory_space<semaphore_mem>>
        tpu.enqueue_indirect_dma source(%dma_start3A_436 : memref<10000x64xf32, #tpu.memory_space<hbm>>) target(%arg16 : memref<80x64xf32, #tpu.memory_space<vmem>>) offsets(%dma_start3A_433 : memref<80xi32, #tpu.memory_space<vmem>>) semaphore(%dma_start3A_438 : memref<!tpu.dma_semaphore, #tpu.memory_space<semaphore_mem>>)
      } else {
      }
      %add3A_195 = arith.constant 6 : i32
      %add3A_196 = arith.addi %mul3A_99, %add3A_195 : i32
      %add3A_197 = arith.constant 3 : i32
      %add3A_198 = arith.addi %add3A_196, %add3A_197 : i32
      %lt3A_199 = arith.constant 125 : i32
      %lt3A_200 = arith.cmpi slt, %add3A_198, %lt3A_199 : i32
      %convert_element_type3A_201 = arith.extui %lt3A_200 : i1 to i32
      %cond3A_202 = arith.constant 0 : i32
      %cond3A_203 = arith.cmpi ne, %convert_element_type3A_201, %cond3A_202 : i32
      scf.if %cond3A_203 {
        %add3A_426 = arith.constant 6 : i32
        %add3A_427 = arith.addi %mul3A_99, %add3A_426 : i32
        %add3A_428 = arith.constant 3 : i32
        %add3A_429 = arith.addi %add3A_427, %add3A_428 : i32
        %dma_start3A_430 = arith.constant 3 : i32
        %dma_start3A_431 = arith.constant 0 : i32
        %dma_start3A_432 = tpu.memref_slice %arg6[%add3A_429, %dma_start3A_431] : memref<125x80xi32, #tpu.memory_space<vmem>> -> memref<1x80xi32, #tpu.memory_space<vmem>>
        %dma_start3A_433 = tpu.memref_squeeze %dma_start3A_432 : memref<1x80xi32, #tpu.memory_space<vmem>> -> memref<80xi32, #tpu.memory_space<vmem>>
        %dma_start3A_434 = arith.constant 0 : i32
        %dma_start3A_435 = arith.constant 0 : i32
        %dma_start3A_436 = tpu.memref_slice %arg4[%dma_start3A_434, %dma_start3A_435] : memref<10000x64xf32, #tpu.memory_space<hbm>> -> memref<10000x64xf32, #tpu.memory_space<hbm>>
        %dma_start3A_437 = tpu.memref_slice %arg24[%dma_start3A_430] : memref<6x!tpu.dma_semaphore, #tpu.memory_space<semaphore_mem>> -> memref<1x!tpu.dma_semaphore, #tpu.memory_space<semaphore_mem>>
        %dma_start3A_438 = tpu.memref_squeeze %dma_start3A_437 : memref<1x!tpu.dma_semaphore, #tpu.memory_space<semaphore_mem>> -> memref<!tpu.dma_semaphore, #tpu.memory_space<semaphore_mem>>
        tpu.enqueue_indirect_dma source(%dma_start3A_436 : memref<10000x64xf32, #tpu.memory_space<hbm>>) target(%arg17 : memref<80x64xf32, #tpu.memory_space<vmem>>) offsets(%dma_start3A_433 : memref<80xi32, #tpu.memory_space<vmem>>) semaphore(%dma_start3A_438 : memref<!tpu.dma_semaphore, #tpu.memory_space<semaphore_mem>>)
      } else {
      }
      %add3A_204 = arith.constant 6 : i32
      %add3A_205 = arith.addi %mul3A_99, %add3A_204 : i32
      %add3A_206 = arith.constant 4 : i32
      %add3A_207 = arith.addi %add3A_205, %add3A_206 : i32
      %lt3A_208 = arith.constant 125 : i32
      %lt3A_209 = arith.cmpi slt, %add3A_207, %lt3A_208 : i32
      %convert_element_type3A_210 = arith.extui %lt3A_209 : i1 to i32
      %cond3A_211 = arith.constant 0 : i32
      %cond3A_212 = arith.cmpi ne, %convert_element_type3A_210, %cond3A_211 : i32
      scf.if %cond3A_212 {
        %add3A_426 = arith.constant 6 : i32
        %add3A_427 = arith.addi %mul3A_99, %add3A_426 : i32
        %add3A_428 = arith.constant 4 : i32
        %add3A_429 = arith.addi %add3A_427, %add3A_428 : i32
        %dma_start3A_430 = arith.constant 4 : i32
        %dma_start3A_431 = arith.constant 0 : i32
        %dma_start3A_432 = tpu.memref_slice %arg6[%add3A_429, %dma_start3A_431] : memref<125x80xi32, #tpu.memory_space<vmem>> -> memref<1x80xi32, #tpu.memory_space<vmem>>
        %dma_start3A_433 = tpu.memref_squeeze %dma_start3A_432 : memref<1x80xi32, #tpu.memory_space<vmem>> -> memref<80xi32, #tpu.memory_space<vmem>>
        %dma_start3A_434 = arith.constant 0 : i32
        %dma_start3A_435 = arith.constant 0 : i32
        %dma_start3A_436 = tpu.memref_slice %arg4[%dma_start3A_434, %dma_start3A_435] : memref<10000x64xf32, #tpu.memory_space<hbm>> -> memref<10000x64xf32, #tpu.memory_space<hbm>>
        %dma_start3A_437 = tpu.memref_slice %arg24[%dma_start3A_430] : memref<6x!tpu.dma_semaphore, #tpu.memory_space<semaphore_mem>> -> memref<1x!tpu.dma_semaphore, #tpu.memory_space<semaphore_mem>>
        %dma_start3A_438 = tpu.memref_squeeze %dma_start3A_437 : memref<1x!tpu.dma_semaphore, #tpu.memory_space<semaphore_mem>> -> memref<!tpu.dma_semaphore, #tpu.memory_space<semaphore_mem>>
        tpu.enqueue_indirect_dma source(%dma_start3A_436 : memref<10000x64xf32, #tpu.memory_space<hbm>>) target(%arg18 : memref<80x64xf32, #tpu.memory_space<vmem>>) offsets(%dma_start3A_433 : memref<80xi32, #tpu.memory_space<vmem>>) semaphore(%dma_start3A_438 : memref<!tpu.dma_semaphore, #tpu.memory_space<semaphore_mem>>)
      } else {
      }
      %add3A_213 = arith.constant 6 : i32
      %add3A_214 = arith.addi %mul3A_99, %add3A_213 : i32
      %add3A_215 = arith.constant 5 : i32
      %add3A_216 = arith.addi %add3A_214, %add3A_215 : i32
      %lt3A_217 = arith.constant 125 : i32
      %lt3A_218 = arith.cmpi slt, %add3A_216, %lt3A_217 : i32
      %convert_element_type3A_219 = arith.extui %lt3A_218 : i1 to i32
      %cond3A_220 = arith.constant 0 : i32
      %cond3A_221 = arith.cmpi ne, %convert_element_type3A_219, %cond3A_220 : i32
      scf.if %cond3A_221 {
        %add3A_426 = arith.constant 6 : i32
        %add3A_427 = arith.addi %mul3A_99, %add3A_426 : i32
        %add3A_428 = arith.constant 5 : i32
        %add3A_429 = arith.addi %add3A_427, %add3A_428 : i32
        %dma_start3A_430 = arith.constant 5 : i32
        %dma_start3A_431 = arith.constant 0 : i32
        %dma_start3A_432 = tpu.memref_slice %arg6[%add3A_429, %dma_start3A_431] : memref<125x80xi32, #tpu.memory_space<vmem>> -> memref<1x80xi32, #tpu.memory_space<vmem>>
        %dma_start3A_433 = tpu.memref_squeeze %dma_start3A_432 : memref<1x80xi32, #tpu.memory_space<vmem>> -> memref<80xi32, #tpu.memory_space<vmem>>
        %dma_start3A_434 = arith.constant 0 : i32
        %dma_start3A_435 = arith.constant 0 : i32
        %dma_start3A_436 = tpu.memref_slice %arg4[%dma_start3A_434, %dma_start3A_435] : memref<10000x64xf32, #tpu.memory_space<hbm>> -> memref<10000x64xf32, #tpu.memory_space<hbm>>
        %dma_start3A_437 = tpu.memref_slice %arg24[%dma_start3A_430] : memref<6x!tpu.dma_semaphore, #tpu.memory_space<semaphore_mem>> -> memref<1x!tpu.dma_semaphore, #tpu.memory_space<semaphore_mem>>
        %dma_start3A_438 = tpu.memref_squeeze %dma_start3A_437 : memref<1x!tpu.dma_semaphore, #tpu.memory_space<semaphore_mem>> -> memref<!tpu.dma_semaphore, #tpu.memory_space<semaphore_mem>>
        tpu.enqueue_indirect_dma source(%dma_start3A_436 : memref<10000x64xf32, #tpu.memory_space<hbm>>) target(%arg19 : memref<80x64xf32, #tpu.memory_space<vmem>>) offsets(%dma_start3A_433 : memref<80xi32, #tpu.memory_space<vmem>>) semaphore(%dma_start3A_438 : memref<!tpu.dma_semaphore, #tpu.memory_space<semaphore_mem>>)
      } else {
      }
      %add3A_222 = arith.constant 6 : i32
      %add3A_223 = arith.addi %mul3A_99, %add3A_222 : i32
      %add3A_224 = arith.constant 0 : i32
      %add3A_225 = arith.addi %add3A_223, %add3A_224 : i32
      %lt3A_226 = arith.constant 125 : i32
      %lt3A_227 = arith.cmpi slt, %add3A_225, %lt3A_226 : i32
      %convert_element_type3A_228 = arith.extui %lt3A_227 : i1 to i32
      %cond3A_229 = arith.constant 0 : i32
      %cond3A_230 = arith.cmpi ne, %convert_element_type3A_228, %cond3A_229 : i32
      scf.if %cond3A_230 {
        %add3A_426 = arith.constant 6 : i32
        %add3A_427 = arith.addi %mul3A_99, %add3A_426 : i32
        %add3A_428 = arith.constant 0 : i32
        %add3A_429 = arith.addi %add3A_427, %add3A_428 : i32
        %dma_wait3A = arith.constant 0 : i32
        %dma_wait3A_430 = arith.constant 0 : i32
        %dma_wait3A_431 = tpu.memref_slice %arg6[%add3A_429, %dma_wait3A_430] : memref<125x80xi32, #tpu.memory_space<vmem>> -> memref<1x80xi32, #tpu.memory_space<vmem>>
        %dma_wait3A_432 = tpu.memref_squeeze %dma_wait3A_431 : memref<1x80xi32, #tpu.memory_space<vmem>> -> memref<80xi32, #tpu.memory_space<vmem>>
        %dma_wait3A_433 = arith.constant 0 : i32
        %dma_wait3A_434 = arith.constant 0 : i32
        %dma_wait3A_435 = tpu.memref_slice %arg4[%dma_wait3A_433, %dma_wait3A_434] : memref<10000x64xf32, #tpu.memory_space<hbm>> -> memref<10000x64xf32, #tpu.memory_space<hbm>>
        %dma_wait3A_436 = tpu.memref_slice %arg24[%dma_wait3A] : memref<6x!tpu.dma_semaphore, #tpu.memory_space<semaphore_mem>> -> memref<1x!tpu.dma_semaphore, #tpu.memory_space<semaphore_mem>>
        %dma_wait3A_437 = tpu.memref_squeeze %dma_wait3A_436 : memref<1x!tpu.dma_semaphore, #tpu.memory_space<semaphore_mem>> -> memref<!tpu.dma_semaphore, #tpu.memory_space<semaphore_mem>>
        tpu.wait_indirect_dma semaphore(%dma_wait3A_437 : memref<!tpu.dma_semaphore, #tpu.memory_space<semaphore_mem>>) src(%dma_wait3A_435 : memref<10000x64xf32, #tpu.memory_space<hbm>>) dst(%arg14 : memref<80x64xf32, #tpu.memory_space<vmem>>)
      } else {
      }
      %add3A_231 = arith.constant 6 : i32
      %add3A_232 = arith.addi %mul3A_99, %add3A_231 : i32
      %add3A_233 = arith.constant 1 : i32
      %add3A_234 = arith.addi %add3A_232, %add3A_233 : i32
      %lt3A_235 = arith.constant 125 : i32
      %lt3A_236 = arith.cmpi slt, %add3A_234, %lt3A_235 : i32
      %convert_element_type3A_237 = arith.extui %lt3A_236 : i1 to i32
      %cond3A_238 = arith.constant 0 : i32
      %cond3A_239 = arith.cmpi ne, %convert_element_type3A_237, %cond3A_238 : i32
      scf.if %cond3A_239 {
        %add3A_426 = arith.constant 6 : i32
        %add3A_427 = arith.addi %mul3A_99, %add3A_426 : i32
        %add3A_428 = arith.constant 1 : i32
        %add3A_429 = arith.addi %add3A_427, %add3A_428 : i32
        %dma_wait3A = arith.constant 1 : i32
        %dma_wait3A_430 = arith.constant 0 : i32
        %dma_wait3A_431 = tpu.memref_slice %arg6[%add3A_429, %dma_wait3A_430] : memref<125x80xi32, #tpu.memory_space<vmem>> -> memref<1x80xi32, #tpu.memory_space<vmem>>
        %dma_wait3A_432 = tpu.memref_squeeze %dma_wait3A_431 : memref<1x80xi32, #tpu.memory_space<vmem>> -> memref<80xi32, #tpu.memory_space<vmem>>
        %dma_wait3A_433 = arith.constant 0 : i32
        %dma_wait3A_434 = arith.constant 0 : i32
        %dma_wait3A_435 = tpu.memref_slice %arg4[%dma_wait3A_433, %dma_wait3A_434] : memref<10000x64xf32, #tpu.memory_space<hbm>> -> memref<10000x64xf32, #tpu.memory_space<hbm>>
        %dma_wait3A_436 = tpu.memref_slice %arg24[%dma_wait3A] : memref<6x!tpu.dma_semaphore, #tpu.memory_space<semaphore_mem>> -> memref<1x!tpu.dma_semaphore, #tpu.memory_space<semaphore_mem>>
        %dma_wait3A_437 = tpu.memref_squeeze %dma_wait3A_436 : memref<1x!tpu.dma_semaphore, #tpu.memory_space<semaphore_mem>> -> memref<!tpu.dma_semaphore, #tpu.memory_space<semaphore_mem>>
        tpu.wait_indirect_dma semaphore(%dma_wait3A_437 : memref<!tpu.dma_semaphore, #tpu.memory_space<semaphore_mem>>) src(%dma_wait3A_435 : memref<10000x64xf32, #tpu.memory_space<hbm>>) dst(%arg15 : memref<80x64xf32, #tpu.memory_space<vmem>>)
      } else {
      }
      %add3A_240 = arith.constant 6 : i32
      %add3A_241 = arith.addi %mul3A_99, %add3A_240 : i32
      %add3A_242 = arith.constant 2 : i32
      %add3A_243 = arith.addi %add3A_241, %add3A_242 : i32
      %lt3A_244 = arith.constant 125 : i32
      %lt3A_245 = arith.cmpi slt, %add3A_243, %lt3A_244 : i32
      %convert_element_type3A_246 = arith.extui %lt3A_245 : i1 to i32
      %cond3A_247 = arith.constant 0 : i32
      %cond3A_248 = arith.cmpi ne, %convert_element_type3A_246, %cond3A_247 : i32
      scf.if %cond3A_248 {
        %add3A_426 = arith.constant 6 : i32
        %add3A_427 = arith.addi %mul3A_99, %add3A_426 : i32
        %add3A_428 = arith.constant 2 : i32
        %add3A_429 = arith.addi %add3A_427, %add3A_428 : i32
        %dma_wait3A = arith.constant 2 : i32
        %dma_wait3A_430 = arith.constant 0 : i32
        %dma_wait3A_431 = tpu.memref_slice %arg6[%add3A_429, %dma_wait3A_430] : memref<125x80xi32, #tpu.memory_space<vmem>> -> memref<1x80xi32, #tpu.memory_space<vmem>>
        %dma_wait3A_432 = tpu.memref_squeeze %dma_wait3A_431 : memref<1x80xi32, #tpu.memory_space<vmem>> -> memref<80xi32, #tpu.memory_space<vmem>>
        %dma_wait3A_433 = arith.constant 0 : i32
        %dma_wait3A_434 = arith.constant 0 : i32
        %dma_wait3A_435 = tpu.memref_slice %arg4[%dma_wait3A_433, %dma_wait3A_434] : memref<10000x64xf32, #tpu.memory_space<hbm>> -> memref<10000x64xf32, #tpu.memory_space<hbm>>
        %dma_wait3A_436 = tpu.memref_slice %arg24[%dma_wait3A] : memref<6x!tpu.dma_semaphore, #tpu.memory_space<semaphore_mem>> -> memref<1x!tpu.dma_semaphore, #tpu.memory_space<semaphore_mem>>
        %dma_wait3A_437 = tpu.memref_squeeze %dma_wait3A_436 : memref<1x!tpu.dma_semaphore, #tpu.memory_space<semaphore_mem>> -> memref<!tpu.dma_semaphore, #tpu.memory_space<semaphore_mem>>
        tpu.wait_indirect_dma semaphore(%dma_wait3A_437 : memref<!tpu.dma_semaphore, #tpu.memory_space<semaphore_mem>>) src(%dma_wait3A_435 : memref<10000x64xf32, #tpu.memory_space<hbm>>) dst(%arg16 : memref<80x64xf32, #tpu.memory_space<vmem>>)
      } else {
      }
      %add3A_249 = arith.constant 6 : i32
      %add3A_250 = arith.addi %mul3A_99, %add3A_249 : i32
      %add3A_251 = arith.constant 3 : i32
      %add3A_252 = arith.addi %add3A_250, %add3A_251 : i32
      %lt3A_253 = arith.constant 125 : i32
      %lt3A_254 = arith.cmpi slt, %add3A_252, %lt3A_253 : i32
      %convert_element_type3A_255 = arith.extui %lt3A_254 : i1 to i32
      %cond3A_256 = arith.constant 0 : i32
      %cond3A_257 = arith.cmpi ne, %convert_element_type3A_255, %cond3A_256 : i32
      scf.if %cond3A_257 {
        %add3A_426 = arith.constant 6 : i32
        %add3A_427 = arith.addi %mul3A_99, %add3A_426 : i32
        %add3A_428 = arith.constant 3 : i32
        %add3A_429 = arith.addi %add3A_427, %add3A_428 : i32
        %dma_wait3A = arith.constant 3 : i32
        %dma_wait3A_430 = arith.constant 0 : i32
        %dma_wait3A_431 = tpu.memref_slice %arg6[%add3A_429, %dma_wait3A_430] : memref<125x80xi32, #tpu.memory_space<vmem>> -> memref<1x80xi32, #tpu.memory_space<vmem>>
        %dma_wait3A_432 = tpu.memref_squeeze %dma_wait3A_431 : memref<1x80xi32, #tpu.memory_space<vmem>> -> memref<80xi32, #tpu.memory_space<vmem>>
        %dma_wait3A_433 = arith.constant 0 : i32
        %dma_wait3A_434 = arith.constant 0 : i32
        %dma_wait3A_435 = tpu.memref_slice %arg4[%dma_wait3A_433, %dma_wait3A_434] : memref<10000x64xf32, #tpu.memory_space<hbm>> -> memref<10000x64xf32, #tpu.memory_space<hbm>>
        %dma_wait3A_436 = tpu.memref_slice %arg24[%dma_wait3A] : memref<6x!tpu.dma_semaphore, #tpu.memory_space<semaphore_mem>> -> memref<1x!tpu.dma_semaphore, #tpu.memory_space<semaphore_mem>>
        %dma_wait3A_437 = tpu.memref_squeeze %dma_wait3A_436 : memref<1x!tpu.dma_semaphore, #tpu.memory_space<semaphore_mem>> -> memref<!tpu.dma_semaphore, #tpu.memory_space<semaphore_mem>>
        tpu.wait_indirect_dma semaphore(%dma_wait3A_437 : memref<!tpu.dma_semaphore, #tpu.memory_space<semaphore_mem>>) src(%dma_wait3A_435 : memref<10000x64xf32, #tpu.memory_space<hbm>>) dst(%arg17 : memref<80x64xf32, #tpu.memory_space<vmem>>)
      } else {
      }
      %add3A_258 = arith.constant 6 : i32
      %add3A_259 = arith.addi %mul3A_99, %add3A_258 : i32
      %add3A_260 = arith.constant 4 : i32
      %add3A_261 = arith.addi %add3A_259, %add3A_260 : i32
      %lt3A_262 = arith.constant 125 : i32
      %lt3A_263 = arith.cmpi slt, %add3A_261, %lt3A_262 : i32
      %convert_element_type3A_264 = arith.extui %lt3A_263 : i1 to i32
      %cond3A_265 = arith.constant 0 : i32
      %cond3A_266 = arith.cmpi ne, %convert_element_type3A_264, %cond3A_265 : i32
      scf.if %cond3A_266 {
        %add3A_426 = arith.constant 6 : i32
        %add3A_427 = arith.addi %mul3A_99, %add3A_426 : i32
        %add3A_428 = arith.constant 4 : i32
        %add3A_429 = arith.addi %add3A_427, %add3A_428 : i32
        %dma_wait3A = arith.constant 4 : i32
        %dma_wait3A_430 = arith.constant 0 : i32
        %dma_wait3A_431 = tpu.memref_slice %arg6[%add3A_429, %dma_wait3A_430] : memref<125x80xi32, #tpu.memory_space<vmem>> -> memref<1x80xi32, #tpu.memory_space<vmem>>
        %dma_wait3A_432 = tpu.memref_squeeze %dma_wait3A_431 : memref<1x80xi32, #tpu.memory_space<vmem>> -> memref<80xi32, #tpu.memory_space<vmem>>
        %dma_wait3A_433 = arith.constant 0 : i32
        %dma_wait3A_434 = arith.constant 0 : i32
        %dma_wait3A_435 = tpu.memref_slice %arg4[%dma_wait3A_433, %dma_wait3A_434] : memref<10000x64xf32, #tpu.memory_space<hbm>> -> memref<10000x64xf32, #tpu.memory_space<hbm>>
        %dma_wait3A_436 = tpu.memref_slice %arg24[%dma_wait3A] : memref<6x!tpu.dma_semaphore, #tpu.memory_space<semaphore_mem>> -> memref<1x!tpu.dma_semaphore, #tpu.memory_space<semaphore_mem>>
        %dma_wait3A_437 = tpu.memref_squeeze %dma_wait3A_436 : memref<1x!tpu.dma_semaphore, #tpu.memory_space<semaphore_mem>> -> memref<!tpu.dma_semaphore, #tpu.memory_space<semaphore_mem>>
        tpu.wait_indirect_dma semaphore(%dma_wait3A_437 : memref<!tpu.dma_semaphore, #tpu.memory_space<semaphore_mem>>) src(%dma_wait3A_435 : memref<10000x64xf32, #tpu.memory_space<hbm>>) dst(%arg18 : memref<80x64xf32, #tpu.memory_space<vmem>>)
      } else {
      }
      %add3A_267 = arith.constant 6 : i32
      %add3A_268 = arith.addi %mul3A_99, %add3A_267 : i32
      %add3A_269 = arith.constant 5 : i32
      %add3A_270 = arith.addi %add3A_268, %add3A_269 : i32
      %lt3A_271 = arith.constant 125 : i32
      %lt3A_272 = arith.cmpi slt, %add3A_270, %lt3A_271 : i32
      %convert_element_type3A_273 = arith.extui %lt3A_272 : i1 to i32
      %cond3A_274 = arith.constant 0 : i32
      %cond3A_275 = arith.cmpi ne, %convert_element_type3A_273, %cond3A_274 : i32
      scf.if %cond3A_275 {
        %add3A_426 = arith.constant 6 : i32
        %add3A_427 = arith.addi %mul3A_99, %add3A_426 : i32
        %add3A_428 = arith.constant 5 : i32
        %add3A_429 = arith.addi %add3A_427, %add3A_428 : i32
        %dma_wait3A = arith.constant 5 : i32
        %dma_wait3A_430 = arith.constant 0 : i32
        %dma_wait3A_431 = tpu.memref_slice %arg6[%add3A_429, %dma_wait3A_430] : memref<125x80xi32, #tpu.memory_space<vmem>> -> memref<1x80xi32, #tpu.memory_space<vmem>>
        %dma_wait3A_432 = tpu.memref_squeeze %dma_wait3A_431 : memref<1x80xi32, #tpu.memory_space<vmem>> -> memref<80xi32, #tpu.memory_space<vmem>>
        %dma_wait3A_433 = arith.constant 0 : i32
        %dma_wait3A_434 = arith.constant 0 : i32
        %dma_wait3A_435 = tpu.memref_slice %arg4[%dma_wait3A_433, %dma_wait3A_434] : memref<10000x64xf32, #tpu.memory_space<hbm>> -> memref<10000x64xf32, #tpu.memory_space<hbm>>
        %dma_wait3A_436 = tpu.memref_slice %arg24[%dma_wait3A] : memref<6x!tpu.dma_semaphore, #tpu.memory_space<semaphore_mem>> -> memref<1x!tpu.dma_semaphore, #tpu.memory_space<semaphore_mem>>
        %dma_wait3A_437 = tpu.memref_squeeze %dma_wait3A_436 : memref<1x!tpu.dma_semaphore, #tpu.memory_space<semaphore_mem>> -> memref<!tpu.dma_semaphore, #tpu.memory_space<semaphore_mem>>
        tpu.wait_indirect_dma semaphore(%dma_wait3A_437 : memref<!tpu.dma_semaphore, #tpu.memory_space<semaphore_mem>>) src(%dma_wait3A_435 : memref<10000x64xf32, #tpu.memory_space<hbm>>) dst(%arg19 : memref<80x64xf32, #tpu.memory_space<vmem>>)
      } else {
      }
      %add3A_276 = arith.constant 0 : i32
      %add3A_277 = arith.addi %mul3A_99, %add3A_276 : i32
      %lt3A_278 = arith.constant 125 : i32
      %lt3A_279 = arith.cmpi slt, %add3A_277, %lt3A_278 : i32
      %convert_element_type3A_280 = arith.extui %lt3A_279 : i1 to i32
      %cond3A_281 = arith.constant 0 : i32
      %cond3A_282 = arith.cmpi ne, %convert_element_type3A_280, %cond3A_281 : i32
      scf.if %cond3A_282 {
        %add3A_426 = arith.constant 0 : i32
        %add3A_427 = arith.addi %mul3A_99, %add3A_426 : i32
        %dma_wait3A = arith.constant 0 : i32
        %dma_wait3A_428 = arith.constant 0 : i32
        %dma_wait3A_429 = tpu.memref_slice %arg7[%add3A_427, %dma_wait3A_428] : memref<125x80xi32, #tpu.memory_space<vmem>> -> memref<1x80xi32, #tpu.memory_space<vmem>>
        %dma_wait3A_430 = tpu.memref_squeeze %dma_wait3A_429 : memref<1x80xi32, #tpu.memory_space<vmem>> -> memref<80xi32, #tpu.memory_space<vmem>>
        %dma_wait3A_431 = arith.constant 0 : i32
        %dma_wait3A_432 = arith.constant 0 : i32
        %dma_wait3A_433 = tpu.memref_slice %arg21[%dma_wait3A_431, %dma_wait3A_432] : memref<10240x64xf32, #tpu.memory_space<vmem_shared>> -> memref<10240x64xf32, #tpu.memory_space<vmem_shared>>
        %dma_wait3A_434 = tpu.memref_slice %arg23[%dma_wait3A] : memref<6x!tpu.dma_semaphore, #tpu.memory_space<semaphore_mem>> -> memref<1x!tpu.dma_semaphore, #tpu.memory_space<semaphore_mem>>
        %dma_wait3A_435 = tpu.memref_squeeze %dma_wait3A_434 : memref<1x!tpu.dma_semaphore, #tpu.memory_space<semaphore_mem>> -> memref<!tpu.dma_semaphore, #tpu.memory_space<semaphore_mem>>
        tpu.wait_indirect_dma semaphore(%dma_wait3A_435 : memref<!tpu.dma_semaphore, #tpu.memory_space<semaphore_mem>>) src(%arg8 : memref<80x64xf32, #tpu.memory_space<vmem>>) dst(%dma_wait3A_433 : memref<10240x64xf32, #tpu.memory_space<vmem_shared>>)
      } else {
      }
      %add3A_283 = arith.constant 1 : i32
      %add3A_284 = arith.addi %mul3A_99, %add3A_283 : i32
      %lt3A_285 = arith.constant 125 : i32
      %lt3A_286 = arith.cmpi slt, %add3A_284, %lt3A_285 : i32
      %convert_element_type3A_287 = arith.extui %lt3A_286 : i1 to i32
      %cond3A_288 = arith.constant 0 : i32
      %cond3A_289 = arith.cmpi ne, %convert_element_type3A_287, %cond3A_288 : i32
      scf.if %cond3A_289 {
        %add3A_426 = arith.constant 1 : i32
        %add3A_427 = arith.addi %mul3A_99, %add3A_426 : i32
        %dma_wait3A = arith.constant 1 : i32
        %dma_wait3A_428 = arith.constant 0 : i32
        %dma_wait3A_429 = tpu.memref_slice %arg7[%add3A_427, %dma_wait3A_428] : memref<125x80xi32, #tpu.memory_space<vmem>> -> memref<1x80xi32, #tpu.memory_space<vmem>>
        %dma_wait3A_430 = tpu.memref_squeeze %dma_wait3A_429 : memref<1x80xi32, #tpu.memory_space<vmem>> -> memref<80xi32, #tpu.memory_space<vmem>>
        %dma_wait3A_431 = arith.constant 0 : i32
        %dma_wait3A_432 = arith.constant 0 : i32
        %dma_wait3A_433 = tpu.memref_slice %arg21[%dma_wait3A_431, %dma_wait3A_432] : memref<10240x64xf32, #tpu.memory_space<vmem_shared>> -> memref<10240x64xf32, #tpu.memory_space<vmem_shared>>
        %dma_wait3A_434 = tpu.memref_slice %arg23[%dma_wait3A] : memref<6x!tpu.dma_semaphore, #tpu.memory_space<semaphore_mem>> -> memref<1x!tpu.dma_semaphore, #tpu.memory_space<semaphore_mem>>
        %dma_wait3A_435 = tpu.memref_squeeze %dma_wait3A_434 : memref<1x!tpu.dma_semaphore, #tpu.memory_space<semaphore_mem>> -> memref<!tpu.dma_semaphore, #tpu.memory_space<semaphore_mem>>
        tpu.wait_indirect_dma semaphore(%dma_wait3A_435 : memref<!tpu.dma_semaphore, #tpu.memory_space<semaphore_mem>>) src(%arg9 : memref<80x64xf32, #tpu.memory_space<vmem>>) dst(%dma_wait3A_433 : memref<10240x64xf32, #tpu.memory_space<vmem_shared>>)
      } else {
      }
      %add3A_290 = arith.constant 2 : i32
      %add3A_291 = arith.addi %mul3A_99, %add3A_290 : i32
      %lt3A_292 = arith.constant 125 : i32
      %lt3A_293 = arith.cmpi slt, %add3A_291, %lt3A_292 : i32
      %convert_element_type3A_294 = arith.extui %lt3A_293 : i1 to i32
      %cond3A_295 = arith.constant 0 : i32
      %cond3A_296 = arith.cmpi ne, %convert_element_type3A_294, %cond3A_295 : i32
      scf.if %cond3A_296 {
        %add3A_426 = arith.constant 2 : i32
        %add3A_427 = arith.addi %mul3A_99, %add3A_426 : i32
        %dma_wait3A = arith.constant 2 : i32
        %dma_wait3A_428 = arith.constant 0 : i32
        %dma_wait3A_429 = tpu.memref_slice %arg7[%add3A_427, %dma_wait3A_428] : memref<125x80xi32, #tpu.memory_space<vmem>> -> memref<1x80xi32, #tpu.memory_space<vmem>>
        %dma_wait3A_430 = tpu.memref_squeeze %dma_wait3A_429 : memref<1x80xi32, #tpu.memory_space<vmem>> -> memref<80xi32, #tpu.memory_space<vmem>>
        %dma_wait3A_431 = arith.constant 0 : i32
        %dma_wait3A_432 = arith.constant 0 : i32
        %dma_wait3A_433 = tpu.memref_slice %arg21[%dma_wait3A_431, %dma_wait3A_432] : memref<10240x64xf32, #tpu.memory_space<vmem_shared>> -> memref<10240x64xf32, #tpu.memory_space<vmem_shared>>
        %dma_wait3A_434 = tpu.memref_slice %arg23[%dma_wait3A] : memref<6x!tpu.dma_semaphore, #tpu.memory_space<semaphore_mem>> -> memref<1x!tpu.dma_semaphore, #tpu.memory_space<semaphore_mem>>
        %dma_wait3A_435 = tpu.memref_squeeze %dma_wait3A_434 : memref<1x!tpu.dma_semaphore, #tpu.memory_space<semaphore_mem>> -> memref<!tpu.dma_semaphore, #tpu.memory_space<semaphore_mem>>
        tpu.wait_indirect_dma semaphore(%dma_wait3A_435 : memref<!tpu.dma_semaphore, #tpu.memory_space<semaphore_mem>>) src(%arg10 : memref<80x64xf32, #tpu.memory_space<vmem>>) dst(%dma_wait3A_433 : memref<10240x64xf32, #tpu.memory_space<vmem_shared>>)
      } else {
      }
      %add3A_297 = arith.constant 3 : i32
      %add3A_298 = arith.addi %mul3A_99, %add3A_297 : i32
      %lt3A_299 = arith.constant 125 : i32
      %lt3A_300 = arith.cmpi slt, %add3A_298, %lt3A_299 : i32
      %convert_element_type3A_301 = arith.extui %lt3A_300 : i1 to i32
      %cond3A_302 = arith.constant 0 : i32
      %cond3A_303 = arith.cmpi ne, %convert_element_type3A_301, %cond3A_302 : i32
      scf.if %cond3A_303 {
        %add3A_426 = arith.constant 3 : i32
        %add3A_427 = arith.addi %mul3A_99, %add3A_426 : i32
        %dma_wait3A = arith.constant 3 : i32
        %dma_wait3A_428 = arith.constant 0 : i32
        %dma_wait3A_429 = tpu.memref_slice %arg7[%add3A_427, %dma_wait3A_428] : memref<125x80xi32, #tpu.memory_space<vmem>> -> memref<1x80xi32, #tpu.memory_space<vmem>>
        %dma_wait3A_430 = tpu.memref_squeeze %dma_wait3A_429 : memref<1x80xi32, #tpu.memory_space<vmem>> -> memref<80xi32, #tpu.memory_space<vmem>>
        %dma_wait3A_431 = arith.constant 0 : i32
        %dma_wait3A_432 = arith.constant 0 : i32
        %dma_wait3A_433 = tpu.memref_slice %arg21[%dma_wait3A_431, %dma_wait3A_432] : memref<10240x64xf32, #tpu.memory_space<vmem_shared>> -> memref<10240x64xf32, #tpu.memory_space<vmem_shared>>
        %dma_wait3A_434 = tpu.memref_slice %arg23[%dma_wait3A] : memref<6x!tpu.dma_semaphore, #tpu.memory_space<semaphore_mem>> -> memref<1x!tpu.dma_semaphore, #tpu.memory_space<semaphore_mem>>
        %dma_wait3A_435 = tpu.memref_squeeze %dma_wait3A_434 : memref<1x!tpu.dma_semaphore, #tpu.memory_space<semaphore_mem>> -> memref<!tpu.dma_semaphore, #tpu.memory_space<semaphore_mem>>
        tpu.wait_indirect_dma semaphore(%dma_wait3A_435 : memref<!tpu.dma_semaphore, #tpu.memory_space<semaphore_mem>>) src(%arg11 : memref<80x64xf32, #tpu.memory_space<vmem>>) dst(%dma_wait3A_433 : memref<10240x64xf32, #tpu.memory_space<vmem_shared>>)
      } else {
      }
      %add3A_304 = arith.constant 4 : i32
      %add3A_305 = arith.addi %mul3A_99, %add3A_304 : i32
      %lt3A_306 = arith.constant 125 : i32
      %lt3A_307 = arith.cmpi slt, %add3A_305, %lt3A_306 : i32
      %convert_element_type3A_308 = arith.extui %lt3A_307 : i1 to i32
      %cond3A_309 = arith.constant 0 : i32
      %cond3A_310 = arith.cmpi ne, %convert_element_type3A_308, %cond3A_309 : i32
      scf.if %cond3A_310 {
        %add3A_426 = arith.constant 4 : i32
        %add3A_427 = arith.addi %mul3A_99, %add3A_426 : i32
        %dma_wait3A = arith.constant 4 : i32
        %dma_wait3A_428 = arith.constant 0 : i32
        %dma_wait3A_429 = tpu.memref_slice %arg7[%add3A_427, %dma_wait3A_428] : memref<125x80xi32, #tpu.memory_space<vmem>> -> memref<1x80xi32, #tpu.memory_space<vmem>>
        %dma_wait3A_430 = tpu.memref_squeeze %dma_wait3A_429 : memref<1x80xi32, #tpu.memory_space<vmem>> -> memref<80xi32, #tpu.memory_space<vmem>>
        %dma_wait3A_431 = arith.constant 0 : i32
        %dma_wait3A_432 = arith.constant 0 : i32
        %dma_wait3A_433 = tpu.memref_slice %arg21[%dma_wait3A_431, %dma_wait3A_432] : memref<10240x64xf32, #tpu.memory_space<vmem_shared>> -> memref<10240x64xf32, #tpu.memory_space<vmem_shared>>
        %dma_wait3A_434 = tpu.memref_slice %arg23[%dma_wait3A] : memref<6x!tpu.dma_semaphore, #tpu.memory_space<semaphore_mem>> -> memref<1x!tpu.dma_semaphore, #tpu.memory_space<semaphore_mem>>
        %dma_wait3A_435 = tpu.memref_squeeze %dma_wait3A_434 : memref<1x!tpu.dma_semaphore, #tpu.memory_space<semaphore_mem>> -> memref<!tpu.dma_semaphore, #tpu.memory_space<semaphore_mem>>
        tpu.wait_indirect_dma semaphore(%dma_wait3A_435 : memref<!tpu.dma_semaphore, #tpu.memory_space<semaphore_mem>>) src(%arg12 : memref<80x64xf32, #tpu.memory_space<vmem>>) dst(%dma_wait3A_433 : memref<10240x64xf32, #tpu.memory_space<vmem_shared>>)
      } else {
      }
      %add3A_311 = arith.constant 5 : i32
      %add3A_312 = arith.addi %mul3A_99, %add3A_311 : i32
      %lt3A_313 = arith.constant 125 : i32
      %lt3A_314 = arith.cmpi slt, %add3A_312, %lt3A_313 : i32
      %convert_element_type3A_315 = arith.extui %lt3A_314 : i1 to i32
      %cond3A_316 = arith.constant 0 : i32
      %cond3A_317 = arith.cmpi ne, %convert_element_type3A_315, %cond3A_316 : i32
      scf.if %cond3A_317 {
        %add3A_426 = arith.constant 5 : i32
        %add3A_427 = arith.addi %mul3A_99, %add3A_426 : i32
        %dma_wait3A = arith.constant 5 : i32
        %dma_wait3A_428 = arith.constant 0 : i32
        %dma_wait3A_429 = tpu.memref_slice %arg7[%add3A_427, %dma_wait3A_428] : memref<125x80xi32, #tpu.memory_space<vmem>> -> memref<1x80xi32, #tpu.memory_space<vmem>>
        %dma_wait3A_430 = tpu.memref_squeeze %dma_wait3A_429 : memref<1x80xi32, #tpu.memory_space<vmem>> -> memref<80xi32, #tpu.memory_space<vmem>>
        %dma_wait3A_431 = arith.constant 0 : i32
        %dma_wait3A_432 = arith.constant 0 : i32
        %dma_wait3A_433 = tpu.memref_slice %arg21[%dma_wait3A_431, %dma_wait3A_432] : memref<10240x64xf32, #tpu.memory_space<vmem_shared>> -> memref<10240x64xf32, #tpu.memory_space<vmem_shared>>
        %dma_wait3A_434 = tpu.memref_slice %arg23[%dma_wait3A] : memref<6x!tpu.dma_semaphore, #tpu.memory_space<semaphore_mem>> -> memref<1x!tpu.dma_semaphore, #tpu.memory_space<semaphore_mem>>
        %dma_wait3A_435 = tpu.memref_squeeze %dma_wait3A_434 : memref<1x!tpu.dma_semaphore, #tpu.memory_space<semaphore_mem>> -> memref<!tpu.dma_semaphore, #tpu.memory_space<semaphore_mem>>
        tpu.wait_indirect_dma semaphore(%dma_wait3A_435 : memref<!tpu.dma_semaphore, #tpu.memory_space<semaphore_mem>>) src(%arg13 : memref<80x64xf32, #tpu.memory_space<vmem>>) dst(%dma_wait3A_433 : memref<10240x64xf32, #tpu.memory_space<vmem_shared>>)
      } else {
      }
      %add3A_318 = arith.constant 6 : i32
      %add3A_319 = arith.addi %mul3A_99, %add3A_318 : i32
      %add3A_320 = arith.constant 0 : i32
      %add3A_321 = arith.addi %add3A_319, %add3A_320 : i32
      %lt3A_322 = arith.constant 125 : i32
      %lt3A_323 = arith.cmpi slt, %add3A_321, %lt3A_322 : i32
      %convert_element_type3A_324 = arith.extui %lt3A_323 : i1 to i32
      %cond3A_325 = arith.constant 0 : i32
      %cond3A_326 = arith.cmpi ne, %convert_element_type3A_324, %cond3A_325 : i32
      scf.if %cond3A_326 {
        %add3A_426 = arith.constant 6 : i32
        %add3A_427 = arith.addi %mul3A_99, %add3A_426 : i32
        %add3A_428 = arith.constant 0 : i32
        %add3A_429 = arith.addi %add3A_427, %add3A_428 : i32
        %dma_start3A_430 = arith.constant 0 : i32
        %dma_start3A_431 = arith.constant 0 : i32
        %dma_start3A_432 = tpu.memref_slice %arg7[%add3A_429, %dma_start3A_431] : memref<125x80xi32, #tpu.memory_space<vmem>> -> memref<1x80xi32, #tpu.memory_space<vmem>>
        %dma_start3A_433 = tpu.memref_squeeze %dma_start3A_432 : memref<1x80xi32, #tpu.memory_space<vmem>> -> memref<80xi32, #tpu.memory_space<vmem>>
        %dma_start3A_434 = arith.constant 0 : i32
        %dma_start3A_435 = arith.constant 0 : i32
        %dma_start3A_436 = tpu.memref_slice %arg21[%dma_start3A_434, %dma_start3A_435] : memref<10240x64xf32, #tpu.memory_space<vmem_shared>> -> memref<10240x64xf32, #tpu.memory_space<vmem_shared>>
        %dma_start3A_437 = tpu.memref_slice %arg25[%dma_start3A_430] : memref<6x!tpu.dma_semaphore, #tpu.memory_space<semaphore_mem>> -> memref<1x!tpu.dma_semaphore, #tpu.memory_space<semaphore_mem>>
        %dma_start3A_438 = tpu.memref_squeeze %dma_start3A_437 : memref<1x!tpu.dma_semaphore, #tpu.memory_space<semaphore_mem>> -> memref<!tpu.dma_semaphore, #tpu.memory_space<semaphore_mem>>
        tpu.enqueue_indirect_dma source(%arg14 : memref<80x64xf32, #tpu.memory_space<vmem>>) target(%dma_start3A_436 : memref<10240x64xf32, #tpu.memory_space<vmem_shared>>) offsets(%dma_start3A_433 : memref<80xi32, #tpu.memory_space<vmem>>) semaphore(%dma_start3A_438 : memref<!tpu.dma_semaphore, #tpu.memory_space<semaphore_mem>>) {add = true}
      } else {
      }
      %add3A_327 = arith.constant 6 : i32
      %add3A_328 = arith.addi %mul3A_99, %add3A_327 : i32
      %add3A_329 = arith.constant 1 : i32
      %add3A_330 = arith.addi %add3A_328, %add3A_329 : i32
      %lt3A_331 = arith.constant 125 : i32
      %lt3A_332 = arith.cmpi slt, %add3A_330, %lt3A_331 : i32
      %convert_element_type3A_333 = arith.extui %lt3A_332 : i1 to i32
      %cond3A_334 = arith.constant 0 : i32
      %cond3A_335 = arith.cmpi ne, %convert_element_type3A_333, %cond3A_334 : i32
      scf.if %cond3A_335 {
        %add3A_426 = arith.constant 6 : i32
        %add3A_427 = arith.addi %mul3A_99, %add3A_426 : i32
        %add3A_428 = arith.constant 1 : i32
        %add3A_429 = arith.addi %add3A_427, %add3A_428 : i32
        %dma_start3A_430 = arith.constant 1 : i32
        %dma_start3A_431 = arith.constant 0 : i32
        %dma_start3A_432 = tpu.memref_slice %arg7[%add3A_429, %dma_start3A_431] : memref<125x80xi32, #tpu.memory_space<vmem>> -> memref<1x80xi32, #tpu.memory_space<vmem>>
        %dma_start3A_433 = tpu.memref_squeeze %dma_start3A_432 : memref<1x80xi32, #tpu.memory_space<vmem>> -> memref<80xi32, #tpu.memory_space<vmem>>
        %dma_start3A_434 = arith.constant 0 : i32
        %dma_start3A_435 = arith.constant 0 : i32
        %dma_start3A_436 = tpu.memref_slice %arg21[%dma_start3A_434, %dma_start3A_435] : memref<10240x64xf32, #tpu.memory_space<vmem_shared>> -> memref<10240x64xf32, #tpu.memory_space<vmem_shared>>
        %dma_start3A_437 = tpu.memref_slice %arg25[%dma_start3A_430] : memref<6x!tpu.dma_semaphore, #tpu.memory_space<semaphore_mem>> -> memref<1x!tpu.dma_semaphore, #tpu.memory_space<semaphore_mem>>
        %dma_start3A_438 = tpu.memref_squeeze %dma_start3A_437 : memref<1x!tpu.dma_semaphore, #tpu.memory_space<semaphore_mem>> -> memref<!tpu.dma_semaphore, #tpu.memory_space<semaphore_mem>>
        tpu.enqueue_indirect_dma source(%arg15 : memref<80x64xf32, #tpu.memory_space<vmem>>) target(%dma_start3A_436 : memref<10240x64xf32, #tpu.memory_space<vmem_shared>>) offsets(%dma_start3A_433 : memref<80xi32, #tpu.memory_space<vmem>>) semaphore(%dma_start3A_438 : memref<!tpu.dma_semaphore, #tpu.memory_space<semaphore_mem>>) {add = true}
      } else {
      }
      %add3A_336 = arith.constant 6 : i32
      %add3A_337 = arith.addi %mul3A_99, %add3A_336 : i32
      %add3A_338 = arith.constant 2 : i32
      %add3A_339 = arith.addi %add3A_337, %add3A_338 : i32
      %lt3A_340 = arith.constant 125 : i32
      %lt3A_341 = arith.cmpi slt, %add3A_339, %lt3A_340 : i32
      %convert_element_type3A_342 = arith.extui %lt3A_341 : i1 to i32
      %cond3A_343 = arith.constant 0 : i32
      %cond3A_344 = arith.cmpi ne, %convert_element_type3A_342, %cond3A_343 : i32
      scf.if %cond3A_344 {
        %add3A_426 = arith.constant 6 : i32
        %add3A_427 = arith.addi %mul3A_99, %add3A_426 : i32
        %add3A_428 = arith.constant 2 : i32
        %add3A_429 = arith.addi %add3A_427, %add3A_428 : i32
        %dma_start3A_430 = arith.constant 2 : i32
        %dma_start3A_431 = arith.constant 0 : i32
        %dma_start3A_432 = tpu.memref_slice %arg7[%add3A_429, %dma_start3A_431] : memref<125x80xi32, #tpu.memory_space<vmem>> -> memref<1x80xi32, #tpu.memory_space<vmem>>
        %dma_start3A_433 = tpu.memref_squeeze %dma_start3A_432 : memref<1x80xi32, #tpu.memory_space<vmem>> -> memref<80xi32, #tpu.memory_space<vmem>>
        %dma_start3A_434 = arith.constant 0 : i32
        %dma_start3A_435 = arith.constant 0 : i32
        %dma_start3A_436 = tpu.memref_slice %arg21[%dma_start3A_434, %dma_start3A_435] : memref<10240x64xf32, #tpu.memory_space<vmem_shared>> -> memref<10240x64xf32, #tpu.memory_space<vmem_shared>>
        %dma_start3A_437 = tpu.memref_slice %arg25[%dma_start3A_430] : memref<6x!tpu.dma_semaphore, #tpu.memory_space<semaphore_mem>> -> memref<1x!tpu.dma_semaphore, #tpu.memory_space<semaphore_mem>>
        %dma_start3A_438 = tpu.memref_squeeze %dma_start3A_437 : memref<1x!tpu.dma_semaphore, #tpu.memory_space<semaphore_mem>> -> memref<!tpu.dma_semaphore, #tpu.memory_space<semaphore_mem>>
        tpu.enqueue_indirect_dma source(%arg16 : memref<80x64xf32, #tpu.memory_space<vmem>>) target(%dma_start3A_436 : memref<10240x64xf32, #tpu.memory_space<vmem_shared>>) offsets(%dma_start3A_433 : memref<80xi32, #tpu.memory_space<vmem>>) semaphore(%dma_start3A_438 : memref<!tpu.dma_semaphore, #tpu.memory_space<semaphore_mem>>) {add = true}
      } else {
      }
      %add3A_345 = arith.constant 6 : i32
      %add3A_346 = arith.addi %mul3A_99, %add3A_345 : i32
      %add3A_347 = arith.constant 3 : i32
      %add3A_348 = arith.addi %add3A_346, %add3A_347 : i32
      %lt3A_349 = arith.constant 125 : i32
      %lt3A_350 = arith.cmpi slt, %add3A_348, %lt3A_349 : i32
      %convert_element_type3A_351 = arith.extui %lt3A_350 : i1 to i32
      %cond3A_352 = arith.constant 0 : i32
      %cond3A_353 = arith.cmpi ne, %convert_element_type3A_351, %cond3A_352 : i32
      scf.if %cond3A_353 {
        %add3A_426 = arith.constant 6 : i32
        %add3A_427 = arith.addi %mul3A_99, %add3A_426 : i32
        %add3A_428 = arith.constant 3 : i32
        %add3A_429 = arith.addi %add3A_427, %add3A_428 : i32
        %dma_start3A_430 = arith.constant 3 : i32
        %dma_start3A_431 = arith.constant 0 : i32
        %dma_start3A_432 = tpu.memref_slice %arg7[%add3A_429, %dma_start3A_431] : memref<125x80xi32, #tpu.memory_space<vmem>> -> memref<1x80xi32, #tpu.memory_space<vmem>>
        %dma_start3A_433 = tpu.memref_squeeze %dma_start3A_432 : memref<1x80xi32, #tpu.memory_space<vmem>> -> memref<80xi32, #tpu.memory_space<vmem>>
        %dma_start3A_434 = arith.constant 0 : i32
        %dma_start3A_435 = arith.constant 0 : i32
        %dma_start3A_436 = tpu.memref_slice %arg21[%dma_start3A_434, %dma_start3A_435] : memref<10240x64xf32, #tpu.memory_space<vmem_shared>> -> memref<10240x64xf32, #tpu.memory_space<vmem_shared>>
        %dma_start3A_437 = tpu.memref_slice %arg25[%dma_start3A_430] : memref<6x!tpu.dma_semaphore, #tpu.memory_space<semaphore_mem>> -> memref<1x!tpu.dma_semaphore, #tpu.memory_space<semaphore_mem>>
        %dma_start3A_438 = tpu.memref_squeeze %dma_start3A_437 : memref<1x!tpu.dma_semaphore, #tpu.memory_space<semaphore_mem>> -> memref<!tpu.dma_semaphore, #tpu.memory_space<semaphore_mem>>
        tpu.enqueue_indirect_dma source(%arg17 : memref<80x64xf32, #tpu.memory_space<vmem>>) target(%dma_start3A_436 : memref<10240x64xf32, #tpu.memory_space<vmem_shared>>) offsets(%dma_start3A_433 : memref<80xi32, #tpu.memory_space<vmem>>) semaphore(%dma_start3A_438 : memref<!tpu.dma_semaphore, #tpu.memory_space<semaphore_mem>>) {add = true}
      } else {
      }
      %add3A_354 = arith.constant 6 : i32
      %add3A_355 = arith.addi %mul3A_99, %add3A_354 : i32
      %add3A_356 = arith.constant 4 : i32
      %add3A_357 = arith.addi %add3A_355, %add3A_356 : i32
      %lt3A_358 = arith.constant 125 : i32
      %lt3A_359 = arith.cmpi slt, %add3A_357, %lt3A_358 : i32
      %convert_element_type3A_360 = arith.extui %lt3A_359 : i1 to i32
      %cond3A_361 = arith.constant 0 : i32
      %cond3A_362 = arith.cmpi ne, %convert_element_type3A_360, %cond3A_361 : i32
      scf.if %cond3A_362 {
        %add3A_426 = arith.constant 6 : i32
        %add3A_427 = arith.addi %mul3A_99, %add3A_426 : i32
        %add3A_428 = arith.constant 4 : i32
        %add3A_429 = arith.addi %add3A_427, %add3A_428 : i32
        %dma_start3A_430 = arith.constant 4 : i32
        %dma_start3A_431 = arith.constant 0 : i32
        %dma_start3A_432 = tpu.memref_slice %arg7[%add3A_429, %dma_start3A_431] : memref<125x80xi32, #tpu.memory_space<vmem>> -> memref<1x80xi32, #tpu.memory_space<vmem>>
        %dma_start3A_433 = tpu.memref_squeeze %dma_start3A_432 : memref<1x80xi32, #tpu.memory_space<vmem>> -> memref<80xi32, #tpu.memory_space<vmem>>
        %dma_start3A_434 = arith.constant 0 : i32
        %dma_start3A_435 = arith.constant 0 : i32
        %dma_start3A_436 = tpu.memref_slice %arg21[%dma_start3A_434, %dma_start3A_435] : memref<10240x64xf32, #tpu.memory_space<vmem_shared>> -> memref<10240x64xf32, #tpu.memory_space<vmem_shared>>
        %dma_start3A_437 = tpu.memref_slice %arg25[%dma_start3A_430] : memref<6x!tpu.dma_semaphore, #tpu.memory_space<semaphore_mem>> -> memref<1x!tpu.dma_semaphore, #tpu.memory_space<semaphore_mem>>
        %dma_start3A_438 = tpu.memref_squeeze %dma_start3A_437 : memref<1x!tpu.dma_semaphore, #tpu.memory_space<semaphore_mem>> -> memref<!tpu.dma_semaphore, #tpu.memory_space<semaphore_mem>>
        tpu.enqueue_indirect_dma source(%arg18 : memref<80x64xf32, #tpu.memory_space<vmem>>) target(%dma_start3A_436 : memref<10240x64xf32, #tpu.memory_space<vmem_shared>>) offsets(%dma_start3A_433 : memref<80xi32, #tpu.memory_space<vmem>>) semaphore(%dma_start3A_438 : memref<!tpu.dma_semaphore, #tpu.memory_space<semaphore_mem>>) {add = true}
      } else {
      }
      %add3A_363 = arith.constant 6 : i32
      %add3A_364 = arith.addi %mul3A_99, %add3A_363 : i32
      %add3A_365 = arith.constant 5 : i32
      %add3A_366 = arith.addi %add3A_364, %add3A_365 : i32
      %lt3A_367 = arith.constant 125 : i32
      %lt3A_368 = arith.cmpi slt, %add3A_366, %lt3A_367 : i32
      %convert_element_type3A_369 = arith.extui %lt3A_368 : i1 to i32
      %cond3A_370 = arith.constant 0 : i32
      %cond3A_371 = arith.cmpi ne, %convert_element_type3A_369, %cond3A_370 : i32
      scf.if %cond3A_371 {
        %add3A_426 = arith.constant 6 : i32
        %add3A_427 = arith.addi %mul3A_99, %add3A_426 : i32
        %add3A_428 = arith.constant 5 : i32
        %add3A_429 = arith.addi %add3A_427, %add3A_428 : i32
        %dma_start3A_430 = arith.constant 5 : i32
        %dma_start3A_431 = arith.constant 0 : i32
        %dma_start3A_432 = tpu.memref_slice %arg7[%add3A_429, %dma_start3A_431] : memref<125x80xi32, #tpu.memory_space<vmem>> -> memref<1x80xi32, #tpu.memory_space<vmem>>
        %dma_start3A_433 = tpu.memref_squeeze %dma_start3A_432 : memref<1x80xi32, #tpu.memory_space<vmem>> -> memref<80xi32, #tpu.memory_space<vmem>>
        %dma_start3A_434 = arith.constant 0 : i32
        %dma_start3A_435 = arith.constant 0 : i32
        %dma_start3A_436 = tpu.memref_slice %arg21[%dma_start3A_434, %dma_start3A_435] : memref<10240x64xf32, #tpu.memory_space<vmem_shared>> -> memref<10240x64xf32, #tpu.memory_space<vmem_shared>>
        %dma_start3A_437 = tpu.memref_slice %arg25[%dma_start3A_430] : memref<6x!tpu.dma_semaphore, #tpu.memory_space<semaphore_mem>> -> memref<1x!tpu.dma_semaphore, #tpu.memory_space<semaphore_mem>>
        %dma_start3A_438 = tpu.memref_squeeze %dma_start3A_437 : memref<1x!tpu.dma_semaphore, #tpu.memory_space<semaphore_mem>> -> memref<!tpu.dma_semaphore, #tpu.memory_space<semaphore_mem>>
        tpu.enqueue_indirect_dma source(%arg19 : memref<80x64xf32, #tpu.memory_space<vmem>>) target(%dma_start3A_436 : memref<10240x64xf32, #tpu.memory_space<vmem_shared>>) offsets(%dma_start3A_433 : memref<80xi32, #tpu.memory_space<vmem>>) semaphore(%dma_start3A_438 : memref<!tpu.dma_semaphore, #tpu.memory_space<semaphore_mem>>) {add = true}
      } else {
      }
      %add3A_372 = arith.constant 12 : i32
      %add3A_373 = arith.addi %mul3A_99, %add3A_372 : i32
      %add3A_374 = arith.constant 0 : i32
      %add3A_375 = arith.addi %add3A_373, %add3A_374 : i32
      %lt3A_376 = arith.constant 125 : i32
      %lt3A_377 = arith.cmpi slt, %add3A_375, %lt3A_376 : i32
      %convert_element_type3A_378 = arith.extui %lt3A_377 : i1 to i32
      %cond3A_379 = arith.constant 0 : i32
      %cond3A_380 = arith.cmpi ne, %convert_element_type3A_378, %cond3A_379 : i32
      scf.if %cond3A_380 {
        %add3A_426 = arith.constant 12 : i32
        %add3A_427 = arith.addi %mul3A_99, %add3A_426 : i32
        %add3A_428 = arith.constant 0 : i32
        %add3A_429 = arith.addi %add3A_427, %add3A_428 : i32
        %dma_start3A_430 = arith.constant 0 : i32
        %dma_start3A_431 = arith.constant 0 : i32
        %dma_start3A_432 = tpu.memref_slice %arg6[%add3A_429, %dma_start3A_431] : memref<125x80xi32, #tpu.memory_space<vmem>> -> memref<1x80xi32, #tpu.memory_space<vmem>>
        %dma_start3A_433 = tpu.memref_squeeze %dma_start3A_432 : memref<1x80xi32, #tpu.memory_space<vmem>> -> memref<80xi32, #tpu.memory_space<vmem>>
        %dma_start3A_434 = arith.constant 0 : i32
        %dma_start3A_435 = arith.constant 0 : i32
        %dma_start3A_436 = tpu.memref_slice %arg4[%dma_start3A_434, %dma_start3A_435] : memref<10000x64xf32, #tpu.memory_space<hbm>> -> memref<10000x64xf32, #tpu.memory_space<hbm>>
        %dma_start3A_437 = tpu.memref_slice %arg22[%dma_start3A_430] : memref<6x!tpu.dma_semaphore, #tpu.memory_space<semaphore_mem>> -> memref<1x!tpu.dma_semaphore, #tpu.memory_space<semaphore_mem>>
        %dma_start3A_438 = tpu.memref_squeeze %dma_start3A_437 : memref<1x!tpu.dma_semaphore, #tpu.memory_space<semaphore_mem>> -> memref<!tpu.dma_semaphore, #tpu.memory_space<semaphore_mem>>
        tpu.enqueue_indirect_dma source(%dma_start3A_436 : memref<10000x64xf32, #tpu.memory_space<hbm>>) target(%arg8 : memref<80x64xf32, #tpu.memory_space<vmem>>) offsets(%dma_start3A_433 : memref<80xi32, #tpu.memory_space<vmem>>) semaphore(%dma_start3A_438 : memref<!tpu.dma_semaphore, #tpu.memory_space<semaphore_mem>>)
      } else {
      }
      %add3A_381 = arith.constant 12 : i32
      %add3A_382 = arith.addi %mul3A_99, %add3A_381 : i32
      %add3A_383 = arith.constant 1 : i32
      %add3A_384 = arith.addi %add3A_382, %add3A_383 : i32
      %lt3A_385 = arith.constant 125 : i32
      %lt3A_386 = arith.cmpi slt, %add3A_384, %lt3A_385 : i32
      %convert_element_type3A_387 = arith.extui %lt3A_386 : i1 to i32
      %cond3A_388 = arith.constant 0 : i32
      %cond3A_389 = arith.cmpi ne, %convert_element_type3A_387, %cond3A_388 : i32
      scf.if %cond3A_389 {
        %add3A_426 = arith.constant 12 : i32
        %add3A_427 = arith.addi %mul3A_99, %add3A_426 : i32
        %add3A_428 = arith.constant 1 : i32
        %add3A_429 = arith.addi %add3A_427, %add3A_428 : i32
        %dma_start3A_430 = arith.constant 1 : i32
        %dma_start3A_431 = arith.constant 0 : i32
        %dma_start3A_432 = tpu.memref_slice %arg6[%add3A_429, %dma_start3A_431] : memref<125x80xi32, #tpu.memory_space<vmem>> -> memref<1x80xi32, #tpu.memory_space<vmem>>
        %dma_start3A_433 = tpu.memref_squeeze %dma_start3A_432 : memref<1x80xi32, #tpu.memory_space<vmem>> -> memref<80xi32, #tpu.memory_space<vmem>>
        %dma_start3A_434 = arith.constant 0 : i32
        %dma_start3A_435 = arith.constant 0 : i32
        %dma_start3A_436 = tpu.memref_slice %arg4[%dma_start3A_434, %dma_start3A_435] : memref<10000x64xf32, #tpu.memory_space<hbm>> -> memref<10000x64xf32, #tpu.memory_space<hbm>>
        %dma_start3A_437 = tpu.memref_slice %arg22[%dma_start3A_430] : memref<6x!tpu.dma_semaphore, #tpu.memory_space<semaphore_mem>> -> memref<1x!tpu.dma_semaphore, #tpu.memory_space<semaphore_mem>>
        %dma_start3A_438 = tpu.memref_squeeze %dma_start3A_437 : memref<1x!tpu.dma_semaphore, #tpu.memory_space<semaphore_mem>> -> memref<!tpu.dma_semaphore, #tpu.memory_space<semaphore_mem>>
        tpu.enqueue_indirect_dma source(%dma_start3A_436 : memref<10000x64xf32, #tpu.memory_space<hbm>>) target(%arg9 : memref<80x64xf32, #tpu.memory_space<vmem>>) offsets(%dma_start3A_433 : memref<80xi32, #tpu.memory_space<vmem>>) semaphore(%dma_start3A_438 : memref<!tpu.dma_semaphore, #tpu.memory_space<semaphore_mem>>)
      } else {
      }
      %add3A_390 = arith.constant 12 : i32
      %add3A_391 = arith.addi %mul3A_99, %add3A_390 : i32
      %add3A_392 = arith.constant 2 : i32
      %add3A_393 = arith.addi %add3A_391, %add3A_392 : i32
      %lt3A_394 = arith.constant 125 : i32
      %lt3A_395 = arith.cmpi slt, %add3A_393, %lt3A_394 : i32
      %convert_element_type3A_396 = arith.extui %lt3A_395 : i1 to i32
      %cond3A_397 = arith.constant 0 : i32
      %cond3A_398 = arith.cmpi ne, %convert_element_type3A_396, %cond3A_397 : i32
      scf.if %cond3A_398 {
        %add3A_426 = arith.constant 12 : i32
        %add3A_427 = arith.addi %mul3A_99, %add3A_426 : i32
        %add3A_428 = arith.constant 2 : i32
        %add3A_429 = arith.addi %add3A_427, %add3A_428 : i32
        %dma_start3A_430 = arith.constant 2 : i32
        %dma_start3A_431 = arith.constant 0 : i32
        %dma_start3A_432 = tpu.memref_slice %arg6[%add3A_429, %dma_start3A_431] : memref<125x80xi32, #tpu.memory_space<vmem>> -> memref<1x80xi32, #tpu.memory_space<vmem>>
        %dma_start3A_433 = tpu.memref_squeeze %dma_start3A_432 : memref<1x80xi32, #tpu.memory_space<vmem>> -> memref<80xi32, #tpu.memory_space<vmem>>
        %dma_start3A_434 = arith.constant 0 : i32
        %dma_start3A_435 = arith.constant 0 : i32
        %dma_start3A_436 = tpu.memref_slice %arg4[%dma_start3A_434, %dma_start3A_435] : memref<10000x64xf32, #tpu.memory_space<hbm>> -> memref<10000x64xf32, #tpu.memory_space<hbm>>
        %dma_start3A_437 = tpu.memref_slice %arg22[%dma_start3A_430] : memref<6x!tpu.dma_semaphore, #tpu.memory_space<semaphore_mem>> -> memref<1x!tpu.dma_semaphore, #tpu.memory_space<semaphore_mem>>
        %dma_start3A_438 = tpu.memref_squeeze %dma_start3A_437 : memref<1x!tpu.dma_semaphore, #tpu.memory_space<semaphore_mem>> -> memref<!tpu.dma_semaphore, #tpu.memory_space<semaphore_mem>>
        tpu.enqueue_indirect_dma source(%dma_start3A_436 : memref<10000x64xf32, #tpu.memory_space<hbm>>) target(%arg10 : memref<80x64xf32, #tpu.memory_space<vmem>>) offsets(%dma_start3A_433 : memref<80xi32, #tpu.memory_space<vmem>>) semaphore(%dma_start3A_438 : memref<!tpu.dma_semaphore, #tpu.memory_space<semaphore_mem>>)
      } else {
      }
      %add3A_399 = arith.constant 12 : i32
      %add3A_400 = arith.addi %mul3A_99, %add3A_399 : i32
      %add3A_401 = arith.constant 3 : i32
      %add3A_402 = arith.addi %add3A_400, %add3A_401 : i32
      %lt3A_403 = arith.constant 125 : i32
      %lt3A_404 = arith.cmpi slt, %add3A_402, %lt3A_403 : i32
      %convert_element_type3A_405 = arith.extui %lt3A_404 : i1 to i32
      %cond3A_406 = arith.constant 0 : i32
      %cond3A_407 = arith.cmpi ne, %convert_element_type3A_405, %cond3A_406 : i32
      scf.if %cond3A_407 {
        %add3A_426 = arith.constant 12 : i32
        %add3A_427 = arith.addi %mul3A_99, %add3A_426 : i32
        %add3A_428 = arith.constant 3 : i32
        %add3A_429 = arith.addi %add3A_427, %add3A_428 : i32
        %dma_start3A_430 = arith.constant 3 : i32
        %dma_start3A_431 = arith.constant 0 : i32
        %dma_start3A_432 = tpu.memref_slice %arg6[%add3A_429, %dma_start3A_431] : memref<125x80xi32, #tpu.memory_space<vmem>> -> memref<1x80xi32, #tpu.memory_space<vmem>>
        %dma_start3A_433 = tpu.memref_squeeze %dma_start3A_432 : memref<1x80xi32, #tpu.memory_space<vmem>> -> memref<80xi32, #tpu.memory_space<vmem>>
        %dma_start3A_434 = arith.constant 0 : i32
        %dma_start3A_435 = arith.constant 0 : i32
        %dma_start3A_436 = tpu.memref_slice %arg4[%dma_start3A_434, %dma_start3A_435] : memref<10000x64xf32, #tpu.memory_space<hbm>> -> memref<10000x64xf32, #tpu.memory_space<hbm>>
        %dma_start3A_437 = tpu.memref_slice %arg22[%dma_start3A_430] : memref<6x!tpu.dma_semaphore, #tpu.memory_space<semaphore_mem>> -> memref<1x!tpu.dma_semaphore, #tpu.memory_space<semaphore_mem>>
        %dma_start3A_438 = tpu.memref_squeeze %dma_start3A_437 : memref<1x!tpu.dma_semaphore, #tpu.memory_space<semaphore_mem>> -> memref<!tpu.dma_semaphore, #tpu.memory_space<semaphore_mem>>
        tpu.enqueue_indirect_dma source(%dma_start3A_436 : memref<10000x64xf32, #tpu.memory_space<hbm>>) target(%arg11 : memref<80x64xf32, #tpu.memory_space<vmem>>) offsets(%dma_start3A_433 : memref<80xi32, #tpu.memory_space<vmem>>) semaphore(%dma_start3A_438 : memref<!tpu.dma_semaphore, #tpu.memory_space<semaphore_mem>>)
      } else {
      }
      %add3A_408 = arith.constant 12 : i32
      %add3A_409 = arith.addi %mul3A_99, %add3A_408 : i32
      %add3A_410 = arith.constant 4 : i32
      %add3A_411 = arith.addi %add3A_409, %add3A_410 : i32
      %lt3A_412 = arith.constant 125 : i32
      %lt3A_413 = arith.cmpi slt, %add3A_411, %lt3A_412 : i32
      %convert_element_type3A_414 = arith.extui %lt3A_413 : i1 to i32
      %cond3A_415 = arith.constant 0 : i32
      %cond3A_416 = arith.cmpi ne, %convert_element_type3A_414, %cond3A_415 : i32
      scf.if %cond3A_416 {
        %add3A_426 = arith.constant 12 : i32
        %add3A_427 = arith.addi %mul3A_99, %add3A_426 : i32
        %add3A_428 = arith.constant 4 : i32
        %add3A_429 = arith.addi %add3A_427, %add3A_428 : i32
        %dma_start3A_430 = arith.constant 4 : i32
        %dma_start3A_431 = arith.constant 0 : i32
        %dma_start3A_432 = tpu.memref_slice %arg6[%add3A_429, %dma_start3A_431] : memref<125x80xi32, #tpu.memory_space<vmem>> -> memref<1x80xi32, #tpu.memory_space<vmem>>
        %dma_start3A_433 = tpu.memref_squeeze %dma_start3A_432 : memref<1x80xi32, #tpu.memory_space<vmem>> -> memref<80xi32, #tpu.memory_space<vmem>>
        %dma_start3A_434 = arith.constant 0 : i32
        %dma_start3A_435 = arith.constant 0 : i32
        %dma_start3A_436 = tpu.memref_slice %arg4[%dma_start3A_434, %dma_start3A_435] : memref<10000x64xf32, #tpu.memory_space<hbm>> -> memref<10000x64xf32, #tpu.memory_space<hbm>>
        %dma_start3A_437 = tpu.memref_slice %arg22[%dma_start3A_430] : memref<6x!tpu.dma_semaphore, #tpu.memory_space<semaphore_mem>> -> memref<1x!tpu.dma_semaphore, #tpu.memory_space<semaphore_mem>>
        %dma_start3A_438 = tpu.memref_squeeze %dma_start3A_437 : memref<1x!tpu.dma_semaphore, #tpu.memory_space<semaphore_mem>> -> memref<!tpu.dma_semaphore, #tpu.memory_space<semaphore_mem>>
        tpu.enqueue_indirect_dma source(%dma_start3A_436 : memref<10000x64xf32, #tpu.memory_space<hbm>>) target(%arg12 : memref<80x64xf32, #tpu.memory_space<vmem>>) offsets(%dma_start3A_433 : memref<80xi32, #tpu.memory_space<vmem>>) semaphore(%dma_start3A_438 : memref<!tpu.dma_semaphore, #tpu.memory_space<semaphore_mem>>)
      } else {
      }
      %add3A_417 = arith.constant 12 : i32
      %add3A_418 = arith.addi %mul3A_99, %add3A_417 : i32
      %add3A_419 = arith.constant 5 : i32
      %add3A_420 = arith.addi %add3A_418, %add3A_419 : i32
      %lt3A_421 = arith.constant 125 : i32
      %lt3A_422 = arith.cmpi slt, %add3A_420, %lt3A_421 : i32
      %convert_element_type3A_423 = arith.extui %lt3A_422 : i1 to i32
      %cond3A_424 = arith.constant 0 : i32
      %cond3A_425 = arith.cmpi ne, %convert_element_type3A_423, %cond3A_424 : i32
      scf.if %cond3A_425 {
        %add3A_426 = arith.constant 12 : i32
        %add3A_427 = arith.addi %mul3A_99, %add3A_426 : i32
        %add3A_428 = arith.constant 5 : i32
        %add3A_429 = arith.addi %add3A_427, %add3A_428 : i32
        %dma_start3A_430 = arith.constant 5 : i32
        %dma_start3A_431 = arith.constant 0 : i32
        %dma_start3A_432 = tpu.memref_slice %arg6[%add3A_429, %dma_start3A_431] : memref<125x80xi32, #tpu.memory_space<vmem>> -> memref<1x80xi32, #tpu.memory_space<vmem>>
        %dma_start3A_433 = tpu.memref_squeeze %dma_start3A_432 : memref<1x80xi32, #tpu.memory_space<vmem>> -> memref<80xi32, #tpu.memory_space<vmem>>
        %dma_start3A_434 = arith.constant 0 : i32
        %dma_start3A_435 = arith.constant 0 : i32
        %dma_start3A_436 = tpu.memref_slice %arg4[%dma_start3A_434, %dma_start3A_435] : memref<10000x64xf32, #tpu.memory_space<hbm>> -> memref<10000x64xf32, #tpu.memory_space<hbm>>
        %dma_start3A_437 = tpu.memref_slice %arg22[%dma_start3A_430] : memref<6x!tpu.dma_semaphore, #tpu.memory_space<semaphore_mem>> -> memref<1x!tpu.dma_semaphore, #tpu.memory_space<semaphore_mem>>
        %dma_start3A_438 = tpu.memref_squeeze %dma_start3A_437 : memref<1x!tpu.dma_semaphore, #tpu.memory_space<semaphore_mem>> -> memref<!tpu.dma_semaphore, #tpu.memory_space<semaphore_mem>>
        tpu.enqueue_indirect_dma source(%dma_start3A_436 : memref<10000x64xf32, #tpu.memory_space<hbm>>) target(%arg13 : memref<80x64xf32, #tpu.memory_space<vmem>>) offsets(%dma_start3A_433 : memref<80xi32, #tpu.memory_space<vmem>>) semaphore(%dma_start3A_438 : memref<!tpu.dma_semaphore, #tpu.memory_space<semaphore_mem>>)
      } else {
      }
    }
    %scan3A_83 = arith.constant 11 : i32
    %barrier3A_84 = arith.constant 0 : index
    tpu.barrier barrier_id(%barrier3A_84)
    %add3A_85 = arith.constant 0 : i32
    %add3A_86 = arith.addi %mul3A_67, %add3A_85 : i32
    "tpu.region"() ({
      %run_scoped3A = tpu.sem_alloc : memref<!tpu.dma_semaphore, #tpu.memory_space<semaphore_mem>>
      %dma_start3A_95 = arith.constant 0 : i32
      %dma_start3A_96 = tpu.memref_slice %arg5[%arg0, %add3A_86, %dma_start3A_95] : memref<2x10240x64xf32, #tpu.memory_space<hbm>> -> memref<1x128x64xf32, #tpu.memory_space<hbm>>
      %dma_start3A_97 = tpu.memref_squeeze %dma_start3A_96 : memref<1x128x64xf32, #tpu.memory_space<hbm>> -> memref<128x64xf32, #tpu.memory_space<hbm>>
      %dma_start3A_98 = arith.constant 0 : i32
      %dma_start3A_99 = tpu.memref_slice %arg21[%add3A_86, %dma_start3A_98] : memref<10240x64xf32, #tpu.memory_space<vmem_shared>> -> memref<128x64xf32, #tpu.memory_space<vmem_shared>>
      tpu.enqueue_dma source(%dma_start3A_99 : memref<128x64xf32, #tpu.memory_space<vmem_shared>>) target(%dma_start3A_97 : memref<128x64xf32, #tpu.memory_space<hbm>>) target_semaphore(%run_scoped3A : memref<!tpu.dma_semaphore, #tpu.memory_space<semaphore_mem>>)
      %dma_wait3A = arith.constant 0 : i32
      %dma_wait3A_100 = tpu.memref_slice %arg5[%arg0, %add3A_86, %dma_wait3A] : memref<2x10240x64xf32, #tpu.memory_space<hbm>> -> memref<1x128x64xf32, #tpu.memory_space<hbm>>
      %dma_wait3A_101 = tpu.memref_squeeze %dma_wait3A_100 : memref<1x128x64xf32, #tpu.memory_space<hbm>> -> memref<128x64xf32, #tpu.memory_space<hbm>>
      %dma_wait3A_102 = arith.constant 0 : i32
      %dma_wait3A_103 = tpu.memref_slice %arg21[%add3A_86, %dma_wait3A_102] : memref<10240x64xf32, #tpu.memory_space<vmem_shared>> -> memref<128x64xf32, #tpu.memory_space<vmem_shared>>
      tpu.wait_dma2 semaphore(%run_scoped3A : memref<!tpu.dma_semaphore, #tpu.memory_space<semaphore_mem>>) src(%dma_wait3A_103 : memref<128x64xf32, #tpu.memory_space<vmem_shared>>) dst(%dma_wait3A_101 : memref<128x64xf32, #tpu.memory_space<hbm>>)
      tpu.yield
    }) : () -> ()
    %add3A_87 = arith.constant 128 : i32
    %add3A_88 = arith.addi %mul3A_67, %add3A_87 : i32
    "tpu.region"() ({
      %run_scoped3A = tpu.sem_alloc : memref<!tpu.dma_semaphore, #tpu.memory_space<semaphore_mem>>
      %dma_start3A_95 = arith.constant 0 : i32
      %dma_start3A_96 = tpu.memref_slice %arg5[%arg0, %add3A_88, %dma_start3A_95] : memref<2x10240x64xf32, #tpu.memory_space<hbm>> -> memref<1x128x64xf32, #tpu.memory_space<hbm>>
      %dma_start3A_97 = tpu.memref_squeeze %dma_start3A_96 : memref<1x128x64xf32, #tpu.memory_space<hbm>> -> memref<128x64xf32, #tpu.memory_space<hbm>>
      %dma_start3A_98 = arith.constant 0 : i32
      %dma_start3A_99 = tpu.memref_slice %arg21[%add3A_88, %dma_start3A_98] : memref<10240x64xf32, #tpu.memory_space<vmem_shared>> -> memref<128x64xf32, #tpu.memory_space<vmem_shared>>
      tpu.enqueue_dma source(%dma_start3A_99 : memref<128x64xf32, #tpu.memory_space<vmem_shared>>) target(%dma_start3A_97 : memref<128x64xf32, #tpu.memory_space<hbm>>) target_semaphore(%run_scoped3A : memref<!tpu.dma_semaphore, #tpu.memory_space<semaphore_mem>>)
      %dma_wait3A = arith.constant 0 : i32
      %dma_wait3A_100 = tpu.memref_slice %arg5[%arg0, %add3A_88, %dma_wait3A] : memref<2x10240x64xf32, #tpu.memory_space<hbm>> -> memref<1x128x64xf32, #tpu.memory_space<hbm>>
      %dma_wait3A_101 = tpu.memref_squeeze %dma_wait3A_100 : memref<1x128x64xf32, #tpu.memory_space<hbm>> -> memref<128x64xf32, #tpu.memory_space<hbm>>
      %dma_wait3A_102 = arith.constant 0 : i32
      %dma_wait3A_103 = tpu.memref_slice %arg21[%add3A_88, %dma_wait3A_102] : memref<10240x64xf32, #tpu.memory_space<vmem_shared>> -> memref<128x64xf32, #tpu.memory_space<vmem_shared>>
      tpu.wait_dma2 semaphore(%run_scoped3A : memref<!tpu.dma_semaphore, #tpu.memory_space<semaphore_mem>>) src(%dma_wait3A_103 : memref<128x64xf32, #tpu.memory_space<vmem_shared>>) dst(%dma_wait3A_101 : memref<128x64xf32, #tpu.memory_space<hbm>>)
      tpu.yield
    }) : () -> ()
    %add3A_89 = arith.constant 256 : i32
    %add3A_90 = arith.addi %mul3A_67, %add3A_89 : i32
    "tpu.region"() ({
      %run_scoped3A = tpu.sem_alloc : memref<!tpu.dma_semaphore, #tpu.memory_space<semaphore_mem>>
      %dma_start3A_95 = arith.constant 0 : i32
      %dma_start3A_96 = tpu.memref_slice %arg5[%arg0, %add3A_90, %dma_start3A_95] : memref<2x10240x64xf32, #tpu.memory_space<hbm>> -> memref<1x128x64xf32, #tpu.memory_space<hbm>>
      %dma_start3A_97 = tpu.memref_squeeze %dma_start3A_96 : memref<1x128x64xf32, #tpu.memory_space<hbm>> -> memref<128x64xf32, #tpu.memory_space<hbm>>
      %dma_start3A_98 = arith.constant 0 : i32
      %dma_start3A_99 = tpu.memref_slice %arg21[%add3A_90, %dma_start3A_98] : memref<10240x64xf32, #tpu.memory_space<vmem_shared>> -> memref<128x64xf32, #tpu.memory_space<vmem_shared>>
      tpu.enqueue_dma source(%dma_start3A_99 : memref<128x64xf32, #tpu.memory_space<vmem_shared>>) target(%dma_start3A_97 : memref<128x64xf32, #tpu.memory_space<hbm>>) target_semaphore(%run_scoped3A : memref<!tpu.dma_semaphore, #tpu.memory_space<semaphore_mem>>)
      %dma_wait3A = arith.constant 0 : i32
      %dma_wait3A_100 = tpu.memref_slice %arg5[%arg0, %add3A_90, %dma_wait3A] : memref<2x10240x64xf32, #tpu.memory_space<hbm>> -> memref<1x128x64xf32, #tpu.memory_space<hbm>>
      %dma_wait3A_101 = tpu.memref_squeeze %dma_wait3A_100 : memref<1x128x64xf32, #tpu.memory_space<hbm>> -> memref<128x64xf32, #tpu.memory_space<hbm>>
      %dma_wait3A_102 = arith.constant 0 : i32
      %dma_wait3A_103 = tpu.memref_slice %arg21[%add3A_90, %dma_wait3A_102] : memref<10240x64xf32, #tpu.memory_space<vmem_shared>> -> memref<128x64xf32, #tpu.memory_space<vmem_shared>>
      tpu.wait_dma2 semaphore(%run_scoped3A : memref<!tpu.dma_semaphore, #tpu.memory_space<semaphore_mem>>) src(%dma_wait3A_103 : memref<128x64xf32, #tpu.memory_space<vmem_shared>>) dst(%dma_wait3A_101 : memref<128x64xf32, #tpu.memory_space<hbm>>)
      tpu.yield
    }) : () -> ()
    %add3A_91 = arith.constant 384 : i32
    %add3A_92 = arith.addi %mul3A_67, %add3A_91 : i32
    "tpu.region"() ({
      %run_scoped3A = tpu.sem_alloc : memref<!tpu.dma_semaphore, #tpu.memory_space<semaphore_mem>>
      %dma_start3A_95 = arith.constant 0 : i32
      %dma_start3A_96 = tpu.memref_slice %arg5[%arg0, %add3A_92, %dma_start3A_95] : memref<2x10240x64xf32, #tpu.memory_space<hbm>> -> memref<1x128x64xf32, #tpu.memory_space<hbm>>
      %dma_start3A_97 = tpu.memref_squeeze %dma_start3A_96 : memref<1x128x64xf32, #tpu.memory_space<hbm>> -> memref<128x64xf32, #tpu.memory_space<hbm>>
      %dma_start3A_98 = arith.constant 0 : i32
      %dma_start3A_99 = tpu.memref_slice %arg21[%add3A_92, %dma_start3A_98] : memref<10240x64xf32, #tpu.memory_space<vmem_shared>> -> memref<128x64xf32, #tpu.memory_space<vmem_shared>>
      tpu.enqueue_dma source(%dma_start3A_99 : memref<128x64xf32, #tpu.memory_space<vmem_shared>>) target(%dma_start3A_97 : memref<128x64xf32, #tpu.memory_space<hbm>>) target_semaphore(%run_scoped3A : memref<!tpu.dma_semaphore, #tpu.memory_space<semaphore_mem>>)
      %dma_wait3A = arith.constant 0 : i32
      %dma_wait3A_100 = tpu.memref_slice %arg5[%arg0, %add3A_92, %dma_wait3A] : memref<2x10240x64xf32, #tpu.memory_space<hbm>> -> memref<1x128x64xf32, #tpu.memory_space<hbm>>
      %dma_wait3A_101 = tpu.memref_squeeze %dma_wait3A_100 : memref<1x128x64xf32, #tpu.memory_space<hbm>> -> memref<128x64xf32, #tpu.memory_space<hbm>>
      %dma_wait3A_102 = arith.constant 0 : i32
      %dma_wait3A_103 = tpu.memref_slice %arg21[%add3A_92, %dma_wait3A_102] : memref<10240x64xf32, #tpu.memory_space<vmem_shared>> -> memref<128x64xf32, #tpu.memory_space<vmem_shared>>
      tpu.wait_dma2 semaphore(%run_scoped3A : memref<!tpu.dma_semaphore, #tpu.memory_space<semaphore_mem>>) src(%dma_wait3A_103 : memref<128x64xf32, #tpu.memory_space<vmem_shared>>) dst(%dma_wait3A_101 : memref<128x64xf32, #tpu.memory_space<hbm>>)
      tpu.yield
    }) : () -> ()
    %add3A_93 = arith.constant 512 : i32
    %add3A_94 = arith.addi %mul3A_67, %add3A_93 : i32
    "tpu.region"() ({
      %run_scoped3A = tpu.sem_alloc : memref<!tpu.dma_semaphore, #tpu.memory_space<semaphore_mem>>
      %dma_start3A_95 = arith.constant 0 : i32
      %dma_start3A_96 = tpu.memref_slice %arg5[%arg0, %add3A_94, %dma_start3A_95] : memref<2x10240x64xf32, #tpu.memory_space<hbm>> -> memref<1x128x64xf32, #tpu.memory_space<hbm>>
      %dma_start3A_97 = tpu.memref_squeeze %dma_start3A_96 : memref<1x128x64xf32, #tpu.memory_space<hbm>> -> memref<128x64xf32, #tpu.memory_space<hbm>>
      %dma_start3A_98 = arith.constant 0 : i32
      %dma_start3A_99 = tpu.memref_slice %arg21[%add3A_94, %dma_start3A_98] : memref<10240x64xf32, #tpu.memory_space<vmem_shared>> -> memref<128x64xf32, #tpu.memory_space<vmem_shared>>
      tpu.enqueue_dma source(%dma_start3A_99 : memref<128x64xf32, #tpu.memory_space<vmem_shared>>) target(%dma_start3A_97 : memref<128x64xf32, #tpu.memory_space<hbm>>) target_semaphore(%run_scoped3A : memref<!tpu.dma_semaphore, #tpu.memory_space<semaphore_mem>>)
      %dma_wait3A = arith.constant 0 : i32
      %dma_wait3A_100 = tpu.memref_slice %arg5[%arg0, %add3A_94, %dma_wait3A] : memref<2x10240x64xf32, #tpu.memory_space<hbm>> -> memref<1x128x64xf32, #tpu.memory_space<hbm>>
      %dma_wait3A_101 = tpu.memref_squeeze %dma_wait3A_100 : memref<1x128x64xf32, #tpu.memory_space<hbm>> -> memref<128x64xf32, #tpu.memory_space<hbm>>
      %dma_wait3A_102 = arith.constant 0 : i32
      %dma_wait3A_103 = tpu.memref_slice %arg21[%add3A_94, %dma_wait3A_102] : memref<10240x64xf32, #tpu.memory_space<vmem_shared>> -> memref<128x64xf32, #tpu.memory_space<vmem_shared>>
      tpu.wait_dma2 semaphore(%run_scoped3A : memref<!tpu.dma_semaphore, #tpu.memory_space<semaphore_mem>>) src(%dma_wait3A_103 : memref<128x64xf32, #tpu.memory_space<vmem_shared>>) dst(%dma_wait3A_101 : memref<128x64xf32, #tpu.memory_space<hbm>>)
      tpu.yield
    }) : () -> ()
    return
  }
}

module attributes {stable_mosaic.version = 14 : i64} {
  func.func @_tcb_body(%arg0: memref<5000x256xf32, #tpu.memory_space<vmem>>, %arg1: memref<256x128xf32, #tpu.memory_space<vmem>>, %arg2: memref<2x5120x128xf32, #tpu.memory_space<vmem>>, %arg3: memref<5000x128xf32, #tpu.memory_space<vmem>>, %arg4: memref<5000x128xf32, #tpu.memory_space<vmem>>) attributes {dimension_semantics = [], scalar_prefetch = 0 : i64, scratch_operands = 0 : i64, tpu.core_type = #tpu.core_type<tc>} {
    %get3A = arith.constant 0 : index
    %get3A_0 = arith.constant 0 : index
    %get3A_1 = arith.constant 0 : index
    %get3A_2 = vector.load %arg2[%get3A, %get3A_0, %get3A_1] : memref<2x5120x128xf32, #tpu.memory_space<vmem>>, vector<1x5120x128xf32>
    %get3A_3 = vector.shape_cast %get3A_2 : vector<1x5120x128xf32> to vector<5120x128xf32>
    %slice3A = vector.extract_strided_slice %get3A_3 {offsets = [0, 0], sizes = [5000, 128], strides = [1, 1]} : vector<5120x128xf32> to vector<5000x128xf32>
    %get3A_4 = arith.constant 1 : index
    %get3A_5 = arith.constant 0 : index
    %get3A_6 = arith.constant 0 : index
    %get3A_7 = vector.load %arg2[%get3A_4, %get3A_5, %get3A_6] : memref<2x5120x128xf32, #tpu.memory_space<vmem>>, vector<1x5120x128xf32>
    %get3A_8 = vector.shape_cast %get3A_7 : vector<1x5120x128xf32> to vector<5120x128xf32>
    %slice3A_9 = vector.extract_strided_slice %get3A_8 {offsets = [0, 0], sizes = [5000, 128], strides = [1, 1]} : vector<5120x128xf32> to vector<5000x128xf32>
    %add3A = arith.addf %slice3A, %slice3A_9 : vector<5000x128xf32>
    %add3A_10 = arith.constant 1.000000e+00 : f32
    %add3A_11 = vector.broadcast %add3A_10 : f32 to vector<5000x128xf32>
    %add3A_12 = arith.addf %add3A, %add3A_11 : vector<5000x128xf32>
    %rsqrt3A = math.rsqrt %add3A_12 : vector<5000x128xf32>
    %get3A_13 = arith.constant 0 : index
    %get3A_14 = arith.constant 0 : index
    %get3A_15 = vector.load %arg0[%get3A_13, %get3A_14] : memref<5000x256xf32, #tpu.memory_space<vmem>>, vector<5000x256xf32>
    %get3A_16 = arith.constant 0 : index
    %get3A_17 = arith.constant 0 : index
    %get3A_18 = vector.load %arg1[%get3A_16, %get3A_17] : memref<256x128xf32, #tpu.memory_space<vmem>>, vector<256x128xf32>
    %dot_general3A = arith.constant dense<0.000000e+00> : vector<5000x128xf32>
    %dot_general3A_19 = tpu.matmul %get3A_15, %get3A_18, %dot_general3A {dimension_numbers = #tpu.dot_dimension_numbers<[1], [0], [0], [1], [0, 0, 1, 1], [], []>, transpose_lhs_hint = false} : vector<5000x256xf32>, vector<256x128xf32>, vector<5000x128xf32> -> vector<5000x128xf32>
    %mul3A = arith.mulf %dot_general3A_19, %rsqrt3A : vector<5000x128xf32>
    %swap3A = arith.constant 0 : index
    %swap3A_20 = arith.constant 0 : index
    %swap3A_21 = vector.load %arg3[%swap3A, %swap3A_20] : memref<5000x128xf32, #tpu.memory_space<vmem>>, vector<5000x128xf32>
    tpu.vector_store %arg3[%swap3A, %swap3A_20], %mul3A {strides = array<i32>} : memref<5000x128xf32, #tpu.memory_space<vmem>>, vector<5000x128xf32>,
    %swap3A_22 = arith.constant 0 : index
    %swap3A_23 = arith.constant 0 : index
    %swap3A_24 = vector.load %arg4[%swap3A_22, %swap3A_23] : memref<5000x128xf32, #tpu.memory_space<vmem>>, vector<5000x128xf32>
    tpu.vector_store %arg4[%swap3A_22, %swap3A_23], %rsqrt3A {strides = array<i32>} : memref<5000x128xf32, #tpu.memory_space<vmem>>, vector<5000x128xf32>,
    return
  }
}

module attributes {stable_mosaic.version = 14 : i64} {
  func.func @_tcc_body(%arg0: memref<2x5120x128xf32, #tpu.memory_space<vmem>>, %arg1: memref<5000x128xf32, #tpu.memory_space<vmem>>, %arg2: memref<5000x128xf32, #tpu.memory_space<vmem>>, %arg3: memref<1x128xf32, #tpu.memory_space<vmem>>, %arg4: memref<128x128xf32, #tpu.memory_space<vmem>>, %arg5: memref<5000x128xf32, #tpu.memory_space<vmem>>) attributes {dimension_semantics = [], scalar_prefetch = 0 : i64, scratch_operands = 0 : i64, tpu.core_type = #tpu.core_type<tc>} {
    %get3A = arith.constant 0 : index
    %get3A_0 = arith.constant 0 : index
    %get3A_1 = arith.constant 0 : index
    %get3A_2 = vector.load %arg0[%get3A, %get3A_0, %get3A_1] : memref<2x5120x128xf32, #tpu.memory_space<vmem>>, vector<1x5120x128xf32>
    %get3A_3 = vector.shape_cast %get3A_2 : vector<1x5120x128xf32> to vector<5120x128xf32>
    %slice3A = vector.extract_strided_slice %get3A_3 {offsets = [0, 0], sizes = [5000, 128], strides = [1, 1]} : vector<5120x128xf32> to vector<5000x128xf32>
    %get3A_4 = arith.constant 1 : index
    %get3A_5 = arith.constant 0 : index
    %get3A_6 = arith.constant 0 : index
    %get3A_7 = vector.load %arg0[%get3A_4, %get3A_5, %get3A_6] : memref<2x5120x128xf32, #tpu.memory_space<vmem>>, vector<1x5120x128xf32>
    %get3A_8 = vector.shape_cast %get3A_7 : vector<1x5120x128xf32> to vector<5120x128xf32>
    %slice3A_9 = vector.extract_strided_slice %get3A_8 {offsets = [0, 0], sizes = [5000, 128], strides = [1, 1]} : vector<5120x128xf32> to vector<5000x128xf32>
    %add3A = arith.addf %slice3A, %slice3A_9 : vector<5000x128xf32>
    %get3A_10 = arith.constant 0 : index
    %get3A_11 = arith.constant 0 : index
    %get3A_12 = vector.load %arg1[%get3A_10, %get3A_11] : memref<5000x128xf32, #tpu.memory_space<vmem>>, vector<5000x128xf32>
    %add3A_13 = arith.addf %add3A, %get3A_12 : vector<5000x128xf32>
    %get3A_14 = arith.constant 0 : index
    %get3A_15 = arith.constant 0 : index
    %get3A_16 = vector.load %arg2[%get3A_14, %get3A_15] : memref<5000x128xf32, #tpu.memory_space<vmem>>, vector<5000x128xf32>
    %mul3A = arith.mulf %get3A_16, %add3A_13 : vector<5000x128xf32>
    %get3A_17 = arith.constant 0 : index
    %get3A_18 = arith.constant 0 : index
    %get3A_19 = vector.load %arg3[%get3A_17, %get3A_18] : memref<1x128xf32, #tpu.memory_space<vmem>>, vector<1x128xf32>
    %add3A_20 = vector.broadcast %get3A_19 : vector<1x128xf32> to vector<5000x128xf32>
    %add3A_21 = arith.addf %mul3A, %add3A_20 : vector<5000x128xf32>
    %max3A = arith.constant 0.000000e+00 : f32
    %max3A_22 = vector.broadcast %max3A : f32 to vector<5000x128xf32>
    %max3A_23 = arith.maximumf %add3A_21, %max3A_22 : vector<5000x128xf32>
    %get3A_24 = arith.constant 0 : index
    %get3A_25 = arith.constant 0 : index
    %get3A_26 = vector.load %arg4[%get3A_24, %get3A_25] : memref<128x128xf32, #tpu.memory_space<vmem>>, vector<128x128xf32>
    %dot_general3A = arith.constant dense<0.000000e+00> : vector<5000x128xf32>
    %dot_general3A_27 = tpu.matmul %max3A_23, %get3A_26, %dot_general3A {dimension_numbers = #tpu.dot_dimension_numbers<[1], [0], [0], [1], [0, 0, 1, 1], [], []>, transpose_lhs_hint = false} : vector<5000x128xf32>, vector<128x128xf32>, vector<5000x128xf32> -> vector<5000x128xf32>
    %mul3A_28 = arith.mulf %dot_general3A_27, %get3A_16 : vector<5000x128xf32>
    %swap3A = arith.constant 0 : index
    %swap3A_29 = arith.constant 0 : index
    %swap3A_30 = vector.load %arg5[%swap3A, %swap3A_29] : memref<5000x128xf32, #tpu.memory_space<vmem>>, vector<5000x128xf32>
    tpu.vector_store %arg5[%swap3A, %swap3A_29], %mul3A_28 {strides = array<i32>} : memref<5000x128xf32, #tpu.memory_space<vmem>>, vector<5000x128xf32>,
    return
  }
}

module attributes {stable_mosaic.version = 14 : i64} {
  func.func @_tcd_body(%arg0: memref<2x5120x128xf32, #tpu.memory_space<vmem>>, %arg1: memref<5000x128xf32, #tpu.memory_space<vmem>>, %arg2: memref<5000x128xf32, #tpu.memory_space<vmem>>, %arg3: memref<1x128xf32, #tpu.memory_space<vmem>>, %arg4: memref<5000x128xf32, #tpu.memory_space<vmem>>) attributes {dimension_semantics = [], scalar_prefetch = 0 : i64, scratch_operands = 0 : i64, tpu.core_type = #tpu.core_type<tc>} {
    %get3A = arith.constant 0 : index
    %get3A_0 = arith.constant 0 : index
    %get3A_1 = arith.constant 0 : index
    %get3A_2 = vector.load %arg0[%get3A, %get3A_0, %get3A_1] : memref<2x5120x128xf32, #tpu.memory_space<vmem>>, vector<1x5120x128xf32>
    %get3A_3 = vector.shape_cast %get3A_2 : vector<1x5120x128xf32> to vector<5120x128xf32>
    %slice3A = vector.extract_strided_slice %get3A_3 {offsets = [0, 0], sizes = [5000, 128], strides = [1, 1]} : vector<5120x128xf32> to vector<5000x128xf32>
    %get3A_4 = arith.constant 1 : index
    %get3A_5 = arith.constant 0 : index
    %get3A_6 = arith.constant 0 : index
    %get3A_7 = vector.load %arg0[%get3A_4, %get3A_5, %get3A_6] : memref<2x5120x128xf32, #tpu.memory_space<vmem>>, vector<1x5120x128xf32>
    %get3A_8 = vector.shape_cast %get3A_7 : vector<1x5120x128xf32> to vector<5120x128xf32>
    %slice3A_9 = vector.extract_strided_slice %get3A_8 {offsets = [0, 0], sizes = [5000, 128], strides = [1, 1]} : vector<5120x128xf32> to vector<5000x128xf32>
    %add3A = arith.addf %slice3A, %slice3A_9 : vector<5000x128xf32>
    %get3A_10 = arith.constant 0 : index
    %get3A_11 = arith.constant 0 : index
    %get3A_12 = vector.load %arg1[%get3A_10, %get3A_11] : memref<5000x128xf32, #tpu.memory_space<vmem>>, vector<5000x128xf32>
    %add3A_13 = arith.addf %add3A, %get3A_12 : vector<5000x128xf32>
    %get3A_14 = arith.constant 0 : index
    %get3A_15 = arith.constant 0 : index
    %get3A_16 = vector.load %arg2[%get3A_14, %get3A_15] : memref<5000x128xf32, #tpu.memory_space<vmem>>, vector<5000x128xf32>
    %mul3A = arith.mulf %get3A_16, %add3A_13 : vector<5000x128xf32>
    %get3A_17 = arith.constant 0 : index
    %get3A_18 = arith.constant 0 : index
    %get3A_19 = vector.load %arg3[%get3A_17, %get3A_18] : memref<1x128xf32, #tpu.memory_space<vmem>>, vector<1x128xf32>
    %add3A_20 = vector.broadcast %get3A_19 : vector<1x128xf32> to vector<5000x128xf32>
    %add3A_21 = arith.addf %mul3A, %add3A_20 : vector<5000x128xf32>
    %swap3A = arith.constant 0 : index
    %swap3A_22 = arith.constant 0 : index
    %swap3A_23 = vector.load %arg4[%swap3A, %swap3A_22] : memref<5000x128xf32, #tpu.memory_space<vmem>>, vector<5000x128xf32>
    tpu.vector_store %arg4[%swap3A, %swap3A_22], %add3A_21 {strides = array<i32>} : memref<5000x128xf32, #tpu.memory_space<vmem>>, vector<5000x128xf32>,
    return
  }
}

</mosaic_0001>

<sc_bundles>
// kernel: kernel.11.cloned.1.call-start
scs
__scs_entry_jumppad:
0x0: {  	(pc) =	sbr.rel $0x88, $3  }
0x1: {  	(tag) =	ssettag $0x0;
	lr =	simm.s32 $0x1  }
0x2: {  	[smem:$0x3F99] =	sst lr;
	_ =	strace $0xD0000000  }
0x3: {  	_ = 	snop  }
0x4: {  	_ = 	snop  }
0x5: {  	_ = 	snop  }
0x6: {  	_ = 	snop  }
0x7: {  	_ = 	snop  }
__scs_overlays_trampoline_lowered:
0x8: {  	[smem:$0x3FA8] =	sst s0  }
0x9: {  	[smem:$0x3FA9] =	sst s1  }
0xa: {  	[smem:$0x3FAA] =	sst s2  }
0xb: {  	[smem:$0x3FAB] =	sst s3  }
0xc: {  	[smem:$0x3FAC] =	sst s4  }
0xd: {  	[smem:$0x3FAD] =	sst s5  }
0xe: {  	[smem:$0x3FAE] =	sst s6  }
0xf: {  	[smem:$0x3FAF] =	sst s7  }
0x10: {  	[smem:$0x3FB0] =	sst s8  }
0x11: {  	[smem:$0x3FB1] =	sst s9;
	s0 =	simm.s32 @!p0 $0x0  }
0x12: {  	s1 =	sld [smem:$0x3F97];
	s0 =	simm.s32 @p0 $0x1  }
0x13: {  	[smem:$0x3FB2] =	sst s0;
	s0 =	simm.s32 @!p1 $0x0  }
0x14: {  	s2 =	sld [smem:$0x3F96];
	s0 =	simm.s32 @p1 $0x1  }
0x15: {  	[smem:$0x3FB3] =	sst s0;
	s0 =	simm.s32 @!p2 $0x0  }
0x16: {  	s3 =	sld [smem:$0x3FDB];
	s0 =	simm.s32 @p2 $0x1  }
0x17: {  	s4 =	simm.s32 $0x1BF5;
	[smem:$0x3FB5] =	sst s0  }
0x18: {  	s0 =	sld [smem:$0x3F98];
	_ =	swait.ge [sflag:s4], $0x0  }
0x19: {  	s7 =	sld [smem:$0x3F99]  }
0x1a: {  	s8 =	sadd.s32 $0xFFFFE003, lr  }
0x1b: {  	s9 =	sadd.s32 $0xFFFFFEF7, lr;
	s5 =	simm.s32 $0xFFFFFFFF;
	p2 =	slt.u32 s8, $0xFFFFF086  }
0x1c: {  	p1 =	slt.u32 s9, $0xF7A;
	s5 =	simm.s32 @!p2 $0x0  }
0x1d: {  	s5 =	simm.s32 @p1 $0x1;
	p0 =	seq.s32 s7, s2  }
0x1e: {  	s7 =	smul.u32 @!p0 $0xF7A, s2;
	p2 =	seq.s32 @!p0 s5, $0x0  }
0x1f: {  	s9 =	smul.u32 $0xF7A, s1;
	s8 =	simm.s32 @!p0 $0x1BF5;
	p2 =	por !p2, p0  }
0x20: {  	[sflag:s8] =	ssyncset.s32 @!p0 $0xFFFFF086;
	s6 =	sadd.s32 @!p0 s3, s7;
	s7 =	simm.s32 @!p0 $0x108  }
0x21: {  	s3 =	sadd.s32 s3, s9;
	s6 =	sadd.s32 @!p0 $0x88, s6;
	s7 =	simm.s32 @p2 $0x1082  }
0x22: {  	[simem:s7], [sflag:s8] =	dma.local @!p0 [hbm:s6], $0xF7A  }
0x23: {  	s9 =	sor.u32 $0xD0000000, s2;
	s6 =	simm.s32 $0x108;
	_ =	swait.ge @!p0 [sflag:s8], $0x0  }
0x24: {  	s3 =	sadd.s32 $0x88, s3;
	s6 =	simm.s32 @!p1 $0x1082;
	[sflag:s4] =	ssyncset.s32 $0xFFFFF086  }
0x25: {  	[simem:s6], [sflag:s4] =	dma.local [hbm:s3], $0xF7A  }
0x26: {  	[smem:$0x3F99] =	sst s1;
	(tag) =	ssettag s2;
	_ =	strace s9  }
0x27: {  	s1 =	sld [smem:$0x3FA9]  }
0x28: {  	s2 =	sld [smem:$0x3FAA]  }
0x29: {  	s4 =	sld [smem:$0x3FAC]  }
0x2a: {  	p0 =	seq.s32 s5, $0x0;
	s5 =	sld [smem:$0x3FAD]  }
0x2b: {  	s6 =	sld [smem:$0x3FAE]  }
0x2c: {  	s7 =	sld [smem:$0x3FAF]  }
0x2d: {  	s3 =	simm.s32 $0x108;
	s8 =	sld [smem:$0x3FB0]  }
0x2e: {  	s3 =	simm.s32 @!p0 $0x1082;
	s9 =	sld [smem:$0x3FB1]  }
0x2f: {  	lr =	sadd.s32 s0, s3;
	s0 =	sld [smem:$0x3FA8]  }
0x30: {  	s3 =	sld [smem:$0x3FAB]  }
0x31: {  	[smem:$0x3FB4] =	sst s10  }
0x32: {  	s10 =	sld [smem:$0x3FB2];
	_ =	sdelay $0x3  }
0x33: {  	p0 =	seq.s32 s10, $0x1;
	s10 =	sld [smem:$0x3FB4];
	_ =	sdelay $0x3  }
0x34: {  	[smem:$0x3FB4] =	sst s10  }
0x35: {  	s10 =	sld [smem:$0x3FB3];
	_ =	sdelay $0x3  }
0x36: {  	p1 =	seq.s32 s10, $0x1;
	s10 =	sld [smem:$0x3FB4];
	_ =	sdelay $0x3  }
0x37: {  	[smem:$0x3FB4] =	sst s10  }
0x38: {  	s10 =	sld [smem:$0x3FB5]  }
0x39: {  	_ = 	snop;
	(pc) =	sbr.ind lr, $3  }
0x3a: {  	_ = 	snop  }
0x3b: {  	_ = 	snop  }
0x3c: {  	p2 =	seq.s32 s10, $0x1;
	s10 =	sld [smem:$0x3FB4]  }
0x3d: {  	_ =	shalt  }
0x3e: {  	_ =	shalt  }
0x3f: {  	_ =	shalt  }
0x40: {  	_ =	shalt  }
0x41: {  	_ =	shalt  }
0x42: {  	_ =	shalt  }
0x43: {  	_ =	shalt  }
0x44: {  	_ =	shalt  }
0x45: {  	_ =	shalt  }
0x46: {  	_ =	shalt  }
0x47: {  	_ =	shalt  }
0x48: {  	_ =	shalt  }
0x49: {  	_ =	shalt  }
0x4a: {  	_ =	shalt  }
0x4b: {  	_ =	shalt  }
0x4c: {  	_ =	shalt  }
0x4d: {  	_ =	shalt  }
0x4e: {  	_ =	shalt  }
0x4f: {  	_ =	shalt  }
0x50: {  	_ =	shalt  }
0x51: {  	_ =	shalt  }
0x52: {  	_ =	shalt  }
0x53: {  	_ =	shalt  }
0x54: {  	_ =	shalt  }
0x55: {  	_ =	shalt  }
0x56: {  	_ =	shalt  }
0x57: {  	_ =	shalt  }
0x58: {  	_ =	shalt  }
0x59: {  	_ =	shalt  }
0x5a: {  	_ =	shalt  }
0x5b: {  	_ =	shalt  }
0x5c: {  	_ =	shalt  }
0x5d: {  	_ =	shalt  }
0x5e: {  	_ =	shalt  }
0x5f: {  	_ =	shalt  }
0x60: {  	_ =	shalt  }
0x61: {  	_ =	shalt  }
0x62: {  	_ =	shalt  }
0x63: {  	_ =	shalt  }
0x64: {  	_ =	shalt  }
0x65: {  	_ =	shalt  }
0x66: {  	_ =	shalt  }
0x67: {  	_ =	shalt  }
0x68: {  	_ =	shalt  }
0x69: {  	_ =	shalt  }
0x6a: {  	_ =	shalt  }
0x6b: {  	_ =	shalt  }
0x6c: {  	_ =	shalt  }
0x6d: {  	_ =	shalt  }
0x6e: {  	_ =	shalt  }
0x6f: {  	_ =	shalt  }
0x70: {  	_ =	shalt  }
0x71: {  	_ =	shalt  }
0x72: {  	_ =	shalt  }
0x73: {  	_ =	shalt  }
0x74: {  	_ =	shalt  }
0x75: {  	_ =	shalt  }
0x76: {  	_ =	shalt  }
0x77: {  	_ =	shalt  }
0x78: {  	_ =	shalt  }
0x79: {  	_ =	shalt  }
0x7a: {  	_ =	shalt  }
0x7b: {  	_ =	shalt  }
0x7c: {  	_ =	shalt  }
0x7d: {  	_ =	shalt  }
0x7e: {  	_ =	shalt  }
0x7f: {  	_ =	shalt  }
0x80: {  	_ =	shalt  }
0x81: {  	_ =	shalt  }
0x82: {  	_ =	shalt  }
0x83: {  	_ =	shalt  }
0x84: {  	_ =	shalt  }
0x85: {  	_ =	shalt  }
0x86: {  	_ =	shalt  }
0x87: {  	_ =	shalt  }
.Lfunc_end0:
.L_simem_size_0:
called_computation.1_lowered:
.L_overlay_start_0:
0x88: {  	s2 =	sld [smem:$0x3FD9]  }
0x89: {  	s3 =	sld [smem:$0x3FFE];
	_ =	sdelay $0x1  }
0x8a: {  	s1 =	srdreg.scid  }
0x8b: {  	s0 =	sand.u32 $0x1, s1  }
0x8c: {  	s14 =	sshll.u32 s0, $0xA;
	s2 =	sadd.s32 s3, s2  }
0x8d: {  	s2 =	sadd.s32 s2, s14  }
0x8e: {  	[smem:$0x3FC0] =	sst s2  }
0x8f: {  	_ = 	snop  }
0x90: {  	s2 =	sld [smem:$0x3FD0];
	_ =	sdelay $0x2  }
0x91: {  	s15 =	simm.s32 $0xA;
	s4 =	simm.s32 $0x10  }
0x92: {  	[smem:s4], [sflag:s15] =	dma.local [hbm:s2], $0x1  }
0x93: {  	_ =	swait.eq [sflag:s15], $0x1  }
0x94: {  	[sflag:s15] =	ssyncset.done $0x0  }
0x95: {  	s16 =	sld [smem:$0x10];
	[sflag:s15] =	ssyncadd.s32 $0xFFFFFFFF  }
0x96: {  	s17 =	sld [smem:$0x11];
	(tm) =	ssettm $0x1  }
0x97: {  	s18 =	sld [smem:$0x3FFB];
	_ =	sdelay $0x3  }
0x98: {  	_ =	strace s18  }
0x99: {  	s4 =	sld [smem:$0x3FFC];
	_ =	sdelay $0x3  }
0x9a: {  	_ =	strace s4  }
0x9b: {  	s4 =	sld [smem:$0x3FFD];
	_ =	sdelay $0x3  }
0x9c: {  	_ =	strace s4  }
0x9d: {  	_ =	strace $0x8FFFFFFF  }
0x9e: {  	s19 =	sld [smem:$0x3FDB];
	_ =	sdelay $0x1  }
0x9f: {  	s5 =	simm.s32 $_scs_section_size  }
0xa0: {  	s6 =	simm.s32 $_size__tile_overlayer_lowered;
	s7 =	simm.s32 $_tile_overlayer_lowered  }
0xa1: {  	s22 =	simm.s32 $0x1BFF;
	s21 =	sshll.u32 s7, $0x1;
	s4 =	sadd.s32 s5, s19  }
0xa2: {  	s8 =	simm.s32 $0x0;
	s20 =	sshll.u32 s6, $0x1;
	s6 =	sadd.s32 s21, s4  }
0xa3: {  	[timem:s8], [sflag:s22] =	dma.local [hbm:s6], s20  }
0xa4: {  	_ =	swait.ge [sflag:s22], s20  }
0xa5: {  	s5 =	ssub.s32 $0x0, s20;
	[sflag:s22] =	ssyncset.done $0x0  }
0xa6: {  	[sflag:s22] =	ssyncadd.s32 s5;
	_ =	sdelay $0x1  }
0xa7: {  	s23 =	simm.s32 $0x1B8B  }
0xa8: {  	_ =	swait.ge [sflag:s23], $0x1  }
0xa9: {  	[sflag:s23] =	ssyncset.done $0x0  }
0xaa: {  	s25 =	simm.s32 $0x1B8E;
	s24 =	sld [smem:$0x3FFE];
	[sflag:s23] =	ssyncadd.s32 $0xFFFFFFFF  }
0xab: {  	s26 =	simm.s32 $execute0_lowered;
	[smem:$0x3FD2] =	sst s25  }
0xac: {  	s6 =	sshll.u32 s26, $0x1;
	_ =	strace $0x80000049;
	[dreg:$0x1] =	wrdreg $0xFFFFFFFF  }
0xad: {  	s28 =	simm.s32 $_size_execute0_lowered;
	s4 =	sadd.s32 s4, s6;
	[dreg:$0x0] =	wrdreg $0x0  }
0xae: {  	s6 =	sshll.u32 s28, $0x1;
	[dreg:$0x2] =	wrdreg s4  }
0xaf: {  	[dreg:$0x3] =	wrdreg s6  }
0xb0: {  	[dreg:$0x4] =	wrdreg $0xC0  }
0xb1: {  	_ =	task [dreg:s8], $0x5FFFF  }
0xb2: {  	[dreg:$0x1] =	wrdreg $0xFFFFFFFF  }
0xb3: {  	[dreg:$0x0] =	wrdreg $0x60  }
0xb4: {  	[dreg:$0x2] =	wrdreg s16  }
0xb5: {  	[dreg:$0x3] =	wrdreg s17  }
0xb6: {  	[dreg:$0x4] =	wrdreg s24  }
0xb7: {  	[dreg:$0x5] =	wrdreg $0x15E200  }
0xb8: {  	[dreg:$0x6] =	wrdreg $0x9  }
0xb9: {  	_ =	task.clear_ibuf [dreg:s8], $0x7FFFF;
	_ =	strace $0x90000049  }
0xba: {  	s29 =	simm.s32 $0x9;
	_ =	strace $0x8000004B  }
0xbb: {  	_ =	swait.ge [sflag:s29], $0x1  }
0xbc: {  	[sflag:s29] =	ssyncadd.s32 $0xFFFFFFFF  }
0xbd: {  	_ =	strace $0x9000004B  }
0xbe: {  	_ =	sfence  }
0xbf: {  	s30 =	sld [smem:$0x0];
	_ =	sdelay $0x2  }
0xc0: {  	s31 =	sshll.u32 s1, $0xD;
	s1 =	sshrl.u32 s1, $0x2  }
0xc1: {  	s3 =	sand.u32 $0x4000, s31;
	s1 =	sadd.s32 s1, s30  }
0xc2: {  	s0 =	sor.u32 s3, s0;
	s1 =	sshll.u32 s1, $0x11  }
0xc3: {  	s0 =	sor.u32 s1, s0  }
0xc4: {  	s0 =	sadd.s32 $0x8F2B, s0  }
0xc5: {  	[sflag:s0] =	ssyncadd.remote.s32 $0x1  }
0xc6: {  	_ =	sfence.sel $0xFFFF  }
0xc7: {  	[dreg:$0x0] =	wrdreg $0xFFFFFFFF;
	(pc) =	sbr.abs _section_cstart, $3  }
0xc8: {  	[dreg:$0x1] =	wrdreg $0xFFFFFFFF  }
0xc9: {  	_ =	task.clear_ibuf [dreg:s8], $0x2FFFF;
	_ =	strace $0x9FFFFFFF  }
0xca: {  	(tm) =	ssettm $0x7FFFFFFF  }
0xcb: {  	_ =	shalt  }
tec
execute0_lowered:
.L_overlay_start_1:
0x0: {  	(tag) =	ssettag $0x1  }
0x1: {  	s0 =	rddreg [dreg:$0x0]  }
0x2: {  	s1 =	rddreg [dreg:$0x1]  }
0x3: {  	s3 =	rddreg [dreg:$0x2]  }
0x4: {  	s2 =	rddreg [dreg:$0x3];
	s5 =	simm.s32 $0x0  }
0x5: {  	s4 =	srdreg.scid;
	s9 =	stileid.u32;
	s28 =	simm.s32 $0x5  }
0x6: {  	s30 =	simm.s32 $0x7;
	s31 =	simm.s32 $0x8;
	[smem:$0x7FF] =	sst s5  }
0x7: {  	s10 =	sand.u32 $0x1, s4;
	s11 =	sshll.u32 s9, $0x1;
	s4 =	sadd.s32 $0x2A00, s3  }
0x8: {  	s3 =	sadd.s32 $0x16400, s3;
	s9 =	smul.u32 $0xA000, s9;
	_ =	strace $0x8000004A  }
0x9: {  	s6 =	sor.u32 s10, s11;
	s7 =	ssub.s32 $0x2, s10;
	s14 =	smul.u32 $0xA0000, s10  }
0xa: {  	s10 =	simm.s32 $0x10;
	s11 =	simm.s32 $0x11;
	s6 =	smul.u32 $0x4E2, s6  }
0xb: {  	s8 =	sshrl.u32 s7, $0x1;
	s15 =	sadd.s32 s9, s2;
	s13 =	sadd.s32 $0x2000, s9  }
0xc: {  	s19 =	sadd.s32 $0x4000, s9;
	s20 =	sadd.s32 $0x6000, s9;
	s7 =	ssub.s32 s7, s8  }
0xd: {  	s16 =	sadd.s32 s13, s2;
	s17 =	sadd.s32 s19, s2;
	s18 =	sadd.s32 s20, s2  }
0xe: {  	s22 =	sadd.s32 s9, s14;
	s9 =	sadd.s32 $0x8000, s9;
	s23 =	sadd.s32 s14, s19  }
0xf: {  	s24 =	sadd.s32 s14, s20;
	s20 =	simm.s32 $0x50;
	s19 =	simm.s32 $0x2  }
0x10: {  	[dreg:$0x7] =	wrdreg s15;
	s0 =	sadd.s32 s0, s6;
	s12 =	sadd.s32 s1, s6  }
0x11: {  	s8 =	sshrl.u32 s22, $0x3;
	s21 =	sadd.s32 s9, s2;
	[dreg:$0x8] =	wrdreg s16  }
0x12: {  	s5 =	sshrl.u32 s24, $0x3;
	s1 =	sadd.s32 s14, s9;
	[dreg:$0x9] =	wrdreg s17  }
0x13: {  	s29 =	smax.u32 s7, $0x1;
	s22 =	simm.s32 $0x19;
	[dreg:$0xa] =	wrdreg s18  }
0x14: {  	s6 =	simm.s32 $0xA;
	s7 =	simm.s32 $0xD;
	[dreg:$0x5] =	wrdreg s0  }
0x15: {  	s9 =	simm.s32 $0xF;
	[dreg:$0x6] =	wrdreg s12;
	s0 =	sadd.s32 s14, s13  }
0x16: {  	s8 =	sadd.s32 s3, s8;
	s25 =	sadd.s32 s3, s5;
	s26 =	sshrl.u32 s1, $0x3  }
0x17: {  	[dreg:$0x11] =	wrdreg s29;
	s1 =	simm.s32 $0x1;
	s5 =	simm.s32 $0x9  }
0x18: {  	s12 =	simm.s32 $0xB;
	[dreg:$0xb] =	wrdreg s21;
	s0 =	sshrl.u32 s0, $0x3  }
.Ltmp0:
0x19: {  	[dreg:$0xc] =	wrdreg s8;
	s0 =	sadd.s32 s3, s0;
	(pc) =	sbr.rel .LBB2_1-.Ltmp0, $4  }
0x1a: {  	s13 =	simm.s32 $0x0;
	[dreg:$0xd] =	wrdreg s0;
	s0 =	sshrl.u32 s23, $0x3  }
0x1b: {  	[dreg:$0xf] =	wrdreg s25;
	s25 =	simm.s32 $0x4;
	s0 =	sadd.s32 s3, s0  }
0x1c: {  	s8 =	simm.s32 $0xE;
	[dreg:$0xe] =	wrdreg s0;
	s0 =	sadd.s32 s3, s26  }
0x1d: {  	v0 =	vimm.f32 $0.0e+00;
	s23 =	simm.s32 $0x3;
	[dreg:$0x10] =	wrdreg s0;
	s0 =	simm.s32 $0x12  }
.LBB2_8:
0x1e: {  	s3 =	stileid.u32;
	[bflag:$0x0] =	sbarrier.arrive $0xFFFF  }
0x1f: {  	s22 =	simm.s32 $0x19;
	s3 =	sshll.u32 s3, $0x6;
	s15 =	rddreg [dreg:$0x7]  }
0x20: {  	s14 =	rddreg [dreg:$0xc];
	s3 =	sor.u32 $0x1C19, s3;
	s13 =	sshrl.u32 s15, $0x3  }
0x21: {  	[hbm:s14], [sflag:s3] =	dma.local [spmem:s13], $0x400  }
0x22: {  	_ =	swait.ge [sflag:s22], $0x400  }
0x23: {  	[sflag:s22] =	ssyncset.done $0x0;
	s16 =	rddreg [dreg:$0x8]  }
0x24: {  	s18 =	rddreg [dreg:$0xd];
	[sflag:s22] =	ssyncadd.s32 $0xFFFFFC00;
	s17 =	sshrl.u32 s16, $0x3  }
0x25: {  	[hbm:s18], [sflag:s3] =	dma.local [spmem:s17], $0x400  }
0x26: {  	_ =	swait.ge [sflag:s22], $0x400  }
0x27: {  	[sflag:s22] =	ssyncset.done $0x0;
	s17 =	rddreg [dreg:$0x9]  }
0x28: {  	s24 =	rddreg [dreg:$0xe];
	[sflag:s22] =	ssyncadd.s32 $0xFFFFFC00;
	s21 =	sshrl.u32 s17, $0x3  }
0x29: {  	[hbm:s24], [sflag:s3] =	dma.local [spmem:s21], $0x400  }
0x2a: {  	_ =	swait.ge [sflag:s22], $0x400  }
0x2b: {  	[sflag:s22] =	ssyncset.done $0x0;
	s18 =	rddreg [dreg:$0xa]  }
0x2c: {  	s29 =	rddreg [dreg:$0xf];
	[sflag:s22] =	ssyncadd.s32 $0xFFFFFC00;
	s26 =	sshrl.u32 s18, $0x3  }
0x2d: {  	[hbm:s29], [sflag:s3] =	dma.local [spmem:s26], $0x400  }
0x2e: {  	_ =	swait.ge [sflag:s22], $0x400  }
0x2f: {  	[sflag:s22] =	ssyncset.done $0x0;
	s21 =	rddreg [dreg:$0xb]  }
0x30: {  	s24 =	rddreg [dreg:$0x10];
	[sflag:s22] =	ssyncadd.s32 $0xFFFFFC00;
	s14 =	sshrl.u32 s21, $0x3  }
0x31: {  	[hbm:s24], [sflag:s3] =	dma.local [spmem:s14], $0x400  }
0x32: {  	_ =	swait.ge [sflag:s22], $0x400  }
0x33: {  	s26 =	rddreg [dreg:$0x12]  }
0x34: {  	s29 =	rddreg [dreg:$0x11];
	s13 =	sadd.s32 $0x1, s26  }
0x35: {  	p0 =	sne.s32 s13, s29  }
.Ltmp1:
0x36: {  	_ = 	snop;
	(pc) =	sbr.rel @!p0 .LBB2_9-.Ltmp1, $3  }
0x37: {  	_ =	sdelay $0x1  }
0x38: {  	[sflag:s22] =	ssyncset.done $0x0  }
0x39: {  	[sflag:s22] =	ssyncadd.s32 $0xFFFFFC00  }
.LBB2_1:
0x3a: {  	[dreg:$0x12] =	wrdreg s13  }
0x3b: {  	s3 =	simm.s32 $0x0;
	s24 =	rddreg [dreg:$0x5]  }
0x3c: {  	[tilespmem:s3], [sflag:$0x19] =	stream.linear.gather [hbm4b:s24+s3], $0x2710, $0x38;
	[tilespmem:$0x1FE20] =	vst v63  }
0x3d: {  	_ =	swait.ge [sflag:s22], $0x2710  }
0x3e: {  	[sflag:s22] =	ssyncset.done $0x0  }
0x3f: {  	s14 =	simm.s32 $0x2710;
	s26 =	rddreg [dreg:$0x6];
	[sflag:s22] =	ssyncadd.s32 $0xFFFFD8F0  }
0x40: {  	[tilespmem:s14], [sflag:$0x19] =	stream.linear.gather [hbm4b:s26+s3], $0x2710, $0x38;
	[tilespmem:$0x1FE20] =	vst v63  }
0x41: {  	_ =	swait.ge [sflag:s22], $0x2710  }
0x42: {  	[sflag:s22] =	ssyncset.done $0x0  }
0x43: {  	s29 =	simm.s32 $0x4E20;
	[sflag:s22] =	ssyncadd.s32 $0xFFFFD8F0  }
0x44: {  	[tilespmem:s29], [sflag:$0x1] =	stream.indirect.gather [hbm4b:s4+s20], $0x40, s3, s20, $0xb8;
	[tilespmem:$0x1FE20] =	vst v63  }
0x45: {  	s13 =	simm.s32 $0x6220  }
0x46: {  	[tilespmem:s13], [sflag:$0x2] =	stream.indirect.gather [hbm4b:s4+s20], $0x40, s20, s20, $0xb8;
	[tilespmem:$0x1FE20] =	vst v63  }
0x47: {  	s24 =	simm.s32 $0x7620;
	s14 =	simm.s32 $0xA0  }
0x48: {  	[tilespmem:s24], [sflag:$0x3] =	stream.indirect.gather [hbm4b:s4+s20], $0x40, s14, s20, $0xb8;
	[tilespmem:$0x1FE20] =	vst v63  }
0x49: {  	s26 =	simm.s32 $0xF0;
	s29 =	simm.s32 $0x8A20  }
0x4a: {  	[tilespmem:s29], [sflag:$0x4] =	stream.indirect.gather [hbm4b:s4+s20], $0x40, s26, s20, $0xb8;
	[tilespmem:$0x1FE20] =	vst v63  }
0x4b: {  	s3 =	simm.s32 $0x0;
	s14 =	simm.s32 $0x140;
	s24 =	simm.s32 $0x9E20  }
0x4c: {  	[tilespmem:s24], [sflag:$0x5] =	stream.indirect.gather [hbm4b:s4+s20], $0x40, s14, s20, $0xb8;
	[tilespmem:$0x1FE20] =	vst v63  }
0x4d: {  	s13 =	simm.s32 $0x100;
	s26 =	simm.s32 $0x190;
	s29 =	simm.s32 $0xB220  }
0x4e: {  	[tilespmem:s29], [sflag:$0x6] =	stream.indirect.gather [hbm4b:s4+s20], $0x40, s26, s20, $0xb8;
	[tilespmem:$0x1FE20] =	vst v63  }
.LBB2_2:
0x4f: {  	p0 =	sne.s32 s13, $0x7F00;
	[tilespmem:s3+$0x13E50] =	vst v0;
	s14 =	smov.u32 s13;
	s13 =	sadd.s32 $0x100, s13  }
.Ltmp2:
0x50: {  	[tilespmem:s3+$0x13E40] =	vst v0;
	(pc) =	sbr.rel @p0 .LBB2_2-.Ltmp2, $3  }
0x51: {  	[tilespmem:s3+$0x13E20] =	vst v0  }
0x52: {  	[tilespmem:s3+$0x13E30] =	vst v0;
	_ =	sdelay $0x1  }
0x53: {  	s3 =	sshra.s32 s14, $0x2  }
0x54: {  	[tilespmem:s3+$0x13E50] =	vst v0  }
0x55: {  	[tilespmem:s3+$0x13E40] =	vst v0  }
0x56: {  	[tilespmem:s3+$0x13E20] =	vst v0  }
0x57: {  	[tilespmem:s3+$0x13E30] =	vst v0;
	s29 =	simm.s32 $0x13E20  }
0x58: {  	[spmem:s15] =	stream.linear.scatter [tilespmem:s29], [sflag:$0x19], $0x2000, $0x38;
	[tilespmem:$0x1FE20] =	vst v63  }
0x59: {  	_ =	swait.ge [sflag:s22], $0x2000  }
0x5a: {  	[sflag:s22] =	ssyncset.done $0x0  }
0x5b: {  	[sflag:s22] =	ssyncadd.s32 $0xFFFFE000  }
0x5c: {  	[spmem:s16] =	stream.linear.scatter [tilespmem:s29], [sflag:$0x19], $0x2000, $0x38;
	[tilespmem:$0x1FE20] =	vst v63  }
0x5d: {  	_ =	swait.ge [sflag:s22], $0x2000  }
0x5e: {  	[sflag:s22] =	ssyncset.done $0x0  }
0x5f: {  	[sflag:s22] =	ssyncadd.s32 $0xFFFFE000  }
0x60: {  	[spmem:s17] =	stream.linear.scatter [tilespmem:s29], [sflag:$0x19], $0x2000, $0x38;
	[tilespmem:$0x1FE20] =	vst v63  }
0x61: {  	_ =	swait.ge [sflag:s22], $0x2000  }
0x62: {  	[sflag:s22] =	ssyncset.done $0x0  }
0x63: {  	[sflag:s22] =	ssyncadd.s32 $0xFFFFE000  }
0x64: {  	[spmem:s18] =	stream.linear.scatter [tilespmem:s29], [sflag:$0x19], $0x2000, $0x38;
	[tilespmem:$0x1FE20] =	vst v63  }
0x65: {  	_ =	swait.ge [sflag:s22], $0x2000  }
0x66: {  	[sflag:s22] =	ssyncset.done $0x0  }
0x67: {  	[sflag:s22] =	ssyncadd.s32 $0xFFFFE000  }
0x68: {  	[spmem:s21] =	stream.linear.scatter [tilespmem:s29], [sflag:$0x19], $0x2000, $0x38;
	[tilespmem:$0x1FE20] =	vst v63  }
.Ltmp3:
0x69: {  	_ =	swait.ge [sflag:s22], $0x2000;
	(pc) =	sbr.rel .LBB2_4-.Ltmp3, $4  }
0x6a: {  	[sflag:s22] =	ssyncset.done $0x0  }
0x6b: {  	[sflag:s22] =	ssyncadd.s32 $0xFFFFE000  }
0x6c: {  	[bflag:$0x0] =	sbarrier.arrive $0xFFFF  }
0x6d: {  	s13 =	simm.s32 $0x0;
	s15 =	simm.s32 $0x0;
	s21 =	simm.s32 $0x6  }
.LBB2_6:
0x6e: {  	s14 =	smov.u32 s21  }
0x6f: {  	s14 =	simm.s32 @!p1 $0x6  }
0x70: {  	s22 =	smul.u32 $0x140, s14;
	_ =	sdelay $0x1  }
0x71: {  	s18 =	simm.s32 $0xC620;
	s22 =	sshra.s32 s22, $0x2  }
0x72: {  	[tilespmem:s18], [sflag:$0xD] =	stream.indirect.gather [hbm4b:s4+s20], $0x40, s22, s20, $0xb8;
	[tilespmem:$0x1FE20] =	vst v63  }
0x73: {  	s24 =	sadd.s32 $0x230, s3;
	s26 =	simm.s32 $0xDA20  }
0x74: {  	[tilespmem:s26], [sflag:$0xE] =	stream.indirect.gather [hbm4b:s4+s20], $0x40, s24, s20, $0xb8;
	[tilespmem:$0x1FE20] =	vst v63  }
0x75: {  	s24 =	sadd.s32 $0x280, s3;
	s26 =	simm.s32 $0xEE20  }
0x76: {  	[tilespmem:s26], [sflag:$0xF] =	stream.indirect.gather [hbm4b:s4+s20], $0x40, s24, s20, $0xb8;
	[tilespmem:$0x1FE20] =	vst v63  }
0x77: {  	s24 =	sadd.s32 $0x2D0, s3;
	s26 =	simm.s32 $0x10220  }
0x78: {  	[tilespmem:s26], [sflag:$0x10] =	stream.indirect.gather [hbm4b:s4+s20], $0x40, s24, s20, $0xb8;
	[tilespmem:$0x1FE20] =	vst v63  }
0x79: {  	s24 =	sadd.s32 $0x320, s3;
	s26 =	simm.s32 $0x11620  }
0x7a: {  	[tilespmem:s26], [sflag:$0x11] =	stream.indirect.gather [hbm4b:s4+s20], $0x40, s24, s20, $0xb8;
	[tilespmem:$0x1FE20] =	vst v63  }
0x7b: {  	s24 =	sadd.s32 $0x370, s3;
	s26 =	simm.s32 $0x12A20  }
0x7c: {  	[tilespmem:s26], [sflag:$0x12] =	stream.indirect.gather [hbm4b:s4+s20], $0x40, s24, s20, $0xb8;
	[tilespmem:$0x1FE20] =	vst v63  }
0x7d: {  	_ =	swait.ge [sflag:s7], $0x1400  }
0x7e: {  	[sflag:s7] =	ssyncset.done $0x0  }
0x7f: {  	[sflag:s7] =	ssyncadd.s32 $0xFFFFEC00  }
0x80: {  	_ =	swait.ge [sflag:s8], $0x1400  }
0x81: {  	[sflag:s8] =	ssyncset.done $0x0  }
0x82: {  	[sflag:s8] =	ssyncadd.s32 $0xFFFFEC00  }
0x83: {  	_ =	swait.ge [sflag:s9], $0x1400  }
0x84: {  	[sflag:s9] =	ssyncset.done $0x0  }
0x85: {  	[sflag:s9] =	ssyncadd.s32 $0xFFFFEC00  }
0x86: {  	_ =	swait.ge [sflag:s10], $0x1400  }
0x87: {  	[sflag:s10] =	ssyncset.done $0x0  }
0x88: {  	[sflag:s10] =	ssyncadd.s32 $0xFFFFEC00  }
0x89: {  	_ =	swait.ge [sflag:s11], $0x1400  }
0x8a: {  	[sflag:s11] =	ssyncset.done $0x0  }
0x8b: {  	[sflag:s11] =	ssyncadd.s32 $0xFFFFEC00  }
0x8c: {  	s29 =	sadd.s32 $0x8C0, s13;
	_ =	swait.ge [sflag:s0], $0x1400  }
0x8d: {  	s22 =	sadd.s32 $0xDC0, s13;
	s3 =	sadd.s32 $0xC80, s13;
	[sflag:s0] =	ssyncset.done $0x0  }
0x8e: {  	s26 =	sadd.s32 $0xA00, s13;
	s24 =	sadd.s32 $0xB40, s13;
	[sflag:s0] =	ssyncadd.s32 $0xFFFFEC00  }
.LBB2_7:
0x8f: {  	_ =	swait.ge [sflag:s30], $0x1400  }
0x90: {  	[sflag:s30] =	ssyncset.done $0x0  }
0x91: {  	[sflag:s30] =	ssyncadd.s32 $0xFFFFEC00  }
0x92: {  	_ =	swait.ge [sflag:s31], $0x1400  }
0x93: {  	[sflag:s31] =	ssyncset.done $0x0  }
0x94: {  	[sflag:s31] =	ssyncadd.s32 $0xFFFFEC00  }
0x95: {  	_ =	swait.ge [sflag:s5], $0x1400  }
0x96: {  	[sflag:s5] =	ssyncset.done $0x0  }
0x97: {  	[sflag:s5] =	ssyncadd.s32 $0xFFFFEC00  }
0x98: {  	_ =	swait.ge [sflag:s6], $0x1400  }
0x99: {  	[sflag:s6] =	ssyncset.done $0x0  }
0x9a: {  	[sflag:s6] =	ssyncadd.s32 $0xFFFFEC00  }
0x9b: {  	_ =	swait.ge [sflag:s12], $0x1400  }
0x9c: {  	[sflag:s12] =	ssyncset.done $0x0  }
0x9d: {  	s18 =	simm.s32 @!p0 $0xC;
	s14 =	smul.u32 @!p0 $0x140, s14;
	[sflag:s12] =	ssyncadd.s32 $0xFFFFEC00  }
0x9e: {  	_ =	swait.ge @!p0 [sflag:s18], $0x1400  }
0x9f: {  	s14 =	sshra.s32 @!p0 s14, $0x2;
	[sflag:s18] =	ssyncset.done @!p0 $0x0  }
0xa0: {  	s14 =	sadd.s32 @!p0 $0x2710, s14;
	[sflag:s18] =	ssyncadd.s32 @!p0 $0xFFFFEC00;
	s18 =	simm.s32 @!p0 $0xC620  }
0xa1: {  	[spmem:s2] =	stream.indirect.scatter.add.f32 @!p0 [tilespmem:s18], [sflag:$0x13], $0x40, s14, s17, $0xb8;
	[tilespmem:$0x1FE20] =	vst v63  }
0xa2: {  	s14 =	sshra.s32 @!p0 s29, $0x2  }
0xa3: {  	s18 =	simm.s32 @!p0 $0xDA20;
	s14 =	sadd.s32 @!p0 $0x2710, s14  }
0xa4: {  	[spmem:s2] =	stream.indirect.scatter.add.f32 @!p0 [tilespmem:s18], [sflag:$0x14], $0x40, s14, s17, $0xb8;
	[tilespmem:$0x1FE20] =	vst v63  }
0xa5: {  	s14 =	sshra.s32 @!p0 s26, $0x2  }
0xa6: {  	s18 =	simm.s32 @!p0 $0xEE20;
	s14 =	sadd.s32 @!p0 $0x2710, s14  }
0xa7: {  	[spmem:s2] =	stream.indirect.scatter.add.f32 @!p0 [tilespmem:s18], [sflag:$0x15], $0x40, s14, s17, $0xb8;
	[tilespmem:$0x1FE20] =	vst v63  }
0xa8: {  	s14 =	sshra.s32 @!p0 s24, $0x2  }
0xa9: {  	s3 =	sshra.s32 @!p0 s3, $0x2;
	s18 =	simm.s32 @!p0 $0x10220;
	s14 =	sadd.s32 @!p0 $0x2710, s14  }
0xaa: {  	[spmem:s2] =	stream.indirect.scatter.add.f32 @!p0 [tilespmem:s18], [sflag:$0x16], $0x40, s14, s17, $0xb8;
	[tilespmem:$0x1FE20] =	vst v63  }
0xab: {  	s3 =	sadd.s32 @!p0 $0x2710, s3;
	s14 =	simm.s32 @!p0 $0x11620  }
0xac: {  	[spmem:s2] =	stream.indirect.scatter.add.f32 @!p0 [tilespmem:s14], [sflag:$0x17], $0x40, s3, s17, $0xb8;
	[tilespmem:$0x1FE20] =	vst v63  }
0xad: {  	s3 =	sshra.s32 @!p0 s22, $0x2  }
0xae: {  	s14 =	simm.s32 @!p0 $0x12A20;
	s3 =	sadd.s32 @!p0 $0x2710, s3  }
0xaf: {  	[spmem:s2] =	stream.indirect.scatter.add.f32 @!p0 [tilespmem:s14], [sflag:$0x18], $0x40, s3, s17, $0xb8;
	[tilespmem:$0x1FE20] =	vst v63  }
0xb0: {  	s3 =	sadd.s32 @!p0 $0x3C0, s16;
	s14 =	simm.s32 @!p0 $0x4E20  }
0xb1: {  	[tilespmem:s14], [sflag:$0x1] =	stream.indirect.gather @!p0 [hbm4b:s4+s17], $0x40, s3, s17, $0xb8;
	[tilespmem:$0x1FE20] =	vst v63  }
0xb2: {  	s3 =	sadd.s32 @!p0 $0x410, s16;
	s14 =	simm.s32 @!p0 $0x6220  }
0xb3: {  	[tilespmem:s14], [sflag:$0x2] =	stream.indirect.gather @!p0 [hbm4b:s4+s17], $0x40, s3, s17, $0xb8;
	[tilespmem:$0x1FE20] =	vst v63  }
0xb4: {  	s3 =	sadd.s32 @!p0 $0x460, s16;
	s14 =	simm.s32 @!p0 $0x7620  }
0xb5: {  	[tilespmem:s14], [sflag:$0x3] =	stream.indirect.gather @!p0 [hbm4b:s4+s17], $0x40, s3, s17, $0xb8;
	[tilespmem:$0x1FE20] =	vst v63  }
0xb6: {  	p1 =	sgt.u32 @!p0 s15, $0x8;
	s3 =	sadd.s32 @!p0 $0x4B0, s16;
	s14 =	simm.s32 @!p0 $0x8A20  }
0xb7: {  	[tilespmem:s14], [sflag:$0x4] =	stream.indirect.gather @!p0 [hbm4b:s4+s17], $0x40, s3, s17, $0xb8;
	[tilespmem:$0x1FE20] =	vst v63  }
0xb8: {  	p1 =	por p1, p0;
	s3 =	sadd.s32 @!p0 $0x500, s16;
	s14 =	simm.s32 @!p0 $0x9E20  }
0xb9: {  	[tilespmem:s14], [sflag:$0x5] =	stream.indirect.gather @!p0 [hbm4b:s4+s17], $0x40, s3, s17, $0xb8;
	[tilespmem:$0x1FE20] =	vst v63  }
0xba: {  	s16 =	simm.s32 @!p1 $0xB220;
	s3 =	sshra.s32 @!p1 s13, $0x2  }
0xbb: {  	s14 =	simm.s32 @!p1 $0x50;
	s13 =	sadd.s32 @!p0 $0xF00, s13;
	s3 =	sadd.s32 @!p1 $0x550, s3  }
0xbc: {  	[tilespmem:s16], [sflag:$0x6] =	stream.indirect.gather @!p1 [hbm4b:s4+s14], $0x40, s3, s14, $0xb8;
	[tilespmem:$0x1FE20] =	vst v63  }
0xbd: {  	p1 =	sne.s32 @!p0 s13, $0xA500  }
0xbe: {  	p1 =	por p0, !p1  }
.Ltmp4:
0xbf: {  	_ = 	snop;
	(pc) =	sbr.rel @p1 .LBB2_8-.Ltmp4, $2  }
0xc0: {  	_ =	sdelay $0x2  }
0xc1: {  	s15 =	sadd.s32 @!p0 $0x1, s15;
	s21 =	sadd.s32 @!p0 $0xC, s21  }
.LBB2_4:
0xc2: {  	_ =	swait.ge [sflag:s1], $0x1400  }
0xc3: {  	s3 =	sshra.s32 s13, $0x2;
	[sflag:s1] =	ssyncset.done $0x0  }
0xc4: {  	s16 =	simm.s32 $0x4E20;
	s14 =	sadd.s32 $0x2710, s3;
	[sflag:s1] =	ssyncadd.s32 $0xFFFFEC00  }
0xc5: {  	[spmem:s2] =	stream.indirect.scatter.add.f32 [tilespmem:s16], [sflag:$0x7], $0x40, s14, s20, $0xb8;
	[tilespmem:$0x1FE20] =	vst v63  }
0xc6: {  	_ =	swait.ge [sflag:s19], $0x1400  }
0xc7: {  	[sflag:s19] =	ssyncset.done $0x0  }
0xc8: {  	s29 =	simm.s32 $0x6220;
	s26 =	sadd.s32 $0x2760, s3;
	[sflag:s19] =	ssyncadd.s32 $0xFFFFEC00  }
0xc9: {  	[spmem:s2] =	stream.indirect.scatter.add.f32 [tilespmem:s29], [sflag:$0x8], $0x40, s26, s20, $0xb8;
	[tilespmem:$0x1FE20] =	vst v63  }
0xca: {  	_ =	swait.ge [sflag:s23], $0x1400  }
0xcb: {  	[sflag:s23] =	ssyncset.done $0x0  }
0xcc: {  	s18 =	simm.s32 $0x7620;
	s17 =	sadd.s32 $0x27B0, s3;
	[sflag:s23] =	ssyncadd.s32 $0xFFFFEC00  }
0xcd: {  	[spmem:s2] =	stream.indirect.scatter.add.f32 [tilespmem:s18], [sflag:$0x9], $0x40, s17, s20, $0xb8;
	[tilespmem:$0x1FE20] =	vst v63  }
0xce: {  	_ =	swait.ge [sflag:s25], $0x1400  }
0xcf: {  	[sflag:s25] =	ssyncset.done $0x0  }
0xd0: {  	s24 =	simm.s32 $0x8A20;
	s22 =	sadd.s32 $0x2800, s3;
	[sflag:s25] =	ssyncadd.s32 $0xFFFFEC00  }
0xd1: {  	[spmem:s2] =	stream.indirect.scatter.add.f32 [tilespmem:s24], [sflag:$0xA], $0x40, s22, s20, $0xb8;
	[tilespmem:$0x1FE20] =	vst v63  }
0xd2: {  	p0 =	seq.s32 s13, $0x9600;
	_ =	swait.ge [sflag:s28], $0x1400  }
0xd3: {  	p1 =	seq.s32 @!p0 s13, $0x0;
	s14 =	simm.s32 @!p0 $0x6;
	[sflag:s28] =	ssyncset.done $0x0  }
0xd4: {  	s26 =	sadd.s32 $0x2850, s3;
	s29 =	simm.s32 $0x9E20;
	[sflag:s28] =	ssyncadd.s32 $0xFFFFEC00  }
0xd5: {  	[spmem:s2] =	stream.indirect.scatter.add.f32 [tilespmem:s29], [sflag:$0xB], $0x40, s26, s20, $0xb8;
	[tilespmem:$0x1FE20] =	vst v63  }
0xd6: {  	p1 =	por p0, !p1;
	_ =	swait.ge @!p0 [sflag:s14], $0x1400  }
0xd7: {  	s16 =	sshra.s32 @!p0 s13, $0x2;
	s17 =	simm.s32 @!p0 $0x50;
	[sflag:s14] =	ssyncset.done @!p0 $0x0  }
0xd8: {  	s22 =	simm.s32 @!p0 $0xB220;
	[sflag:s14] =	ssyncadd.s32 @!p0 $0xFFFFEC00;
	s14 =	sadd.s32 @!p0 $0x28A0, s16  }
0xd9: {  	[spmem:s2] =	stream.indirect.scatter.add.f32 @!p0 [tilespmem:s22], [sflag:$0xC], $0x40, s14, s17, $0xb8;
	[tilespmem:$0x1FE20] =	vst v63  }
0xda: {  	s14 =	simm.s32 @p1 $0x13  }
0xdb: {  	_ =	swait.ge @p1 [sflag:s14], $0x1400  }
0xdc: {  	[sflag:s14] =	ssyncset.done @p1 $0x0  }
0xdd: {  	[sflag:s14] =	ssyncadd.s32 @p1 $0xFFFFEC00;
	s14 =	simm.s32 @p1 $0x14  }
0xde: {  	_ =	swait.ge @p1 [sflag:s14], $0x1400  }
0xdf: {  	[sflag:s14] =	ssyncset.done @p1 $0x0  }
0xe0: {  	[sflag:s14] =	ssyncadd.s32 @p1 $0xFFFFEC00;
	s14 =	simm.s32 @p1 $0x15  }
0xe1: {  	_ =	swait.ge @p1 [sflag:s14], $0x1400  }
0xe2: {  	[sflag:s14] =	ssyncset.done @p1 $0x0  }
0xe3: {  	[sflag:s14] =	ssyncadd.s32 @p1 $0xFFFFEC00;
	s14 =	simm.s32 @p1 $0x16  }
0xe4: {  	_ =	swait.ge @p1 [sflag:s14], $0x1400  }
0xe5: {  	[sflag:s14] =	ssyncset.done @p1 $0x0  }
0xe6: {  	p2 =	seq.s32 @p1 s13, $0x9600;
	[sflag:s14] =	ssyncadd.s32 @p1 $0xFFFFEC00;
	s14 =	simm.s32 @p1 $0x17  }
0xe7: {  	p2 =	por !p1, !p2;
	_ =	swait.ge @p1 [sflag:s14], $0x1400  }
.Ltmp5:
0xe8: {  	[sflag:s14] =	ssyncset.done @p1 $0x0;
	(pc) =	sbr.rel @p2 .LBB2_6-.Ltmp5, $4  }
0xe9: {  	[sflag:s14] =	ssyncadd.s32 @p1 $0xFFFFEC00;
	s14 =	simm.s32 @p1 $0x18  }
0xea: {  	_ =	swait.ge @p1 [sflag:s14], $0x1400  }
0xeb: {  	[sflag:s14] =	ssyncset.done @p1 $0x0  }
0xec: {  	[sflag:s14] =	ssyncadd.s32 @p1 $0xFFFFEC00  }
.Ltmp6:
0xed: {  	(pc) =	sbr.rel .LBB2_7-.Ltmp6, $3  }
0xee: {  	_ =	sdelay $0x1  }
0xef: {  	s3 =	simm.s32 @p1 $0xA280;
	s26 =	simm.s32 @p1 $0xA000;
	s29 =	simm.s32 @p1 $0x9EC0  }
0xf0: {  	s24 =	simm.s32 @p1 $0xA140;
	s22 =	simm.s32 @p1 $0xA3C0;
	s14 =	smov.u32 s21  }
.LBB2_9:
0xf1: {  	_ =	sfence.sel $0x180000  }
0xf2: {  	[bflag:$0x0] =	sbarrier.arrive $0xFFFF  }
0xf3: {  	_ =	strace $0x9000004A  }
0xf4: {  	s0 =	stileid.u32;
	[bflag:$0x2] =	sbarrier.arrive $0xFFFF  }
0xf5: {  	p0 =	sne.s32 s0, $0x0;
	s0 =	rddreg [dreg:$0x4]  }
0xf6: {  	s0 =	sadd.s32 @!p0 $0x100000, s0  }
0xf7: {  	[sflag:s0] =	ssyncadd.tile.s32 @!p0 $0x1;
	_ =	shalt  }
.Lfunc_end2:
_tile_overlayer_lowered:
.L_overlay_start_2:
0xf8: {  	(tag) =	ssettag $0x2  }
0xf9: {  	s0 =	rddreg [dreg:$0x0];
	s2 =	stileid.u32  }
0xfa: {  	s1 =	rddreg [dreg:$0x1];
	p0 =	sne.s32 s2, $0x0  }
0xfb: {  	s3 =	rddreg [dreg:$0x2];
	[bflag:$0x3] =	sbarrier.arrive $0xFFFF;
	s2 =	simm.s32 @!p0 $0x1C19  }
0xfc: {  	[timem:s3], [sflag:s2] =	dma.local @!p0 [hbm:s0], s1  }
0xfd: {  	s0 =	simm.s32 @!p0 $0x19  }
0xfe: {  	_ =	swait.ge @!p0 [sflag:s0], s1  }
0xff: {  	s1 =	ssub.s32 @!p0 $0x0, s1;
	[sflag:s0] =	ssyncset.done @!p0 $0x0  }
0x100: {  	[sflag:s0] =	ssyncadd.s32 @!p0 s1  }
0x101: {  	[bflag:$0x3] =	sbarrier.arrive $0xFFFF  }
0x102: {  	_ =	shalt  }

// kernel: kernel.14.cloned.1.call-start
scs
__scs_entry_jumppad:
0x0: {  	(pc) =	sbr.rel $0x88, $3  }
0x1: {  	(tag) =	ssettag $0x0;
	lr =	simm.s32 $0x1  }
0x2: {  	[smem:$0x3F99] =	sst lr;
	_ =	strace $0xD0000000  }
0x3: {  	_ = 	snop  }
0x4: {  	_ = 	snop  }
0x5: {  	_ = 	snop  }
0x6: {  	_ = 	snop  }
0x7: {  	_ = 	snop  }
__scs_overlays_trampoline_lowered:
0x8: {  	[smem:$0x3FA8] =	sst s0  }
0x9: {  	[smem:$0x3FA9] =	sst s1  }
0xa: {  	[smem:$0x3FAA] =	sst s2  }
0xb: {  	[smem:$0x3FAB] =	sst s3  }
0xc: {  	[smem:$0x3FAC] =	sst s4  }
0xd: {  	[smem:$0x3FAD] =	sst s5  }
0xe: {  	[smem:$0x3FAE] =	sst s6  }
0xf: {  	[smem:$0x3FAF] =	sst s7  }
0x10: {  	[smem:$0x3FB0] =	sst s8  }
0x11: {  	[smem:$0x3FB1] =	sst s9;
	s0 =	simm.s32 @!p0 $0x0  }
0x12: {  	s1 =	sld [smem:$0x3F97];
	s0 =	simm.s32 @p0 $0x1  }
0x13: {  	[smem:$0x3FB2] =	sst s0;
	s0 =	simm.s32 @!p1 $0x0  }
0x14: {  	s2 =	sld [smem:$0x3F96];
	s0 =	simm.s32 @p1 $0x1  }
0x15: {  	[smem:$0x3FB3] =	sst s0;
	s0 =	simm.s32 @!p2 $0x0  }
0x16: {  	s3 =	sld [smem:$0x3FDB];
	s0 =	simm.s32 @p2 $0x1  }
0x17: {  	s4 =	simm.s32 $0x1BF5;
	[smem:$0x3FB5] =	sst s0  }
0x18: {  	s0 =	sld [smem:$0x3F98];
	_ =	swait.ge [sflag:s4], $0x0  }
0x19: {  	s7 =	sld [smem:$0x3F99]  }
0x1a: {  	s8 =	sadd.s32 $0xFFFFE003, lr  }
0x1b: {  	s9 =	sadd.s32 $0xFFFFFEF7, lr;
	s5 =	simm.s32 $0xFFFFFFFF;
	p2 =	slt.u32 s8, $0xFFFFF086  }
0x1c: {  	p1 =	slt.u32 s9, $0xF7A;
	s5 =	simm.s32 @!p2 $0x0  }
0x1d: {  	s5 =	simm.s32 @p1 $0x1;
	p0 =	seq.s32 s7, s2  }
0x1e: {  	s7 =	smul.u32 @!p0 $0xF7A, s2;
	p2 =	seq.s32 @!p0 s5, $0x0  }
0x1f: {  	s9 =	smul.u32 $0xF7A, s1;
	s8 =	simm.s32 @!p0 $0x1BF5;
	p2 =	por !p2, p0  }
0x20: {  	[sflag:s8] =	ssyncset.s32 @!p0 $0xFFFFF086;
	s6 =	sadd.s32 @!p0 s3, s7;
	s7 =	simm.s32 @!p0 $0x108  }
0x21: {  	s3 =	sadd.s32 s3, s9;
	s6 =	sadd.s32 @!p0 $0x88, s6;
	s7 =	simm.s32 @p2 $0x1082  }
0x22: {  	[simem:s7], [sflag:s8] =	dma.local @!p0 [hbm:s6], $0xF7A  }
0x23: {  	s9 =	sor.u32 $0xD0000000, s2;
	s6 =	simm.s32 $0x108;
	_ =	swait.ge @!p0 [sflag:s8], $0x0  }
0x24: {  	s3 =	sadd.s32 $0x88, s3;
	s6 =	simm.s32 @!p1 $0x1082;
	[sflag:s4] =	ssyncset.s32 $0xFFFFF086  }
0x25: {  	[simem:s6], [sflag:s4] =	dma.local [hbm:s3], $0xF7A  }
0x26: {  	[smem:$0x3F99] =	sst s1;
	(tag) =	ssettag s2;
	_ =	strace s9  }
0x27: {  	s1 =	sld [smem:$0x3FA9]  }
0x28: {  	s2 =	sld [smem:$0x3FAA]  }
0x29: {  	s4 =	sld [smem:$0x3FAC]  }
0x2a: {  	p0 =	seq.s32 s5, $0x0;
	s5 =	sld [smem:$0x3FAD]  }
0x2b: {  	s6 =	sld [smem:$0x3FAE]  }
0x2c: {  	s7 =	sld [smem:$0x3FAF]  }
0x2d: {  	s3 =	simm.s32 $0x108;
	s8 =	sld [smem:$0x3FB0]  }
0x2e: {  	s3 =	simm.s32 @!p0 $0x1082;
	s9 =	sld [smem:$0x3FB1]  }
0x2f: {  	lr =	sadd.s32 s0, s3;
	s0 =	sld [smem:$0x3FA8]  }
0x30: {  	s3 =	sld [smem:$0x3FAB]  }
0x31: {  	[smem:$0x3FB4] =	sst s10  }
0x32: {  	s10 =	sld [smem:$0x3FB2];
	_ =	sdelay $0x3  }
0x33: {  	p0 =	seq.s32 s10, $0x1;
	s10 =	sld [smem:$0x3FB4];
	_ =	sdelay $0x3  }
0x34: {  	[smem:$0x3FB4] =	sst s10  }
0x35: {  	s10 =	sld [smem:$0x3FB3];
	_ =	sdelay $0x3  }
0x36: {  	p1 =	seq.s32 s10, $0x1;
	s10 =	sld [smem:$0x3FB4];
	_ =	sdelay $0x3  }
0x37: {  	[smem:$0x3FB4] =	sst s10  }
0x38: {  	s10 =	sld [smem:$0x3FB5]  }
0x39: {  	_ = 	snop;
	(pc) =	sbr.ind lr, $3  }
0x3a: {  	_ = 	snop  }
0x3b: {  	_ = 	snop  }
0x3c: {  	p2 =	seq.s32 s10, $0x1;
	s10 =	sld [smem:$0x3FB4]  }
0x3d: {  	_ =	shalt  }
0x3e: {  	_ =	shalt  }
0x3f: {  	_ =	shalt  }
0x40: {  	_ =	shalt  }
0x41: {  	_ =	shalt  }
0x42: {  	_ =	shalt  }
0x43: {  	_ =	shalt  }
0x44: {  	_ =	shalt  }
0x45: {  	_ =	shalt  }
0x46: {  	_ =	shalt  }
0x47: {  	_ =	shalt  }
0x48: {  	_ =	shalt  }
0x49: {  	_ =	shalt  }
0x4a: {  	_ =	shalt  }
0x4b: {  	_ =	shalt  }
0x4c: {  	_ =	shalt  }
0x4d: {  	_ =	shalt  }
0x4e: {  	_ =	shalt  }
0x4f: {  	_ =	shalt  }
0x50: {  	_ =	shalt  }
0x51: {  	_ =	shalt  }
0x52: {  	_ =	shalt  }
0x53: {  	_ =	shalt  }
0x54: {  	_ =	shalt  }
0x55: {  	_ =	shalt  }
0x56: {  	_ =	shalt  }
0x57: {  	_ =	shalt  }
0x58: {  	_ =	shalt  }
0x59: {  	_ =	shalt  }
0x5a: {  	_ =	shalt  }
0x5b: {  	_ =	shalt  }
0x5c: {  	_ =	shalt  }
0x5d: {  	_ =	shalt  }
0x5e: {  	_ =	shalt  }
0x5f: {  	_ =	shalt  }
0x60: {  	_ =	shalt  }
0x61: {  	_ =	shalt  }
0x62: {  	_ =	shalt  }
0x63: {  	_ =	shalt  }
0x64: {  	_ =	shalt  }
0x65: {  	_ =	shalt  }
0x66: {  	_ =	shalt  }
0x67: {  	_ =	shalt  }
0x68: {  	_ =	shalt  }
0x69: {  	_ =	shalt  }
0x6a: {  	_ =	shalt  }
0x6b: {  	_ =	shalt  }
0x6c: {  	_ =	shalt  }
0x6d: {  	_ =	shalt  }
0x6e: {  	_ =	shalt  }
0x6f: {  	_ =	shalt  }
0x70: {  	_ =	shalt  }
0x71: {  	_ =	shalt  }
0x72: {  	_ =	shalt  }
0x73: {  	_ =	shalt  }
0x74: {  	_ =	shalt  }
0x75: {  	_ =	shalt  }
0x76: {  	_ =	shalt  }
0x77: {  	_ =	shalt  }
0x78: {  	_ =	shalt  }
0x79: {  	_ =	shalt  }
0x7a: {  	_ =	shalt  }
0x7b: {  	_ =	shalt  }
0x7c: {  	_ =	shalt  }
0x7d: {  	_ =	shalt  }
0x7e: {  	_ =	shalt  }
0x7f: {  	_ =	shalt  }
0x80: {  	_ =	shalt  }
0x81: {  	_ =	shalt  }
0x82: {  	_ =	shalt  }
0x83: {  	_ =	shalt  }
0x84: {  	_ =	shalt  }
0x85: {  	_ =	shalt  }
0x86: {  	_ =	shalt  }
0x87: {  	_ =	shalt  }
.Lfunc_end0:
.L_simem_size_0:
called_computation.2_lowered:
.L_overlay_start_0:
0x88: {  	s2 =	sld [smem:$0x3FD9]  }
0x89: {  	s3 =	sld [smem:$0x3FFE];
	_ =	sdelay $0x1  }
0x8a: {  	s1 =	srdreg.scid  }
0x8b: {  	s0 =	sand.u32 $0x1, s1  }
0x8c: {  	s14 =	sshll.u32 s0, $0xA;
	s2 =	sadd.s32 s3, s2  }
0x8d: {  	s2 =	sadd.s32 s2, s14  }
0x8e: {  	[smem:$0x3FC0] =	sst s2  }
0x8f: {  	_ = 	snop  }
0x90: {  	s2 =	sld [smem:$0x3FD0];
	_ =	sdelay $0x2  }
0x91: {  	s15 =	simm.s32 $0xA;
	s4 =	simm.s32 $0x10  }
0x92: {  	[smem:s4], [sflag:s15] =	dma.local [hbm:s2], $0x1  }
0x93: {  	_ =	swait.eq [sflag:s15], $0x1  }
0x94: {  	[sflag:s15] =	ssyncset.done $0x0  }
0x95: {  	s16 =	sld [smem:$0x10];
	[sflag:s15] =	ssyncadd.s32 $0xFFFFFFFF  }
0x96: {  	s17 =	sld [smem:$0x11];
	(tm) =	ssettm $0x1  }
0x97: {  	s18 =	sld [smem:$0x3FFB];
	_ =	sdelay $0x3  }
0x98: {  	_ =	strace s18  }
0x99: {  	s4 =	sld [smem:$0x3FFC];
	_ =	sdelay $0x3  }
0x9a: {  	_ =	strace s4  }
0x9b: {  	s4 =	sld [smem:$0x3FFD];
	_ =	sdelay $0x3  }
0x9c: {  	_ =	strace s4  }
0x9d: {  	_ =	strace $0x8FFFFFFF  }
0x9e: {  	s19 =	sld [smem:$0x3FDB];
	_ =	sdelay $0x1  }
0x9f: {  	s5 =	simm.s32 $_scs_section_size  }
0xa0: {  	s6 =	simm.s32 $_size__tile_overlayer_lowered;
	s7 =	simm.s32 $_tile_overlayer_lowered  }
0xa1: {  	s22 =	simm.s32 $0x1BFF;
	s21 =	sshll.u32 s7, $0x1;
	s4 =	sadd.s32 s5, s19  }
0xa2: {  	s8 =	simm.s32 $0x0;
	s20 =	sshll.u32 s6, $0x1;
	s6 =	sadd.s32 s21, s4  }
0xa3: {  	[timem:s8], [sflag:s22] =	dma.local [hbm:s6], s20  }
0xa4: {  	_ =	swait.ge [sflag:s22], s20  }
0xa5: {  	s5 =	ssub.s32 $0x0, s20;
	[sflag:s22] =	ssyncset.done $0x0  }
0xa6: {  	[sflag:s22] =	ssyncadd.s32 s5;
	_ =	sdelay $0x1  }
0xa7: {  	s23 =	simm.s32 $0x1B8B  }
0xa8: {  	_ =	swait.ge [sflag:s23], $0x1  }
0xa9: {  	[sflag:s23] =	ssyncset.done $0x0  }
0xaa: {  	s25 =	simm.s32 $0x1B8E;
	s24 =	sld [smem:$0x3FFE];
	[sflag:s23] =	ssyncadd.s32 $0xFFFFFFFF  }
0xab: {  	s26 =	simm.s32 $execute0_lowered;
	[smem:$0x3FD2] =	sst s25  }
0xac: {  	s6 =	sshll.u32 s26, $0x1;
	_ =	strace $0x8000004C;
	[dreg:$0x1] =	wrdreg $0xFFFFFFFF  }
0xad: {  	s28 =	simm.s32 $_size_execute0_lowered;
	s4 =	sadd.s32 s4, s6;
	[dreg:$0x0] =	wrdreg $0x0  }
0xae: {  	s6 =	sshll.u32 s28, $0x1;
	[dreg:$0x2] =	wrdreg s4  }
0xaf: {  	[dreg:$0x3] =	wrdreg s6  }
0xb0: {  	[dreg:$0x4] =	wrdreg $0xC0  }
0xb1: {  	_ =	task [dreg:s8], $0x5FFFF  }
0xb2: {  	[dreg:$0x1] =	wrdreg $0xFFFFFFFF  }
0xb3: {  	[dreg:$0x0] =	wrdreg $0x60  }
0xb4: {  	[dreg:$0x2] =	wrdreg s16  }
0xb5: {  	[dreg:$0x3] =	wrdreg s17  }
0xb6: {  	[dreg:$0x4] =	wrdreg s24  }
0xb7: {  	[dreg:$0x5] =	wrdreg $0x15E200  }
0xb8: {  	[dreg:$0x6] =	wrdreg $0x9  }
0xb9: {  	_ =	task.clear_ibuf [dreg:s8], $0x7FFFF;
	_ =	strace $0x9000004C  }
0xba: {  	s29 =	simm.s32 $0x9;
	_ =	strace $0x8000004E  }
0xbb: {  	_ =	swait.ge [sflag:s29], $0x1  }
0xbc: {  	[sflag:s29] =	ssyncadd.s32 $0xFFFFFFFF  }
0xbd: {  	_ =	strace $0x9000004E  }
0xbe: {  	_ =	sfence  }
0xbf: {  	s30 =	sld [smem:$0x0];
	_ =	sdelay $0x2  }
0xc0: {  	s31 =	sshll.u32 s1, $0xD;
	s1 =	sshrl.u32 s1, $0x2  }
0xc1: {  	s3 =	sand.u32 $0x4000, s31;
	s1 =	sadd.s32 s1, s30  }
0xc2: {  	s0 =	sor.u32 s3, s0;
	s1 =	sshll.u32 s1, $0x11  }
0xc3: {  	s0 =	sor.u32 s1, s0  }
0xc4: {  	s0 =	sadd.s32 $0x8F2B, s0  }
0xc5: {  	[sflag:s0] =	ssyncadd.remote.s32 $0x1  }
0xc6: {  	_ =	sfence.sel $0xFFFF  }
0xc7: {  	[dreg:$0x0] =	wrdreg $0xFFFFFFFF;
	(pc) =	sbr.abs _section_cstart, $3  }
0xc8: {  	[dreg:$0x1] =	wrdreg $0xFFFFFFFF  }
0xc9: {  	_ =	task.clear_ibuf [dreg:s8], $0x2FFFF;
	_ =	strace $0x9FFFFFFF  }
0xca: {  	(tm) =	ssettm $0x7FFFFFFF  }
0xcb: {  	_ =	shalt  }
tec
execute0_lowered:
.L_overlay_start_1:
0x0: {  	(tag) =	ssettag $0x1  }
0x1: {  	s0 =	rddreg [dreg:$0x0]  }
0x2: {  	s1 =	rddreg [dreg:$0x1]  }
0x3: {  	s3 =	rddreg [dreg:$0x2]  }
0x4: {  	s2 =	rddreg [dreg:$0x3];
	s5 =	simm.s32 $0x0  }
0x5: {  	s4 =	srdreg.scid;
	s9 =	stileid.u32;
	s28 =	simm.s32 $0x5  }
0x6: {  	s30 =	simm.s32 $0x7;
	s31 =	simm.s32 $0x8;
	[smem:$0x7FF] =	sst s5  }
0x7: {  	s10 =	sand.u32 $0x1, s4;
	s11 =	sshll.u32 s9, $0x1;
	s4 =	sadd.s32 $0x2A00, s3  }
0x8: {  	s3 =	sadd.s32 $0x16400, s3;
	s9 =	smul.u32 $0xA000, s9;
	_ =	strace $0x8000004D  }
0x9: {  	s6 =	sor.u32 s10, s11;
	s7 =	ssub.s32 $0x2, s10;
	s14 =	smul.u32 $0xA0000, s10  }
0xa: {  	s10 =	simm.s32 $0x10;
	s11 =	simm.s32 $0x11;
	s6 =	smul.u32 $0x4E2, s6  }
0xb: {  	s8 =	sshrl.u32 s7, $0x1;
	s15 =	sadd.s32 s9, s2;
	s13 =	sadd.s32 $0x2000, s9  }
0xc: {  	s19 =	sadd.s32 $0x4000, s9;
	s20 =	sadd.s32 $0x6000, s9;
	s7 =	ssub.s32 s7, s8  }
0xd: {  	s16 =	sadd.s32 s13, s2;
	s17 =	sadd.s32 s19, s2;
	s18 =	sadd.s32 s20, s2  }
0xe: {  	s22 =	sadd.s32 s9, s14;
	s9 =	sadd.s32 $0x8000, s9;
	s23 =	sadd.s32 s14, s19  }
0xf: {  	s24 =	sadd.s32 s14, s20;
	s20 =	simm.s32 $0x50;
	s19 =	simm.s32 $0x2  }
0x10: {  	[dreg:$0x7] =	wrdreg s15;
	s0 =	sadd.s32 s0, s6;
	s12 =	sadd.s32 s1, s6  }
0x11: {  	s8 =	sshrl.u32 s22, $0x3;
	s21 =	sadd.s32 s9, s2;
	[dreg:$0x8] =	wrdreg s16  }
0x12: {  	s5 =	sshrl.u32 s24, $0x3;
	s1 =	sadd.s32 s14, s9;
	[dreg:$0x9] =	wrdreg s17  }
0x13: {  	s29 =	smax.u32 s7, $0x1;
	s22 =	simm.s32 $0x19;
	[dreg:$0xa] =	wrdreg s18  }
0x14: {  	s6 =	simm.s32 $0xA;
	s7 =	simm.s32 $0xD;
	[dreg:$0x5] =	wrdreg s0  }
0x15: {  	s9 =	simm.s32 $0xF;
	[dreg:$0x6] =	wrdreg s12;
	s0 =	sadd.s32 s14, s13  }
0x16: {  	s8 =	sadd.s32 s3, s8;
	s25 =	sadd.s32 s3, s5;
	s26 =	sshrl.u32 s1, $0x3  }
0x17: {  	[dreg:$0x11] =	wrdreg s29;
	s1 =	simm.s32 $0x1;
	s5 =	simm.s32 $0x9  }
0x18: {  	s12 =	simm.s32 $0xB;
	[dreg:$0xb] =	wrdreg s21;
	s0 =	sshrl.u32 s0, $0x3  }
.Ltmp0:
0x19: {  	[dreg:$0xc] =	wrdreg s8;
	s0 =	sadd.s32 s3, s0;
	(pc) =	sbr.rel .LBB2_1-.Ltmp0, $4  }
0x1a: {  	s13 =	simm.s32 $0x0;
	[dreg:$0xd] =	wrdreg s0;
	s0 =	sshrl.u32 s23, $0x3  }
0x1b: {  	[dreg:$0xf] =	wrdreg s25;
	s25 =	simm.s32 $0x4;
	s0 =	sadd.s32 s3, s0  }
0x1c: {  	s8 =	simm.s32 $0xE;
	[dreg:$0xe] =	wrdreg s0;
	s0 =	sadd.s32 s3, s26  }
0x1d: {  	v0 =	vimm.f32 $0.0e+00;
	s23 =	simm.s32 $0x3;
	[dreg:$0x10] =	wrdreg s0;
	s0 =	simm.s32 $0x12  }
.LBB2_8:
0x1e: {  	s3 =	stileid.u32;
	[bflag:$0x0] =	sbarrier.arrive $0xFFFF  }
0x1f: {  	s22 =	simm.s32 $0x19;
	s3 =	sshll.u32 s3, $0x6;
	s15 =	rddreg [dreg:$0x7]  }
0x20: {  	s14 =	rddreg [dreg:$0xc];
	s3 =	sor.u32 $0x1C19, s3;
	s13 =	sshrl.u32 s15, $0x3  }
0x21: {  	[hbm:s14], [sflag:s3] =	dma.local [spmem:s13], $0x400  }
0x22: {  	_ =	swait.ge [sflag:s22], $0x400  }
0x23: {  	[sflag:s22] =	ssyncset.done $0x0;
	s16 =	rddreg [dreg:$0x8]  }
0x24: {  	s18 =	rddreg [dreg:$0xd];
	[sflag:s22] =	ssyncadd.s32 $0xFFFFFC00;
	s17 =	sshrl.u32 s16, $0x3  }
0x25: {  	[hbm:s18], [sflag:s3] =	dma.local [spmem:s17], $0x400  }
0x26: {  	_ =	swait.ge [sflag:s22], $0x400  }
0x27: {  	[sflag:s22] =	ssyncset.done $0x0;
	s17 =	rddreg [dreg:$0x9]  }
0x28: {  	s24 =	rddreg [dreg:$0xe];
	[sflag:s22] =	ssyncadd.s32 $0xFFFFFC00;
	s21 =	sshrl.u32 s17, $0x3  }
0x29: {  	[hbm:s24], [sflag:s3] =	dma.local [spmem:s21], $0x400  }
0x2a: {  	_ =	swait.ge [sflag:s22], $0x400  }
0x2b: {  	[sflag:s22] =	ssyncset.done $0x0;
	s18 =	rddreg [dreg:$0xa]  }
0x2c: {  	s29 =	rddreg [dreg:$0xf];
	[sflag:s22] =	ssyncadd.s32 $0xFFFFFC00;
	s26 =	sshrl.u32 s18, $0x3  }
0x2d: {  	[hbm:s29], [sflag:s3] =	dma.local [spmem:s26], $0x400  }
0x2e: {  	_ =	swait.ge [sflag:s22], $0x400  }
0x2f: {  	[sflag:s22] =	ssyncset.done $0x0;
	s21 =	rddreg [dreg:$0xb]  }
0x30: {  	s24 =	rddreg [dreg:$0x10];
	[sflag:s22] =	ssyncadd.s32 $0xFFFFFC00;
	s14 =	sshrl.u32 s21, $0x3  }
0x31: {  	[hbm:s24], [sflag:s3] =	dma.local [spmem:s14], $0x400  }
0x32: {  	_ =	swait.ge [sflag:s22], $0x400  }
0x33: {  	s26 =	rddreg [dreg:$0x12]  }
0x34: {  	s29 =	rddreg [dreg:$0x11];
	s13 =	sadd.s32 $0x1, s26  }
0x35: {  	p0 =	sne.s32 s13, s29  }
.Ltmp1:
0x36: {  	_ = 	snop;
	(pc) =	sbr.rel @!p0 .LBB2_9-.Ltmp1, $3  }
0x37: {  	_ =	sdelay $0x1  }
0x38: {  	[sflag:s22] =	ssyncset.done $0x0  }
0x39: {  	[sflag:s22] =	ssyncadd.s32 $0xFFFFFC00  }
.LBB2_1:
0x3a: {  	[dreg:$0x12] =	wrdreg s13  }
0x3b: {  	s3 =	simm.s32 $0x0;
	s24 =	rddreg [dreg:$0x5]  }
0x3c: {  	[tilespmem:s3], [sflag:$0x19] =	stream.linear.gather [hbm4b:s24+s3], $0x2710, $0x38;
	[tilespmem:$0x1FE20] =	vst v63  }
0x3d: {  	_ =	swait.ge [sflag:s22], $0x2710  }
0x3e: {  	[sflag:s22] =	ssyncset.done $0x0  }
0x3f: {  	s14 =	simm.s32 $0x2710;
	s26 =	rddreg [dreg:$0x6];
	[sflag:s22] =	ssyncadd.s32 $0xFFFFD8F0  }
0x40: {  	[tilespmem:s14], [sflag:$0x19] =	stream.linear.gather [hbm4b:s26+s3], $0x2710, $0x38;
	[tilespmem:$0x1FE20] =	vst v63  }
0x41: {  	_ =	swait.ge [sflag:s22], $0x2710  }
0x42: {  	[sflag:s22] =	ssyncset.done $0x0  }
0x43: {  	s29 =	simm.s32 $0x4E20;
	[sflag:s22] =	ssyncadd.s32 $0xFFFFD8F0  }
0x44: {  	[tilespmem:s29], [sflag:$0x1] =	stream.indirect.gather [hbm4b:s4+s20], $0x40, s3, s20, $0xb8;
	[tilespmem:$0x1FE20] =	vst v63  }
0x45: {  	s13 =	simm.s32 $0x6220  }
0x46: {  	[tilespmem:s13], [sflag:$0x2] =	stream.indirect.gather [hbm4b:s4+s20], $0x40, s20, s20, $0xb8;
	[tilespmem:$0x1FE20] =	vst v63  }
0x47: {  	s24 =	simm.s32 $0x7620;
	s14 =	simm.s32 $0xA0  }
0x48: {  	[tilespmem:s24], [sflag:$0x3] =	stream.indirect.gather [hbm4b:s4+s20], $0x40, s14, s20, $0xb8;
	[tilespmem:$0x1FE20] =	vst v63  }
0x49: {  	s26 =	simm.s32 $0xF0;
	s29 =	simm.s32 $0x8A20  }
0x4a: {  	[tilespmem:s29], [sflag:$0x4] =	stream.indirect.gather [hbm4b:s4+s20], $0x40, s26, s20, $0xb8;
	[tilespmem:$0x1FE20] =	vst v63  }
0x4b: {  	s3 =	simm.s32 $0x0;
	s14 =	simm.s32 $0x140;
	s24 =	simm.s32 $0x9E20  }
0x4c: {  	[tilespmem:s24], [sflag:$0x5] =	stream.indirect.gather [hbm4b:s4+s20], $0x40, s14, s20, $0xb8;
	[tilespmem:$0x1FE20] =	vst v63  }
0x4d: {  	s13 =	simm.s32 $0x100;
	s26 =	simm.s32 $0x190;
	s29 =	simm.s32 $0xB220  }
0x4e: {  	[tilespmem:s29], [sflag:$0x6] =	stream.indirect.gather [hbm4b:s4+s20], $0x40, s26, s20, $0xb8;
	[tilespmem:$0x1FE20] =	vst v63  }
.LBB2_2:
0x4f: {  	p0 =	sne.s32 s13, $0x7F00;
	[tilespmem:s3+$0x13E50] =	vst v0;
	s14 =	smov.u32 s13;
	s13 =	sadd.s32 $0x100, s13  }
.Ltmp2:
0x50: {  	[tilespmem:s3+$0x13E40] =	vst v0;
	(pc) =	sbr.rel @p0 .LBB2_2-.Ltmp2, $3  }
0x51: {  	[tilespmem:s3+$0x13E20] =	vst v0  }
0x52: {  	[tilespmem:s3+$0x13E30] =	vst v0;
	_ =	sdelay $0x1  }
0x53: {  	s3 =	sshra.s32 s14, $0x2  }
0x54: {  	[tilespmem:s3+$0x13E50] =	vst v0  }
0x55: {  	[tilespmem:s3+$0x13E40] =	vst v0  }
0x56: {  	[tilespmem:s3+$0x13E20] =	vst v0  }
0x57: {  	[tilespmem:s3+$0x13E30] =	vst v0;
	s29 =	simm.s32 $0x13E20  }
0x58: {  	[spmem:s15] =	stream.linear.scatter [tilespmem:s29], [sflag:$0x19], $0x2000, $0x38;
	[tilespmem:$0x1FE20] =	vst v63  }
0x59: {  	_ =	swait.ge [sflag:s22], $0x2000  }
0x5a: {  	[sflag:s22] =	ssyncset.done $0x0  }
0x5b: {  	[sflag:s22] =	ssyncadd.s32 $0xFFFFE000  }
0x5c: {  	[spmem:s16] =	stream.linear.scatter [tilespmem:s29], [sflag:$0x19], $0x2000, $0x38;
	[tilespmem:$0x1FE20] =	vst v63  }
0x5d: {  	_ =	swait.ge [sflag:s22], $0x2000  }
0x5e: {  	[sflag:s22] =	ssyncset.done $0x0  }
0x5f: {  	[sflag:s22] =	ssyncadd.s32 $0xFFFFE000  }
0x60: {  	[spmem:s17] =	stream.linear.scatter [tilespmem:s29], [sflag:$0x19], $0x2000, $0x38;
	[tilespmem:$0x1FE20] =	vst v63  }
0x61: {  	_ =	swait.ge [sflag:s22], $0x2000  }
0x62: {  	[sflag:s22] =	ssyncset.done $0x0  }
0x63: {  	[sflag:s22] =	ssyncadd.s32 $0xFFFFE000  }
0x64: {  	[spmem:s18] =	stream.linear.scatter [tilespmem:s29], [sflag:$0x19], $0x2000, $0x38;
	[tilespmem:$0x1FE20] =	vst v63  }
0x65: {  	_ =	swait.ge [sflag:s22], $0x2000  }
0x66: {  	[sflag:s22] =	ssyncset.done $0x0  }
0x67: {  	[sflag:s22] =	ssyncadd.s32 $0xFFFFE000  }
0x68: {  	[spmem:s21] =	stream.linear.scatter [tilespmem:s29], [sflag:$0x19], $0x2000, $0x38;
	[tilespmem:$0x1FE20] =	vst v63  }
.Ltmp3:
0x69: {  	_ =	swait.ge [sflag:s22], $0x2000;
	(pc) =	sbr.rel .LBB2_4-.Ltmp3, $4  }
0x6a: {  	[sflag:s22] =	ssyncset.done $0x0  }
0x6b: {  	[sflag:s22] =	ssyncadd.s32 $0xFFFFE000  }
0x6c: {  	[bflag:$0x0] =	sbarrier.arrive $0xFFFF  }
0x6d: {  	s13 =	simm.s32 $0x0;
	s15 =	simm.s32 $0x0;
	s21 =	simm.s32 $0x6  }
.LBB2_6:
0x6e: {  	s14 =	smov.u32 s21  }
0x6f: {  	s14 =	simm.s32 @!p1 $0x6  }
0x70: {  	s22 =	smul.u32 $0x140, s14;
	_ =	sdelay $0x1  }
0x71: {  	s18 =	simm.s32 $0xC620;
	s22 =	sshra.s32 s22, $0x2  }
0x72: {  	[tilespmem:s18], [sflag:$0xD] =	stream.indirect.gather [hbm4b:s4+s20], $0x40, s22, s20, $0xb8;
	[tilespmem:$0x1FE20] =	vst v63  }
0x73: {  	s24 =	sadd.s32 $0x230, s3;
	s26 =	simm.s32 $0xDA20  }
0x74: {  	[tilespmem:s26], [sflag:$0xE] =	stream.indirect.gather [hbm4b:s4+s20], $0x40, s24, s20, $0xb8;
	[tilespmem:$0x1FE20] =	vst v63  }
0x75: {  	s24 =	sadd.s32 $0x280, s3;
	s26 =	simm.s32 $0xEE20  }
0x76: {  	[tilespmem:s26], [sflag:$0xF] =	stream.indirect.gather [hbm4b:s4+s20], $0x40, s24, s20, $0xb8;
	[tilespmem:$0x1FE20] =	vst v63  }
0x77: {  	s24 =	sadd.s32 $0x2D0, s3;
	s26 =	simm.s32 $0x10220  }
0x78: {  	[tilespmem:s26], [sflag:$0x10] =	stream.indirect.gather [hbm4b:s4+s20], $0x40, s24, s20, $0xb8;
	[tilespmem:$0x1FE20] =	vst v63  }
0x79: {  	s24 =	sadd.s32 $0x320, s3;
	s26 =	simm.s32 $0x11620  }
0x7a: {  	[tilespmem:s26], [sflag:$0x11] =	stream.indirect.gather [hbm4b:s4+s20], $0x40, s24, s20, $0xb8;
	[tilespmem:$0x1FE20] =	vst v63  }
0x7b: {  	s24 =	sadd.s32 $0x370, s3;
	s26 =	simm.s32 $0x12A20  }
0x7c: {  	[tilespmem:s26], [sflag:$0x12] =	stream.indirect.gather [hbm4b:s4+s20], $0x40, s24, s20, $0xb8;
	[tilespmem:$0x1FE20] =	vst v63  }
0x7d: {  	_ =	swait.ge [sflag:s7], $0x1400  }
0x7e: {  	[sflag:s7] =	ssyncset.done $0x0  }
0x7f: {  	[sflag:s7] =	ssyncadd.s32 $0xFFFFEC00  }
0x80: {  	_ =	swait.ge [sflag:s8], $0x1400  }
0x81: {  	[sflag:s8] =	ssyncset.done $0x0  }
0x82: {  	[sflag:s8] =	ssyncadd.s32 $0xFFFFEC00  }
0x83: {  	_ =	swait.ge [sflag:s9], $0x1400  }
0x84: {  	[sflag:s9] =	ssyncset.done $0x0  }
0x85: {  	[sflag:s9] =	ssyncadd.s32 $0xFFFFEC00  }
0x86: {  	_ =	swait.ge [sflag:s10], $0x1400  }
0x87: {  	[sflag:s10] =	ssyncset.done $0x0  }
0x88: {  	[sflag:s10] =	ssyncadd.s32 $0xFFFFEC00  }
0x89: {  	_ =	swait.ge [sflag:s11], $0x1400  }
0x8a: {  	[sflag:s11] =	ssyncset.done $0x0  }
0x8b: {  	[sflag:s11] =	ssyncadd.s32 $0xFFFFEC00  }
0x8c: {  	s29 =	sadd.s32 $0x8C0, s13;
	_ =	swait.ge [sflag:s0], $0x1400  }
0x8d: {  	s22 =	sadd.s32 $0xDC0, s13;
	s3 =	sadd.s32 $0xC80, s13;
	[sflag:s0] =	ssyncset.done $0x0  }
0x8e: {  	s26 =	sadd.s32 $0xA00, s13;
	s24 =	sadd.s32 $0xB40, s13;
	[sflag:s0] =	ssyncadd.s32 $0xFFFFEC00  }
.LBB2_7:
0x8f: {  	_ =	swait.ge [sflag:s30], $0x1400  }
0x90: {  	[sflag:s30] =	ssyncset.done $0x0  }
0x91: {  	[sflag:s30] =	ssyncadd.s32 $0xFFFFEC00  }
0x92: {  	_ =	swait.ge [sflag:s31], $0x1400  }
0x93: {  	[sflag:s31] =	ssyncset.done $0x0  }
0x94: {  	[sflag:s31] =	ssyncadd.s32 $0xFFFFEC00  }
0x95: {  	_ =	swait.ge [sflag:s5], $0x1400  }
0x96: {  	[sflag:s5] =	ssyncset.done $0x0  }
0x97: {  	[sflag:s5] =	ssyncadd.s32 $0xFFFFEC00  }
0x98: {  	_ =	swait.ge [sflag:s6], $0x1400  }
0x99: {  	[sflag:s6] =	ssyncset.done $0x0  }
0x9a: {  	[sflag:s6] =	ssyncadd.s32 $0xFFFFEC00  }
0x9b: {  	_ =	swait.ge [sflag:s12], $0x1400  }
0x9c: {  	[sflag:s12] =	ssyncset.done $0x0  }
0x9d: {  	s18 =	simm.s32 @!p0 $0xC;
	s14 =	smul.u32 @!p0 $0x140, s14;
	[sflag:s12] =	ssyncadd.s32 $0xFFFFEC00  }
0x9e: {  	_ =	swait.ge @!p0 [sflag:s18], $0x1400  }
0x9f: {  	s14 =	sshra.s32 @!p0 s14, $0x2;
	[sflag:s18] =	ssyncset.done @!p0 $0x0  }
0xa0: {  	s14 =	sadd.s32 @!p0 $0x2710, s14;
	[sflag:s18] =	ssyncadd.s32 @!p0 $0xFFFFEC00;
	s18 =	simm.s32 @!p0 $0xC620  }
0xa1: {  	[spmem:s2] =	stream.indirect.scatter.add.f32 @!p0 [tilespmem:s18], [sflag:$0x13], $0x40, s14, s17, $0xb8;
	[tilespmem:$0x1FE20] =	vst v63  }
0xa2: {  	s14 =	sshra.s32 @!p0 s29, $0x2  }
0xa3: {  	s18 =	simm.s32 @!p0 $0xDA20;
	s14 =	sadd.s32 @!p0 $0x2710, s14  }
0xa4: {  	[spmem:s2] =	stream.indirect.scatter.add.f32 @!p0 [tilespmem:s18], [sflag:$0x14], $0x40, s14, s17, $0xb8;
	[tilespmem:$0x1FE20] =	vst v63  }
0xa5: {  	s14 =	sshra.s32 @!p0 s26, $0x2  }
0xa6: {  	s18 =	simm.s32 @!p0 $0xEE20;
	s14 =	sadd.s32 @!p0 $0x2710, s14  }
0xa7: {  	[spmem:s2] =	stream.indirect.scatter.add.f32 @!p0 [tilespmem:s18], [sflag:$0x15], $0x40, s14, s17, $0xb8;
	[tilespmem:$0x1FE20] =	vst v63  }
0xa8: {  	s14 =	sshra.s32 @!p0 s24, $0x2  }
0xa9: {  	s3 =	sshra.s32 @!p0 s3, $0x2;
	s18 =	simm.s32 @!p0 $0x10220;
	s14 =	sadd.s32 @!p0 $0x2710, s14  }
0xaa: {  	[spmem:s2] =	stream.indirect.scatter.add.f32 @!p0 [tilespmem:s18], [sflag:$0x16], $0x40, s14, s17, $0xb8;
	[tilespmem:$0x1FE20] =	vst v63  }
0xab: {  	s3 =	sadd.s32 @!p0 $0x2710, s3;
	s14 =	simm.s32 @!p0 $0x11620  }
0xac: {  	[spmem:s2] =	stream.indirect.scatter.add.f32 @!p0 [tilespmem:s14], [sflag:$0x17], $0x40, s3, s17, $0xb8;
	[tilespmem:$0x1FE20] =	vst v63  }
0xad: {  	s3 =	sshra.s32 @!p0 s22, $0x2  }
0xae: {  	s14 =	simm.s32 @!p0 $0x12A20;
	s3 =	sadd.s32 @!p0 $0x2710, s3  }
0xaf: {  	[spmem:s2] =	stream.indirect.scatter.add.f32 @!p0 [tilespmem:s14], [sflag:$0x18], $0x40, s3, s17, $0xb8;
	[tilespmem:$0x1FE20] =	vst v63  }
0xb0: {  	s3 =	sadd.s32 @!p0 $0x3C0, s16;
	s14 =	simm.s32 @!p0 $0x4E20  }
0xb1: {  	[tilespmem:s14], [sflag:$0x1] =	stream.indirect.gather @!p0 [hbm4b:s4+s17], $0x40, s3, s17, $0xb8;
	[tilespmem:$0x1FE20] =	vst v63  }
0xb2: {  	s3 =	sadd.s32 @!p0 $0x410, s16;
	s14 =	simm.s32 @!p0 $0x6220  }
0xb3: {  	[tilespmem:s14], [sflag:$0x2] =	stream.indirect.gather @!p0 [hbm4b:s4+s17], $0x40, s3, s17, $0xb8;
	[tilespmem:$0x1FE20] =	vst v63  }
0xb4: {  	s3 =	sadd.s32 @!p0 $0x460, s16;
	s14 =	simm.s32 @!p0 $0x7620  }
0xb5: {  	[tilespmem:s14], [sflag:$0x3] =	stream.indirect.gather @!p0 [hbm4b:s4+s17], $0x40, s3, s17, $0xb8;
	[tilespmem:$0x1FE20] =	vst v63  }
0xb6: {  	p1 =	sgt.u32 @!p0 s15, $0x8;
	s3 =	sadd.s32 @!p0 $0x4B0, s16;
	s14 =	simm.s32 @!p0 $0x8A20  }
0xb7: {  	[tilespmem:s14], [sflag:$0x4] =	stream.indirect.gather @!p0 [hbm4b:s4+s17], $0x40, s3, s17, $0xb8;
	[tilespmem:$0x1FE20] =	vst v63  }
0xb8: {  	p1 =	por p1, p0;
	s3 =	sadd.s32 @!p0 $0x500, s16;
	s14 =	simm.s32 @!p0 $0x9E20  }
0xb9: {  	[tilespmem:s14], [sflag:$0x5] =	stream.indirect.gather @!p0 [hbm4b:s4+s17], $0x40, s3, s17, $0xb8;
	[tilespmem:$0x1FE20] =	vst v63  }
0xba: {  	s16 =	simm.s32 @!p1 $0xB220;
	s3 =	sshra.s32 @!p1 s13, $0x2  }
0xbb: {  	s14 =	simm.s32 @!p1 $0x50;
	s13 =	sadd.s32 @!p0 $0xF00, s13;
	s3 =	sadd.s32 @!p1 $0x550, s3  }
0xbc: {  	[tilespmem:s16], [sflag:$0x6] =	stream.indirect.gather @!p1 [hbm4b:s4+s14], $0x40, s3, s14, $0xb8;
	[tilespmem:$0x1FE20] =	vst v63  }
0xbd: {  	p1 =	sne.s32 @!p0 s13, $0xA500  }
0xbe: {  	p1 =	por p0, !p1  }
.Ltmp4:
0xbf: {  	_ = 	snop;
	(pc) =	sbr.rel @p1 .LBB2_8-.Ltmp4, $2  }
0xc0: {  	_ =	sdelay $0x2  }
0xc1: {  	s15 =	sadd.s32 @!p0 $0x1, s15;
	s21 =	sadd.s32 @!p0 $0xC, s21  }
.LBB2_4:
0xc2: {  	_ =	swait.ge [sflag:s1], $0x1400  }
0xc3: {  	s3 =	sshra.s32 s13, $0x2;
	[sflag:s1] =	ssyncset.done $0x0  }
0xc4: {  	s16 =	simm.s32 $0x4E20;
	s14 =	sadd.s32 $0x2710, s3;
	[sflag:s1] =	ssyncadd.s32 $0xFFFFEC00  }
0xc5: {  	[spmem:s2] =	stream.indirect.scatter.add.f32 [tilespmem:s16], [sflag:$0x7], $0x40, s14, s20, $0xb8;
	[tilespmem:$0x1FE20] =	vst v63  }
0xc6: {  	_ =	swait.ge [sflag:s19], $0x1400  }
0xc7: {  	[sflag:s19] =	ssyncset.done $0x0  }
0xc8: {  	s29 =	simm.s32 $0x6220;
	s26 =	sadd.s32 $0x2760, s3;
	[sflag:s19] =	ssyncadd.s32 $0xFFFFEC00  }
0xc9: {  	[spmem:s2] =	stream.indirect.scatter.add.f32 [tilespmem:s29], [sflag:$0x8], $0x40, s26, s20, $0xb8;
	[tilespmem:$0x1FE20] =	vst v63  }
0xca: {  	_ =	swait.ge [sflag:s23], $0x1400  }
0xcb: {  	[sflag:s23] =	ssyncset.done $0x0  }
0xcc: {  	s18 =	simm.s32 $0x7620;
	s17 =	sadd.s32 $0x27B0, s3;
	[sflag:s23] =	ssyncadd.s32 $0xFFFFEC00  }
0xcd: {  	[spmem:s2] =	stream.indirect.scatter.add.f32 [tilespmem:s18], [sflag:$0x9], $0x40, s17, s20, $0xb8;
	[tilespmem:$0x1FE20] =	vst v63  }
0xce: {  	_ =	swait.ge [sflag:s25], $0x1400  }
0xcf: {  	[sflag:s25] =	ssyncset.done $0x0  }
0xd0: {  	s24 =	simm.s32 $0x8A20;
	s22 =	sadd.s32 $0x2800, s3;
	[sflag:s25] =	ssyncadd.s32 $0xFFFFEC00  }
0xd1: {  	[spmem:s2] =	stream.indirect.scatter.add.f32 [tilespmem:s24], [sflag:$0xA], $0x40, s22, s20, $0xb8;
	[tilespmem:$0x1FE20] =	vst v63  }
0xd2: {  	p0 =	seq.s32 s13, $0x9600;
	_ =	swait.ge [sflag:s28], $0x1400  }
0xd3: {  	p1 =	seq.s32 @!p0 s13, $0x0;
	s14 =	simm.s32 @!p0 $0x6;
	[sflag:s28] =	ssyncset.done $0x0  }
0xd4: {  	s26 =	sadd.s32 $0x2850, s3;
	s29 =	simm.s32 $0x9E20;
	[sflag:s28] =	ssyncadd.s32 $0xFFFFEC00  }
0xd5: {  	[spmem:s2] =	stream.indirect.scatter.add.f32 [tilespmem:s29], [sflag:$0xB], $0x40, s26, s20, $0xb8;
	[tilespmem:$0x1FE20] =	vst v63  }
0xd6: {  	p1 =	por p0, !p1;
	_ =	swait.ge @!p0 [sflag:s14], $0x1400  }
0xd7: {  	s16 =	sshra.s32 @!p0 s13, $0x2;
	s17 =	simm.s32 @!p0 $0x50;
	[sflag:s14] =	ssyncset.done @!p0 $0x0  }
0xd8: {  	s22 =	simm.s32 @!p0 $0xB220;
	[sflag:s14] =	ssyncadd.s32 @!p0 $0xFFFFEC00;
	s14 =	sadd.s32 @!p0 $0x28A0, s16  }
0xd9: {  	[spmem:s2] =	stream.indirect.scatter.add.f32 @!p0 [tilespmem:s22], [sflag:$0xC], $0x40, s14, s17, $0xb8;
	[tilespmem:$0x1FE20] =	vst v63  }
0xda: {  	s14 =	simm.s32 @p1 $0x13  }
0xdb: {  	_ =	swait.ge @p1 [sflag:s14], $0x1400  }
0xdc: {  	[sflag:s14] =	ssyncset.done @p1 $0x0  }
0xdd: {  	[sflag:s14] =	ssyncadd.s32 @p1 $0xFFFFEC00;
	s14 =	simm.s32 @p1 $0x14  }
0xde: {  	_ =	swait.ge @p1 [sflag:s14], $0x1400  }
0xdf: {  	[sflag:s14] =	ssyncset.done @p1 $0x0  }
0xe0: {  	[sflag:s14] =	ssyncadd.s32 @p1 $0xFFFFEC00;
	s14 =	simm.s32 @p1 $0x15  }
0xe1: {  	_ =	swait.ge @p1 [sflag:s14], $0x1400  }
0xe2: {  	[sflag:s14] =	ssyncset.done @p1 $0x0  }
0xe3: {  	[sflag:s14] =	ssyncadd.s32 @p1 $0xFFFFEC00;
	s14 =	simm.s32 @p1 $0x16  }
0xe4: {  	_ =	swait.ge @p1 [sflag:s14], $0x1400  }
0xe5: {  	[sflag:s14] =	ssyncset.done @p1 $0x0  }
0xe6: {  	p2 =	seq.s32 @p1 s13, $0x9600;
	[sflag:s14] =	ssyncadd.s32 @p1 $0xFFFFEC00;
	s14 =	simm.s32 @p1 $0x17  }
0xe7: {  	p2 =	por !p1, !p2;
	_ =	swait.ge @p1 [sflag:s14], $0x1400  }
.Ltmp5:
0xe8: {  	[sflag:s14] =	ssyncset.done @p1 $0x0;
	(pc) =	sbr.rel @p2 .LBB2_6-.Ltmp5, $4  }
0xe9: {  	[sflag:s14] =	ssyncadd.s32 @p1 $0xFFFFEC00;
	s14 =	simm.s32 @p1 $0x18  }
0xea: {  	_ =	swait.ge @p1 [sflag:s14], $0x1400  }
0xeb: {  	[sflag:s14] =	ssyncset.done @p1 $0x0  }
0xec: {  	[sflag:s14] =	ssyncadd.s32 @p1 $0xFFFFEC00  }
.Ltmp6:
0xed: {  	(pc) =	sbr.rel .LBB2_7-.Ltmp6, $3  }
0xee: {  	_ =	sdelay $0x1  }
0xef: {  	s3 =	simm.s32 @p1 $0xA280;
	s26 =	simm.s32 @p1 $0xA000;
	s29 =	simm.s32 @p1 $0x9EC0  }
0xf0: {  	s24 =	simm.s32 @p1 $0xA140;
	s22 =	simm.s32 @p1 $0xA3C0;
	s14 =	smov.u32 s21  }
.LBB2_9:
0xf1: {  	_ =	sfence.sel $0x180000  }
0xf2: {  	[bflag:$0x0] =	sbarrier.arrive $0xFFFF  }
0xf3: {  	_ =	strace $0x9000004D  }
0xf4: {  	s0 =	stileid.u32;
	[bflag:$0x2] =	sbarrier.arrive $0xFFFF  }
0xf5: {  	p0 =	sne.s32 s0, $0x0;
	s0 =	rddreg [dreg:$0x4]  }
0xf6: {  	s0 =	sadd.s32 @!p0 $0x100000, s0  }
0xf7: {  	[sflag:s0] =	ssyncadd.tile.s32 @!p0 $0x1;
	_ =	shalt  }
.Lfunc_end2:
_tile_overlayer_lowered:
.L_overlay_start_2:
0xf8: {  	(tag) =	ssettag $0x2  }
0xf9: {  	s0 =	rddreg [dreg:$0x0];
	s2 =	stileid.u32  }
0xfa: {  	s1 =	rddreg [dreg:$0x1];
	p0 =	sne.s32 s2, $0x0  }
0xfb: {  	s3 =	rddreg [dreg:$0x2];
	[bflag:$0x3] =	sbarrier.arrive $0xFFFF;
	s2 =	simm.s32 @!p0 $0x1C19  }
0xfc: {  	[timem:s3], [sflag:s2] =	dma.local @!p0 [hbm:s0], s1  }
0xfd: {  	s0 =	simm.s32 @!p0 $0x19  }
0xfe: {  	_ =	swait.ge @!p0 [sflag:s0], s1  }
0xff: {  	s1 =	ssub.s32 @!p0 $0x0, s1;
	[sflag:s0] =	ssyncset.done @!p0 $0x0  }
0x100: {  	[sflag:s0] =	ssyncadd.s32 @!p0 s1  }
0x101: {  	[bflag:$0x3] =	sbarrier.arrive $0xFFFF  }
0x102: {  	_ =	shalt  }

// kernel: kernel.8.cloned.1.call-start
scs
__scs_entry_jumppad:
0x0: {  	(pc) =	sbr.rel $0x88, $3  }
0x1: {  	(tag) =	ssettag $0x0;
	lr =	simm.s32 $0x1  }
0x2: {  	[smem:$0x3F99] =	sst lr;
	_ =	strace $0xD0000000  }
0x3: {  	_ = 	snop  }
0x4: {  	_ = 	snop  }
0x5: {  	_ = 	snop  }
0x6: {  	_ = 	snop  }
0x7: {  	_ = 	snop  }
__scs_overlays_trampoline_lowered:
0x8: {  	[smem:$0x3FA8] =	sst s0  }
0x9: {  	[smem:$0x3FA9] =	sst s1  }
0xa: {  	[smem:$0x3FAA] =	sst s2  }
0xb: {  	[smem:$0x3FAB] =	sst s3  }
0xc: {  	[smem:$0x3FAC] =	sst s4  }
0xd: {  	[smem:$0x3FAD] =	sst s5  }
0xe: {  	[smem:$0x3FAE] =	sst s6  }
0xf: {  	[smem:$0x3FAF] =	sst s7  }
0x10: {  	[smem:$0x3FB0] =	sst s8  }
0x11: {  	[smem:$0x3FB1] =	sst s9;
	s0 =	simm.s32 @!p0 $0x0  }
0x12: {  	s1 =	sld [smem:$0x3F97];
	s0 =	simm.s32 @p0 $0x1  }
0x13: {  	[smem:$0x3FB2] =	sst s0;
	s0 =	simm.s32 @!p1 $0x0  }
0x14: {  	s2 =	sld [smem:$0x3F96];
	s0 =	simm.s32 @p1 $0x1  }
0x15: {  	[smem:$0x3FB3] =	sst s0;
	s0 =	simm.s32 @!p2 $0x0  }
0x16: {  	s3 =	sld [smem:$0x3FDB];
	s0 =	simm.s32 @p2 $0x1  }
0x17: {  	s4 =	simm.s32 $0x1BF5;
	[smem:$0x3FB5] =	sst s0  }
0x18: {  	s0 =	sld [smem:$0x3F98];
	_ =	swait.ge [sflag:s4], $0x0  }
0x19: {  	s7 =	sld [smem:$0x3F99]  }
0x1a: {  	s8 =	sadd.s32 $0xFFFFE003, lr  }
0x1b: {  	s9 =	sadd.s32 $0xFFFFFEF7, lr;
	s5 =	simm.s32 $0xFFFFFFFF;
	p2 =	slt.u32 s8, $0xFFFFF086  }
0x1c: {  	p1 =	slt.u32 s9, $0xF7A;
	s5 =	simm.s32 @!p2 $0x0  }
0x1d: {  	s5 =	simm.s32 @p1 $0x1;
	p0 =	seq.s32 s7, s2  }
0x1e: {  	s7 =	smul.u32 @!p0 $0xF7A, s2;
	p2 =	seq.s32 @!p0 s5, $0x0  }
0x1f: {  	s9 =	smul.u32 $0xF7A, s1;
	s8 =	simm.s32 @!p0 $0x1BF5;
	p2 =	por !p2, p0  }
0x20: {  	[sflag:s8] =	ssyncset.s32 @!p0 $0xFFFFF086;
	s6 =	sadd.s32 @!p0 s3, s7;
	s7 =	simm.s32 @!p0 $0x108  }
0x21: {  	s3 =	sadd.s32 s3, s9;
	s6 =	sadd.s32 @!p0 $0x88, s6;
	s7 =	simm.s32 @p2 $0x1082  }
0x22: {  	[simem:s7], [sflag:s8] =	dma.local @!p0 [hbm:s6], $0xF7A  }
0x23: {  	s9 =	sor.u32 $0xD0000000, s2;
	s6 =	simm.s32 $0x108;
	_ =	swait.ge @!p0 [sflag:s8], $0x0  }
0x24: {  	s3 =	sadd.s32 $0x88, s3;
	s6 =	simm.s32 @!p1 $0x1082;
	[sflag:s4] =	ssyncset.s32 $0xFFFFF086  }
0x25: {  	[simem:s6], [sflag:s4] =	dma.local [hbm:s3], $0xF7A  }
0x26: {  	[smem:$0x3F99] =	sst s1;
	(tag) =	ssettag s2;
	_ =	strace s9  }
0x27: {  	s1 =	sld [smem:$0x3FA9]  }
0x28: {  	s2 =	sld [smem:$0x3FAA]  }
0x29: {  	s4 =	sld [smem:$0x3FAC]  }
0x2a: {  	p0 =	seq.s32 s5, $0x0;
	s5 =	sld [smem:$0x3FAD]  }
0x2b: {  	s6 =	sld [smem:$0x3FAE]  }
0x2c: {  	s7 =	sld [smem:$0x3FAF]  }
0x2d: {  	s3 =	simm.s32 $0x108;
	s8 =	sld [smem:$0x3FB0]  }
0x2e: {  	s3 =	simm.s32 @!p0 $0x1082;
	s9 =	sld [smem:$0x3FB1]  }
0x2f: {  	lr =	sadd.s32 s0, s3;
	s0 =	sld [smem:$0x3FA8]  }
0x30: {  	s3 =	sld [smem:$0x3FAB]  }
0x31: {  	[smem:$0x3FB4] =	sst s10  }
0x32: {  	s10 =	sld [smem:$0x3FB2];
	_ =	sdelay $0x3  }
0x33: {  	p0 =	seq.s32 s10, $0x1;
	s10 =	sld [smem:$0x3FB4];
	_ =	sdelay $0x3  }
0x34: {  	[smem:$0x3FB4] =	sst s10  }
0x35: {  	s10 =	sld [smem:$0x3FB3];
	_ =	sdelay $0x3  }
0x36: {  	p1 =	seq.s32 s10, $0x1;
	s10 =	sld [smem:$0x3FB4];
	_ =	sdelay $0x3  }
0x37: {  	[smem:$0x3FB4] =	sst s10  }
0x38: {  	s10 =	sld [smem:$0x3FB5]  }
0x39: {  	_ = 	snop;
	(pc) =	sbr.ind lr, $3  }
0x3a: {  	_ = 	snop  }
0x3b: {  	_ = 	snop  }
0x3c: {  	p2 =	seq.s32 s10, $0x1;
	s10 =	sld [smem:$0x3FB4]  }
0x3d: {  	_ =	shalt  }
0x3e: {  	_ =	shalt  }
0x3f: {  	_ =	shalt  }
0x40: {  	_ =	shalt  }
0x41: {  	_ =	shalt  }
0x42: {  	_ =	shalt  }
0x43: {  	_ =	shalt  }
0x44: {  	_ =	shalt  }
0x45: {  	_ =	shalt  }
0x46: {  	_ =	shalt  }
0x47: {  	_ =	shalt  }
0x48: {  	_ =	shalt  }
0x49: {  	_ =	shalt  }
0x4a: {  	_ =	shalt  }
0x4b: {  	_ =	shalt  }
0x4c: {  	_ =	shalt  }
0x4d: {  	_ =	shalt  }
0x4e: {  	_ =	shalt  }
0x4f: {  	_ =	shalt  }
0x50: {  	_ =	shalt  }
0x51: {  	_ =	shalt  }
0x52: {  	_ =	shalt  }
0x53: {  	_ =	shalt  }
0x54: {  	_ =	shalt  }
0x55: {  	_ =	shalt  }
0x56: {  	_ =	shalt  }
0x57: {  	_ =	shalt  }
0x58: {  	_ =	shalt  }
0x59: {  	_ =	shalt  }
0x5a: {  	_ =	shalt  }
0x5b: {  	_ =	shalt  }
0x5c: {  	_ =	shalt  }
0x5d: {  	_ =	shalt  }
0x5e: {  	_ =	shalt  }
0x5f: {  	_ =	shalt  }
0x60: {  	_ =	shalt  }
0x61: {  	_ =	shalt  }
0x62: {  	_ =	shalt  }
0x63: {  	_ =	shalt  }
0x64: {  	_ =	shalt  }
0x65: {  	_ =	shalt  }
0x66: {  	_ =	shalt  }
0x67: {  	_ =	shalt  }
0x68: {  	_ =	shalt  }
0x69: {  	_ =	shalt  }
0x6a: {  	_ =	shalt  }
0x6b: {  	_ =	shalt  }
0x6c: {  	_ =	shalt  }
0x6d: {  	_ =	shalt  }
0x6e: {  	_ =	shalt  }
0x6f: {  	_ =	shalt  }
0x70: {  	_ =	shalt  }
0x71: {  	_ =	shalt  }
0x72: {  	_ =	shalt  }
0x73: {  	_ =	shalt  }
0x74: {  	_ =	shalt  }
0x75: {  	_ =	shalt  }
0x76: {  	_ =	shalt  }
0x77: {  	_ =	shalt  }
0x78: {  	_ =	shalt  }
0x79: {  	_ =	shalt  }
0x7a: {  	_ =	shalt  }
0x7b: {  	_ =	shalt  }
0x7c: {  	_ =	shalt  }
0x7d: {  	_ =	shalt  }
0x7e: {  	_ =	shalt  }
0x7f: {  	_ =	shalt  }
0x80: {  	_ =	shalt  }
0x81: {  	_ =	shalt  }
0x82: {  	_ =	shalt  }
0x83: {  	_ =	shalt  }
0x84: {  	_ =	shalt  }
0x85: {  	_ =	shalt  }
0x86: {  	_ =	shalt  }
0x87: {  	_ =	shalt  }
.Lfunc_end0:
.L_simem_size_0:
called_computation_lowered:
.L_overlay_start_0:
0x88: {  	s2 =	sld [smem:$0x3FD9]  }
0x89: {  	s3 =	sld [smem:$0x3FFE];
	_ =	sdelay $0x1  }
0x8a: {  	s1 =	srdreg.scid  }
0x8b: {  	s0 =	sand.u32 $0x1, s1  }
0x8c: {  	s14 =	sshll.u32 s0, $0xA;
	s2 =	sadd.s32 s3, s2  }
0x8d: {  	s2 =	sadd.s32 s2, s14  }
0x8e: {  	[smem:$0x3FC0] =	sst s2  }
0x8f: {  	_ = 	snop  }
0x90: {  	s2 =	sld [smem:$0x3FD0];
	_ =	sdelay $0x2  }
0x91: {  	s15 =	simm.s32 $0xA;
	s4 =	simm.s32 $0x10  }
0x92: {  	[smem:s4], [sflag:s15] =	dma.local [hbm:s2], $0x1  }
0x93: {  	_ =	swait.eq [sflag:s15], $0x1  }
0x94: {  	[sflag:s15] =	ssyncset.done $0x0  }
0x95: {  	[sflag:s15] =	ssyncadd.s32 $0xFFFFFFFF  }
0x96: {  	s16 =	sld [smem:$0x11];
	(tm) =	ssettm $0x1  }
0x97: {  	s17 =	sld [smem:$0x3FFB];
	_ =	sdelay $0x3  }
0x98: {  	_ =	strace s17  }
0x99: {  	s3 =	sld [smem:$0x3FFC];
	_ =	sdelay $0x3  }
0x9a: {  	_ =	strace s3  }
0x9b: {  	s3 =	sld [smem:$0x3FFD];
	_ =	sdelay $0x3  }
0x9c: {  	_ =	strace s3  }
0x9d: {  	_ =	strace $0x8FFFFFFF  }
0x9e: {  	s18 =	sld [smem:$0x3FDB];
	_ =	sdelay $0x1  }
0x9f: {  	s19 =	simm.s32 $_scs_section_size  }
0xa0: {  	s5 =	simm.s32 $_size__tile_overlayer_lowered;
	s6 =	simm.s32 $_tile_overlayer_lowered  }
0xa1: {  	s22 =	simm.s32 $0x1BFF;
	s21 =	sshll.u32 s6, $0x1;
	s3 =	sadd.s32 s19, s18  }
0xa2: {  	s7 =	simm.s32 $0x0;
	s20 =	sshll.u32 s5, $0x1;
	s5 =	sadd.s32 s21, s3  }
0xa3: {  	[timem:s7], [sflag:s22] =	dma.local [hbm:s5], s20  }
0xa4: {  	_ =	swait.ge [sflag:s22], s20  }
0xa5: {  	s4 =	ssub.s32 $0x0, s20;
	[sflag:s22] =	ssyncset.done $0x0  }
0xa6: {  	[sflag:s22] =	ssyncadd.s32 s4;
	_ =	sdelay $0x1  }
0xa7: {  	s23 =	simm.s32 $0x1B8B  }
0xa8: {  	_ =	swait.ge [sflag:s23], $0x1  }
0xa9: {  	[sflag:s23] =	ssyncset.done $0x0  }
0xaa: {  	s25 =	simm.s32 $0x1B8E;
	s24 =	sld [smem:$0x3FFE];
	[sflag:s23] =	ssyncadd.s32 $0xFFFFFFFF  }
0xab: {  	s26 =	simm.s32 $execute0_lowered;
	[smem:$0x3FD2] =	sst s25  }
0xac: {  	s5 =	sshll.u32 s26, $0x1;
	_ =	strace $0x80000046;
	[dreg:$0x1] =	wrdreg $0xFFFFFFFF  }
0xad: {  	s28 =	simm.s32 $_size_execute0_lowered;
	s3 =	sadd.s32 s3, s5;
	[dreg:$0x0] =	wrdreg $0x0  }
0xae: {  	s5 =	sshll.u32 s28, $0x1;
	[dreg:$0x2] =	wrdreg s3  }
0xaf: {  	[dreg:$0x3] =	wrdreg s5  }
0xb0: {  	[dreg:$0x4] =	wrdreg $0xC0  }
0xb1: {  	_ =	task [dreg:s7], $0x5FFFF  }
0xb2: {  	[dreg:$0x1] =	wrdreg $0xFFFFFFFF  }
0xb3: {  	[dreg:$0x0] =	wrdreg $0x60  }
0xb4: {  	[dreg:$0x2] =	wrdreg s16  }
0xb5: {  	[dreg:$0x3] =	wrdreg s24  }
0xb6: {  	[dreg:$0x4] =	wrdreg $0xCC600  }
0xb7: {  	[dreg:$0x5] =	wrdreg $0x9  }
0xb8: {  	_ =	task.clear_ibuf [dreg:s7], $0x6FFFF;
	_ =	strace $0x90000046  }
0xb9: {  	s29 =	simm.s32 $0x9;
	_ =	strace $0x80000048  }
0xba: {  	_ =	swait.ge [sflag:s29], $0x1  }
0xbb: {  	[sflag:s29] =	ssyncadd.s32 $0xFFFFFFFF  }
0xbc: {  	_ =	strace $0x90000048  }
0xbd: {  	_ =	sfence  }
0xbe: {  	s30 =	sld [smem:$0x0];
	_ =	sdelay $0x2  }
0xbf: {  	s31 =	sshll.u32 s1, $0xD;
	s1 =	sshrl.u32 s1, $0x2  }
0xc0: {  	s3 =	sand.u32 $0x4000, s31;
	s1 =	sadd.s32 s1, s30  }
0xc1: {  	s0 =	sor.u32 s3, s0;
	s1 =	sshll.u32 s1, $0x11  }
0xc2: {  	s0 =	sor.u32 s1, s0  }
0xc3: {  	s0 =	sadd.s32 $0x8F2B, s0  }
0xc4: {  	[sflag:s0] =	ssyncadd.remote.s32 $0x1  }
0xc5: {  	_ =	sfence.sel $0xFFFF  }
0xc6: {  	[dreg:$0x0] =	wrdreg $0xFFFFFFFF;
	(pc) =	sbr.abs _section_cstart, $3  }
0xc7: {  	[dreg:$0x1] =	wrdreg $0xFFFFFFFF  }
0xc8: {  	_ =	task.clear_ibuf [dreg:s7], $0x2FFFF;
	_ =	strace $0x9FFFFFFF  }
0xc9: {  	(tm) =	ssettm $0x7FFFFFFF  }
tec
execute0_lowered:
.L_overlay_start_1:
0x0: {  	(tag) =	ssettag $0x1  }
0x1: {  	s4 =	rddreg [dreg:$0x0]  }
0x2: {  	s5 =	rddreg [dreg:$0x1];
	s0 =	srdreg.scid  }
0x3: {  	s2 =	rddreg [dreg:$0x2];
	s1 =	stileid.u32  }
0x4: {  	s3 =	simm.s32 $0x0;
	s11 =	simm.s32 $0x2710;
	s12 =	simm.s32 $0x1  }
0x5: {  	s13 =	simm.s32 $0x29E0;
	s14 =	simm.s32 $0x2C60;
	s15 =	simm.s32 $0x0  }
0x6: {  	s6 =	sand.u32 $0x1, s0;
	s0 =	rddreg [dreg:$0x3];
	s8 =	smul.u32 $0xA000, s1  }
0x7: {  	[smem:$0x7FF] =	sst s3;
	s29 =	sshll.u32 s1, $0x1;
	s30 =	smul.u32 $0xA00, s1  }
0x8: {  	s7 =	smul.u32 $0xA0000, s6;
	s9 =	ssub.s32 $0x2, s6;
	s6 =	sor.u32 s6, s29  }
0x9: {  	_ =	strace $0x80000047;
	s10 =	sshrl.u32 s9, $0x1;
	s6 =	smul.u32 $0x4E2, s6  }
0xa: {  	s31 =	sshrl.u32 s30, $0x2;
	s7 =	sadd.s32 s8, s7;
	s9 =	ssub.s32 s9, s10  }
0xb: {  	s8 =	simm.s32 $0x2;
	s10 =	simm.s32 $0x50;
	s7 =	sshrl.u32 s7, $0x3  }
0xc: {  	s4 =	sadd.s32 s4, s6;
	s7 =	sadd.s32 s7, s5;
	s5 =	sadd.s32 s31, s2  }
0xd: {  	v0 =	vimm.f32 $1.000000000e+00;
	v1 =	vimm.f32 $0.0e+00;
	s6 =	sadd.s32 $0x2A00, s7;
	s7 =	smax.u32 s9, $0x1;
	s9 =	simm.s32 $0x2760  }
.LBB2_1:
0xe: {  	[tilespmem:s3], [sflag:$0x2] =	stream.linear.gather [hbm4b:s4+s3], $0x2710, $0x38;
	[tilespmem:$0xCEE0] =	vst v63  }
0xf: {  	_ =	swait.ge [sflag:s8], $0x2710  }
0x10: {  	[sflag:s8] =	ssyncset.done $0x0  }
0x11: {  	[sflag:s8] =	ssyncadd.s32 $0xFFFFD8F0  }
0x12: {  	[tilespmem:$0x2710] =	vst v0  }
0x13: {  	[tilespmem:$0x2720] =	vst v0  }
0x14: {  	[tilespmem:$0x2730] =	vst v0  }
0x15: {  	[tilespmem:$0x2740] =	vst v0  }
0x16: {  	[tilespmem:$0x2750] =	vst v0  }
0x17: {  	[tilespmem:$0x2760] =	vst v1  }
0x18: {  	[tilespmem:$0x2770] =	vst v1  }
0x19: {  	[tilespmem:$0x2780] =	vst v1  }
0x1a: {  	[tilespmem:$0x2790] =	vst v1  }
0x1b: {  	[tilespmem:$0x27A0] =	vst v1  }
0x1c: {  	[tilespmem:$0x27B0] =	vst v1  }
0x1d: {  	[tilespmem:$0x27C0] =	vst v1  }
0x1e: {  	[tilespmem:$0x27D0] =	vst v1  }
0x1f: {  	[tilespmem:$0x27E0] =	vst v1  }
0x20: {  	[tilespmem:$0x27F0] =	vst v1  }
0x21: {  	[tilespmem:$0x2800] =	vst v1  }
0x22: {  	[tilespmem:$0x2810] =	vst v1  }
0x23: {  	[tilespmem:$0x2820] =	vst v1  }
0x24: {  	[tilespmem:$0x2830] =	vst v1  }
0x25: {  	[tilespmem:$0x2840] =	vst v1  }
0x26: {  	[tilespmem:$0x2850] =	vst v1  }
0x27: {  	[tilespmem:$0x2860] =	vst v1  }
0x28: {  	[tilespmem:$0x2870] =	vst v1  }
0x29: {  	[tilespmem:$0x2880] =	vst v1  }
0x2a: {  	[tilespmem:$0x2890] =	vst v1  }
0x2b: {  	[tilespmem:$0x28A0] =	vst v1  }
0x2c: {  	[tilespmem:$0x28B0] =	vst v1  }
0x2d: {  	[tilespmem:$0x28C0] =	vst v1  }
0x2e: {  	[tilespmem:$0x28D0] =	vst v1  }
0x2f: {  	[tilespmem:$0x28E0] =	vst v1  }
0x30: {  	[tilespmem:$0x28F0] =	vst v1  }
0x31: {  	[tilespmem:$0x2900] =	vst v1  }
0x32: {  	[tilespmem:$0x2910] =	vst v1  }
0x33: {  	[tilespmem:$0x2920] =	vst v1  }
0x34: {  	[tilespmem:$0x2930] =	vst v1  }
0x35: {  	[tilespmem:$0x2940] =	vst v1  }
0x36: {  	[tilespmem:$0x2950] =	vst v1  }
0x37: {  	[tilespmem:$0x2960] =	vst v1  }
0x38: {  	[tilespmem:$0x2970] =	vst v1  }
0x39: {  	[tilespmem:$0x2980] =	vst v1  }
0x3a: {  	[tilespmem:$0x2990] =	vst v1  }
0x3b: {  	[tilespmem:$0x29A0] =	vst v1  }
0x3c: {  	[tilespmem:$0x29B0] =	vst v1  }
0x3d: {  	[tilespmem:$0x29C0] =	vst v1  }
0x3e: {  	[tilespmem:$0x29D0] =	vst v1  }
0x3f: {  	[spmem:s5] =	stream.linear.scatter [tilespmem:s9], [sflag:$0x2], $0x280, $0x38;
	[tilespmem:$0xCEE0] =	vst v63  }
0x40: {  	_ =	swait.ge [sflag:s8], $0x280  }
0x41: {  	[sflag:s8] =	ssyncset.done $0x0  }
0x42: {  	[sflag:s8] =	ssyncadd.s32 $0xFFFFFD80  }
0x43: {  	s16 =	simm.s32 $0x0;
	[bflag:$0x0] =	sbarrier.arrive $0xFFFF  }
.LBB2_2:
0x44: {  	p0 =	sne.s32 s16, $0x9B00  }
.Ltmp0:
0x45: {  	_ = 	snop;
	(pc) =	sbr.rel @p0 .LBB2_2-.Ltmp0, $3  }
0x46: {  	_ =	sdelay $0x1  }
0x47: {  	s17 =	sshra.s32 s16, $0x2;
	s16 =	sadd.s32 $0x140, s16  }
0x48: {  	[spmem:s2] =	stream.indirect.scatter.add.f32 [tilespmem:s11], [sflag:$0x1], $0x1, s17, s10, $0xb8;
	[tilespmem:$0xCEE0] =	vst v63  }
0x49: {  	_ =	swait.ge [sflag:s12], $0x50  }
0x4a: {  	s16 =	simm.s32 $0x7C;
	[sflag:s12] =	ssyncset.done $0x0  }
.LBB2_4:
0x4b: {  	p0 =	sne.s32 s16, $0x1;
	s16 =	sadd.s32 $0xFFFFFFFF, s16;
	[sflag:s12] =	ssyncadd.s32 $0xFFFFFFB0  }
.Ltmp1:
0x4c: {  	(pc) =	sbr.rel @p0 .LBB2_4-.Ltmp1, $3  }
0x4d: {  	_ =	sdelay $0x1  }
0x4e: {  	_ =	swait.ge [sflag:s12], $0x50  }
0x4f: {  	[sflag:s12] =	ssyncset.done $0x0  }
0x50: {  	[sflag:s12] =	ssyncadd.s32 $0xFFFFFFB0  }
0x51: {  	[bflag:$0x0] =	sbarrier.arrive $0xFFFF  }
0x52: {  	[tilespmem:s13], [sflag:$0x2] =	stream.linear.gather [spmem:s5], $0x280, $0x38;
	[tilespmem:$0xCEE0] =	vst v63  }
0x53: {  	_ =	swait.ge [sflag:s8], $0x280  }
0x54: {  	[sflag:s8] =	ssyncset.done $0x0  }
0x55: {  	s16 =	simm.s32 $0x0;
	[sflag:s8] =	ssyncadd.s32 $0xFFFFFD80  }
0x56: {  	v2 =	vld [tilespmem:s16+$0x29E0];
	_ =	sdelay $0x4  }
0x57: {  	v3 =	vbroadcast v2, $0x0  }
0x58: {  	s16 =	simm.s32 $0x2E60  }
0x59: {  	[tilespmem:s16+$0xFFFFFE00] =	vst v3  }
0x5a: {  	[tilespmem:s16+$0xFFFFFE10] =	vst v3  }
0x5b: {  	v4 =	vbroadcast v2, $0x1;
	[tilespmem:s16+$0xFFFFFE20] =	vst v3  }
0x5c: {  	[tilespmem:s16+$0xFFFFFE30] =	vst v3  }
0x5d: {  	[tilespmem:s16+$0xFFFFFE40] =	vst v4  }
0x5e: {  	[tilespmem:s16+$0xFFFFFE50] =	vst v4  }
0x5f: {  	v58 =	vbroadcast v2, $0x3;
	[tilespmem:s16+$0xFFFFFE60] =	vst v4  }
0x60: {  	[tilespmem:s16+$0xFFFFFE70] =	vst v4  }
0x61: {  	[tilespmem:s16+$0xFFFFFEC0] =	vst v58  }
0x62: {  	[tilespmem:s16+$0xFFFFFED0] =	vst v58  }
0x63: {  	v59 =	vbroadcast v2, $0x5;
	[tilespmem:s16+$0xFFFFFEE0] =	vst v58  }
0x64: {  	[tilespmem:s16+$0xFFFFFEF0] =	vst v58  }
0x65: {  	[tilespmem:s16+$0xFFFFFF40] =	vst v59  }
0x66: {  	[tilespmem:s16+$0xFFFFFF50] =	vst v59  }
0x67: {  	v60 =	vbroadcast v2, $0x7;
	[tilespmem:s16+$0xFFFFFF60] =	vst v59  }
0x68: {  	[tilespmem:s16+$0xFFFFFF70] =	vst v59  }
0x69: {  	[tilespmem:s16+$0xFFFFFFC0] =	vst v60  }
0x6a: {  	[tilespmem:s16+$0xFFFFFFD0] =	vst v60  }
0x6b: {  	v61 =	vbroadcast v2, $0x9;
	[tilespmem:s16+$0xFFFFFFE0] =	vst v60  }
0x6c: {  	[tilespmem:s16+$0xFFFFFFF0] =	vst v60  }
0x6d: {  	[tilespmem:s16+$0x40] =	vst v61  }
0x6e: {  	[tilespmem:s16+$0x50] =	vst v61  }
0x6f: {  	v62 =	vbroadcast v2, $0xB;
	[tilespmem:s16+$0x60] =	vst v61  }
0x70: {  	[tilespmem:s16+$0x70] =	vst v61  }
0x71: {  	v3 =	vbroadcast v2, $0x2;
	[tilespmem:s16+$0xC0] =	vst v62  }
0x72: {  	[tilespmem:s16+$0xD0] =	vst v62  }
0x73: {  	[tilespmem:s16+$0xFFFFFE80] =	vst v3  }
0x74: {  	[tilespmem:s16+$0xFFFFFE90] =	vst v3  }
0x75: {  	[tilespmem:s16+$0xFFFFFEA0] =	vst v3  }
0x76: {  	[tilespmem:s16+$0xFFFFFEB0] =	vst v3;
	v3 =	vbroadcast v2, $0x4  }
0x77: {  	[tilespmem:s16+$0xE0] =	vst v62  }
0x78: {  	[tilespmem:s16+$0xFFFFFF00] =	vst v3  }
0x79: {  	[tilespmem:s16+$0xFFFFFF10] =	vst v3  }
0x7a: {  	[tilespmem:s16+$0xFFFFFF20] =	vst v3  }
0x7b: {  	[tilespmem:s16+$0xFFFFFF30] =	vst v3;
	v3 =	vbroadcast v2, $0x6  }
0x7c: {  	[tilespmem:s16+$0xF0] =	vst v62  }
0x7d: {  	[tilespmem:s16+$0xFFFFFF80] =	vst v3  }
0x7e: {  	[tilespmem:s16+$0xFFFFFF90] =	vst v3  }
0x7f: {  	v63 =	vbroadcast v2, $0xD;
	[tilespmem:s16+$0xFFFFFFA0] =	vst v3  }
0x80: {  	[tilespmem:s16+$0xFFFFFFB0] =	vst v3;
	v3 =	vbroadcast v2, $0x8  }
0x81: {  	[tilespmem:s16+$0x140] =	vst v63  }
0x82: {  	[tilespmem:s16+$0x0] =	vst v3  }
0x83: {  	[tilespmem:s16+$0x10] =	vst v3  }
0x84: {  	[tilespmem:s16+$0x20] =	vst v3  }
0x85: {  	[tilespmem:s16+$0x30] =	vst v3;
	v3 =	vbroadcast v2, $0xA  }
0x86: {  	[tilespmem:s16+$0x150] =	vst v63  }
0x87: {  	[tilespmem:s16+$0x80] =	vst v3  }
0x88: {  	[tilespmem:s16+$0x90] =	vst v3  }
0x89: {  	[tilespmem:s16+$0xA0] =	vst v3  }
0x8a: {  	[tilespmem:s16+$0xB0] =	vst v3;
	v3 =	vbroadcast v2, $0xC  }
0x8b: {  	[tilespmem:s16+$0x160] =	vst v63  }
0x8c: {  	[tilespmem:s16+$0x100] =	vst v3  }
0x8d: {  	[tilespmem:s16+$0x110] =	vst v3  }
0x8e: {  	[tilespmem:s16+$0x120] =	vst v3  }
0x8f: {  	[tilespmem:s16+$0x130] =	vst v3;
	v3 =	vbroadcast v2, $0xE  }
0x90: {  	[tilespmem:s16+$0x170] =	vst v63  }
0x91: {  	[tilespmem:s16+$0x180] =	vst v3  }
0x92: {  	[tilespmem:s16+$0x190] =	vst v3  }
0x93: {  	v2 =	vbroadcast v2, $0xF;
	[tilespmem:s16+$0x1A0] =	vst v3  }
0x94: {  	[tilespmem:s16+$0x1B0] =	vst v3  }
0x95: {  	[tilespmem:s16+$0x1C0] =	vst v2  }
0x96: {  	[tilespmem:s16+$0x1D0] =	vst v2  }
0x97: {  	[tilespmem:s16+$0x1E0] =	vst v2  }
0x98: {  	s18 =	simm.s32 $0x10;
	s17 =	simm.s32 $0x80;
	[tilespmem:s16+$0x1F0] =	vst v2  }
.LBB2_6:
0x99: {  	p0 =	sne.s32 s17, $0x9C0;
	v2 =	vld [tilespmem:s18+$0x29E0];
	_ =	sdelay $0x4  }
0x9a: {  	v3 =	vbroadcast v2, $0x0;
	v4 =	vbroadcast v2, $0x1  }
0x9b: {  	s16 =	sadd.s32 $0x400, s16;
	v5 =	vbroadcast v2, $0x2;
	v6 =	vbroadcast v2, $0x3  }
0x9c: {  	v7 =	vbroadcast v2, $0x4;
	v8 =	vbroadcast v2, $0x5;
	[tilespmem:s16+$0xFFFFFE00] =	vst v3  }
0x9d: {  	v9 =	vbroadcast v2, $0x6;
	v10 =	vbroadcast v2, $0x7;
	[tilespmem:s16+$0xFFFFFE10] =	vst v3  }
0x9e: {  	v11 =	vbroadcast v2, $0x8;
	v12 =	vbroadcast v2, $0x9;
	[tilespmem:s16+$0xFFFFFE20] =	vst v3  }
0x9f: {  	v13 =	vbroadcast v2, $0xB;
	[tilespmem:s16+$0xFFFFFE30] =	vst v3;
	v3 =	vbroadcast v2, $0xA  }
0xa0: {  	v14 =	vbroadcast v2, $0xC;
	v15 =	vbroadcast v2, $0xD;
	[tilespmem:s16+$0xFFFFFE40] =	vst v4  }
0xa1: {  	v16 =	vbroadcast v2, $0xE;
	v2 =	vbroadcast v2, $0xF;
	[tilespmem:s16+$0xFFFFFE50] =	vst v4  }
0xa2: {  	[tilespmem:s16+$0xFFFFFE60] =	vst v4  }
0xa3: {  	[tilespmem:s16+$0xFFFFFE70] =	vst v4  }
0xa4: {  	[tilespmem:s16+$0xFFFFFE80] =	vst v5  }
0xa5: {  	[tilespmem:s16+$0xFFFFFE90] =	vst v5  }
0xa6: {  	[tilespmem:s16+$0xFFFFFEA0] =	vst v5  }
0xa7: {  	[tilespmem:s16+$0xFFFFFEB0] =	vst v5  }
0xa8: {  	[tilespmem:s16+$0xFFFFFEC0] =	vst v6  }
0xa9: {  	[tilespmem:s16+$0xFFFFFED0] =	vst v6  }
0xaa: {  	[tilespmem:s16+$0xFFFFFEE0] =	vst v6  }
0xab: {  	[tilespmem:s16+$0xFFFFFEF0] =	vst v6  }
0xac: {  	[tilespmem:s16+$0xFFFFFF00] =	vst v7  }
0xad: {  	[tilespmem:s16+$0xFFFFFF10] =	vst v7  }
0xae: {  	[tilespmem:s16+$0xFFFFFF20] =	vst v7  }
0xaf: {  	[tilespmem:s16+$0xFFFFFF30] =	vst v7  }
0xb0: {  	[tilespmem:s16+$0xFFFFFF40] =	vst v8  }
0xb1: {  	[tilespmem:s16+$0xFFFFFF50] =	vst v8  }
0xb2: {  	[tilespmem:s16+$0xFFFFFF60] =	vst v8  }
0xb3: {  	[tilespmem:s16+$0xFFFFFF70] =	vst v8  }
0xb4: {  	[tilespmem:s16+$0xFFFFFF80] =	vst v9  }
0xb5: {  	[tilespmem:s16+$0xFFFFFF90] =	vst v9  }
0xb6: {  	[tilespmem:s16+$0xFFFFFFA0] =	vst v9  }
0xb7: {  	[tilespmem:s16+$0xFFFFFFB0] =	vst v9  }
0xb8: {  	[tilespmem:s16+$0xFFFFFFC0] =	vst v10  }
0xb9: {  	[tilespmem:s16+$0xFFFFFFD0] =	vst v10  }
0xba: {  	[tilespmem:s16+$0xFFFFFFE0] =	vst v10  }
0xbb: {  	[tilespmem:s16+$0xFFFFFFF0] =	vst v10  }
0xbc: {  	[tilespmem:s16+$0x0] =	vst v11  }
0xbd: {  	[tilespmem:s16+$0x10] =	vst v11  }
0xbe: {  	[tilespmem:s16+$0x20] =	vst v11  }
0xbf: {  	[tilespmem:s16+$0x30] =	vst v11  }
0xc0: {  	[tilespmem:s16+$0x40] =	vst v12  }
0xc1: {  	[tilespmem:s16+$0x50] =	vst v12  }
0xc2: {  	[tilespmem:s16+$0x60] =	vst v12  }
0xc3: {  	[tilespmem:s16+$0x70] =	vst v12  }
0xc4: {  	[tilespmem:s16+$0x80] =	vst v3  }
0xc5: {  	[tilespmem:s16+$0x90] =	vst v3  }
0xc6: {  	[tilespmem:s16+$0xA0] =	vst v3  }
0xc7: {  	[tilespmem:s16+$0xB0] =	vst v3  }
0xc8: {  	[tilespmem:s16+$0xC0] =	vst v13  }
0xc9: {  	[tilespmem:s16+$0xD0] =	vst v13  }
0xca: {  	[tilespmem:s16+$0xE0] =	vst v13  }
0xcb: {  	[tilespmem:s16+$0xF0] =	vst v13  }
0xcc: {  	[tilespmem:s16+$0x100] =	vst v14  }
0xcd: {  	[tilespmem:s16+$0x110] =	vst v14  }
0xce: {  	[tilespmem:s16+$0x120] =	vst v14  }
0xcf: {  	[tilespmem:s16+$0x130] =	vst v14  }
0xd0: {  	[tilespmem:s16+$0x140] =	vst v15  }
0xd1: {  	[tilespmem:s16+$0x150] =	vst v15  }
0xd2: {  	[tilespmem:s16+$0x160] =	vst v15  }
0xd3: {  	[tilespmem:s16+$0x170] =	vst v15  }
0xd4: {  	[tilespmem:s16+$0x180] =	vst v16  }
0xd5: {  	[tilespmem:s16+$0x190] =	vst v16  }
0xd6: {  	[tilespmem:s16+$0x1A0] =	vst v16  }
.Ltmp2:
0xd7: {  	[tilespmem:s16+$0x1B0] =	vst v16;
	(pc) =	sbr.rel @p0 .LBB2_6-.Ltmp2, $4  }
0xd8: {  	[tilespmem:s16+$0x1C0] =	vst v2  }
0xd9: {  	[tilespmem:s16+$0x1D0] =	vst v2  }
0xda: {  	[tilespmem:s16+$0x1E0] =	vst v2  }
0xdb: {  	s18 =	sshra.s32 s17, $0x2;
	s17 =	sadd.s32 $0x40, s17;
	[tilespmem:s16+$0x1F0] =	vst v2  }
0xdc: {  	v2 =	vld [tilespmem:s18+$0x29E0];
	_ =	sdelay $0x4  }
0xdd: {  	v3 =	vbroadcast v2, $0x0  }
0xde: {  	s16 =	sadd.s32 $0x400, s16  }
0xdf: {  	[tilespmem:s16+$0xFFFFFE00] =	vst v3  }
0xe0: {  	[tilespmem:s16+$0xFFFFFE10] =	vst v3  }
0xe1: {  	v4 =	vbroadcast v2, $0x1;
	[tilespmem:s16+$0xFFFFFE20] =	vst v3  }
0xe2: {  	[tilespmem:s16+$0xFFFFFE30] =	vst v3  }
0xe3: {  	[tilespmem:s16+$0xFFFFFE40] =	vst v4  }
0xe4: {  	[tilespmem:s16+$0xFFFFFE50] =	vst v4  }
0xe5: {  	v58 =	vbroadcast v2, $0x3;
	[tilespmem:s16+$0xFFFFFE60] =	vst v4  }
0xe6: {  	[tilespmem:s16+$0xFFFFFE70] =	vst v4  }
0xe7: {  	[tilespmem:s16+$0xFFFFFEC0] =	vst v58  }
0xe8: {  	[tilespmem:s16+$0xFFFFFED0] =	vst v58  }
0xe9: {  	v59 =	vbroadcast v2, $0x5;
	[tilespmem:s16+$0xFFFFFEE0] =	vst v58  }
0xea: {  	[tilespmem:s16+$0xFFFFFEF0] =	vst v58  }
0xeb: {  	[tilespmem:s16+$0xFFFFFF40] =	vst v59  }
0xec: {  	[tilespmem:s16+$0xFFFFFF50] =	vst v59  }
0xed: {  	v60 =	vbroadcast v2, $0x7;
	[tilespmem:s16+$0xFFFFFF60] =	vst v59  }
0xee: {  	[tilespmem:s16+$0xFFFFFF70] =	vst v59  }
0xef: {  	[tilespmem:s16+$0xFFFFFFC0] =	vst v60  }
0xf0: {  	[tilespmem:s16+$0xFFFFFFD0] =	vst v60  }
0xf1: {  	v61 =	vbroadcast v2, $0x9;
	[tilespmem:s16+$0xFFFFFFE0] =	vst v60  }
0xf2: {  	[tilespmem:s16+$0xFFFFFFF0] =	vst v60  }
0xf3: {  	[tilespmem:s16+$0x40] =	vst v61  }
0xf4: {  	[tilespmem:s16+$0x50] =	vst v61  }
0xf5: {  	v62 =	vbroadcast v2, $0xB;
	[tilespmem:s16+$0x60] =	vst v61  }
0xf6: {  	[tilespmem:s16+$0x70] =	vst v61  }
0xf7: {  	v3 =	vbroadcast v2, $0x2;
	[tilespmem:s16+$0xC0] =	vst v62  }
0xf8: {  	[tilespmem:s16+$0xD0] =	vst v62  }
0xf9: {  	[tilespmem:s16+$0xFFFFFE80] =	vst v3  }
0xfa: {  	[tilespmem:s16+$0xFFFFFE90] =	vst v3  }
0xfb: {  	[tilespmem:s16+$0xFFFFFEA0] =	vst v3  }
0xfc: {  	[tilespmem:s16+$0xFFFFFEB0] =	vst v3;
	v3 =	vbroadcast v2, $0x4  }
0xfd: {  	[tilespmem:s16+$0xE0] =	vst v62  }
0xfe: {  	[tilespmem:s16+$0xFFFFFF00] =	vst v3  }
0xff: {  	[tilespmem:s16+$0xFFFFFF10] =	vst v3  }
0x100: {  	[tilespmem:s16+$0xFFFFFF20] =	vst v3  }
0x101: {  	[tilespmem:s16+$0xFFFFFF30] =	vst v3;
	v3 =	vbroadcast v2, $0x6  }
0x102: {  	[tilespmem:s16+$0xF0] =	vst v62  }
0x103: {  	[tilespmem:s16+$0xFFFFFF80] =	vst v3  }
0x104: {  	[tilespmem:s16+$0xFFFFFF90] =	vst v3  }
0x105: {  	v63 =	vbroadcast v2, $0xD;
	[tilespmem:s16+$0xFFFFFFA0] =	vst v3  }
0x106: {  	[tilespmem:s16+$0xFFFFFFB0] =	vst v3;
	v3 =	vbroadcast v2, $0x8  }
0x107: {  	[tilespmem:s16+$0x140] =	vst v63  }
0x108: {  	[tilespmem:s16+$0x0] =	vst v3  }
0x109: {  	[tilespmem:s16+$0x10] =	vst v3  }
0x10a: {  	[tilespmem:s16+$0x20] =	vst v3  }
0x10b: {  	[tilespmem:s16+$0x30] =	vst v3;
	v3 =	vbroadcast v2, $0xA  }
0x10c: {  	[tilespmem:s16+$0x150] =	vst v63  }
0x10d: {  	[tilespmem:s16+$0x80] =	vst v3  }
0x10e: {  	[tilespmem:s16+$0x90] =	vst v3  }
0x10f: {  	[tilespmem:s16+$0xA0] =	vst v3  }
0x110: {  	[tilespmem:s16+$0xB0] =	vst v3;
	v3 =	vbroadcast v2, $0xC  }
0x111: {  	[tilespmem:s16+$0x160] =	vst v63  }
0x112: {  	[tilespmem:s16+$0x100] =	vst v3  }
0x113: {  	[tilespmem:s16+$0x110] =	vst v3  }
0x114: {  	[tilespmem:s16+$0x120] =	vst v3  }
0x115: {  	[tilespmem:s16+$0x130] =	vst v3;
	v3 =	vbroadcast v2, $0xE  }
0x116: {  	[tilespmem:s16+$0x170] =	vst v63  }
0x117: {  	[tilespmem:s16+$0x180] =	vst v3  }
0x118: {  	[tilespmem:s16+$0x190] =	vst v3  }
0x119: {  	v2 =	vbroadcast v2, $0xF;
	[tilespmem:s16+$0x1A0] =	vst v3  }
0x11a: {  	[tilespmem:s16+$0x1B0] =	vst v3  }
0x11b: {  	[tilespmem:s16+$0x1C0] =	vst v2  }
0x11c: {  	s15 =	sadd.s32 $0x1, s15;
	[tilespmem:s16+$0x1D0] =	vst v2  }
0x11d: {  	p0 =	sne.s32 s15, s7;
	[tilespmem:s16+$0x1E0] =	vst v2  }
.Ltmp3:
0x11e: {  	[tilespmem:s16+$0x1F0] =	vst v2;
	(pc) =	sbr.rel @p0 .LBB2_1-.Ltmp3, $4  }
0x11f: {  	[hbm4b:s6+s3] =	stream.linear.scatter [tilespmem:s14], [sflag:$0x2], $0xA000, $0x38;
	[tilespmem:$0xCEE0] =	vst v63  }
0x120: {  	_ =	swait.ge [sflag:s8], $0xA000  }
0x121: {  	[sflag:s8] =	ssyncset.done $0x0  }
0x122: {  	[sflag:s8] =	ssyncadd.s32 $0xFFFF6000  }
0x123: {  	_ =	sfence.sel $0x180000  }
0x124: {  	[bflag:$0x0] =	sbarrier.arrive $0xFFFF  }
0x125: {  	p0 =	sne.s32 s1, $0x0;
	_ =	strace $0x90000047  }
0x126: {  	s0 =	sadd.s32 @!p0 $0x100000, s0;
	[bflag:$0x2] =	sbarrier.arrive $0xFFFF  }
0x127: {  	[sflag:s0] =	ssyncadd.tile.s32 @!p0 $0x1;
	_ =	shalt  }
.Lfunc_end2:
_tile_overlayer_lowered:
.L_overlay_start_2:
0x128: {  	(tag) =	ssettag $0x2  }
0x129: {  	s0 =	rddreg [dreg:$0x0];
	s2 =	stileid.u32  }
0x12a: {  	s1 =	rddreg [dreg:$0x1];
	p0 =	sne.s32 s2, $0x0  }
0x12b: {  	s3 =	rddreg [dreg:$0x2];
	[bflag:$0x3] =	sbarrier.arrive $0xFFFF;
	s2 =	simm.s32 @!p0 $0x1C02  }
0x12c: {  	[timem:s3], [sflag:s2] =	dma.local @!p0 [hbm:s0], s1  }
0x12d: {  	s0 =	simm.s32 @!p0 $0x2  }
0x12e: {  	_ =	swait.ge @!p0 [sflag:s0], s1  }
0x12f: {  	s1 =	ssub.s32 @!p0 $0x0, s1;
	[sflag:s0] =	ssyncset.done @!p0 $0x0  }
0x130: {  	[sflag:s0] =	ssyncadd.s32 @!p0 s1  }
0x131: {  	[bflag:$0x3] =	sbarrier.arrive $0xFFFF  }
0x132: {  	_ =	shalt  }

</sc_bundles>
